<compile_context>
chip_gen: v7x
topology: tpu7x:2x2x1
jax: 0.10.2.dev20260603
libtpu: 0.0.44.dev20260713+nightly
codegen_flags: <defaults>
</compile_context>

<pallas_src>
import jax
import jax.numpy as jnp
from jax import lax
from jax.experimental import pallas as pl
from jax.experimental.pallas import tpu as pltpu
from jax.experimental.pallas import tpu_sc as plsc

N_NODES = 10000
N_PAD = 10240
D = 128
N_EDGES = 320000
CHUNK = 128
N_CHUNKS = N_EDGES // CHUNK
NS = 16
ROWS_PER_TILE = N_PAD // NS
CH_BASE = N_CHUNKS // NS
CH_REM = N_CHUNKS % NS


def _sc_body(xa_hbm, idx_hbm, zeros2_hbm, zeros1_hbm, feat_out, deg_out,
             idx_v, rows_v, hist_v, acc_sh, gsem0, gsem1, ssem0, ssem1, isem):
    c = lax.axis_index("c")
    s = lax.axis_index("s")
    pltpu.sync_copy(zeros2_hbm, acc_sh.at[pl.ds(s * ROWS_PER_TILE, ROWS_PER_TILE)])
    pltpu.sync_copy(zeros1_hbm, hist_v)

    lo = s * CH_BASE + jnp.minimum(s, CH_REM)
    n = CH_BASE + jnp.where(s < CH_REM, 1, 0)
    ones16 = jnp.ones((16,), jnp.float32)
    gsems = (gsem0, gsem1)
    ssems = (ssem0, ssem1)

    def hist_chunk(q):
        for k in range(CHUNK // 16):
            idx16 = idx_v[q, 1, pl.ds(k * 16, 16)]
            plsc.addupdate_scatter(hist_v, [idx16], ones16)

    def stage(j, q):
        pltpu.sync_copy(idx_hbm.at[c, j], idx_v.at[q])

    def prefetch(j, q):
        pltpu.async_copy(idx_hbm.at[c, jnp.minimum(j, N_CHUNKS - 1)],
                         idx_v.at[q], isem)

    def wait_prefetch(j, q):
        pltpu.make_async_copy(idx_hbm.at[c, jnp.minimum(j, N_CHUNKS - 1)],
                              idx_v.at[q], isem).wait()

    def start_gather(q):
        pltpu.async_copy(xa_hbm.at[idx_v.at[q, 0]], rows_v.at[q & 1],
                         gsems[q & 1])

    def start_scatter(q):
        pltpu.async_copy(rows_v.at[q & 1], acc_sh.at[idx_v.at[q, 1]],
                         ssems[q & 1], add=True)

    def wait_scatter(q):
        pltpu.make_async_copy(rows_v.at[q & 1], acc_sh.at[idx_v.at[q, 1]],
                              ssems[q & 1]).wait()

    def drain(q):
        pltpu.make_async_copy(xa_hbm.at[idx_v.at[q, 0]], rows_v.at[q & 1],
                              gsems[q & 1]).wait()
        start_scatter(q)
        hist_chunk(q)

    for qq in range(4):
        @pl.when((lo & 3) == qq)
        def _(qq=qq):
            stage(lo, qq)
            start_gather(qq)
            prefetch(lo + 1, (qq + 1) & 3)

    plsc.subcore_barrier()

    for qq in range(4):
        @pl.when(((lo + 1) & 3) == qq)
        def _(qq=qq):
            wait_prefetch(lo + 1, qq)
            start_gather(qq)
            prefetch(lo + 2, (qq + 1) & 3)
            drain((qq - 1) & 3)

    def body(j, carry):
        q = j & 3
        for qq in range(4):
            @pl.when(q == qq)
            def _(qq=qq):
                wait_scatter((qq + 2) & 3)
                wait_prefetch(j, qq)
                start_gather(qq)
                prefetch(j + 1, (qq + 1) & 3)
                drain((qq - 1) & 3)
        return carry

    lax.fori_loop(lo + 2, lo + n, body, 0)

    h = lo + n - 1
    for qq in range(4):
        @pl.when((h & 3) == qq)
        def _(qq=qq):
            drain(qq)
            wait_scatter((qq - 1) & 3)
            wait_scatter(qq)
            wait_prefetch(h + 1, (qq + 1) & 3)

    pltpu.sync_copy(hist_v, deg_out.at[c, s])
    plsc.subcore_barrier()
    pltpu.sync_copy(acc_sh.at[pl.ds(s * ROWS_PER_TILE, ROWS_PER_TILE)],
                    feat_out.at[c, pl.ds(s * ROWS_PER_TILE, ROWS_PER_TILE)])


_sc_call = pl.kernel(
    _sc_body,
    out_type=(
        jax.ShapeDtypeStruct((2, N_PAD, D), jnp.float32),
        jax.ShapeDtypeStruct((2, NS, N_PAD), jnp.float32),
    ),
    mesh=plsc.VectorSubcoreMesh(core_axis_name="c", subcore_axis_name="s"),
    compiler_params=pltpu.CompilerParams(needs_layout_passes=False),
    scratch_types=[
        pltpu.VMEM((4, 2, CHUNK), jnp.int32),
        pltpu.VMEM((2, CHUNK, D), jnp.float32),
        pltpu.VMEM((N_PAD,), jnp.float32),
        pltpu.VMEM_SHARED((N_PAD, D), jnp.float32),
        pltpu.SemaphoreType.DMA,
        pltpu.SemaphoreType.DMA,
        pltpu.SemaphoreType.DMA,
        pltpu.SemaphoreType.DMA,
        pltpu.SemaphoreType.DMA,
    ],
)


BLK = 1024


def _tc_body(x_ref, aF_ref, dF_ref, aR_ref, dR_ref,
             wl1_ref, wr1_ref, wl2_ref, wr2_ref, b1_ref, b2_ref, out_ref):
    x = x_ref[...]
    ones_col = jnp.ones((NS, 1), jnp.float32)
    dn = (((0,), (0,)), ((), ()))
    degF = lax.dot_general(dF_ref[...], ones_col, dn,
                           preferred_element_type=jnp.float32)
    degR = lax.dot_general(dR_ref[...], ones_col, dn,
                           preferred_element_type=jnp.float32)
    meanF = aF_ref[...] * (1.0 / jnp.maximum(degF, 1.0))
    meanR = aR_ref[...] * (1.0 / jnp.maximum(degR, 1.0))
    outF = (jnp.dot(meanF, wl1_ref[...], preferred_element_type=jnp.float32)
            + b1_ref[...]
            + jnp.dot(x, wr1_ref[...], preferred_element_type=jnp.float32))
    outR = (jnp.dot(meanR, wl2_ref[...], preferred_element_type=jnp.float32)
            + b2_ref[...]
            + jnp.dot(x, wr2_ref[...], preferred_element_type=jnp.float32))
    out_ref[:, :D] = outF
    out_ref[:, D:] = outR


def _tc_call(x, aF, dFt, aR, dRt, wl1t, wr1t, wl2t, wr2t, b1, b2):
    grid = pl.cdiv(N_NODES, BLK)
    row_spec = pl.BlockSpec((BLK, D), lambda i: (i, 0))
    deg_spec = pl.BlockSpec((NS, BLK), lambda i: (0, i))
    full_spec = lambda a, b: pl.BlockSpec((a, b), lambda i: (0, 0))
    return pl.pallas_call(
        _tc_body,
        grid=(grid,),
        in_specs=[
            row_spec, row_spec, deg_spec, row_spec, deg_spec,
            full_spec(D, D), full_spec(D, D), full_spec(D, D), full_spec(D, D),
            full_spec(1, D), full_spec(1, D),
        ],
        out_specs=pl.BlockSpec((BLK, 2 * D), lambda i: (i, 0)),
        out_shape=jax.ShapeDtypeStruct((N_NODES, 2 * D), jnp.float32),
    )(x, aF, dFt, aR, dRt, wl1t, wr1t, wl2t, wr2t, b1, b2)


@jax.jit
def kernel(x, edge_index, W_l1, b_l1, W_r1, W_l2, b_l2, W_r2):
    ei = edge_index.astype(jnp.int32)
    src, dst = ei[0], ei[1]
    fwd = jnp.stack([src.reshape(N_CHUNKS, CHUNK), dst.reshape(N_CHUNKS, CHUNK)], 1)
    rev = fwd[:, ::-1]
    idx = jnp.stack([fwd, rev])
    zeros2 = jnp.zeros((ROWS_PER_TILE, D), jnp.float32)
    zeros1 = jnp.zeros((N_PAD,), jnp.float32)
    feat, deg = _sc_call(x, idx, zeros2, zeros1)
    aF = feat[0, :N_NODES]
    aR = feat[1, :N_NODES]
    return _tc_call(x, aF, deg[0], aR, deg[1],
                    W_l1.T, W_r1.T, W_l2.T, W_r2.T,
                    b_l1.reshape(1, D), b_l2.reshape(1, D))

# --- scband reference (transcript-rebuilt; emitter-appended) ---
"""Pipeline reference for scband-bi-conv-670014899129 (READ-ONLY COPY).

The authoritative reference and input builder live on the scoring server;
editing this copy changes nothing except your own understanding.
"""

import jax, jax.numpy as jnp
import numpy as np

N_NODES = 10000
D_IN = 128
D_OUT = 128
N_EDGES = 320000


def _sage_conv(x, edge_index, W_l, b_l, W_r, num_nodes):
    # PyG SAGEConv (aggr='mean', root_weight=True, normalize=False):
    # out_i = lin_l(mean_{j in N(i)} x_j) + lin_r(x_i)
    src = edge_index[0]
    dst = edge_index[1]
    msg = x[src]  # gather source features
    agg = jax.ops.segment_sum(msg, dst, num_segments=num_nodes)
    deg = jax.ops.segment_sum(jnp.ones((edge_index.shape[1],), dtype=x.dtype), dst, num_segments=num_nodes)
    mean = agg / jnp.clip(deg, 1.0)[:, None]
    return mean @ W_l.T + b_l + x @ W_r.T


def setup_inputs(seed: int = 0) -> dict:
    key = jax.random.key(seed)
    k1, k2, k3, k4, k5, k6, k7, k8 = jax.random.split(key, 8)
    x = jax.random.normal(k1, (N_NODES, D_IN), dtype=jnp.float32)
    edge_index = jax.random.randint(k2, (2, N_EDGES), 0, N_NODES, dtype=jnp.int64)
    s = 1.0 / np.sqrt(D_IN)
    # forward-direction conv params (self.conv)
    W_l1 = jax.random.uniform(k3, (D_OUT, D_IN), dtype=jnp.float32, minval=-s, maxval=s)
    b_l1 = jax.random.uniform(k4, (D_OUT,), dtype=jnp.float32, minval=-s, maxval=s)
    W_r1 = jax.random.uniform(k5, (D_OUT, D_IN), dtype=jnp.float32, minval=-s, maxval=s)
    # reverse-direction conv params (self.rev_conv)
    W_l2 = jax.random.uniform(k6, (D_OUT, D_IN), dtype=jnp.float32, minval=-s, maxval=s)
    b_l2 = jax.random.uniform(k7, (D_OUT,), dtype=jnp.float32, minval=-s, maxval=s)
    W_r2 = jax.random.uniform(k8, (D_OUT, D_IN), dtype=jnp.float32, minval=-s, maxval=s)
    return {"x": x, "edge_index": edge_index, "W_l1": W_l1, "b_l1": b_l1, "W_r1": W_r1, "W_l2": W_l2, "b_l2": b_l2, "W_r2": W_r2}


def reference(x, edge_index, W_l1, b_l1, W_r1, W_l2, b_l2, W_r2):
    num_nodes = x.shape[0]
    rev_edge_index = edge_index[jnp.array([1, 0])]
    fwd_x = _sage_conv(x, edge_index, W_l1, b_l1, W_r1, num_nodes)
    rev_x = _sage_conv(x, rev_edge_index, W_l2, b_l2, W_r2, num_nodes)
    return jnp.concatenate([fwd_x, rev_x], axis=1)

if __name__ == "__main__":
    import jax
    _d = setup_inputs()
    print(jax.jit(kernel)(*tuple(_d.values())))

</pallas_src>

<mosaic_0001>
#map = affine_map<(d0, d1) -> (0, 0)>
#map1 = affine_map<(d0, d1) -> (0, 0, 0, 0)>
#map2 = affine_map<(d0, d1) -> (0)>
#map3 = affine_map<(d0, d1) -> (0, 0, 0)>
module attributes {stable_mosaic.version = 14 : i64} {
  func.func @_sc_body(%arg0: i32, %arg1: i32, %arg2: memref<10000x128xf32, #tpu.memory_space<hbm>>, %arg3: memref<2x2500x2x128xi32, #tpu.memory_space<hbm>>, %arg4: memref<640x128xf32, #tpu.memory_space<hbm>>, %arg5: memref<10240xf32, #tpu.memory_space<hbm>>, %arg6: memref<2x10240x128xf32, #tpu.memory_space<hbm>>, %arg7: memref<2x16x10240xf32, #tpu.memory_space<hbm>>, %arg8: memref<4x2x128xi32, #tpu.memory_space<vmem>>, %arg9: memref<2x128x128xf32, #tpu.memory_space<vmem>>, %arg10: memref<10240xf32, #tpu.memory_space<vmem>>, %arg11: memref<10240x128xf32, #tpu.memory_space<vmem_shared>>, %arg12: memref<!tpu.dma_semaphore, #tpu.memory_space<semaphore_mem>>, %arg13: memref<!tpu.dma_semaphore, #tpu.memory_space<semaphore_mem>>, %arg14: memref<!tpu.dma_semaphore, #tpu.memory_space<semaphore_mem>>, %arg15: memref<!tpu.dma_semaphore, #tpu.memory_space<semaphore_mem>>, %arg16: memref<!tpu.dma_semaphore, #tpu.memory_space<semaphore_mem>>) attributes {dimension_semantics = [#tpu.dimension_semantics<core_parallel>, #tpu.dimension_semantics<subcore_parallel>], iteration_bounds = array<i64: 2, 16>, scalar_prefetch = 0 : i64, scratch_operands = 9 : i64, tpu.core_type = #tpu.core_type<sc_vector_subcore>, window_params = [{transform_indices = #map}, {transform_indices = #map1}, {transform_indices = #map}, {transform_indices = #map2}, {transform_indices = #map3}, {transform_indices = #map3}]} {
    %mul3A = arith.constant 640 : i32
    %mul3A_0 = arith.muli %arg1, %mul3A : i32
    "tpu.region"() ({
      %run_scoped3A = tpu.sem_alloc : memref<!tpu.dma_semaphore, #tpu.memory_space<semaphore_mem>>
      %dma_start3A = arith.constant 0 : i32
      %dma_start3A_115 = tpu.memref_slice %arg11[%mul3A_0, %dma_start3A] : memref<10240x128xf32, #tpu.memory_space<vmem_shared>> -> memref<640x128xf32, #tpu.memory_space<vmem_shared>>
      tpu.enqueue_dma source(%arg4 : memref<640x128xf32, #tpu.memory_space<hbm>>) target(%dma_start3A_115 : memref<640x128xf32, #tpu.memory_space<vmem_shared>>) target_semaphore(%run_scoped3A : memref<!tpu.dma_semaphore, #tpu.memory_space<semaphore_mem>>)
      %dma_wait3A = arith.constant 0 : i32
      %dma_wait3A_116 = tpu.memref_slice %arg11[%mul3A_0, %dma_wait3A] : memref<10240x128xf32, #tpu.memory_space<vmem_shared>> -> memref<640x128xf32, #tpu.memory_space<vmem_shared>>
      tpu.wait_dma2 semaphore(%run_scoped3A : memref<!tpu.dma_semaphore, #tpu.memory_space<semaphore_mem>>) src(%arg4 : memref<640x128xf32, #tpu.memory_space<hbm>>) dst(%dma_wait3A_116 : memref<640x128xf32, #tpu.memory_space<vmem_shared>>)
      tpu.yield
    }) : () -> ()
    "tpu.region"() ({
      %run_scoped3A = tpu.sem_alloc : memref<!tpu.dma_semaphore, #tpu.memory_space<semaphore_mem>>
      tpu.enqueue_dma source(%arg5 : memref<10240xf32, #tpu.memory_space<hbm>>) target(%arg10 : memref<10240xf32, #tpu.memory_space<vmem>>) target_semaphore(%run_scoped3A : memref<!tpu.dma_semaphore, #tpu.memory_space<semaphore_mem>>)
      tpu.wait_dma2 semaphore(%run_scoped3A : memref<!tpu.dma_semaphore, #tpu.memory_space<semaphore_mem>>) src(%arg5 : memref<10240xf32, #tpu.memory_space<hbm>>) dst(%arg10 : memref<10240xf32, #tpu.memory_space<vmem>>)
      tpu.yield
    }) : () -> ()
    %mul3A_1 = arith.constant 156 : i32
    %mul3A_2 = arith.muli %arg1, %mul3A_1 : i32
    %min3A = arith.constant 4 : i32
    %min3A_3 = arith.minsi %arg1, %min3A : i32
    %add3A = arith.addi %mul3A_2, %min3A_3 : i32
    %lt3A = arith.constant 4 : i32
    %lt3A_4 = arith.cmpi slt, %arg1, %lt3A : i32
    %jit3A = arith.constant 1 : i32
    %jit3A_5 = arith.constant 0 : i32
    %select_n3A = arith.select %lt3A_4, %jit3A, %jit3A_5 : i32
    %add3A_6 = arith.constant 156 : i32
    %add3A_7 = arith.addi %add3A_6, %select_n3A : i32
    %broadcast_in_dim3A = arith.constant 1.000000e+00 : f32
    %broadcast_in_dim3A_8 = vector.broadcast %broadcast_in_dim3A : f32 to vector<16xf32>
    %and3A = arith.constant 3 : i32
    %and3A_9 = arith.andi %add3A, %and3A : i32
    %eq3A = arith.constant 0 : i32
    %eq3A_10 = arith.cmpi eq, %and3A_9, %eq3A : i32
    %convert_element_type3A = arith.extui %eq3A_10 : i1 to i32
    %cond3A = arith.constant 0 : i32
    %cond3A_11 = arith.cmpi ne, %convert_element_type3A, %cond3A : i32
    scf.if %cond3A_11 {
      %run_scoped3A = arith.constant 0 : i32
      "tpu.region"() ({
        %run_scoped3A_148 = tpu.sem_alloc : memref<!tpu.dma_semaphore, #tpu.memory_space<semaphore_mem>>
        %dma_start3A_149 = arith.constant 0 : i32
        %dma_start3A_150 = arith.constant 0 : i32
        %dma_start3A_151 = tpu.memref_slice %arg8[%run_scoped3A, %dma_start3A_149, %dma_start3A_150] : memref<4x2x128xi32, #tpu.memory_space<vmem>> -> memref<1x2x128xi32, #tpu.memory_space<vmem>>
        %dma_start3A_152 = tpu.memref_squeeze %dma_start3A_151 : memref<1x2x128xi32, #tpu.memory_space<vmem>> -> memref<2x128xi32, #tpu.memory_space<vmem>>
        %dma_start3A_153 = arith.constant 0 : i32
        %dma_start3A_154 = arith.constant 0 : i32
        %dma_start3A_155 = tpu.memref_slice %arg3[%arg0, %add3A, %dma_start3A_153, %dma_start3A_154] : memref<2x2500x2x128xi32, #tpu.memory_space<hbm>> -> memref<1x1x2x128xi32, #tpu.memory_space<hbm>>
        %dma_start3A_156 = tpu.memref_squeeze %dma_start3A_155 : memref<1x1x2x128xi32, #tpu.memory_space<hbm>> -> memref<2x128xi32, #tpu.memory_space<hbm>>
        %dma_start3A_157 = arith.constant 0 : i32
        %dma_start3A_158 = arith.constant 0 : i32
        %dma_start3A_159 = tpu.memref_slice %arg8[%run_scoped3A, %dma_start3A_157, %dma_start3A_158] : memref<4x2x128xi32, #tpu.memory_space<vmem>> -> memref<1x2x128xi32, #tpu.memory_space<vmem>>
        %dma_start3A_160 = tpu.memref_squeeze %dma_start3A_159 : memref<1x2x128xi32, #tpu.memory_space<vmem>> -> memref<2x128xi32, #tpu.memory_space<vmem>>
        %dma_start3A_161 = arith.constant 0 : i32
        %dma_start3A_162 = arith.constant 0 : i32
        %dma_start3A_163 = tpu.memref_slice %arg3[%arg0, %add3A, %dma_start3A_161, %dma_start3A_162] : memref<2x2500x2x128xi32, #tpu.memory_space<hbm>> -> memref<1x1x2x128xi32, #tpu.memory_space<hbm>>
        %dma_start3A_164 = tpu.memref_squeeze %dma_start3A_163 : memref<1x1x2x128xi32, #tpu.memory_space<hbm>> -> memref<2x128xi32, #tpu.memory_space<hbm>>
        tpu.enqueue_dma source(%dma_start3A_164 : memref<2x128xi32, #tpu.memory_space<hbm>>) target(%dma_start3A_160 : memref<2x128xi32, #tpu.memory_space<vmem>>) target_semaphore(%run_scoped3A_148 : memref<!tpu.dma_semaphore, #tpu.memory_space<semaphore_mem>>)
        %dma_wait3A = arith.constant 0 : i32
        %dma_wait3A_165 = arith.constant 0 : i32
        %dma_wait3A_166 = tpu.memref_slice %arg8[%run_scoped3A, %dma_wait3A, %dma_wait3A_165] : memref<4x2x128xi32, #tpu.memory_space<vmem>> -> memref<1x2x128xi32, #tpu.memory_space<vmem>>
        %dma_wait3A_167 = tpu.memref_squeeze %dma_wait3A_166 : memref<1x2x128xi32, #tpu.memory_space<vmem>> -> memref<2x128xi32, #tpu.memory_space<vmem>>
        %dma_wait3A_168 = arith.constant 0 : i32
        %dma_wait3A_169 = arith.constant 0 : i32
        %dma_wait3A_170 = tpu.memref_slice %arg3[%arg0, %add3A, %dma_wait3A_168, %dma_wait3A_169] : memref<2x2500x2x128xi32, #tpu.memory_space<hbm>> -> memref<1x1x2x128xi32, #tpu.memory_space<hbm>>
        %dma_wait3A_171 = tpu.memref_squeeze %dma_wait3A_170 : memref<1x1x2x128xi32, #tpu.memory_space<hbm>> -> memref<2x128xi32, #tpu.memory_space<hbm>>
        %dma_wait3A_172 = arith.constant 0 : i32
        %dma_wait3A_173 = arith.constant 0 : i32
        %dma_wait3A_174 = tpu.memref_slice %arg8[%run_scoped3A, %dma_wait3A_172, %dma_wait3A_173] : memref<4x2x128xi32, #tpu.memory_space<vmem>> -> memref<1x2x128xi32, #tpu.memory_space<vmem>>
        %dma_wait3A_175 = tpu.memref_squeeze %dma_wait3A_174 : memref<1x2x128xi32, #tpu.memory_space<vmem>> -> memref<2x128xi32, #tpu.memory_space<vmem>>
        %dma_wait3A_176 = arith.constant 0 : i32
        %dma_wait3A_177 = arith.constant 0 : i32
        %dma_wait3A_178 = tpu.memref_slice %arg3[%arg0, %add3A, %dma_wait3A_176, %dma_wait3A_177] : memref<2x2500x2x128xi32, #tpu.memory_space<hbm>> -> memref<1x1x2x128xi32, #tpu.memory_space<hbm>>
        %dma_wait3A_179 = tpu.memref_squeeze %dma_wait3A_178 : memref<1x1x2x128xi32, #tpu.memory_space<hbm>> -> memref<2x128xi32, #tpu.memory_space<hbm>>
        tpu.wait_dma2 semaphore(%run_scoped3A_148 : memref<!tpu.dma_semaphore, #tpu.memory_space<semaphore_mem>>) src(%dma_wait3A_179 : memref<2x128xi32, #tpu.memory_space<hbm>>) dst(%dma_wait3A_175 : memref<2x128xi32, #tpu.memory_space<vmem>>)
        tpu.yield
      }) : () -> ()
      %dma_start3A = arith.constant 0 : i32
      %dma_start3A_115 = arith.constant 0 : i32
      %dma_start3A_116 = arith.constant 0 : i32
      %dma_start3A_117 = arith.constant 0 : i32
      %dma_start3A_118 = arith.constant 0 : i32
      %dma_start3A_119 = tpu.memref_slice %arg9[%dma_start3A_116, %dma_start3A_117, %dma_start3A_118] : memref<2x128x128xf32, #tpu.memory_space<vmem>> -> memref<1x128x128xf32, #tpu.memory_space<vmem>>
      %dma_start3A_120 = tpu.memref_squeeze %dma_start3A_119 : memref<1x128x128xf32, #tpu.memory_space<vmem>> -> memref<128x128xf32, #tpu.memory_space<vmem>>
      %dma_start3A_121 = arith.constant 0 : i32
      %dma_start3A_122 = tpu.memref_slice %arg8[%dma_start3A, %dma_start3A_115, %dma_start3A_121] : memref<4x2x128xi32, #tpu.memory_space<vmem>> -> memref<1x1x128xi32, #tpu.memory_space<vmem>>
      %dma_start3A_123 = tpu.memref_squeeze %dma_start3A_122 : memref<1x1x128xi32, #tpu.memory_space<vmem>> -> memref<128xi32, #tpu.memory_space<vmem>>
      %dma_start3A_124 = arith.constant 0 : i32
      %dma_start3A_125 = arith.constant 0 : i32
      %dma_start3A_126 = tpu.memref_slice %arg2[%dma_start3A_124, %dma_start3A_125] : memref<10000x128xf32, #tpu.memory_space<hbm>> -> memref<10000x128xf32, #tpu.memory_space<hbm>>
      tpu.enqueue_indirect_dma source(%dma_start3A_126 : memref<10000x128xf32, #tpu.memory_space<hbm>>) target(%dma_start3A_120 : memref<128x128xf32, #tpu.memory_space<vmem>>) offsets(%dma_start3A_123 : memref<128xi32, #tpu.memory_space<vmem>>) semaphore(%arg12 : memref<!tpu.dma_semaphore, #tpu.memory_space<semaphore_mem>>)
      %add3A_127 = arith.constant 1 : i32
      %add3A_128 = arith.addi %add3A, %add3A_127 : i32
      %min3A_129 = arith.constant 2499 : i32
      %min3A_130 = arith.minsi %add3A_128, %min3A_129 : i32
      %dma_start3A_131 = arith.constant 1 : i32
      %dma_start3A_132 = arith.constant 0 : i32
      %dma_start3A_133 = arith.constant 0 : i32
      %dma_start3A_134 = tpu.memref_slice %arg8[%dma_start3A_131, %dma_start3A_132, %dma_start3A_133] : memref<4x2x128xi32, #tpu.memory_space<vmem>> -> memref<1x2x128xi32, #tpu.memory_space<vmem>>
      %dma_start3A_135 = tpu.memref_squeeze %dma_start3A_134 : memref<1x2x128xi32, #tpu.memory_space<vmem>> -> memref<2x128xi32, #tpu.memory_space<vmem>>
      %dma_start3A_136 = arith.constant 0 : i32
      %dma_start3A_137 = arith.constant 0 : i32
      %dma_start3A_138 = tpu.memref_slice %arg3[%arg0, %min3A_130, %dma_start3A_136, %dma_start3A_137] : memref<2x2500x2x128xi32, #tpu.memory_space<hbm>> -> memref<1x1x2x128xi32, #tpu.memory_space<hbm>>
      %dma_start3A_139 = tpu.memref_squeeze %dma_start3A_138 : memref<1x1x2x128xi32, #tpu.memory_space<hbm>> -> memref<2x128xi32, #tpu.memory_space<hbm>>
      %dma_start3A_140 = arith.constant 0 : i32
      %dma_start3A_141 = arith.constant 0 : i32
      %dma_start3A_142 = tpu.memref_slice %arg8[%dma_start3A_131, %dma_start3A_140, %dma_start3A_141] : memref<4x2x128xi32, #tpu.memory_space<vmem>> -> memref<1x2x128xi32, #tpu.memory_space<vmem>>
      %dma_start3A_143 = tpu.memref_squeeze %dma_start3A_142 : memref<1x2x128xi32, #tpu.memory_space<vmem>> -> memref<2x128xi32, #tpu.memory_space<vmem>>
      %dma_start3A_144 = arith.constant 0 : i32
      %dma_start3A_145 = arith.constant 0 : i32
      %dma_start3A_146 = tpu.memref_slice %arg3[%arg0, %min3A_130, %dma_start3A_144, %dma_start3A_145] : memref<2x2500x2x128xi32, #tpu.memory_space<hbm>> -> memref<1x1x2x128xi32, #tpu.memory_space<hbm>>
      %dma_start3A_147 = tpu.memref_squeeze %dma_start3A_146 : memref<1x1x2x128xi32, #tpu.memory_space<hbm>> -> memref<2x128xi32, #tpu.memory_space<hbm>>
      tpu.enqueue_dma source(%dma_start3A_147 : memref<2x128xi32, #tpu.memory_space<hbm>>) target(%dma_start3A_143 : memref<2x128xi32, #tpu.memory_space<vmem>>) target_semaphore(%arg16 : memref<!tpu.dma_semaphore, #tpu.memory_space<semaphore_mem>>)
    } else {
    }
    %and3A_12 = arith.constant 3 : i32
    %and3A_13 = arith.andi %add3A, %and3A_12 : i32
    %eq3A_14 = arith.constant 1 : i32
    %eq3A_15 = arith.cmpi eq, %and3A_13, %eq3A_14 : i32
    %convert_element_type3A_16 = arith.extui %eq3A_15 : i1 to i32
    %cond3A_17 = arith.constant 0 : i32
    %cond3A_18 = arith.cmpi ne, %convert_element_type3A_16, %cond3A_17 : i32
    scf.if %cond3A_18 {
      %run_scoped3A = arith.constant 1 : i32
      "tpu.region"() ({
        %run_scoped3A_148 = tpu.sem_alloc : memref<!tpu.dma_semaphore, #tpu.memory_space<semaphore_mem>>
        %dma_start3A_149 = arith.constant 0 : i32
        %dma_start3A_150 = arith.constant 0 : i32
        %dma_start3A_151 = tpu.memref_slice %arg8[%run_scoped3A, %dma_start3A_149, %dma_start3A_150] : memref<4x2x128xi32, #tpu.memory_space<vmem>> -> memref<1x2x128xi32, #tpu.memory_space<vmem>>
        %dma_start3A_152 = tpu.memref_squeeze %dma_start3A_151 : memref<1x2x128xi32, #tpu.memory_space<vmem>> -> memref<2x128xi32, #tpu.memory_space<vmem>>
        %dma_start3A_153 = arith.constant 0 : i32
        %dma_start3A_154 = arith.constant 0 : i32
        %dma_start3A_155 = tpu.memref_slice %arg3[%arg0, %add3A, %dma_start3A_153, %dma_start3A_154] : memref<2x2500x2x128xi32, #tpu.memory_space<hbm>> -> memref<1x1x2x128xi32, #tpu.memory_space<hbm>>
        %dma_start3A_156 = tpu.memref_squeeze %dma_start3A_155 : memref<1x1x2x128xi32, #tpu.memory_space<hbm>> -> memref<2x128xi32, #tpu.memory_space<hbm>>
        %dma_start3A_157 = arith.constant 0 : i32
        %dma_start3A_158 = arith.constant 0 : i32
        %dma_start3A_159 = tpu.memref_slice %arg8[%run_scoped3A, %dma_start3A_157, %dma_start3A_158] : memref<4x2x128xi32, #tpu.memory_space<vmem>> -> memref<1x2x128xi32, #tpu.memory_space<vmem>>
        %dma_start3A_160 = tpu.memref_squeeze %dma_start3A_159 : memref<1x2x128xi32, #tpu.memory_space<vmem>> -> memref<2x128xi32, #tpu.memory_space<vmem>>
        %dma_start3A_161 = arith.constant 0 : i32
        %dma_start3A_162 = arith.constant 0 : i32
        %dma_start3A_163 = tpu.memref_slice %arg3[%arg0, %add3A, %dma_start3A_161, %dma_start3A_162] : memref<2x2500x2x128xi32, #tpu.memory_space<hbm>> -> memref<1x1x2x128xi32, #tpu.memory_space<hbm>>
        %dma_start3A_164 = tpu.memref_squeeze %dma_start3A_163 : memref<1x1x2x128xi32, #tpu.memory_space<hbm>> -> memref<2x128xi32, #tpu.memory_space<hbm>>
        tpu.enqueue_dma source(%dma_start3A_164 : memref<2x128xi32, #tpu.memory_space<hbm>>) target(%dma_start3A_160 : memref<2x128xi32, #tpu.memory_space<vmem>>) target_semaphore(%run_scoped3A_148 : memref<!tpu.dma_semaphore, #tpu.memory_space<semaphore_mem>>)
        %dma_wait3A = arith.constant 0 : i32
        %dma_wait3A_165 = arith.constant 0 : i32
        %dma_wait3A_166 = tpu.memref_slice %arg8[%run_scoped3A, %dma_wait3A, %dma_wait3A_165] : memref<4x2x128xi32, #tpu.memory_space<vmem>> -> memref<1x2x128xi32, #tpu.memory_space<vmem>>
        %dma_wait3A_167 = tpu.memref_squeeze %dma_wait3A_166 : memref<1x2x128xi32, #tpu.memory_space<vmem>> -> memref<2x128xi32, #tpu.memory_space<vmem>>
        %dma_wait3A_168 = arith.constant 0 : i32
        %dma_wait3A_169 = arith.constant 0 : i32
        %dma_wait3A_170 = tpu.memref_slice %arg3[%arg0, %add3A, %dma_wait3A_168, %dma_wait3A_169] : memref<2x2500x2x128xi32, #tpu.memory_space<hbm>> -> memref<1x1x2x128xi32, #tpu.memory_space<hbm>>
        %dma_wait3A_171 = tpu.memref_squeeze %dma_wait3A_170 : memref<1x1x2x128xi32, #tpu.memory_space<hbm>> -> memref<2x128xi32, #tpu.memory_space<hbm>>
        %dma_wait3A_172 = arith.constant 0 : i32
        %dma_wait3A_173 = arith.constant 0 : i32
        %dma_wait3A_174 = tpu.memref_slice %arg8[%run_scoped3A, %dma_wait3A_172, %dma_wait3A_173] : memref<4x2x128xi32, #tpu.memory_space<vmem>> -> memref<1x2x128xi32, #tpu.memory_space<vmem>>
        %dma_wait3A_175 = tpu.memref_squeeze %dma_wait3A_174 : memref<1x2x128xi32, #tpu.memory_space<vmem>> -> memref<2x128xi32, #tpu.memory_space<vmem>>
        %dma_wait3A_176 = arith.constant 0 : i32
        %dma_wait3A_177 = arith.constant 0 : i32
        %dma_wait3A_178 = tpu.memref_slice %arg3[%arg0, %add3A, %dma_wait3A_176, %dma_wait3A_177] : memref<2x2500x2x128xi32, #tpu.memory_space<hbm>> -> memref<1x1x2x128xi32, #tpu.memory_space<hbm>>
        %dma_wait3A_179 = tpu.memref_squeeze %dma_wait3A_178 : memref<1x1x2x128xi32, #tpu.memory_space<hbm>> -> memref<2x128xi32, #tpu.memory_space<hbm>>
        tpu.wait_dma2 semaphore(%run_scoped3A_148 : memref<!tpu.dma_semaphore, #tpu.memory_space<semaphore_mem>>) src(%dma_wait3A_179 : memref<2x128xi32, #tpu.memory_space<hbm>>) dst(%dma_wait3A_175 : memref<2x128xi32, #tpu.memory_space<vmem>>)
        tpu.yield
      }) : () -> ()
      %dma_start3A = arith.constant 1 : i32
      %dma_start3A_115 = arith.constant 0 : i32
      %dma_start3A_116 = arith.constant 1 : i32
      %dma_start3A_117 = arith.constant 0 : i32
      %dma_start3A_118 = arith.constant 0 : i32
      %dma_start3A_119 = tpu.memref_slice %arg9[%dma_start3A_116, %dma_start3A_117, %dma_start3A_118] : memref<2x128x128xf32, #tpu.memory_space<vmem>> -> memref<1x128x128xf32, #tpu.memory_space<vmem>>
      %dma_start3A_120 = tpu.memref_squeeze %dma_start3A_119 : memref<1x128x128xf32, #tpu.memory_space<vmem>> -> memref<128x128xf32, #tpu.memory_space<vmem>>
      %dma_start3A_121 = arith.constant 0 : i32
      %dma_start3A_122 = tpu.memref_slice %arg8[%dma_start3A, %dma_start3A_115, %dma_start3A_121] : memref<4x2x128xi32, #tpu.memory_space<vmem>> -> memref<1x1x128xi32, #tpu.memory_space<vmem>>
      %dma_start3A_123 = tpu.memref_squeeze %dma_start3A_122 : memref<1x1x128xi32, #tpu.memory_space<vmem>> -> memref<128xi32, #tpu.memory_space<vmem>>
      %dma_start3A_124 = arith.constant 0 : i32
      %dma_start3A_125 = arith.constant 0 : i32
      %dma_start3A_126 = tpu.memref_slice %arg2[%dma_start3A_124, %dma_start3A_125] : memref<10000x128xf32, #tpu.memory_space<hbm>> -> memref<10000x128xf32, #tpu.memory_space<hbm>>
      tpu.enqueue_indirect_dma source(%dma_start3A_126 : memref<10000x128xf32, #tpu.memory_space<hbm>>) target(%dma_start3A_120 : memref<128x128xf32, #tpu.memory_space<vmem>>) offsets(%dma_start3A_123 : memref<128xi32, #tpu.memory_space<vmem>>) semaphore(%arg13 : memref<!tpu.dma_semaphore, #tpu.memory_space<semaphore_mem>>)
      %add3A_127 = arith.constant 1 : i32
      %add3A_128 = arith.addi %add3A, %add3A_127 : i32
      %min3A_129 = arith.constant 2499 : i32
      %min3A_130 = arith.minsi %add3A_128, %min3A_129 : i32
      %dma_start3A_131 = arith.constant 2 : i32
      %dma_start3A_132 = arith.constant 0 : i32
      %dma_start3A_133 = arith.constant 0 : i32
      %dma_start3A_134 = tpu.memref_slice %arg8[%dma_start3A_131, %dma_start3A_132, %dma_start3A_133] : memref<4x2x128xi32, #tpu.memory_space<vmem>> -> memref<1x2x128xi32, #tpu.memory_space<vmem>>
      %dma_start3A_135 = tpu.memref_squeeze %dma_start3A_134 : memref<1x2x128xi32, #tpu.memory_space<vmem>> -> memref<2x128xi32, #tpu.memory_space<vmem>>
      %dma_start3A_136 = arith.constant 0 : i32
      %dma_start3A_137 = arith.constant 0 : i32
      %dma_start3A_138 = tpu.memref_slice %arg3[%arg0, %min3A_130, %dma_start3A_136, %dma_start3A_137] : memref<2x2500x2x128xi32, #tpu.memory_space<hbm>> -> memref<1x1x2x128xi32, #tpu.memory_space<hbm>>
      %dma_start3A_139 = tpu.memref_squeeze %dma_start3A_138 : memref<1x1x2x128xi32, #tpu.memory_space<hbm>> -> memref<2x128xi32, #tpu.memory_space<hbm>>
      %dma_start3A_140 = arith.constant 0 : i32
      %dma_start3A_141 = arith.constant 0 : i32
      %dma_start3A_142 = tpu.memref_slice %arg8[%dma_start3A_131, %dma_start3A_140, %dma_start3A_141] : memref<4x2x128xi32, #tpu.memory_space<vmem>> -> memref<1x2x128xi32, #tpu.memory_space<vmem>>
      %dma_start3A_143 = tpu.memref_squeeze %dma_start3A_142 : memref<1x2x128xi32, #tpu.memory_space<vmem>> -> memref<2x128xi32, #tpu.memory_space<vmem>>
      %dma_start3A_144 = arith.constant 0 : i32
      %dma_start3A_145 = arith.constant 0 : i32
      %dma_start3A_146 = tpu.memref_slice %arg3[%arg0, %min3A_130, %dma_start3A_144, %dma_start3A_145] : memref<2x2500x2x128xi32, #tpu.memory_space<hbm>> -> memref<1x1x2x128xi32, #tpu.memory_space<hbm>>
      %dma_start3A_147 = tpu.memref_squeeze %dma_start3A_146 : memref<1x1x2x128xi32, #tpu.memory_space<hbm>> -> memref<2x128xi32, #tpu.memory_space<hbm>>
      tpu.enqueue_dma source(%dma_start3A_147 : memref<2x128xi32, #tpu.memory_space<hbm>>) target(%dma_start3A_143 : memref<2x128xi32, #tpu.memory_space<vmem>>) target_semaphore(%arg16 : memref<!tpu.dma_semaphore, #tpu.memory_space<semaphore_mem>>)
    } else {
    }
    %and3A_19 = arith.constant 3 : i32
    %and3A_20 = arith.andi %add3A, %and3A_19 : i32
    %eq3A_21 = arith.constant 2 : i32
    %eq3A_22 = arith.cmpi eq, %and3A_20, %eq3A_21 : i32
    %convert_element_type3A_23 = arith.extui %eq3A_22 : i1 to i32
    %cond3A_24 = arith.constant 0 : i32
    %cond3A_25 = arith.cmpi ne, %convert_element_type3A_23, %cond3A_24 : i32
    scf.if %cond3A_25 {
      %run_scoped3A = arith.constant 2 : i32
      "tpu.region"() ({
        %run_scoped3A_148 = tpu.sem_alloc : memref<!tpu.dma_semaphore, #tpu.memory_space<semaphore_mem>>
        %dma_start3A_149 = arith.constant 0 : i32
        %dma_start3A_150 = arith.constant 0 : i32
        %dma_start3A_151 = tpu.memref_slice %arg8[%run_scoped3A, %dma_start3A_149, %dma_start3A_150] : memref<4x2x128xi32, #tpu.memory_space<vmem>> -> memref<1x2x128xi32, #tpu.memory_space<vmem>>
        %dma_start3A_152 = tpu.memref_squeeze %dma_start3A_151 : memref<1x2x128xi32, #tpu.memory_space<vmem>> -> memref<2x128xi32, #tpu.memory_space<vmem>>
        %dma_start3A_153 = arith.constant 0 : i32
        %dma_start3A_154 = arith.constant 0 : i32
        %dma_start3A_155 = tpu.memref_slice %arg3[%arg0, %add3A, %dma_start3A_153, %dma_start3A_154] : memref<2x2500x2x128xi32, #tpu.memory_space<hbm>> -> memref<1x1x2x128xi32, #tpu.memory_space<hbm>>
        %dma_start3A_156 = tpu.memref_squeeze %dma_start3A_155 : memref<1x1x2x128xi32, #tpu.memory_space<hbm>> -> memref<2x128xi32, #tpu.memory_space<hbm>>
        %dma_start3A_157 = arith.constant 0 : i32
        %dma_start3A_158 = arith.constant 0 : i32
        %dma_start3A_159 = tpu.memref_slice %arg8[%run_scoped3A, %dma_start3A_157, %dma_start3A_158] : memref<4x2x128xi32, #tpu.memory_space<vmem>> -> memref<1x2x128xi32, #tpu.memory_space<vmem>>
        %dma_start3A_160 = tpu.memref_squeeze %dma_start3A_159 : memref<1x2x128xi32, #tpu.memory_space<vmem>> -> memref<2x128xi32, #tpu.memory_space<vmem>>
        %dma_start3A_161 = arith.constant 0 : i32
        %dma_start3A_162 = arith.constant 0 : i32
        %dma_start3A_163 = tpu.memref_slice %arg3[%arg0, %add3A, %dma_start3A_161, %dma_start3A_162] : memref<2x2500x2x128xi32, #tpu.memory_space<hbm>> -> memref<1x1x2x128xi32, #tpu.memory_space<hbm>>
        %dma_start3A_164 = tpu.memref_squeeze %dma_start3A_163 : memref<1x1x2x128xi32, #tpu.memory_space<hbm>> -> memref<2x128xi32, #tpu.memory_space<hbm>>
        tpu.enqueue_dma source(%dma_start3A_164 : memref<2x128xi32, #tpu.memory_space<hbm>>) target(%dma_start3A_160 : memref<2x128xi32, #tpu.memory_space<vmem>>) target_semaphore(%run_scoped3A_148 : memref<!tpu.dma_semaphore, #tpu.memory_space<semaphore_mem>>)
        %dma_wait3A = arith.constant 0 : i32
        %dma_wait3A_165 = arith.constant 0 : i32
        %dma_wait3A_166 = tpu.memref_slice %arg8[%run_scoped3A, %dma_wait3A, %dma_wait3A_165] : memref<4x2x128xi32, #tpu.memory_space<vmem>> -> memref<1x2x128xi32, #tpu.memory_space<vmem>>
        %dma_wait3A_167 = tpu.memref_squeeze %dma_wait3A_166 : memref<1x2x128xi32, #tpu.memory_space<vmem>> -> memref<2x128xi32, #tpu.memory_space<vmem>>
        %dma_wait3A_168 = arith.constant 0 : i32
        %dma_wait3A_169 = arith.constant 0 : i32
        %dma_wait3A_170 = tpu.memref_slice %arg3[%arg0, %add3A, %dma_wait3A_168, %dma_wait3A_169] : memref<2x2500x2x128xi32, #tpu.memory_space<hbm>> -> memref<1x1x2x128xi32, #tpu.memory_space<hbm>>
        %dma_wait3A_171 = tpu.memref_squeeze %dma_wait3A_170 : memref<1x1x2x128xi32, #tpu.memory_space<hbm>> -> memref<2x128xi32, #tpu.memory_space<hbm>>
        %dma_wait3A_172 = arith.constant 0 : i32
        %dma_wait3A_173 = arith.constant 0 : i32
        %dma_wait3A_174 = tpu.memref_slice %arg8[%run_scoped3A, %dma_wait3A_172, %dma_wait3A_173] : memref<4x2x128xi32, #tpu.memory_space<vmem>> -> memref<1x2x128xi32, #tpu.memory_space<vmem>>
        %dma_wait3A_175 = tpu.memref_squeeze %dma_wait3A_174 : memref<1x2x128xi32, #tpu.memory_space<vmem>> -> memref<2x128xi32, #tpu.memory_space<vmem>>
        %dma_wait3A_176 = arith.constant 0 : i32
        %dma_wait3A_177 = arith.constant 0 : i32
        %dma_wait3A_178 = tpu.memref_slice %arg3[%arg0, %add3A, %dma_wait3A_176, %dma_wait3A_177] : memref<2x2500x2x128xi32, #tpu.memory_space<hbm>> -> memref<1x1x2x128xi32, #tpu.memory_space<hbm>>
        %dma_wait3A_179 = tpu.memref_squeeze %dma_wait3A_178 : memref<1x1x2x128xi32, #tpu.memory_space<hbm>> -> memref<2x128xi32, #tpu.memory_space<hbm>>
        tpu.wait_dma2 semaphore(%run_scoped3A_148 : memref<!tpu.dma_semaphore, #tpu.memory_space<semaphore_mem>>) src(%dma_wait3A_179 : memref<2x128xi32, #tpu.memory_space<hbm>>) dst(%dma_wait3A_175 : memref<2x128xi32, #tpu.memory_space<vmem>>)
        tpu.yield
      }) : () -> ()
      %dma_start3A = arith.constant 2 : i32
      %dma_start3A_115 = arith.constant 0 : i32
      %dma_start3A_116 = arith.constant 0 : i32
      %dma_start3A_117 = arith.constant 0 : i32
      %dma_start3A_118 = arith.constant 0 : i32
      %dma_start3A_119 = tpu.memref_slice %arg9[%dma_start3A_116, %dma_start3A_117, %dma_start3A_118] : memref<2x128x128xf32, #tpu.memory_space<vmem>> -> memref<1x128x128xf32, #tpu.memory_space<vmem>>
      %dma_start3A_120 = tpu.memref_squeeze %dma_start3A_119 : memref<1x128x128xf32, #tpu.memory_space<vmem>> -> memref<128x128xf32, #tpu.memory_space<vmem>>
      %dma_start3A_121 = arith.constant 0 : i32
      %dma_start3A_122 = tpu.memref_slice %arg8[%dma_start3A, %dma_start3A_115, %dma_start3A_121] : memref<4x2x128xi32, #tpu.memory_space<vmem>> -> memref<1x1x128xi32, #tpu.memory_space<vmem>>
      %dma_start3A_123 = tpu.memref_squeeze %dma_start3A_122 : memref<1x1x128xi32, #tpu.memory_space<vmem>> -> memref<128xi32, #tpu.memory_space<vmem>>
      %dma_start3A_124 = arith.constant 0 : i32
      %dma_start3A_125 = arith.constant 0 : i32
      %dma_start3A_126 = tpu.memref_slice %arg2[%dma_start3A_124, %dma_start3A_125] : memref<10000x128xf32, #tpu.memory_space<hbm>> -> memref<10000x128xf32, #tpu.memory_space<hbm>>
      tpu.enqueue_indirect_dma source(%dma_start3A_126 : memref<10000x128xf32, #tpu.memory_space<hbm>>) target(%dma_start3A_120 : memref<128x128xf32, #tpu.memory_space<vmem>>) offsets(%dma_start3A_123 : memref<128xi32, #tpu.memory_space<vmem>>) semaphore(%arg12 : memref<!tpu.dma_semaphore, #tpu.memory_space<semaphore_mem>>)
      %add3A_127 = arith.constant 1 : i32
      %add3A_128 = arith.addi %add3A, %add3A_127 : i32
      %min3A_129 = arith.constant 2499 : i32
      %min3A_130 = arith.minsi %add3A_128, %min3A_129 : i32
      %dma_start3A_131 = arith.constant 3 : i32
      %dma_start3A_132 = arith.constant 0 : i32
      %dma_start3A_133 = arith.constant 0 : i32
      %dma_start3A_134 = tpu.memref_slice %arg8[%dma_start3A_131, %dma_start3A_132, %dma_start3A_133] : memref<4x2x128xi32, #tpu.memory_space<vmem>> -> memref<1x2x128xi32, #tpu.memory_space<vmem>>
      %dma_start3A_135 = tpu.memref_squeeze %dma_start3A_134 : memref<1x2x128xi32, #tpu.memory_space<vmem>> -> memref<2x128xi32, #tpu.memory_space<vmem>>
      %dma_start3A_136 = arith.constant 0 : i32
      %dma_start3A_137 = arith.constant 0 : i32
      %dma_start3A_138 = tpu.memref_slice %arg3[%arg0, %min3A_130, %dma_start3A_136, %dma_start3A_137] : memref<2x2500x2x128xi32, #tpu.memory_space<hbm>> -> memref<1x1x2x128xi32, #tpu.memory_space<hbm>>
      %dma_start3A_139 = tpu.memref_squeeze %dma_start3A_138 : memref<1x1x2x128xi32, #tpu.memory_space<hbm>> -> memref<2x128xi32, #tpu.memory_space<hbm>>
      %dma_start3A_140 = arith.constant 0 : i32
      %dma_start3A_141 = arith.constant 0 : i32
      %dma_start3A_142 = tpu.memref_slice %arg8[%dma_start3A_131, %dma_start3A_140, %dma_start3A_141] : memref<4x2x128xi32, #tpu.memory_space<vmem>> -> memref<1x2x128xi32, #tpu.memory_space<vmem>>
      %dma_start3A_143 = tpu.memref_squeeze %dma_start3A_142 : memref<1x2x128xi32, #tpu.memory_space<vmem>> -> memref<2x128xi32, #tpu.memory_space<vmem>>
      %dma_start3A_144 = arith.constant 0 : i32
      %dma_start3A_145 = arith.constant 0 : i32
      %dma_start3A_146 = tpu.memref_slice %arg3[%arg0, %min3A_130, %dma_start3A_144, %dma_start3A_145] : memref<2x2500x2x128xi32, #tpu.memory_space<hbm>> -> memref<1x1x2x128xi32, #tpu.memory_space<hbm>>
      %dma_start3A_147 = tpu.memref_squeeze %dma_start3A_146 : memref<1x1x2x128xi32, #tpu.memory_space<hbm>> -> memref<2x128xi32, #tpu.memory_space<hbm>>
      tpu.enqueue_dma source(%dma_start3A_147 : memref<2x128xi32, #tpu.memory_space<hbm>>) target(%dma_start3A_143 : memref<2x128xi32, #tpu.memory_space<vmem>>) target_semaphore(%arg16 : memref<!tpu.dma_semaphore, #tpu.memory_space<semaphore_mem>>)
    } else {
    }
    %and3A_26 = arith.constant 3 : i32
    %and3A_27 = arith.andi %add3A, %and3A_26 : i32
    %eq3A_28 = arith.constant 3 : i32
    %eq3A_29 = arith.cmpi eq, %and3A_27, %eq3A_28 : i32
    %convert_element_type3A_30 = arith.extui %eq3A_29 : i1 to i32
    %cond3A_31 = arith.constant 0 : i32
    %cond3A_32 = arith.cmpi ne, %convert_element_type3A_30, %cond3A_31 : i32
    scf.if %cond3A_32 {
      %run_scoped3A = arith.constant 3 : i32
      "tpu.region"() ({
        %run_scoped3A_148 = tpu.sem_alloc : memref<!tpu.dma_semaphore, #tpu.memory_space<semaphore_mem>>
        %dma_start3A_149 = arith.constant 0 : i32
        %dma_start3A_150 = arith.constant 0 : i32
        %dma_start3A_151 = tpu.memref_slice %arg8[%run_scoped3A, %dma_start3A_149, %dma_start3A_150] : memref<4x2x128xi32, #tpu.memory_space<vmem>> -> memref<1x2x128xi32, #tpu.memory_space<vmem>>
        %dma_start3A_152 = tpu.memref_squeeze %dma_start3A_151 : memref<1x2x128xi32, #tpu.memory_space<vmem>> -> memref<2x128xi32, #tpu.memory_space<vmem>>
        %dma_start3A_153 = arith.constant 0 : i32
        %dma_start3A_154 = arith.constant 0 : i32
        %dma_start3A_155 = tpu.memref_slice %arg3[%arg0, %add3A, %dma_start3A_153, %dma_start3A_154] : memref<2x2500x2x128xi32, #tpu.memory_space<hbm>> -> memref<1x1x2x128xi32, #tpu.memory_space<hbm>>
        %dma_start3A_156 = tpu.memref_squeeze %dma_start3A_155 : memref<1x1x2x128xi32, #tpu.memory_space<hbm>> -> memref<2x128xi32, #tpu.memory_space<hbm>>
        %dma_start3A_157 = arith.constant 0 : i32
        %dma_start3A_158 = arith.constant 0 : i32
        %dma_start3A_159 = tpu.memref_slice %arg8[%run_scoped3A, %dma_start3A_157, %dma_start3A_158] : memref<4x2x128xi32, #tpu.memory_space<vmem>> -> memref<1x2x128xi32, #tpu.memory_space<vmem>>
        %dma_start3A_160 = tpu.memref_squeeze %dma_start3A_159 : memref<1x2x128xi32, #tpu.memory_space<vmem>> -> memref<2x128xi32, #tpu.memory_space<vmem>>
        %dma_start3A_161 = arith.constant 0 : i32
        %dma_start3A_162 = arith.constant 0 : i32
        %dma_start3A_163 = tpu.memref_slice %arg3[%arg0, %add3A, %dma_start3A_161, %dma_start3A_162] : memref<2x2500x2x128xi32, #tpu.memory_space<hbm>> -> memref<1x1x2x128xi32, #tpu.memory_space<hbm>>
        %dma_start3A_164 = tpu.memref_squeeze %dma_start3A_163 : memref<1x1x2x128xi32, #tpu.memory_space<hbm>> -> memref<2x128xi32, #tpu.memory_space<hbm>>
        tpu.enqueue_dma source(%dma_start3A_164 : memref<2x128xi32, #tpu.memory_space<hbm>>) target(%dma_start3A_160 : memref<2x128xi32, #tpu.memory_space<vmem>>) target_semaphore(%run_scoped3A_148 : memref<!tpu.dma_semaphore, #tpu.memory_space<semaphore_mem>>)
        %dma_wait3A = arith.constant 0 : i32
        %dma_wait3A_165 = arith.constant 0 : i32
        %dma_wait3A_166 = tpu.memref_slice %arg8[%run_scoped3A, %dma_wait3A, %dma_wait3A_165] : memref<4x2x128xi32, #tpu.memory_space<vmem>> -> memref<1x2x128xi32, #tpu.memory_space<vmem>>
        %dma_wait3A_167 = tpu.memref_squeeze %dma_wait3A_166 : memref<1x2x128xi32, #tpu.memory_space<vmem>> -> memref<2x128xi32, #tpu.memory_space<vmem>>
        %dma_wait3A_168 = arith.constant 0 : i32
        %dma_wait3A_169 = arith.constant 0 : i32
        %dma_wait3A_170 = tpu.memref_slice %arg3[%arg0, %add3A, %dma_wait3A_168, %dma_wait3A_169] : memref<2x2500x2x128xi32, #tpu.memory_space<hbm>> -> memref<1x1x2x128xi32, #tpu.memory_space<hbm>>
        %dma_wait3A_171 = tpu.memref_squeeze %dma_wait3A_170 : memref<1x1x2x128xi32, #tpu.memory_space<hbm>> -> memref<2x128xi32, #tpu.memory_space<hbm>>
        %dma_wait3A_172 = arith.constant 0 : i32
        %dma_wait3A_173 = arith.constant 0 : i32
        %dma_wait3A_174 = tpu.memref_slice %arg8[%run_scoped3A, %dma_wait3A_172, %dma_wait3A_173] : memref<4x2x128xi32, #tpu.memory_space<vmem>> -> memref<1x2x128xi32, #tpu.memory_space<vmem>>
        %dma_wait3A_175 = tpu.memref_squeeze %dma_wait3A_174 : memref<1x2x128xi32, #tpu.memory_space<vmem>> -> memref<2x128xi32, #tpu.memory_space<vmem>>
        %dma_wait3A_176 = arith.constant 0 : i32
        %dma_wait3A_177 = arith.constant 0 : i32
        %dma_wait3A_178 = tpu.memref_slice %arg3[%arg0, %add3A, %dma_wait3A_176, %dma_wait3A_177] : memref<2x2500x2x128xi32, #tpu.memory_space<hbm>> -> memref<1x1x2x128xi32, #tpu.memory_space<hbm>>
        %dma_wait3A_179 = tpu.memref_squeeze %dma_wait3A_178 : memref<1x1x2x128xi32, #tpu.memory_space<hbm>> -> memref<2x128xi32, #tpu.memory_space<hbm>>
        tpu.wait_dma2 semaphore(%run_scoped3A_148 : memref<!tpu.dma_semaphore, #tpu.memory_space<semaphore_mem>>) src(%dma_wait3A_179 : memref<2x128xi32, #tpu.memory_space<hbm>>) dst(%dma_wait3A_175 : memref<2x128xi32, #tpu.memory_space<vmem>>)
        tpu.yield
      }) : () -> ()
      %dma_start3A = arith.constant 3 : i32
      %dma_start3A_115 = arith.constant 0 : i32
      %dma_start3A_116 = arith.constant 1 : i32
      %dma_start3A_117 = arith.constant 0 : i32
      %dma_start3A_118 = arith.constant 0 : i32
      %dma_start3A_119 = tpu.memref_slice %arg9[%dma_start3A_116, %dma_start3A_117, %dma_start3A_118] : memref<2x128x128xf32, #tpu.memory_space<vmem>> -> memref<1x128x128xf32, #tpu.memory_space<vmem>>
      %dma_start3A_120 = tpu.memref_squeeze %dma_start3A_119 : memref<1x128x128xf32, #tpu.memory_space<vmem>> -> memref<128x128xf32, #tpu.memory_space<vmem>>
      %dma_start3A_121 = arith.constant 0 : i32
      %dma_start3A_122 = tpu.memref_slice %arg8[%dma_start3A, %dma_start3A_115, %dma_start3A_121] : memref<4x2x128xi32, #tpu.memory_space<vmem>> -> memref<1x1x128xi32, #tpu.memory_space<vmem>>
      %dma_start3A_123 = tpu.memref_squeeze %dma_start3A_122 : memref<1x1x128xi32, #tpu.memory_space<vmem>> -> memref<128xi32, #tpu.memory_space<vmem>>
      %dma_start3A_124 = arith.constant 0 : i32
      %dma_start3A_125 = arith.constant 0 : i32
      %dma_start3A_126 = tpu.memref_slice %arg2[%dma_start3A_124, %dma_start3A_125] : memref<10000x128xf32, #tpu.memory_space<hbm>> -> memref<10000x128xf32, #tpu.memory_space<hbm>>
      tpu.enqueue_indirect_dma source(%dma_start3A_126 : memref<10000x128xf32, #tpu.memory_space<hbm>>) target(%dma_start3A_120 : memref<128x128xf32, #tpu.memory_space<vmem>>) offsets(%dma_start3A_123 : memref<128xi32, #tpu.memory_space<vmem>>) semaphore(%arg13 : memref<!tpu.dma_semaphore, #tpu.memory_space<semaphore_mem>>)
      %add3A_127 = arith.constant 1 : i32
      %add3A_128 = arith.addi %add3A, %add3A_127 : i32
      %min3A_129 = arith.constant 2499 : i32
      %min3A_130 = arith.minsi %add3A_128, %min3A_129 : i32
      %dma_start3A_131 = arith.constant 0 : i32
      %dma_start3A_132 = arith.constant 0 : i32
      %dma_start3A_133 = arith.constant 0 : i32
      %dma_start3A_134 = tpu.memref_slice %arg8[%dma_start3A_131, %dma_start3A_132, %dma_start3A_133] : memref<4x2x128xi32, #tpu.memory_space<vmem>> -> memref<1x2x128xi32, #tpu.memory_space<vmem>>
      %dma_start3A_135 = tpu.memref_squeeze %dma_start3A_134 : memref<1x2x128xi32, #tpu.memory_space<vmem>> -> memref<2x128xi32, #tpu.memory_space<vmem>>
      %dma_start3A_136 = arith.constant 0 : i32
      %dma_start3A_137 = arith.constant 0 : i32
      %dma_start3A_138 = tpu.memref_slice %arg3[%arg0, %min3A_130, %dma_start3A_136, %dma_start3A_137] : memref<2x2500x2x128xi32, #tpu.memory_space<hbm>> -> memref<1x1x2x128xi32, #tpu.memory_space<hbm>>
      %dma_start3A_139 = tpu.memref_squeeze %dma_start3A_138 : memref<1x1x2x128xi32, #tpu.memory_space<hbm>> -> memref<2x128xi32, #tpu.memory_space<hbm>>
      %dma_start3A_140 = arith.constant 0 : i32
      %dma_start3A_141 = arith.constant 0 : i32
      %dma_start3A_142 = tpu.memref_slice %arg8[%dma_start3A_131, %dma_start3A_140, %dma_start3A_141] : memref<4x2x128xi32, #tpu.memory_space<vmem>> -> memref<1x2x128xi32, #tpu.memory_space<vmem>>
      %dma_start3A_143 = tpu.memref_squeeze %dma_start3A_142 : memref<1x2x128xi32, #tpu.memory_space<vmem>> -> memref<2x128xi32, #tpu.memory_space<vmem>>
      %dma_start3A_144 = arith.constant 0 : i32
      %dma_start3A_145 = arith.constant 0 : i32
      %dma_start3A_146 = tpu.memref_slice %arg3[%arg0, %min3A_130, %dma_start3A_144, %dma_start3A_145] : memref<2x2500x2x128xi32, #tpu.memory_space<hbm>> -> memref<1x1x2x128xi32, #tpu.memory_space<hbm>>
      %dma_start3A_147 = tpu.memref_squeeze %dma_start3A_146 : memref<1x1x2x128xi32, #tpu.memory_space<hbm>> -> memref<2x128xi32, #tpu.memory_space<hbm>>
      tpu.enqueue_dma source(%dma_start3A_147 : memref<2x128xi32, #tpu.memory_space<hbm>>) target(%dma_start3A_143 : memref<2x128xi32, #tpu.memory_space<vmem>>) target_semaphore(%arg16 : memref<!tpu.dma_semaphore, #tpu.memory_space<semaphore_mem>>)
    } else {
    }
    %barrier3A = arith.constant 0 : index
    tpu.barrier barrier_id(%barrier3A)
    %add3A_33 = arith.constant 1 : i32
    %add3A_34 = arith.addi %add3A, %add3A_33 : i32
    %and3A_35 = arith.constant 3 : i32
    %and3A_36 = arith.andi %add3A_34, %and3A_35 : i32
    %eq3A_37 = arith.constant 0 : i32
    %eq3A_38 = arith.cmpi eq, %and3A_36, %eq3A_37 : i32
    %convert_element_type3A_39 = arith.extui %eq3A_38 : i1 to i32
    %cond3A_40 = arith.constant 0 : i32
    %cond3A_41 = arith.cmpi ne, %convert_element_type3A_39, %cond3A_40 : i32
    scf.if %cond3A_41 {
      %add3A_115 = arith.constant 1 : i32
      %add3A_116 = arith.addi %add3A, %add3A_115 : i32
      %min3A_117 = arith.constant 2499 : i32
      %min3A_118 = arith.minsi %add3A_116, %min3A_117 : i32
      %dma_wait3A = arith.constant 0 : i32
      %dma_wait3A_119 = arith.constant 0 : i32
      %dma_wait3A_120 = arith.constant 0 : i32
      %dma_wait3A_121 = tpu.memref_slice %arg8[%dma_wait3A, %dma_wait3A_119, %dma_wait3A_120] : memref<4x2x128xi32, #tpu.memory_space<vmem>> -> memref<1x2x128xi32, #tpu.memory_space<vmem>>
      %dma_wait3A_122 = tpu.memref_squeeze %dma_wait3A_121 : memref<1x2x128xi32, #tpu.memory_space<vmem>> -> memref<2x128xi32, #tpu.memory_space<vmem>>
      %dma_wait3A_123 = arith.constant 0 : i32
      %dma_wait3A_124 = arith.constant 0 : i32
      %dma_wait3A_125 = tpu.memref_slice %arg3[%arg0, %min3A_118, %dma_wait3A_123, %dma_wait3A_124] : memref<2x2500x2x128xi32, #tpu.memory_space<hbm>> -> memref<1x1x2x128xi32, #tpu.memory_space<hbm>>
      %dma_wait3A_126 = tpu.memref_squeeze %dma_wait3A_125 : memref<1x1x2x128xi32, #tpu.memory_space<hbm>> -> memref<2x128xi32, #tpu.memory_space<hbm>>
      %dma_wait3A_127 = arith.constant 0 : i32
      %dma_wait3A_128 = arith.constant 0 : i32
      %dma_wait3A_129 = tpu.memref_slice %arg8[%dma_wait3A, %dma_wait3A_127, %dma_wait3A_128] : memref<4x2x128xi32, #tpu.memory_space<vmem>> -> memref<1x2x128xi32, #tpu.memory_space<vmem>>
      %dma_wait3A_130 = tpu.memref_squeeze %dma_wait3A_129 : memref<1x2x128xi32, #tpu.memory_space<vmem>> -> memref<2x128xi32, #tpu.memory_space<vmem>>
      %dma_wait3A_131 = arith.constant 0 : i32
      %dma_wait3A_132 = arith.constant 0 : i32
      %dma_wait3A_133 = tpu.memref_slice %arg3[%arg0, %min3A_118, %dma_wait3A_131, %dma_wait3A_132] : memref<2x2500x2x128xi32, #tpu.memory_space<hbm>> -> memref<1x1x2x128xi32, #tpu.memory_space<hbm>>
      %dma_wait3A_134 = tpu.memref_squeeze %dma_wait3A_133 : memref<1x1x2x128xi32, #tpu.memory_space<hbm>> -> memref<2x128xi32, #tpu.memory_space<hbm>>
      tpu.wait_dma2 semaphore(%arg16 : memref<!tpu.dma_semaphore, #tpu.memory_space<semaphore_mem>>) src(%dma_wait3A_134 : memref<2x128xi32, #tpu.memory_space<hbm>>) dst(%dma_wait3A_130 : memref<2x128xi32, #tpu.memory_space<vmem>>)
      %dma_start3A = arith.constant 0 : i32
      %dma_start3A_135 = arith.constant 0 : i32
      %dma_start3A_136 = arith.constant 0 : i32
      %dma_start3A_137 = arith.constant 0 : i32
      %dma_start3A_138 = arith.constant 0 : i32
      %dma_start3A_139 = tpu.memref_slice %arg9[%dma_start3A_136, %dma_start3A_137, %dma_start3A_138] : memref<2x128x128xf32, #tpu.memory_space<vmem>> -> memref<1x128x128xf32, #tpu.memory_space<vmem>>
      %dma_start3A_140 = tpu.memref_squeeze %dma_start3A_139 : memref<1x128x128xf32, #tpu.memory_space<vmem>> -> memref<128x128xf32, #tpu.memory_space<vmem>>
      %dma_start3A_141 = arith.constant 0 : i32
      %dma_start3A_142 = tpu.memref_slice %arg8[%dma_start3A, %dma_start3A_135, %dma_start3A_141] : memref<4x2x128xi32, #tpu.memory_space<vmem>> -> memref<1x1x128xi32, #tpu.memory_space<vmem>>
      %dma_start3A_143 = tpu.memref_squeeze %dma_start3A_142 : memref<1x1x128xi32, #tpu.memory_space<vmem>> -> memref<128xi32, #tpu.memory_space<vmem>>
      %dma_start3A_144 = arith.constant 0 : i32
      %dma_start3A_145 = arith.constant 0 : i32
      %dma_start3A_146 = tpu.memref_slice %arg2[%dma_start3A_144, %dma_start3A_145] : memref<10000x128xf32, #tpu.memory_space<hbm>> -> memref<10000x128xf32, #tpu.memory_space<hbm>>
      tpu.enqueue_indirect_dma source(%dma_start3A_146 : memref<10000x128xf32, #tpu.memory_space<hbm>>) target(%dma_start3A_140 : memref<128x128xf32, #tpu.memory_space<vmem>>) offsets(%dma_start3A_143 : memref<128xi32, #tpu.memory_space<vmem>>) semaphore(%arg12 : memref<!tpu.dma_semaphore, #tpu.memory_space<semaphore_mem>>)
      %add3A_147 = arith.constant 2 : i32
      %add3A_148 = arith.addi %add3A, %add3A_147 : i32
      %min3A_149 = arith.constant 2499 : i32
      %min3A_150 = arith.minsi %add3A_148, %min3A_149 : i32
      %dma_start3A_151 = arith.constant 1 : i32
      %dma_start3A_152 = arith.constant 0 : i32
      %dma_start3A_153 = arith.constant 0 : i32
      %dma_start3A_154 = tpu.memref_slice %arg8[%dma_start3A_151, %dma_start3A_152, %dma_start3A_153] : memref<4x2x128xi32, #tpu.memory_space<vmem>> -> memref<1x2x128xi32, #tpu.memory_space<vmem>>
      %dma_start3A_155 = tpu.memref_squeeze %dma_start3A_154 : memref<1x2x128xi32, #tpu.memory_space<vmem>> -> memref<2x128xi32, #tpu.memory_space<vmem>>
      %dma_start3A_156 = arith.constant 0 : i32
      %dma_start3A_157 = arith.constant 0 : i32
      %dma_start3A_158 = tpu.memref_slice %arg3[%arg0, %min3A_150, %dma_start3A_156, %dma_start3A_157] : memref<2x2500x2x128xi32, #tpu.memory_space<hbm>> -> memref<1x1x2x128xi32, #tpu.memory_space<hbm>>
      %dma_start3A_159 = tpu.memref_squeeze %dma_start3A_158 : memref<1x1x2x128xi32, #tpu.memory_space<hbm>> -> memref<2x128xi32, #tpu.memory_space<hbm>>
      %dma_start3A_160 = arith.constant 0 : i32
      %dma_start3A_161 = arith.constant 0 : i32
      %dma_start3A_162 = tpu.memref_slice %arg8[%dma_start3A_151, %dma_start3A_160, %dma_start3A_161] : memref<4x2x128xi32, #tpu.memory_space<vmem>> -> memref<1x2x128xi32, #tpu.memory_space<vmem>>
      %dma_start3A_163 = tpu.memref_squeeze %dma_start3A_162 : memref<1x2x128xi32, #tpu.memory_space<vmem>> -> memref<2x128xi32, #tpu.memory_space<vmem>>
      %dma_start3A_164 = arith.constant 0 : i32
      %dma_start3A_165 = arith.constant 0 : i32
      %dma_start3A_166 = tpu.memref_slice %arg3[%arg0, %min3A_150, %dma_start3A_164, %dma_start3A_165] : memref<2x2500x2x128xi32, #tpu.memory_space<hbm>> -> memref<1x1x2x128xi32, #tpu.memory_space<hbm>>
      %dma_start3A_167 = tpu.memref_squeeze %dma_start3A_166 : memref<1x1x2x128xi32, #tpu.memory_space<hbm>> -> memref<2x128xi32, #tpu.memory_space<hbm>>
      tpu.enqueue_dma source(%dma_start3A_167 : memref<2x128xi32, #tpu.memory_space<hbm>>) target(%dma_start3A_163 : memref<2x128xi32, #tpu.memory_space<vmem>>) target_semaphore(%arg16 : memref<!tpu.dma_semaphore, #tpu.memory_space<semaphore_mem>>)
      %dma_wait3A_168 = arith.constant 3 : i32
      %dma_wait3A_169 = arith.constant 0 : i32
      %dma_wait3A_170 = arith.constant 1 : i32
      %dma_wait3A_171 = arith.constant 0 : i32
      %dma_wait3A_172 = arith.constant 0 : i32
      %dma_wait3A_173 = tpu.memref_slice %arg9[%dma_wait3A_170, %dma_wait3A_171, %dma_wait3A_172] : memref<2x128x128xf32, #tpu.memory_space<vmem>> -> memref<1x128x128xf32, #tpu.memory_space<vmem>>
      %dma_wait3A_174 = tpu.memref_squeeze %dma_wait3A_173 : memref<1x128x128xf32, #tpu.memory_space<vmem>> -> memref<128x128xf32, #tpu.memory_space<vmem>>
      %dma_wait3A_175 = arith.constant 0 : i32
      %dma_wait3A_176 = tpu.memref_slice %arg8[%dma_wait3A_168, %dma_wait3A_169, %dma_wait3A_175] : memref<4x2x128xi32, #tpu.memory_space<vmem>> -> memref<1x1x128xi32, #tpu.memory_space<vmem>>
      %dma_wait3A_177 = tpu.memref_squeeze %dma_wait3A_176 : memref<1x1x128xi32, #tpu.memory_space<vmem>> -> memref<128xi32, #tpu.memory_space<vmem>>
      %dma_wait3A_178 = arith.constant 0 : i32
      %dma_wait3A_179 = arith.constant 0 : i32
      %dma_wait3A_180 = tpu.memref_slice %arg2[%dma_wait3A_178, %dma_wait3A_179] : memref<10000x128xf32, #tpu.memory_space<hbm>> -> memref<10000x128xf32, #tpu.memory_space<hbm>>
      tpu.wait_indirect_dma semaphore(%arg13 : memref<!tpu.dma_semaphore, #tpu.memory_space<semaphore_mem>>) src(%dma_wait3A_180 : memref<10000x128xf32, #tpu.memory_space<hbm>>) dst(%dma_wait3A_174 : memref<128x128xf32, #tpu.memory_space<vmem>>)
      %dma_start3A_181 = arith.constant 1 : i32
      %dma_start3A_182 = arith.constant 3 : i32
      %dma_start3A_183 = arith.constant 1 : i32
      %dma_start3A_184 = arith.constant 0 : i32
      %dma_start3A_185 = arith.constant 0 : i32
      %dma_start3A_186 = tpu.memref_slice %arg9[%dma_start3A_181, %dma_start3A_184, %dma_start3A_185] : memref<2x128x128xf32, #tpu.memory_space<vmem>> -> memref<1x128x128xf32, #tpu.memory_space<vmem>>
      %dma_start3A_187 = tpu.memref_squeeze %dma_start3A_186 : memref<1x128x128xf32, #tpu.memory_space<vmem>> -> memref<128x128xf32, #tpu.memory_space<vmem>>
      %dma_start3A_188 = arith.constant 0 : i32
      %dma_start3A_189 = tpu.memref_slice %arg8[%dma_start3A_182, %dma_start3A_183, %dma_start3A_188] : memref<4x2x128xi32, #tpu.memory_space<vmem>> -> memref<1x1x128xi32, #tpu.memory_space<vmem>>
      %dma_start3A_190 = tpu.memref_squeeze %dma_start3A_189 : memref<1x1x128xi32, #tpu.memory_space<vmem>> -> memref<128xi32, #tpu.memory_space<vmem>>
      %dma_start3A_191 = arith.constant 0 : i32
      %dma_start3A_192 = arith.constant 0 : i32
      %dma_start3A_193 = tpu.memref_slice %arg11[%dma_start3A_191, %dma_start3A_192] : memref<10240x128xf32, #tpu.memory_space<vmem_shared>> -> memref<10240x128xf32, #tpu.memory_space<vmem_shared>>
      tpu.enqueue_indirect_dma source(%dma_start3A_187 : memref<128x128xf32, #tpu.memory_space<vmem>>) target(%dma_start3A_193 : memref<10240x128xf32, #tpu.memory_space<vmem_shared>>) offsets(%dma_start3A_190 : memref<128xi32, #tpu.memory_space<vmem>>) semaphore(%arg15 : memref<!tpu.dma_semaphore, #tpu.memory_space<semaphore_mem>>) {add = true}
      %get3A = arith.constant 3 : i32
      %get3A_194 = arith.constant 1 : i32
      %get3A_195 = arith.index_cast %get3A : i32 to index
      %get3A_196 = arith.index_cast %get3A_194 : i32 to index
      %get3A_197 = arith.constant 0 : index
      %get3A_198 = tpu.vector_load %arg8[%get3A_195, %get3A_196, %get3A_197] {strides = array<i32>} : memref<4x2x128xi32, #tpu.memory_space<vmem>>, vector<16xi32>,
      tpu.vector_store_idx %arg10[%get3A_198], %broadcast_in_dim3A_8 {add = true} : memref<10240xf32, #tpu.memory_space<vmem>>[vector<16xi32>], vector<16xf32>,
      %get3A_199 = arith.constant 3 : i32
      %get3A_200 = arith.constant 1 : i32
      %get3A_201 = arith.index_cast %get3A_199 : i32 to index
      %get3A_202 = arith.index_cast %get3A_200 : i32 to index
      %get3A_203 = arith.constant 16 : index
      %get3A_204 = tpu.vector_load %arg8[%get3A_201, %get3A_202, %get3A_203] {strides = array<i32>} : memref<4x2x128xi32, #tpu.memory_space<vmem>>, vector<16xi32>,
      tpu.vector_store_idx %arg10[%get3A_204], %broadcast_in_dim3A_8 {add = true} : memref<10240xf32, #tpu.memory_space<vmem>>[vector<16xi32>], vector<16xf32>,
      %get3A_205 = arith.constant 3 : i32
      %get3A_206 = arith.constant 1 : i32
      %get3A_207 = arith.index_cast %get3A_205 : i32 to index
      %get3A_208 = arith.index_cast %get3A_206 : i32 to index
      %get3A_209 = arith.constant 32 : index
      %get3A_210 = tpu.vector_load %arg8[%get3A_207, %get3A_208, %get3A_209] {strides = array<i32>} : memref<4x2x128xi32, #tpu.memory_space<vmem>>, vector<16xi32>,
      tpu.vector_store_idx %arg10[%get3A_210], %broadcast_in_dim3A_8 {add = true} : memref<10240xf32, #tpu.memory_space<vmem>>[vector<16xi32>], vector<16xf32>,
      %get3A_211 = arith.constant 3 : i32
      %get3A_212 = arith.constant 1 : i32
      %get3A_213 = arith.index_cast %get3A_211 : i32 to index
      %get3A_214 = arith.index_cast %get3A_212 : i32 to index
      %get3A_215 = arith.constant 48 : index
      %get3A_216 = tpu.vector_load %arg8[%get3A_213, %get3A_214, %get3A_215] {strides = array<i32>} : memref<4x2x128xi32, #tpu.memory_space<vmem>>, vector<16xi32>,
      tpu.vector_store_idx %arg10[%get3A_216], %broadcast_in_dim3A_8 {add = true} : memref<10240xf32, #tpu.memory_space<vmem>>[vector<16xi32>], vector<16xf32>,
      %get3A_217 = arith.constant 3 : i32
      %get3A_218 = arith.constant 1 : i32
      %get3A_219 = arith.index_cast %get3A_217 : i32 to index
      %get3A_220 = arith.index_cast %get3A_218 : i32 to index
      %get3A_221 = arith.constant 64 : index
      %get3A_222 = tpu.vector_load %arg8[%get3A_219, %get3A_220, %get3A_221] {strides = array<i32>} : memref<4x2x128xi32, #tpu.memory_space<vmem>>, vector<16xi32>,
      tpu.vector_store_idx %arg10[%get3A_222], %broadcast_in_dim3A_8 {add = true} : memref<10240xf32, #tpu.memory_space<vmem>>[vector<16xi32>], vector<16xf32>,
      %get3A_223 = arith.constant 3 : i32
      %get3A_224 = arith.constant 1 : i32
      %get3A_225 = arith.index_cast %get3A_223 : i32 to index
      %get3A_226 = arith.index_cast %get3A_224 : i32 to index
      %get3A_227 = arith.constant 80 : index
      %get3A_228 = tpu.vector_load %arg8[%get3A_225, %get3A_226, %get3A_227] {strides = array<i32>} : memref<4x2x128xi32, #tpu.memory_space<vmem>>, vector<16xi32>,
      tpu.vector_store_idx %arg10[%get3A_228], %broadcast_in_dim3A_8 {add = true} : memref<10240xf32, #tpu.memory_space<vmem>>[vector<16xi32>], vector<16xf32>,
      %get3A_229 = arith.constant 3 : i32
      %get3A_230 = arith.constant 1 : i32
      %get3A_231 = arith.index_cast %get3A_229 : i32 to index
      %get3A_232 = arith.index_cast %get3A_230 : i32 to index
      %get3A_233 = arith.constant 96 : index
      %get3A_234 = tpu.vector_load %arg8[%get3A_231, %get3A_232, %get3A_233] {strides = array<i32>} : memref<4x2x128xi32, #tpu.memory_space<vmem>>, vector<16xi32>,
      tpu.vector_store_idx %arg10[%get3A_234], %broadcast_in_dim3A_8 {add = true} : memref<10240xf32, #tpu.memory_space<vmem>>[vector<16xi32>], vector<16xf32>,
      %get3A_235 = arith.constant 3 : i32
      %get3A_236 = arith.constant 1 : i32
      %get3A_237 = arith.index_cast %get3A_235 : i32 to index
      %get3A_238 = arith.index_cast %get3A_236 : i32 to index
      %get3A_239 = arith.constant 112 : index
      %get3A_240 = tpu.vector_load %arg8[%get3A_237, %get3A_238, %get3A_239] {strides = array<i32>} : memref<4x2x128xi32, #tpu.memory_space<vmem>>, vector<16xi32>,
      tpu.vector_store_idx %arg10[%get3A_240], %broadcast_in_dim3A_8 {add = true} : memref<10240xf32, #tpu.memory_space<vmem>>[vector<16xi32>], vector<16xf32>,
    } else {
    }
    %add3A_42 = arith.constant 1 : i32
    %add3A_43 = arith.addi %add3A, %add3A_42 : i32
    %and3A_44 = arith.constant 3 : i32
    %and3A_45 = arith.andi %add3A_43, %and3A_44 : i32
    %eq3A_46 = arith.constant 1 : i32
    %eq3A_47 = arith.cmpi eq, %and3A_45, %eq3A_46 : i32
    %convert_element_type3A_48 = arith.extui %eq3A_47 : i1 to i32
    %cond3A_49 = arith.constant 0 : i32
    %cond3A_50 = arith.cmpi ne, %convert_element_type3A_48, %cond3A_49 : i32
    scf.if %cond3A_50 {
      %add3A_115 = arith.constant 1 : i32
      %add3A_116 = arith.addi %add3A, %add3A_115 : i32
      %min3A_117 = arith.constant 2499 : i32
      %min3A_118 = arith.minsi %add3A_116, %min3A_117 : i32
      %dma_wait3A = arith.constant 1 : i32
      %dma_wait3A_119 = arith.constant 0 : i32
      %dma_wait3A_120 = arith.constant 0 : i32
      %dma_wait3A_121 = tpu.memref_slice %arg8[%dma_wait3A, %dma_wait3A_119, %dma_wait3A_120] : memref<4x2x128xi32, #tpu.memory_space<vmem>> -> memref<1x2x128xi32, #tpu.memory_space<vmem>>
      %dma_wait3A_122 = tpu.memref_squeeze %dma_wait3A_121 : memref<1x2x128xi32, #tpu.memory_space<vmem>> -> memref<2x128xi32, #tpu.memory_space<vmem>>
      %dma_wait3A_123 = arith.constant 0 : i32
      %dma_wait3A_124 = arith.constant 0 : i32
      %dma_wait3A_125 = tpu.memref_slice %arg3[%arg0, %min3A_118, %dma_wait3A_123, %dma_wait3A_124] : memref<2x2500x2x128xi32, #tpu.memory_space<hbm>> -> memref<1x1x2x128xi32, #tpu.memory_space<hbm>>
      %dma_wait3A_126 = tpu.memref_squeeze %dma_wait3A_125 : memref<1x1x2x128xi32, #tpu.memory_space<hbm>> -> memref<2x128xi32, #tpu.memory_space<hbm>>
      %dma_wait3A_127 = arith.constant 0 : i32
      %dma_wait3A_128 = arith.constant 0 : i32
      %dma_wait3A_129 = tpu.memref_slice %arg8[%dma_wait3A, %dma_wait3A_127, %dma_wait3A_128] : memref<4x2x128xi32, #tpu.memory_space<vmem>> -> memref<1x2x128xi32, #tpu.memory_space<vmem>>
      %dma_wait3A_130 = tpu.memref_squeeze %dma_wait3A_129 : memref<1x2x128xi32, #tpu.memory_space<vmem>> -> memref<2x128xi32, #tpu.memory_space<vmem>>
      %dma_wait3A_131 = arith.constant 0 : i32
      %dma_wait3A_132 = arith.constant 0 : i32
      %dma_wait3A_133 = tpu.memref_slice %arg3[%arg0, %min3A_118, %dma_wait3A_131, %dma_wait3A_132] : memref<2x2500x2x128xi32, #tpu.memory_space<hbm>> -> memref<1x1x2x128xi32, #tpu.memory_space<hbm>>
      %dma_wait3A_134 = tpu.memref_squeeze %dma_wait3A_133 : memref<1x1x2x128xi32, #tpu.memory_space<hbm>> -> memref<2x128xi32, #tpu.memory_space<hbm>>
      tpu.wait_dma2 semaphore(%arg16 : memref<!tpu.dma_semaphore, #tpu.memory_space<semaphore_mem>>) src(%dma_wait3A_134 : memref<2x128xi32, #tpu.memory_space<hbm>>) dst(%dma_wait3A_130 : memref<2x128xi32, #tpu.memory_space<vmem>>)
      %dma_start3A = arith.constant 1 : i32
      %dma_start3A_135 = arith.constant 0 : i32
      %dma_start3A_136 = arith.constant 1 : i32
      %dma_start3A_137 = arith.constant 0 : i32
      %dma_start3A_138 = arith.constant 0 : i32
      %dma_start3A_139 = tpu.memref_slice %arg9[%dma_start3A_136, %dma_start3A_137, %dma_start3A_138] : memref<2x128x128xf32, #tpu.memory_space<vmem>> -> memref<1x128x128xf32, #tpu.memory_space<vmem>>
      %dma_start3A_140 = tpu.memref_squeeze %dma_start3A_139 : memref<1x128x128xf32, #tpu.memory_space<vmem>> -> memref<128x128xf32, #tpu.memory_space<vmem>>
      %dma_start3A_141 = arith.constant 0 : i32
      %dma_start3A_142 = tpu.memref_slice %arg8[%dma_start3A, %dma_start3A_135, %dma_start3A_141] : memref<4x2x128xi32, #tpu.memory_space<vmem>> -> memref<1x1x128xi32, #tpu.memory_space<vmem>>
      %dma_start3A_143 = tpu.memref_squeeze %dma_start3A_142 : memref<1x1x128xi32, #tpu.memory_space<vmem>> -> memref<128xi32, #tpu.memory_space<vmem>>
      %dma_start3A_144 = arith.constant 0 : i32
      %dma_start3A_145 = arith.constant 0 : i32
      %dma_start3A_146 = tpu.memref_slice %arg2[%dma_start3A_144, %dma_start3A_145] : memref<10000x128xf32, #tpu.memory_space<hbm>> -> memref<10000x128xf32, #tpu.memory_space<hbm>>
      tpu.enqueue_indirect_dma source(%dma_start3A_146 : memref<10000x128xf32, #tpu.memory_space<hbm>>) target(%dma_start3A_140 : memref<128x128xf32, #tpu.memory_space<vmem>>) offsets(%dma_start3A_143 : memref<128xi32, #tpu.memory_space<vmem>>) semaphore(%arg13 : memref<!tpu.dma_semaphore, #tpu.memory_space<semaphore_mem>>)
      %add3A_147 = arith.constant 2 : i32
      %add3A_148 = arith.addi %add3A, %add3A_147 : i32
      %min3A_149 = arith.constant 2499 : i32
      %min3A_150 = arith.minsi %add3A_148, %min3A_149 : i32
      %dma_start3A_151 = arith.constant 2 : i32
      %dma_start3A_152 = arith.constant 0 : i32
      %dma_start3A_153 = arith.constant 0 : i32
      %dma_start3A_154 = tpu.memref_slice %arg8[%dma_start3A_151, %dma_start3A_152, %dma_start3A_153] : memref<4x2x128xi32, #tpu.memory_space<vmem>> -> memref<1x2x128xi32, #tpu.memory_space<vmem>>
      %dma_start3A_155 = tpu.memref_squeeze %dma_start3A_154 : memref<1x2x128xi32, #tpu.memory_space<vmem>> -> memref<2x128xi32, #tpu.memory_space<vmem>>
      %dma_start3A_156 = arith.constant 0 : i32
      %dma_start3A_157 = arith.constant 0 : i32
      %dma_start3A_158 = tpu.memref_slice %arg3[%arg0, %min3A_150, %dma_start3A_156, %dma_start3A_157] : memref<2x2500x2x128xi32, #tpu.memory_space<hbm>> -> memref<1x1x2x128xi32, #tpu.memory_space<hbm>>
      %dma_start3A_159 = tpu.memref_squeeze %dma_start3A_158 : memref<1x1x2x128xi32, #tpu.memory_space<hbm>> -> memref<2x128xi32, #tpu.memory_space<hbm>>
      %dma_start3A_160 = arith.constant 0 : i32
      %dma_start3A_161 = arith.constant 0 : i32
      %dma_start3A_162 = tpu.memref_slice %arg8[%dma_start3A_151, %dma_start3A_160, %dma_start3A_161] : memref<4x2x128xi32, #tpu.memory_space<vmem>> -> memref<1x2x128xi32, #tpu.memory_space<vmem>>
      %dma_start3A_163 = tpu.memref_squeeze %dma_start3A_162 : memref<1x2x128xi32, #tpu.memory_space<vmem>> -> memref<2x128xi32, #tpu.memory_space<vmem>>
      %dma_start3A_164 = arith.constant 0 : i32
      %dma_start3A_165 = arith.constant 0 : i32
      %dma_start3A_166 = tpu.memref_slice %arg3[%arg0, %min3A_150, %dma_start3A_164, %dma_start3A_165] : memref<2x2500x2x128xi32, #tpu.memory_space<hbm>> -> memref<1x1x2x128xi32, #tpu.memory_space<hbm>>
      %dma_start3A_167 = tpu.memref_squeeze %dma_start3A_166 : memref<1x1x2x128xi32, #tpu.memory_space<hbm>> -> memref<2x128xi32, #tpu.memory_space<hbm>>
      tpu.enqueue_dma source(%dma_start3A_167 : memref<2x128xi32, #tpu.memory_space<hbm>>) target(%dma_start3A_163 : memref<2x128xi32, #tpu.memory_space<vmem>>) target_semaphore(%arg16 : memref<!tpu.dma_semaphore, #tpu.memory_space<semaphore_mem>>)
      %dma_wait3A_168 = arith.constant 0 : i32
      %dma_wait3A_169 = arith.constant 0 : i32
      %dma_wait3A_170 = arith.constant 0 : i32
      %dma_wait3A_171 = arith.constant 0 : i32
      %dma_wait3A_172 = arith.constant 0 : i32
      %dma_wait3A_173 = tpu.memref_slice %arg9[%dma_wait3A_170, %dma_wait3A_171, %dma_wait3A_172] : memref<2x128x128xf32, #tpu.memory_space<vmem>> -> memref<1x128x128xf32, #tpu.memory_space<vmem>>
      %dma_wait3A_174 = tpu.memref_squeeze %dma_wait3A_173 : memref<1x128x128xf32, #tpu.memory_space<vmem>> -> memref<128x128xf32, #tpu.memory_space<vmem>>
      %dma_wait3A_175 = arith.constant 0 : i32
      %dma_wait3A_176 = tpu.memref_slice %arg8[%dma_wait3A_168, %dma_wait3A_169, %dma_wait3A_175] : memref<4x2x128xi32, #tpu.memory_space<vmem>> -> memref<1x1x128xi32, #tpu.memory_space<vmem>>
      %dma_wait3A_177 = tpu.memref_squeeze %dma_wait3A_176 : memref<1x1x128xi32, #tpu.memory_space<vmem>> -> memref<128xi32, #tpu.memory_space<vmem>>
      %dma_wait3A_178 = arith.constant 0 : i32
      %dma_wait3A_179 = arith.constant 0 : i32
      %dma_wait3A_180 = tpu.memref_slice %arg2[%dma_wait3A_178, %dma_wait3A_179] : memref<10000x128xf32, #tpu.memory_space<hbm>> -> memref<10000x128xf32, #tpu.memory_space<hbm>>
      tpu.wait_indirect_dma semaphore(%arg12 : memref<!tpu.dma_semaphore, #tpu.memory_space<semaphore_mem>>) src(%dma_wait3A_180 : memref<10000x128xf32, #tpu.memory_space<hbm>>) dst(%dma_wait3A_174 : memref<128x128xf32, #tpu.memory_space<vmem>>)
      %dma_start3A_181 = arith.constant 0 : i32
      %dma_start3A_182 = arith.constant 0 : i32
      %dma_start3A_183 = arith.constant 1 : i32
      %dma_start3A_184 = arith.constant 0 : i32
      %dma_start3A_185 = arith.constant 0 : i32
      %dma_start3A_186 = tpu.memref_slice %arg9[%dma_start3A_181, %dma_start3A_184, %dma_start3A_185] : memref<2x128x128xf32, #tpu.memory_space<vmem>> -> memref<1x128x128xf32, #tpu.memory_space<vmem>>
      %dma_start3A_187 = tpu.memref_squeeze %dma_start3A_186 : memref<1x128x128xf32, #tpu.memory_space<vmem>> -> memref<128x128xf32, #tpu.memory_space<vmem>>
      %dma_start3A_188 = arith.constant 0 : i32
      %dma_start3A_189 = tpu.memref_slice %arg8[%dma_start3A_182, %dma_start3A_183, %dma_start3A_188] : memref<4x2x128xi32, #tpu.memory_space<vmem>> -> memref<1x1x128xi32, #tpu.memory_space<vmem>>
      %dma_start3A_190 = tpu.memref_squeeze %dma_start3A_189 : memref<1x1x128xi32, #tpu.memory_space<vmem>> -> memref<128xi32, #tpu.memory_space<vmem>>
      %dma_start3A_191 = arith.constant 0 : i32
      %dma_start3A_192 = arith.constant 0 : i32
      %dma_start3A_193 = tpu.memref_slice %arg11[%dma_start3A_191, %dma_start3A_192] : memref<10240x128xf32, #tpu.memory_space<vmem_shared>> -> memref<10240x128xf32, #tpu.memory_space<vmem_shared>>
      tpu.enqueue_indirect_dma source(%dma_start3A_187 : memref<128x128xf32, #tpu.memory_space<vmem>>) target(%dma_start3A_193 : memref<10240x128xf32, #tpu.memory_space<vmem_shared>>) offsets(%dma_start3A_190 : memref<128xi32, #tpu.memory_space<vmem>>) semaphore(%arg14 : memref<!tpu.dma_semaphore, #tpu.memory_space<semaphore_mem>>) {add = true}
      %get3A = arith.constant 0 : i32
      %get3A_194 = arith.constant 1 : i32
      %get3A_195 = arith.index_cast %get3A : i32 to index
      %get3A_196 = arith.index_cast %get3A_194 : i32 to index
      %get3A_197 = arith.constant 0 : index
      %get3A_198 = tpu.vector_load %arg8[%get3A_195, %get3A_196, %get3A_197] {strides = array<i32>} : memref<4x2x128xi32, #tpu.memory_space<vmem>>, vector<16xi32>,
      tpu.vector_store_idx %arg10[%get3A_198], %broadcast_in_dim3A_8 {add = true} : memref<10240xf32, #tpu.memory_space<vmem>>[vector<16xi32>], vector<16xf32>,
      %get3A_199 = arith.constant 0 : i32
      %get3A_200 = arith.constant 1 : i32
      %get3A_201 = arith.index_cast %get3A_199 : i32 to index
      %get3A_202 = arith.index_cast %get3A_200 : i32 to index
      %get3A_203 = arith.constant 16 : index
      %get3A_204 = tpu.vector_load %arg8[%get3A_201, %get3A_202, %get3A_203] {strides = array<i32>} : memref<4x2x128xi32, #tpu.memory_space<vmem>>, vector<16xi32>,
      tpu.vector_store_idx %arg10[%get3A_204], %broadcast_in_dim3A_8 {add = true} : memref<10240xf32, #tpu.memory_space<vmem>>[vector<16xi32>], vector<16xf32>,
      %get3A_205 = arith.constant 0 : i32
      %get3A_206 = arith.constant 1 : i32
      %get3A_207 = arith.index_cast %get3A_205 : i32 to index
      %get3A_208 = arith.index_cast %get3A_206 : i32 to index
      %get3A_209 = arith.constant 32 : index
      %get3A_210 = tpu.vector_load %arg8[%get3A_207, %get3A_208, %get3A_209] {strides = array<i32>} : memref<4x2x128xi32, #tpu.memory_space<vmem>>, vector<16xi32>,
      tpu.vector_store_idx %arg10[%get3A_210], %broadcast_in_dim3A_8 {add = true} : memref<10240xf32, #tpu.memory_space<vmem>>[vector<16xi32>], vector<16xf32>,
      %get3A_211 = arith.constant 0 : i32
      %get3A_212 = arith.constant 1 : i32
      %get3A_213 = arith.index_cast %get3A_211 : i32 to index
      %get3A_214 = arith.index_cast %get3A_212 : i32 to index
      %get3A_215 = arith.constant 48 : index
      %get3A_216 = tpu.vector_load %arg8[%get3A_213, %get3A_214, %get3A_215] {strides = array<i32>} : memref<4x2x128xi32, #tpu.memory_space<vmem>>, vector<16xi32>,
      tpu.vector_store_idx %arg10[%get3A_216], %broadcast_in_dim3A_8 {add = true} : memref<10240xf32, #tpu.memory_space<vmem>>[vector<16xi32>], vector<16xf32>,
      %get3A_217 = arith.constant 0 : i32
      %get3A_218 = arith.constant 1 : i32
      %get3A_219 = arith.index_cast %get3A_217 : i32 to index
      %get3A_220 = arith.index_cast %get3A_218 : i32 to index
      %get3A_221 = arith.constant 64 : index
      %get3A_222 = tpu.vector_load %arg8[%get3A_219, %get3A_220, %get3A_221] {strides = array<i32>} : memref<4x2x128xi32, #tpu.memory_space<vmem>>, vector<16xi32>,
      tpu.vector_store_idx %arg10[%get3A_222], %broadcast_in_dim3A_8 {add = true} : memref<10240xf32, #tpu.memory_space<vmem>>[vector<16xi32>], vector<16xf32>,
      %get3A_223 = arith.constant 0 : i32
      %get3A_224 = arith.constant 1 : i32
      %get3A_225 = arith.index_cast %get3A_223 : i32 to index
      %get3A_226 = arith.index_cast %get3A_224 : i32 to index
      %get3A_227 = arith.constant 80 : index
      %get3A_228 = tpu.vector_load %arg8[%get3A_225, %get3A_226, %get3A_227] {strides = array<i32>} : memref<4x2x128xi32, #tpu.memory_space<vmem>>, vector<16xi32>,
      tpu.vector_store_idx %arg10[%get3A_228], %broadcast_in_dim3A_8 {add = true} : memref<10240xf32, #tpu.memory_space<vmem>>[vector<16xi32>], vector<16xf32>,
      %get3A_229 = arith.constant 0 : i32
      %get3A_230 = arith.constant 1 : i32
      %get3A_231 = arith.index_cast %get3A_229 : i32 to index
      %get3A_232 = arith.index_cast %get3A_230 : i32 to index
      %get3A_233 = arith.constant 96 : index
      %get3A_234 = tpu.vector_load %arg8[%get3A_231, %get3A_232, %get3A_233] {strides = array<i32>} : memref<4x2x128xi32, #tpu.memory_space<vmem>>, vector<16xi32>,
      tpu.vector_store_idx %arg10[%get3A_234], %broadcast_in_dim3A_8 {add = true} : memref<10240xf32, #tpu.memory_space<vmem>>[vector<16xi32>], vector<16xf32>,
      %get3A_235 = arith.constant 0 : i32
      %get3A_236 = arith.constant 1 : i32
      %get3A_237 = arith.index_cast %get3A_235 : i32 to index
      %get3A_238 = arith.index_cast %get3A_236 : i32 to index
      %get3A_239 = arith.constant 112 : index
      %get3A_240 = tpu.vector_load %arg8[%get3A_237, %get3A_238, %get3A_239] {strides = array<i32>} : memref<4x2x128xi32, #tpu.memory_space<vmem>>, vector<16xi32>,
      tpu.vector_store_idx %arg10[%get3A_240], %broadcast_in_dim3A_8 {add = true} : memref<10240xf32, #tpu.memory_space<vmem>>[vector<16xi32>], vector<16xf32>,
    } else {
    }
    %add3A_51 = arith.constant 1 : i32
    %add3A_52 = arith.addi %add3A, %add3A_51 : i32
    %and3A_53 = arith.constant 3 : i32
    %and3A_54 = arith.andi %add3A_52, %and3A_53 : i32
    %eq3A_55 = arith.constant 2 : i32
    %eq3A_56 = arith.cmpi eq, %and3A_54, %eq3A_55 : i32
    %convert_element_type3A_57 = arith.extui %eq3A_56 : i1 to i32
    %cond3A_58 = arith.constant 0 : i32
    %cond3A_59 = arith.cmpi ne, %convert_element_type3A_57, %cond3A_58 : i32
    scf.if %cond3A_59 {
      %add3A_115 = arith.constant 1 : i32
      %add3A_116 = arith.addi %add3A, %add3A_115 : i32
      %min3A_117 = arith.constant 2499 : i32
      %min3A_118 = arith.minsi %add3A_116, %min3A_117 : i32
      %dma_wait3A = arith.constant 2 : i32
      %dma_wait3A_119 = arith.constant 0 : i32
      %dma_wait3A_120 = arith.constant 0 : i32
      %dma_wait3A_121 = tpu.memref_slice %arg8[%dma_wait3A, %dma_wait3A_119, %dma_wait3A_120] : memref<4x2x128xi32, #tpu.memory_space<vmem>> -> memref<1x2x128xi32, #tpu.memory_space<vmem>>
      %dma_wait3A_122 = tpu.memref_squeeze %dma_wait3A_121 : memref<1x2x128xi32, #tpu.memory_space<vmem>> -> memref<2x128xi32, #tpu.memory_space<vmem>>
      %dma_wait3A_123 = arith.constant 0 : i32
      %dma_wait3A_124 = arith.constant 0 : i32
      %dma_wait3A_125 = tpu.memref_slice %arg3[%arg0, %min3A_118, %dma_wait3A_123, %dma_wait3A_124] : memref<2x2500x2x128xi32, #tpu.memory_space<hbm>> -> memref<1x1x2x128xi32, #tpu.memory_space<hbm>>
      %dma_wait3A_126 = tpu.memref_squeeze %dma_wait3A_125 : memref<1x1x2x128xi32, #tpu.memory_space<hbm>> -> memref<2x128xi32, #tpu.memory_space<hbm>>
      %dma_wait3A_127 = arith.constant 0 : i32
      %dma_wait3A_128 = arith.constant 0 : i32
      %dma_wait3A_129 = tpu.memref_slice %arg8[%dma_wait3A, %dma_wait3A_127, %dma_wait3A_128] : memref<4x2x128xi32, #tpu.memory_space<vmem>> -> memref<1x2x128xi32, #tpu.memory_space<vmem>>
      %dma_wait3A_130 = tpu.memref_squeeze %dma_wait3A_129 : memref<1x2x128xi32, #tpu.memory_space<vmem>> -> memref<2x128xi32, #tpu.memory_space<vmem>>
      %dma_wait3A_131 = arith.constant 0 : i32
      %dma_wait3A_132 = arith.constant 0 : i32
      %dma_wait3A_133 = tpu.memref_slice %arg3[%arg0, %min3A_118, %dma_wait3A_131, %dma_wait3A_132] : memref<2x2500x2x128xi32, #tpu.memory_space<hbm>> -> memref<1x1x2x128xi32, #tpu.memory_space<hbm>>
      %dma_wait3A_134 = tpu.memref_squeeze %dma_wait3A_133 : memref<1x1x2x128xi32, #tpu.memory_space<hbm>> -> memref<2x128xi32, #tpu.memory_space<hbm>>
      tpu.wait_dma2 semaphore(%arg16 : memref<!tpu.dma_semaphore, #tpu.memory_space<semaphore_mem>>) src(%dma_wait3A_134 : memref<2x128xi32, #tpu.memory_space<hbm>>) dst(%dma_wait3A_130 : memref<2x128xi32, #tpu.memory_space<vmem>>)
      %dma_start3A = arith.constant 2 : i32
      %dma_start3A_135 = arith.constant 0 : i32
      %dma_start3A_136 = arith.constant 0 : i32
      %dma_start3A_137 = arith.constant 0 : i32
      %dma_start3A_138 = arith.constant 0 : i32
      %dma_start3A_139 = tpu.memref_slice %arg9[%dma_start3A_136, %dma_start3A_137, %dma_start3A_138] : memref<2x128x128xf32, #tpu.memory_space<vmem>> -> memref<1x128x128xf32, #tpu.memory_space<vmem>>
      %dma_start3A_140 = tpu.memref_squeeze %dma_start3A_139 : memref<1x128x128xf32, #tpu.memory_space<vmem>> -> memref<128x128xf32, #tpu.memory_space<vmem>>
      %dma_start3A_141 = arith.constant 0 : i32
      %dma_start3A_142 = tpu.memref_slice %arg8[%dma_start3A, %dma_start3A_135, %dma_start3A_141] : memref<4x2x128xi32, #tpu.memory_space<vmem>> -> memref<1x1x128xi32, #tpu.memory_space<vmem>>
      %dma_start3A_143 = tpu.memref_squeeze %dma_start3A_142 : memref<1x1x128xi32, #tpu.memory_space<vmem>> -> memref<128xi32, #tpu.memory_space<vmem>>
      %dma_start3A_144 = arith.constant 0 : i32
      %dma_start3A_145 = arith.constant 0 : i32
      %dma_start3A_146 = tpu.memref_slice %arg2[%dma_start3A_144, %dma_start3A_145] : memref<10000x128xf32, #tpu.memory_space<hbm>> -> memref<10000x128xf32, #tpu.memory_space<hbm>>
      tpu.enqueue_indirect_dma source(%dma_start3A_146 : memref<10000x128xf32, #tpu.memory_space<hbm>>) target(%dma_start3A_140 : memref<128x128xf32, #tpu.memory_space<vmem>>) offsets(%dma_start3A_143 : memref<128xi32, #tpu.memory_space<vmem>>) semaphore(%arg12 : memref<!tpu.dma_semaphore, #tpu.memory_space<semaphore_mem>>)
      %add3A_147 = arith.constant 2 : i32
      %add3A_148 = arith.addi %add3A, %add3A_147 : i32
      %min3A_149 = arith.constant 2499 : i32
      %min3A_150 = arith.minsi %add3A_148, %min3A_149 : i32
      %dma_start3A_151 = arith.constant 3 : i32
      %dma_start3A_152 = arith.constant 0 : i32
      %dma_start3A_153 = arith.constant 0 : i32
      %dma_start3A_154 = tpu.memref_slice %arg8[%dma_start3A_151, %dma_start3A_152, %dma_start3A_153] : memref<4x2x128xi32, #tpu.memory_space<vmem>> -> memref<1x2x128xi32, #tpu.memory_space<vmem>>
      %dma_start3A_155 = tpu.memref_squeeze %dma_start3A_154 : memref<1x2x128xi32, #tpu.memory_space<vmem>> -> memref<2x128xi32, #tpu.memory_space<vmem>>
      %dma_start3A_156 = arith.constant 0 : i32
      %dma_start3A_157 = arith.constant 0 : i32
      %dma_start3A_158 = tpu.memref_slice %arg3[%arg0, %min3A_150, %dma_start3A_156, %dma_start3A_157] : memref<2x2500x2x128xi32, #tpu.memory_space<hbm>> -> memref<1x1x2x128xi32, #tpu.memory_space<hbm>>
      %dma_start3A_159 = tpu.memref_squeeze %dma_start3A_158 : memref<1x1x2x128xi32, #tpu.memory_space<hbm>> -> memref<2x128xi32, #tpu.memory_space<hbm>>
      %dma_start3A_160 = arith.constant 0 : i32
      %dma_start3A_161 = arith.constant 0 : i32
      %dma_start3A_162 = tpu.memref_slice %arg8[%dma_start3A_151, %dma_start3A_160, %dma_start3A_161] : memref<4x2x128xi32, #tpu.memory_space<vmem>> -> memref<1x2x128xi32, #tpu.memory_space<vmem>>
      %dma_start3A_163 = tpu.memref_squeeze %dma_start3A_162 : memref<1x2x128xi32, #tpu.memory_space<vmem>> -> memref<2x128xi32, #tpu.memory_space<vmem>>
      %dma_start3A_164 = arith.constant 0 : i32
      %dma_start3A_165 = arith.constant 0 : i32
      %dma_start3A_166 = tpu.memref_slice %arg3[%arg0, %min3A_150, %dma_start3A_164, %dma_start3A_165] : memref<2x2500x2x128xi32, #tpu.memory_space<hbm>> -> memref<1x1x2x128xi32, #tpu.memory_space<hbm>>
      %dma_start3A_167 = tpu.memref_squeeze %dma_start3A_166 : memref<1x1x2x128xi32, #tpu.memory_space<hbm>> -> memref<2x128xi32, #tpu.memory_space<hbm>>
      tpu.enqueue_dma source(%dma_start3A_167 : memref<2x128xi32, #tpu.memory_space<hbm>>) target(%dma_start3A_163 : memref<2x128xi32, #tpu.memory_space<vmem>>) target_semaphore(%arg16 : memref<!tpu.dma_semaphore, #tpu.memory_space<semaphore_mem>>)
      %dma_wait3A_168 = arith.constant 1 : i32
      %dma_wait3A_169 = arith.constant 0 : i32
      %dma_wait3A_170 = arith.constant 1 : i32
      %dma_wait3A_171 = arith.constant 0 : i32
      %dma_wait3A_172 = arith.constant 0 : i32
      %dma_wait3A_173 = tpu.memref_slice %arg9[%dma_wait3A_170, %dma_wait3A_171, %dma_wait3A_172] : memref<2x128x128xf32, #tpu.memory_space<vmem>> -> memref<1x128x128xf32, #tpu.memory_space<vmem>>
      %dma_wait3A_174 = tpu.memref_squeeze %dma_wait3A_173 : memref<1x128x128xf32, #tpu.memory_space<vmem>> -> memref<128x128xf32, #tpu.memory_space<vmem>>
      %dma_wait3A_175 = arith.constant 0 : i32
      %dma_wait3A_176 = tpu.memref_slice %arg8[%dma_wait3A_168, %dma_wait3A_169, %dma_wait3A_175] : memref<4x2x128xi32, #tpu.memory_space<vmem>> -> memref<1x1x128xi32, #tpu.memory_space<vmem>>
      %dma_wait3A_177 = tpu.memref_squeeze %dma_wait3A_176 : memref<1x1x128xi32, #tpu.memory_space<vmem>> -> memref<128xi32, #tpu.memory_space<vmem>>
      %dma_wait3A_178 = arith.constant 0 : i32
      %dma_wait3A_179 = arith.constant 0 : i32
      %dma_wait3A_180 = tpu.memref_slice %arg2[%dma_wait3A_178, %dma_wait3A_179] : memref<10000x128xf32, #tpu.memory_space<hbm>> -> memref<10000x128xf32, #tpu.memory_space<hbm>>
      tpu.wait_indirect_dma semaphore(%arg13 : memref<!tpu.dma_semaphore, #tpu.memory_space<semaphore_mem>>) src(%dma_wait3A_180 : memref<10000x128xf32, #tpu.memory_space<hbm>>) dst(%dma_wait3A_174 : memref<128x128xf32, #tpu.memory_space<vmem>>)
      %dma_start3A_181 = arith.constant 1 : i32
      %dma_start3A_182 = arith.constant 1 : i32
      %dma_start3A_183 = arith.constant 1 : i32
      %dma_start3A_184 = arith.constant 0 : i32
      %dma_start3A_185 = arith.constant 0 : i32
      %dma_start3A_186 = tpu.memref_slice %arg9[%dma_start3A_181, %dma_start3A_184, %dma_start3A_185] : memref<2x128x128xf32, #tpu.memory_space<vmem>> -> memref<1x128x128xf32, #tpu.memory_space<vmem>>
      %dma_start3A_187 = tpu.memref_squeeze %dma_start3A_186 : memref<1x128x128xf32, #tpu.memory_space<vmem>> -> memref<128x128xf32, #tpu.memory_space<vmem>>
      %dma_start3A_188 = arith.constant 0 : i32
      %dma_start3A_189 = tpu.memref_slice %arg8[%dma_start3A_182, %dma_start3A_183, %dma_start3A_188] : memref<4x2x128xi32, #tpu.memory_space<vmem>> -> memref<1x1x128xi32, #tpu.memory_space<vmem>>
      %dma_start3A_190 = tpu.memref_squeeze %dma_start3A_189 : memref<1x1x128xi32, #tpu.memory_space<vmem>> -> memref<128xi32, #tpu.memory_space<vmem>>
      %dma_start3A_191 = arith.constant 0 : i32
      %dma_start3A_192 = arith.constant 0 : i32
      %dma_start3A_193 = tpu.memref_slice %arg11[%dma_start3A_191, %dma_start3A_192] : memref<10240x128xf32, #tpu.memory_space<vmem_shared>> -> memref<10240x128xf32, #tpu.memory_space<vmem_shared>>
      tpu.enqueue_indirect_dma source(%dma_start3A_187 : memref<128x128xf32, #tpu.memory_space<vmem>>) target(%dma_start3A_193 : memref<10240x128xf32, #tpu.memory_space<vmem_shared>>) offsets(%dma_start3A_190 : memref<128xi32, #tpu.memory_space<vmem>>) semaphore(%arg15 : memref<!tpu.dma_semaphore, #tpu.memory_space<semaphore_mem>>) {add = true}
      %get3A = arith.constant 1 : i32
      %get3A_194 = arith.constant 1 : i32
      %get3A_195 = arith.index_cast %get3A : i32 to index
      %get3A_196 = arith.index_cast %get3A_194 : i32 to index
      %get3A_197 = arith.constant 0 : index
      %get3A_198 = tpu.vector_load %arg8[%get3A_195, %get3A_196, %get3A_197] {strides = array<i32>} : memref<4x2x128xi32, #tpu.memory_space<vmem>>, vector<16xi32>,
      tpu.vector_store_idx %arg10[%get3A_198], %broadcast_in_dim3A_8 {add = true} : memref<10240xf32, #tpu.memory_space<vmem>>[vector<16xi32>], vector<16xf32>,
      %get3A_199 = arith.constant 1 : i32
      %get3A_200 = arith.constant 1 : i32
      %get3A_201 = arith.index_cast %get3A_199 : i32 to index
      %get3A_202 = arith.index_cast %get3A_200 : i32 to index
      %get3A_203 = arith.constant 16 : index
      %get3A_204 = tpu.vector_load %arg8[%get3A_201, %get3A_202, %get3A_203] {strides = array<i32>} : memref<4x2x128xi32, #tpu.memory_space<vmem>>, vector<16xi32>,
      tpu.vector_store_idx %arg10[%get3A_204], %broadcast_in_dim3A_8 {add = true} : memref<10240xf32, #tpu.memory_space<vmem>>[vector<16xi32>], vector<16xf32>,
      %get3A_205 = arith.constant 1 : i32
      %get3A_206 = arith.constant 1 : i32
      %get3A_207 = arith.index_cast %get3A_205 : i32 to index
      %get3A_208 = arith.index_cast %get3A_206 : i32 to index
      %get3A_209 = arith.constant 32 : index
      %get3A_210 = tpu.vector_load %arg8[%get3A_207, %get3A_208, %get3A_209] {strides = array<i32>} : memref<4x2x128xi32, #tpu.memory_space<vmem>>, vector<16xi32>,
      tpu.vector_store_idx %arg10[%get3A_210], %broadcast_in_dim3A_8 {add = true} : memref<10240xf32, #tpu.memory_space<vmem>>[vector<16xi32>], vector<16xf32>,
      %get3A_211 = arith.constant 1 : i32
      %get3A_212 = arith.constant 1 : i32
      %get3A_213 = arith.index_cast %get3A_211 : i32 to index
      %get3A_214 = arith.index_cast %get3A_212 : i32 to index
      %get3A_215 = arith.constant 48 : index
      %get3A_216 = tpu.vector_load %arg8[%get3A_213, %get3A_214, %get3A_215] {strides = array<i32>} : memref<4x2x128xi32, #tpu.memory_space<vmem>>, vector<16xi32>,
      tpu.vector_store_idx %arg10[%get3A_216], %broadcast_in_dim3A_8 {add = true} : memref<10240xf32, #tpu.memory_space<vmem>>[vector<16xi32>], vector<16xf32>,
      %get3A_217 = arith.constant 1 : i32
      %get3A_218 = arith.constant 1 : i32
      %get3A_219 = arith.index_cast %get3A_217 : i32 to index
      %get3A_220 = arith.index_cast %get3A_218 : i32 to index
      %get3A_221 = arith.constant 64 : index
      %get3A_222 = tpu.vector_load %arg8[%get3A_219, %get3A_220, %get3A_221] {strides = array<i32>} : memref<4x2x128xi32, #tpu.memory_space<vmem>>, vector<16xi32>,
      tpu.vector_store_idx %arg10[%get3A_222], %broadcast_in_dim3A_8 {add = true} : memref<10240xf32, #tpu.memory_space<vmem>>[vector<16xi32>], vector<16xf32>,
      %get3A_223 = arith.constant 1 : i32
      %get3A_224 = arith.constant 1 : i32
      %get3A_225 = arith.index_cast %get3A_223 : i32 to index
      %get3A_226 = arith.index_cast %get3A_224 : i32 to index
      %get3A_227 = arith.constant 80 : index
      %get3A_228 = tpu.vector_load %arg8[%get3A_225, %get3A_226, %get3A_227] {strides = array<i32>} : memref<4x2x128xi32, #tpu.memory_space<vmem>>, vector<16xi32>,
      tpu.vector_store_idx %arg10[%get3A_228], %broadcast_in_dim3A_8 {add = true} : memref<10240xf32, #tpu.memory_space<vmem>>[vector<16xi32>], vector<16xf32>,
      %get3A_229 = arith.constant 1 : i32
      %get3A_230 = arith.constant 1 : i32
      %get3A_231 = arith.index_cast %get3A_229 : i32 to index
      %get3A_232 = arith.index_cast %get3A_230 : i32 to index
      %get3A_233 = arith.constant 96 : index
      %get3A_234 = tpu.vector_load %arg8[%get3A_231, %get3A_232, %get3A_233] {strides = array<i32>} : memref<4x2x128xi32, #tpu.memory_space<vmem>>, vector<16xi32>,
      tpu.vector_store_idx %arg10[%get3A_234], %broadcast_in_dim3A_8 {add = true} : memref<10240xf32, #tpu.memory_space<vmem>>[vector<16xi32>], vector<16xf32>,
      %get3A_235 = arith.constant 1 : i32
      %get3A_236 = arith.constant 1 : i32
      %get3A_237 = arith.index_cast %get3A_235 : i32 to index
      %get3A_238 = arith.index_cast %get3A_236 : i32 to index
      %get3A_239 = arith.constant 112 : index
      %get3A_240 = tpu.vector_load %arg8[%get3A_237, %get3A_238, %get3A_239] {strides = array<i32>} : memref<4x2x128xi32, #tpu.memory_space<vmem>>, vector<16xi32>,
      tpu.vector_store_idx %arg10[%get3A_240], %broadcast_in_dim3A_8 {add = true} : memref<10240xf32, #tpu.memory_space<vmem>>[vector<16xi32>], vector<16xf32>,
    } else {
    }
    %add3A_60 = arith.constant 1 : i32
    %add3A_61 = arith.addi %add3A, %add3A_60 : i32
    %and3A_62 = arith.constant 3 : i32
    %and3A_63 = arith.andi %add3A_61, %and3A_62 : i32
    %eq3A_64 = arith.constant 3 : i32
    %eq3A_65 = arith.cmpi eq, %and3A_63, %eq3A_64 : i32
    %convert_element_type3A_66 = arith.extui %eq3A_65 : i1 to i32
    %cond3A_67 = arith.constant 0 : i32
    %cond3A_68 = arith.cmpi ne, %convert_element_type3A_66, %cond3A_67 : i32
    scf.if %cond3A_68 {
      %add3A_115 = arith.constant 1 : i32
      %add3A_116 = arith.addi %add3A, %add3A_115 : i32
      %min3A_117 = arith.constant 2499 : i32
      %min3A_118 = arith.minsi %add3A_116, %min3A_117 : i32
      %dma_wait3A = arith.constant 3 : i32
      %dma_wait3A_119 = arith.constant 0 : i32
      %dma_wait3A_120 = arith.constant 0 : i32
      %dma_wait3A_121 = tpu.memref_slice %arg8[%dma_wait3A, %dma_wait3A_119, %dma_wait3A_120] : memref<4x2x128xi32, #tpu.memory_space<vmem>> -> memref<1x2x128xi32, #tpu.memory_space<vmem>>
      %dma_wait3A_122 = tpu.memref_squeeze %dma_wait3A_121 : memref<1x2x128xi32, #tpu.memory_space<vmem>> -> memref<2x128xi32, #tpu.memory_space<vmem>>
      %dma_wait3A_123 = arith.constant 0 : i32
      %dma_wait3A_124 = arith.constant 0 : i32
      %dma_wait3A_125 = tpu.memref_slice %arg3[%arg0, %min3A_118, %dma_wait3A_123, %dma_wait3A_124] : memref<2x2500x2x128xi32, #tpu.memory_space<hbm>> -> memref<1x1x2x128xi32, #tpu.memory_space<hbm>>
      %dma_wait3A_126 = tpu.memref_squeeze %dma_wait3A_125 : memref<1x1x2x128xi32, #tpu.memory_space<hbm>> -> memref<2x128xi32, #tpu.memory_space<hbm>>
      %dma_wait3A_127 = arith.constant 0 : i32
      %dma_wait3A_128 = arith.constant 0 : i32
      %dma_wait3A_129 = tpu.memref_slice %arg8[%dma_wait3A, %dma_wait3A_127, %dma_wait3A_128] : memref<4x2x128xi32, #tpu.memory_space<vmem>> -> memref<1x2x128xi32, #tpu.memory_space<vmem>>
      %dma_wait3A_130 = tpu.memref_squeeze %dma_wait3A_129 : memref<1x2x128xi32, #tpu.memory_space<vmem>> -> memref<2x128xi32, #tpu.memory_space<vmem>>
      %dma_wait3A_131 = arith.constant 0 : i32
      %dma_wait3A_132 = arith.constant 0 : i32
      %dma_wait3A_133 = tpu.memref_slice %arg3[%arg0, %min3A_118, %dma_wait3A_131, %dma_wait3A_132] : memref<2x2500x2x128xi32, #tpu.memory_space<hbm>> -> memref<1x1x2x128xi32, #tpu.memory_space<hbm>>
      %dma_wait3A_134 = tpu.memref_squeeze %dma_wait3A_133 : memref<1x1x2x128xi32, #tpu.memory_space<hbm>> -> memref<2x128xi32, #tpu.memory_space<hbm>>
      tpu.wait_dma2 semaphore(%arg16 : memref<!tpu.dma_semaphore, #tpu.memory_space<semaphore_mem>>) src(%dma_wait3A_134 : memref<2x128xi32, #tpu.memory_space<hbm>>) dst(%dma_wait3A_130 : memref<2x128xi32, #tpu.memory_space<vmem>>)
      %dma_start3A = arith.constant 3 : i32
      %dma_start3A_135 = arith.constant 0 : i32
      %dma_start3A_136 = arith.constant 1 : i32
      %dma_start3A_137 = arith.constant 0 : i32
      %dma_start3A_138 = arith.constant 0 : i32
      %dma_start3A_139 = tpu.memref_slice %arg9[%dma_start3A_136, %dma_start3A_137, %dma_start3A_138] : memref<2x128x128xf32, #tpu.memory_space<vmem>> -> memref<1x128x128xf32, #tpu.memory_space<vmem>>
      %dma_start3A_140 = tpu.memref_squeeze %dma_start3A_139 : memref<1x128x128xf32, #tpu.memory_space<vmem>> -> memref<128x128xf32, #tpu.memory_space<vmem>>
      %dma_start3A_141 = arith.constant 0 : i32
      %dma_start3A_142 = tpu.memref_slice %arg8[%dma_start3A, %dma_start3A_135, %dma_start3A_141] : memref<4x2x128xi32, #tpu.memory_space<vmem>> -> memref<1x1x128xi32, #tpu.memory_space<vmem>>
      %dma_start3A_143 = tpu.memref_squeeze %dma_start3A_142 : memref<1x1x128xi32, #tpu.memory_space<vmem>> -> memref<128xi32, #tpu.memory_space<vmem>>
      %dma_start3A_144 = arith.constant 0 : i32
      %dma_start3A_145 = arith.constant 0 : i32
      %dma_start3A_146 = tpu.memref_slice %arg2[%dma_start3A_144, %dma_start3A_145] : memref<10000x128xf32, #tpu.memory_space<hbm>> -> memref<10000x128xf32, #tpu.memory_space<hbm>>
      tpu.enqueue_indirect_dma source(%dma_start3A_146 : memref<10000x128xf32, #tpu.memory_space<hbm>>) target(%dma_start3A_140 : memref<128x128xf32, #tpu.memory_space<vmem>>) offsets(%dma_start3A_143 : memref<128xi32, #tpu.memory_space<vmem>>) semaphore(%arg13 : memref<!tpu.dma_semaphore, #tpu.memory_space<semaphore_mem>>)
      %add3A_147 = arith.constant 2 : i32
      %add3A_148 = arith.addi %add3A, %add3A_147 : i32
      %min3A_149 = arith.constant 2499 : i32
      %min3A_150 = arith.minsi %add3A_148, %min3A_149 : i32
      %dma_start3A_151 = arith.constant 0 : i32
      %dma_start3A_152 = arith.constant 0 : i32
      %dma_start3A_153 = arith.constant 0 : i32
      %dma_start3A_154 = tpu.memref_slice %arg8[%dma_start3A_151, %dma_start3A_152, %dma_start3A_153] : memref<4x2x128xi32, #tpu.memory_space<vmem>> -> memref<1x2x128xi32, #tpu.memory_space<vmem>>
      %dma_start3A_155 = tpu.memref_squeeze %dma_start3A_154 : memref<1x2x128xi32, #tpu.memory_space<vmem>> -> memref<2x128xi32, #tpu.memory_space<vmem>>
      %dma_start3A_156 = arith.constant 0 : i32
      %dma_start3A_157 = arith.constant 0 : i32
      %dma_start3A_158 = tpu.memref_slice %arg3[%arg0, %min3A_150, %dma_start3A_156, %dma_start3A_157] : memref<2x2500x2x128xi32, #tpu.memory_space<hbm>> -> memref<1x1x2x128xi32, #tpu.memory_space<hbm>>
      %dma_start3A_159 = tpu.memref_squeeze %dma_start3A_158 : memref<1x1x2x128xi32, #tpu.memory_space<hbm>> -> memref<2x128xi32, #tpu.memory_space<hbm>>
      %dma_start3A_160 = arith.constant 0 : i32
      %dma_start3A_161 = arith.constant 0 : i32
      %dma_start3A_162 = tpu.memref_slice %arg8[%dma_start3A_151, %dma_start3A_160, %dma_start3A_161] : memref<4x2x128xi32, #tpu.memory_space<vmem>> -> memref<1x2x128xi32, #tpu.memory_space<vmem>>
      %dma_start3A_163 = tpu.memref_squeeze %dma_start3A_162 : memref<1x2x128xi32, #tpu.memory_space<vmem>> -> memref<2x128xi32, #tpu.memory_space<vmem>>
      %dma_start3A_164 = arith.constant 0 : i32
      %dma_start3A_165 = arith.constant 0 : i32
      %dma_start3A_166 = tpu.memref_slice %arg3[%arg0, %min3A_150, %dma_start3A_164, %dma_start3A_165] : memref<2x2500x2x128xi32, #tpu.memory_space<hbm>> -> memref<1x1x2x128xi32, #tpu.memory_space<hbm>>
      %dma_start3A_167 = tpu.memref_squeeze %dma_start3A_166 : memref<1x1x2x128xi32, #tpu.memory_space<hbm>> -> memref<2x128xi32, #tpu.memory_space<hbm>>
      tpu.enqueue_dma source(%dma_start3A_167 : memref<2x128xi32, #tpu.memory_space<hbm>>) target(%dma_start3A_163 : memref<2x128xi32, #tpu.memory_space<vmem>>) target_semaphore(%arg16 : memref<!tpu.dma_semaphore, #tpu.memory_space<semaphore_mem>>)
      %dma_wait3A_168 = arith.constant 2 : i32
      %dma_wait3A_169 = arith.constant 0 : i32
      %dma_wait3A_170 = arith.constant 0 : i32
      %dma_wait3A_171 = arith.constant 0 : i32
      %dma_wait3A_172 = arith.constant 0 : i32
      %dma_wait3A_173 = tpu.memref_slice %arg9[%dma_wait3A_170, %dma_wait3A_171, %dma_wait3A_172] : memref<2x128x128xf32, #tpu.memory_space<vmem>> -> memref<1x128x128xf32, #tpu.memory_space<vmem>>
      %dma_wait3A_174 = tpu.memref_squeeze %dma_wait3A_173 : memref<1x128x128xf32, #tpu.memory_space<vmem>> -> memref<128x128xf32, #tpu.memory_space<vmem>>
      %dma_wait3A_175 = arith.constant 0 : i32
      %dma_wait3A_176 = tpu.memref_slice %arg8[%dma_wait3A_168, %dma_wait3A_169, %dma_wait3A_175] : memref<4x2x128xi32, #tpu.memory_space<vmem>> -> memref<1x1x128xi32, #tpu.memory_space<vmem>>
      %dma_wait3A_177 = tpu.memref_squeeze %dma_wait3A_176 : memref<1x1x128xi32, #tpu.memory_space<vmem>> -> memref<128xi32, #tpu.memory_space<vmem>>
      %dma_wait3A_178 = arith.constant 0 : i32
      %dma_wait3A_179 = arith.constant 0 : i32
      %dma_wait3A_180 = tpu.memref_slice %arg2[%dma_wait3A_178, %dma_wait3A_179] : memref<10000x128xf32, #tpu.memory_space<hbm>> -> memref<10000x128xf32, #tpu.memory_space<hbm>>
      tpu.wait_indirect_dma semaphore(%arg12 : memref<!tpu.dma_semaphore, #tpu.memory_space<semaphore_mem>>) src(%dma_wait3A_180 : memref<10000x128xf32, #tpu.memory_space<hbm>>) dst(%dma_wait3A_174 : memref<128x128xf32, #tpu.memory_space<vmem>>)
      %dma_start3A_181 = arith.constant 0 : i32
      %dma_start3A_182 = arith.constant 2 : i32
      %dma_start3A_183 = arith.constant 1 : i32
      %dma_start3A_184 = arith.constant 0 : i32
      %dma_start3A_185 = arith.constant 0 : i32
      %dma_start3A_186 = tpu.memref_slice %arg9[%dma_start3A_181, %dma_start3A_184, %dma_start3A_185] : memref<2x128x128xf32, #tpu.memory_space<vmem>> -> memref<1x128x128xf32, #tpu.memory_space<vmem>>
      %dma_start3A_187 = tpu.memref_squeeze %dma_start3A_186 : memref<1x128x128xf32, #tpu.memory_space<vmem>> -> memref<128x128xf32, #tpu.memory_space<vmem>>
      %dma_start3A_188 = arith.constant 0 : i32
      %dma_start3A_189 = tpu.memref_slice %arg8[%dma_start3A_182, %dma_start3A_183, %dma_start3A_188] : memref<4x2x128xi32, #tpu.memory_space<vmem>> -> memref<1x1x128xi32, #tpu.memory_space<vmem>>
      %dma_start3A_190 = tpu.memref_squeeze %dma_start3A_189 : memref<1x1x128xi32, #tpu.memory_space<vmem>> -> memref<128xi32, #tpu.memory_space<vmem>>
      %dma_start3A_191 = arith.constant 0 : i32
      %dma_start3A_192 = arith.constant 0 : i32
      %dma_start3A_193 = tpu.memref_slice %arg11[%dma_start3A_191, %dma_start3A_192] : memref<10240x128xf32, #tpu.memory_space<vmem_shared>> -> memref<10240x128xf32, #tpu.memory_space<vmem_shared>>
      tpu.enqueue_indirect_dma source(%dma_start3A_187 : memref<128x128xf32, #tpu.memory_space<vmem>>) target(%dma_start3A_193 : memref<10240x128xf32, #tpu.memory_space<vmem_shared>>) offsets(%dma_start3A_190 : memref<128xi32, #tpu.memory_space<vmem>>) semaphore(%arg14 : memref<!tpu.dma_semaphore, #tpu.memory_space<semaphore_mem>>) {add = true}
      %get3A = arith.constant 2 : i32
      %get3A_194 = arith.constant 1 : i32
      %get3A_195 = arith.index_cast %get3A : i32 to index
      %get3A_196 = arith.index_cast %get3A_194 : i32 to index
      %get3A_197 = arith.constant 0 : index
      %get3A_198 = tpu.vector_load %arg8[%get3A_195, %get3A_196, %get3A_197] {strides = array<i32>} : memref<4x2x128xi32, #tpu.memory_space<vmem>>, vector<16xi32>,
      tpu.vector_store_idx %arg10[%get3A_198], %broadcast_in_dim3A_8 {add = true} : memref<10240xf32, #tpu.memory_space<vmem>>[vector<16xi32>], vector<16xf32>,
      %get3A_199 = arith.constant 2 : i32
      %get3A_200 = arith.constant 1 : i32
      %get3A_201 = arith.index_cast %get3A_199 : i32 to index
      %get3A_202 = arith.index_cast %get3A_200 : i32 to index
      %get3A_203 = arith.constant 16 : index
      %get3A_204 = tpu.vector_load %arg8[%get3A_201, %get3A_202, %get3A_203] {strides = array<i32>} : memref<4x2x128xi32, #tpu.memory_space<vmem>>, vector<16xi32>,
      tpu.vector_store_idx %arg10[%get3A_204], %broadcast_in_dim3A_8 {add = true} : memref<10240xf32, #tpu.memory_space<vmem>>[vector<16xi32>], vector<16xf32>,
      %get3A_205 = arith.constant 2 : i32
      %get3A_206 = arith.constant 1 : i32
      %get3A_207 = arith.index_cast %get3A_205 : i32 to index
      %get3A_208 = arith.index_cast %get3A_206 : i32 to index
      %get3A_209 = arith.constant 32 : index
      %get3A_210 = tpu.vector_load %arg8[%get3A_207, %get3A_208, %get3A_209] {strides = array<i32>} : memref<4x2x128xi32, #tpu.memory_space<vmem>>, vector<16xi32>,
      tpu.vector_store_idx %arg10[%get3A_210], %broadcast_in_dim3A_8 {add = true} : memref<10240xf32, #tpu.memory_space<vmem>>[vector<16xi32>], vector<16xf32>,
      %get3A_211 = arith.constant 2 : i32
      %get3A_212 = arith.constant 1 : i32
      %get3A_213 = arith.index_cast %get3A_211 : i32 to index
      %get3A_214 = arith.index_cast %get3A_212 : i32 to index
      %get3A_215 = arith.constant 48 : index
      %get3A_216 = tpu.vector_load %arg8[%get3A_213, %get3A_214, %get3A_215] {strides = array<i32>} : memref<4x2x128xi32, #tpu.memory_space<vmem>>, vector<16xi32>,
      tpu.vector_store_idx %arg10[%get3A_216], %broadcast_in_dim3A_8 {add = true} : memref<10240xf32, #tpu.memory_space<vmem>>[vector<16xi32>], vector<16xf32>,
      %get3A_217 = arith.constant 2 : i32
      %get3A_218 = arith.constant 1 : i32
      %get3A_219 = arith.index_cast %get3A_217 : i32 to index
      %get3A_220 = arith.index_cast %get3A_218 : i32 to index
      %get3A_221 = arith.constant 64 : index
      %get3A_222 = tpu.vector_load %arg8[%get3A_219, %get3A_220, %get3A_221] {strides = array<i32>} : memref<4x2x128xi32, #tpu.memory_space<vmem>>, vector<16xi32>,
      tpu.vector_store_idx %arg10[%get3A_222], %broadcast_in_dim3A_8 {add = true} : memref<10240xf32, #tpu.memory_space<vmem>>[vector<16xi32>], vector<16xf32>,
      %get3A_223 = arith.constant 2 : i32
      %get3A_224 = arith.constant 1 : i32
      %get3A_225 = arith.index_cast %get3A_223 : i32 to index
      %get3A_226 = arith.index_cast %get3A_224 : i32 to index
      %get3A_227 = arith.constant 80 : index
      %get3A_228 = tpu.vector_load %arg8[%get3A_225, %get3A_226, %get3A_227] {strides = array<i32>} : memref<4x2x128xi32, #tpu.memory_space<vmem>>, vector<16xi32>,
      tpu.vector_store_idx %arg10[%get3A_228], %broadcast_in_dim3A_8 {add = true} : memref<10240xf32, #tpu.memory_space<vmem>>[vector<16xi32>], vector<16xf32>,
      %get3A_229 = arith.constant 2 : i32
      %get3A_230 = arith.constant 1 : i32
      %get3A_231 = arith.index_cast %get3A_229 : i32 to index
      %get3A_232 = arith.index_cast %get3A_230 : i32 to index
      %get3A_233 = arith.constant 96 : index
      %get3A_234 = tpu.vector_load %arg8[%get3A_231, %get3A_232, %get3A_233] {strides = array<i32>} : memref<4x2x128xi32, #tpu.memory_space<vmem>>, vector<16xi32>,
      tpu.vector_store_idx %arg10[%get3A_234], %broadcast_in_dim3A_8 {add = true} : memref<10240xf32, #tpu.memory_space<vmem>>[vector<16xi32>], vector<16xf32>,
      %get3A_235 = arith.constant 2 : i32
      %get3A_236 = arith.constant 1 : i32
      %get3A_237 = arith.index_cast %get3A_235 : i32 to index
      %get3A_238 = arith.index_cast %get3A_236 : i32 to index
      %get3A_239 = arith.constant 112 : index
      %get3A_240 = tpu.vector_load %arg8[%get3A_237, %get3A_238, %get3A_239] {strides = array<i32>} : memref<4x2x128xi32, #tpu.memory_space<vmem>>, vector<16xi32>,
      tpu.vector_store_idx %arg10[%get3A_240], %broadcast_in_dim3A_8 {add = true} : memref<10240xf32, #tpu.memory_space<vmem>>[vector<16xi32>], vector<16xf32>,
    } else {
    }
    %add3A_69 = arith.constant 2 : i32
    %add3A_70 = arith.addi %add3A, %add3A_69 : i32
    %add3A_71 = arith.addi %add3A, %add3A_7 : i32
    %while3A = arith.constant 0 : i32
    %while3A_72 = arith.subi %add3A_71, %add3A_70 : i32
    %while3A_73 = arith.addi %add3A_70, %while3A_72 : i32
    %while3A_74 = arith.constant 1 : i32
    %while3A_75 = arith.divsi %while3A_72, %while3A_74 : i32
    %while3A_76 = arith.muli %while3A_75, %while3A_74 : i32
    %while3A_77 = arith.addi %add3A_70, %while3A_76 : i32
    %while3A_78 = arith.constant 1 : i32
    scf.for %while3A_115 = %add3A_70 to %while3A_77 step %while3A_78  : i32 {
      %and3A_116 = arith.constant 3 : i32
      %and3A_117 = arith.andi %while3A_115, %and3A_116 : i32
      %eq3A_118 = arith.constant 0 : i32
      %eq3A_119 = arith.cmpi eq, %and3A_117, %eq3A_118 : i32
      %convert_element_type3A_120 = arith.extui %eq3A_119 : i1 to i32
      %cond3A_121 = arith.constant 0 : i32
      %cond3A_122 = arith.cmpi ne, %convert_element_type3A_120, %cond3A_121 : i32
      scf.if %cond3A_122 {
        %dma_wait3A = arith.constant 0 : i32
        %dma_wait3A_138 = arith.constant 2 : i32
        %dma_wait3A_139 = arith.constant 1 : i32
        %dma_wait3A_140 = arith.constant 0 : i32
        %dma_wait3A_141 = arith.constant 0 : i32
        %dma_wait3A_142 = tpu.memref_slice %arg9[%dma_wait3A, %dma_wait3A_140, %dma_wait3A_141] : memref<2x128x128xf32, #tpu.memory_space<vmem>> -> memref<1x128x128xf32, #tpu.memory_space<vmem>>
        %dma_wait3A_143 = tpu.memref_squeeze %dma_wait3A_142 : memref<1x128x128xf32, #tpu.memory_space<vmem>> -> memref<128x128xf32, #tpu.memory_space<vmem>>
        %dma_wait3A_144 = arith.constant 0 : i32
        %dma_wait3A_145 = tpu.memref_slice %arg8[%dma_wait3A_138, %dma_wait3A_139, %dma_wait3A_144] : memref<4x2x128xi32, #tpu.memory_space<vmem>> -> memref<1x1x128xi32, #tpu.memory_space<vmem>>
        %dma_wait3A_146 = tpu.memref_squeeze %dma_wait3A_145 : memref<1x1x128xi32, #tpu.memory_space<vmem>> -> memref<128xi32, #tpu.memory_space<vmem>>
        %dma_wait3A_147 = arith.constant 0 : i32
        %dma_wait3A_148 = arith.constant 0 : i32
        %dma_wait3A_149 = tpu.memref_slice %arg11[%dma_wait3A_147, %dma_wait3A_148] : memref<10240x128xf32, #tpu.memory_space<vmem_shared>> -> memref<10240x128xf32, #tpu.memory_space<vmem_shared>>
        tpu.wait_indirect_dma semaphore(%arg14 : memref<!tpu.dma_semaphore, #tpu.memory_space<semaphore_mem>>) src(%dma_wait3A_143 : memref<128x128xf32, #tpu.memory_space<vmem>>) dst(%dma_wait3A_149 : memref<10240x128xf32, #tpu.memory_space<vmem_shared>>)
        %min3A_150 = arith.constant 2499 : i32
        %min3A_151 = arith.minsi %while3A_115, %min3A_150 : i32
        %dma_wait3A_152 = arith.constant 0 : i32
        %dma_wait3A_153 = arith.constant 0 : i32
        %dma_wait3A_154 = arith.constant 0 : i32
        %dma_wait3A_155 = tpu.memref_slice %arg8[%dma_wait3A_152, %dma_wait3A_153, %dma_wait3A_154] : memref<4x2x128xi32, #tpu.memory_space<vmem>> -> memref<1x2x128xi32, #tpu.memory_space<vmem>>
        %dma_wait3A_156 = tpu.memref_squeeze %dma_wait3A_155 : memref<1x2x128xi32, #tpu.memory_space<vmem>> -> memref<2x128xi32, #tpu.memory_space<vmem>>
        %dma_wait3A_157 = arith.constant 0 : i32
        %dma_wait3A_158 = arith.constant 0 : i32
        %dma_wait3A_159 = tpu.memref_slice %arg3[%arg0, %min3A_151, %dma_wait3A_157, %dma_wait3A_158] : memref<2x2500x2x128xi32, #tpu.memory_space<hbm>> -> memref<1x1x2x128xi32, #tpu.memory_space<hbm>>
        %dma_wait3A_160 = tpu.memref_squeeze %dma_wait3A_159 : memref<1x1x2x128xi32, #tpu.memory_space<hbm>> -> memref<2x128xi32, #tpu.memory_space<hbm>>
        %dma_wait3A_161 = arith.constant 0 : i32
        %dma_wait3A_162 = arith.constant 0 : i32
        %dma_wait3A_163 = tpu.memref_slice %arg8[%dma_wait3A_152, %dma_wait3A_161, %dma_wait3A_162] : memref<4x2x128xi32, #tpu.memory_space<vmem>> -> memref<1x2x128xi32, #tpu.memory_space<vmem>>
        %dma_wait3A_164 = tpu.memref_squeeze %dma_wait3A_163 : memref<1x2x128xi32, #tpu.memory_space<vmem>> -> memref<2x128xi32, #tpu.memory_space<vmem>>
        %dma_wait3A_165 = arith.constant 0 : i32
        %dma_wait3A_166 = arith.constant 0 : i32
        %dma_wait3A_167 = tpu.memref_slice %arg3[%arg0, %min3A_151, %dma_wait3A_165, %dma_wait3A_166] : memref<2x2500x2x128xi32, #tpu.memory_space<hbm>> -> memref<1x1x2x128xi32, #tpu.memory_space<hbm>>
        %dma_wait3A_168 = tpu.memref_squeeze %dma_wait3A_167 : memref<1x1x2x128xi32, #tpu.memory_space<hbm>> -> memref<2x128xi32, #tpu.memory_space<hbm>>
        tpu.wait_dma2 semaphore(%arg16 : memref<!tpu.dma_semaphore, #tpu.memory_space<semaphore_mem>>) src(%dma_wait3A_168 : memref<2x128xi32, #tpu.memory_space<hbm>>) dst(%dma_wait3A_164 : memref<2x128xi32, #tpu.memory_space<vmem>>)
        %dma_start3A = arith.constant 0 : i32
        %dma_start3A_169 = arith.constant 0 : i32
        %dma_start3A_170 = arith.constant 0 : i32
        %dma_start3A_171 = arith.constant 0 : i32
        %dma_start3A_172 = arith.constant 0 : i32
        %dma_start3A_173 = tpu.memref_slice %arg9[%dma_start3A_170, %dma_start3A_171, %dma_start3A_172] : memref<2x128x128xf32, #tpu.memory_space<vmem>> -> memref<1x128x128xf32, #tpu.memory_space<vmem>>
        %dma_start3A_174 = tpu.memref_squeeze %dma_start3A_173 : memref<1x128x128xf32, #tpu.memory_space<vmem>> -> memref<128x128xf32, #tpu.memory_space<vmem>>
        %dma_start3A_175 = arith.constant 0 : i32
        %dma_start3A_176 = tpu.memref_slice %arg8[%dma_start3A, %dma_start3A_169, %dma_start3A_175] : memref<4x2x128xi32, #tpu.memory_space<vmem>> -> memref<1x1x128xi32, #tpu.memory_space<vmem>>
        %dma_start3A_177 = tpu.memref_squeeze %dma_start3A_176 : memref<1x1x128xi32, #tpu.memory_space<vmem>> -> memref<128xi32, #tpu.memory_space<vmem>>
        %dma_start3A_178 = arith.constant 0 : i32
        %dma_start3A_179 = arith.constant 0 : i32
        %dma_start3A_180 = tpu.memref_slice %arg2[%dma_start3A_178, %dma_start3A_179] : memref<10000x128xf32, #tpu.memory_space<hbm>> -> memref<10000x128xf32, #tpu.memory_space<hbm>>
        tpu.enqueue_indirect_dma source(%dma_start3A_180 : memref<10000x128xf32, #tpu.memory_space<hbm>>) target(%dma_start3A_174 : memref<128x128xf32, #tpu.memory_space<vmem>>) offsets(%dma_start3A_177 : memref<128xi32, #tpu.memory_space<vmem>>) semaphore(%arg12 : memref<!tpu.dma_semaphore, #tpu.memory_space<semaphore_mem>>)
        %add3A_181 = arith.constant 1 : i32
        %add3A_182 = arith.addi %while3A_115, %add3A_181 : i32
        %min3A_183 = arith.constant 2499 : i32
        %min3A_184 = arith.minsi %add3A_182, %min3A_183 : i32
        %dma_start3A_185 = arith.constant 1 : i32
        %dma_start3A_186 = arith.constant 0 : i32
        %dma_start3A_187 = arith.constant 0 : i32
        %dma_start3A_188 = tpu.memref_slice %arg8[%dma_start3A_185, %dma_start3A_186, %dma_start3A_187] : memref<4x2x128xi32, #tpu.memory_space<vmem>> -> memref<1x2x128xi32, #tpu.memory_space<vmem>>
        %dma_start3A_189 = tpu.memref_squeeze %dma_start3A_188 : memref<1x2x128xi32, #tpu.memory_space<vmem>> -> memref<2x128xi32, #tpu.memory_space<vmem>>
        %dma_start3A_190 = arith.constant 0 : i32
        %dma_start3A_191 = arith.constant 0 : i32
        %dma_start3A_192 = tpu.memref_slice %arg3[%arg0, %min3A_184, %dma_start3A_190, %dma_start3A_191] : memref<2x2500x2x128xi32, #tpu.memory_space<hbm>> -> memref<1x1x2x128xi32, #tpu.memory_space<hbm>>
        %dma_start3A_193 = tpu.memref_squeeze %dma_start3A_192 : memref<1x1x2x128xi32, #tpu.memory_space<hbm>> -> memref<2x128xi32, #tpu.memory_space<hbm>>
        %dma_start3A_194 = arith.constant 0 : i32
        %dma_start3A_195 = arith.constant 0 : i32
        %dma_start3A_196 = tpu.memref_slice %arg8[%dma_start3A_185, %dma_start3A_194, %dma_start3A_195] : memref<4x2x128xi32, #tpu.memory_space<vmem>> -> memref<1x2x128xi32, #tpu.memory_space<vmem>>
        %dma_start3A_197 = tpu.memref_squeeze %dma_start3A_196 : memref<1x2x128xi32, #tpu.memory_space<vmem>> -> memref<2x128xi32, #tpu.memory_space<vmem>>
        %dma_start3A_198 = arith.constant 0 : i32
        %dma_start3A_199 = arith.constant 0 : i32
        %dma_start3A_200 = tpu.memref_slice %arg3[%arg0, %min3A_184, %dma_start3A_198, %dma_start3A_199] : memref<2x2500x2x128xi32, #tpu.memory_space<hbm>> -> memref<1x1x2x128xi32, #tpu.memory_space<hbm>>
        %dma_start3A_201 = tpu.memref_squeeze %dma_start3A_200 : memref<1x1x2x128xi32, #tpu.memory_space<hbm>> -> memref<2x128xi32, #tpu.memory_space<hbm>>
        tpu.enqueue_dma source(%dma_start3A_201 : memref<2x128xi32, #tpu.memory_space<hbm>>) target(%dma_start3A_197 : memref<2x128xi32, #tpu.memory_space<vmem>>) target_semaphore(%arg16 : memref<!tpu.dma_semaphore, #tpu.memory_space<semaphore_mem>>)
        %dma_wait3A_202 = arith.constant 3 : i32
        %dma_wait3A_203 = arith.constant 0 : i32
        %dma_wait3A_204 = arith.constant 1 : i32
        %dma_wait3A_205 = arith.constant 0 : i32
        %dma_wait3A_206 = arith.constant 0 : i32
        %dma_wait3A_207 = tpu.memref_slice %arg9[%dma_wait3A_204, %dma_wait3A_205, %dma_wait3A_206] : memref<2x128x128xf32, #tpu.memory_space<vmem>> -> memref<1x128x128xf32, #tpu.memory_space<vmem>>
        %dma_wait3A_208 = tpu.memref_squeeze %dma_wait3A_207 : memref<1x128x128xf32, #tpu.memory_space<vmem>> -> memref<128x128xf32, #tpu.memory_space<vmem>>
        %dma_wait3A_209 = arith.constant 0 : i32
        %dma_wait3A_210 = tpu.memref_slice %arg8[%dma_wait3A_202, %dma_wait3A_203, %dma_wait3A_209] : memref<4x2x128xi32, #tpu.memory_space<vmem>> -> memref<1x1x128xi32, #tpu.memory_space<vmem>>
        %dma_wait3A_211 = tpu.memref_squeeze %dma_wait3A_210 : memref<1x1x128xi32, #tpu.memory_space<vmem>> -> memref<128xi32, #tpu.memory_space<vmem>>
        %dma_wait3A_212 = arith.constant 0 : i32
        %dma_wait3A_213 = arith.constant 0 : i32
        %dma_wait3A_214 = tpu.memref_slice %arg2[%dma_wait3A_212, %dma_wait3A_213] : memref<10000x128xf32, #tpu.memory_space<hbm>> -> memref<10000x128xf32, #tpu.memory_space<hbm>>
        tpu.wait_indirect_dma semaphore(%arg13 : memref<!tpu.dma_semaphore, #tpu.memory_space<semaphore_mem>>) src(%dma_wait3A_214 : memref<10000x128xf32, #tpu.memory_space<hbm>>) dst(%dma_wait3A_208 : memref<128x128xf32, #tpu.memory_space<vmem>>)
        %dma_start3A_215 = arith.constant 1 : i32
        %dma_start3A_216 = arith.constant 3 : i32
        %dma_start3A_217 = arith.constant 1 : i32
        %dma_start3A_218 = arith.constant 0 : i32
        %dma_start3A_219 = arith.constant 0 : i32
        %dma_start3A_220 = tpu.memref_slice %arg9[%dma_start3A_215, %dma_start3A_218, %dma_start3A_219] : memref<2x128x128xf32, #tpu.memory_space<vmem>> -> memref<1x128x128xf32, #tpu.memory_space<vmem>>
        %dma_start3A_221 = tpu.memref_squeeze %dma_start3A_220 : memref<1x128x128xf32, #tpu.memory_space<vmem>> -> memref<128x128xf32, #tpu.memory_space<vmem>>
        %dma_start3A_222 = arith.constant 0 : i32
        %dma_start3A_223 = tpu.memref_slice %arg8[%dma_start3A_216, %dma_start3A_217, %dma_start3A_222] : memref<4x2x128xi32, #tpu.memory_space<vmem>> -> memref<1x1x128xi32, #tpu.memory_space<vmem>>
        %dma_start3A_224 = tpu.memref_squeeze %dma_start3A_223 : memref<1x1x128xi32, #tpu.memory_space<vmem>> -> memref<128xi32, #tpu.memory_space<vmem>>
        %dma_start3A_225 = arith.constant 0 : i32
        %dma_start3A_226 = arith.constant 0 : i32
        %dma_start3A_227 = tpu.memref_slice %arg11[%dma_start3A_225, %dma_start3A_226] : memref<10240x128xf32, #tpu.memory_space<vmem_shared>> -> memref<10240x128xf32, #tpu.memory_space<vmem_shared>>
        tpu.enqueue_indirect_dma source(%dma_start3A_221 : memref<128x128xf32, #tpu.memory_space<vmem>>) target(%dma_start3A_227 : memref<10240x128xf32, #tpu.memory_space<vmem_shared>>) offsets(%dma_start3A_224 : memref<128xi32, #tpu.memory_space<vmem>>) semaphore(%arg15 : memref<!tpu.dma_semaphore, #tpu.memory_space<semaphore_mem>>) {add = true}
        %get3A = arith.constant 3 : i32
        %get3A_228 = arith.constant 1 : i32
        %get3A_229 = arith.index_cast %get3A : i32 to index
        %get3A_230 = arith.index_cast %get3A_228 : i32 to index
        %get3A_231 = arith.constant 0 : index
        %get3A_232 = tpu.vector_load %arg8[%get3A_229, %get3A_230, %get3A_231] {strides = array<i32>} : memref<4x2x128xi32, #tpu.memory_space<vmem>>, vector<16xi32>,
        tpu.vector_store_idx %arg10[%get3A_232], %broadcast_in_dim3A_8 {add = true} : memref<10240xf32, #tpu.memory_space<vmem>>[vector<16xi32>], vector<16xf32>,
        %get3A_233 = arith.constant 3 : i32
        %get3A_234 = arith.constant 1 : i32
        %get3A_235 = arith.index_cast %get3A_233 : i32 to index
        %get3A_236 = arith.index_cast %get3A_234 : i32 to index
        %get3A_237 = arith.constant 16 : index
        %get3A_238 = tpu.vector_load %arg8[%get3A_235, %get3A_236, %get3A_237] {strides = array<i32>} : memref<4x2x128xi32, #tpu.memory_space<vmem>>, vector<16xi32>,
        tpu.vector_store_idx %arg10[%get3A_238], %broadcast_in_dim3A_8 {add = true} : memref<10240xf32, #tpu.memory_space<vmem>>[vector<16xi32>], vector<16xf32>,
        %get3A_239 = arith.constant 3 : i32
        %get3A_240 = arith.constant 1 : i32
        %get3A_241 = arith.index_cast %get3A_239 : i32 to index
        %get3A_242 = arith.index_cast %get3A_240 : i32 to index
        %get3A_243 = arith.constant 32 : index
        %get3A_244 = tpu.vector_load %arg8[%get3A_241, %get3A_242, %get3A_243] {strides = array<i32>} : memref<4x2x128xi32, #tpu.memory_space<vmem>>, vector<16xi32>,
        tpu.vector_store_idx %arg10[%get3A_244], %broadcast_in_dim3A_8 {add = true} : memref<10240xf32, #tpu.memory_space<vmem>>[vector<16xi32>], vector<16xf32>,
        %get3A_245 = arith.constant 3 : i32
        %get3A_246 = arith.constant 1 : i32
        %get3A_247 = arith.index_cast %get3A_245 : i32 to index
        %get3A_248 = arith.index_cast %get3A_246 : i32 to index
        %get3A_249 = arith.constant 48 : index
        %get3A_250 = tpu.vector_load %arg8[%get3A_247, %get3A_248, %get3A_249] {strides = array<i32>} : memref<4x2x128xi32, #tpu.memory_space<vmem>>, vector<16xi32>,
        tpu.vector_store_idx %arg10[%get3A_250], %broadcast_in_dim3A_8 {add = true} : memref<10240xf32, #tpu.memory_space<vmem>>[vector<16xi32>], vector<16xf32>,
        %get3A_251 = arith.constant 3 : i32
        %get3A_252 = arith.constant 1 : i32
        %get3A_253 = arith.index_cast %get3A_251 : i32 to index
        %get3A_254 = arith.index_cast %get3A_252 : i32 to index
        %get3A_255 = arith.constant 64 : index
        %get3A_256 = tpu.vector_load %arg8[%get3A_253, %get3A_254, %get3A_255] {strides = array<i32>} : memref<4x2x128xi32, #tpu.memory_space<vmem>>, vector<16xi32>,
        tpu.vector_store_idx %arg10[%get3A_256], %broadcast_in_dim3A_8 {add = true} : memref<10240xf32, #tpu.memory_space<vmem>>[vector<16xi32>], vector<16xf32>,
        %get3A_257 = arith.constant 3 : i32
        %get3A_258 = arith.constant 1 : i32
        %get3A_259 = arith.index_cast %get3A_257 : i32 to index
        %get3A_260 = arith.index_cast %get3A_258 : i32 to index
        %get3A_261 = arith.constant 80 : index
        %get3A_262 = tpu.vector_load %arg8[%get3A_259, %get3A_260, %get3A_261] {strides = array<i32>} : memref<4x2x128xi32, #tpu.memory_space<vmem>>, vector<16xi32>,
        tpu.vector_store_idx %arg10[%get3A_262], %broadcast_in_dim3A_8 {add = true} : memref<10240xf32, #tpu.memory_space<vmem>>[vector<16xi32>], vector<16xf32>,
        %get3A_263 = arith.constant 3 : i32
        %get3A_264 = arith.constant 1 : i32
        %get3A_265 = arith.index_cast %get3A_263 : i32 to index
        %get3A_266 = arith.index_cast %get3A_264 : i32 to index
        %get3A_267 = arith.constant 96 : index
        %get3A_268 = tpu.vector_load %arg8[%get3A_265, %get3A_266, %get3A_267] {strides = array<i32>} : memref<4x2x128xi32, #tpu.memory_space<vmem>>, vector<16xi32>,
        tpu.vector_store_idx %arg10[%get3A_268], %broadcast_in_dim3A_8 {add = true} : memref<10240xf32, #tpu.memory_space<vmem>>[vector<16xi32>], vector<16xf32>,
        %get3A_269 = arith.constant 3 : i32
        %get3A_270 = arith.constant 1 : i32
        %get3A_271 = arith.index_cast %get3A_269 : i32 to index
        %get3A_272 = arith.index_cast %get3A_270 : i32 to index
        %get3A_273 = arith.constant 112 : index
        %get3A_274 = tpu.vector_load %arg8[%get3A_271, %get3A_272, %get3A_273] {strides = array<i32>} : memref<4x2x128xi32, #tpu.memory_space<vmem>>, vector<16xi32>,
        tpu.vector_store_idx %arg10[%get3A_274], %broadcast_in_dim3A_8 {add = true} : memref<10240xf32, #tpu.memory_space<vmem>>[vector<16xi32>], vector<16xf32>,
      } else {
      }
      %eq3A_123 = arith.constant 1 : i32
      %eq3A_124 = arith.cmpi eq, %and3A_117, %eq3A_123 : i32
      %convert_element_type3A_125 = arith.extui %eq3A_124 : i1 to i32
      %cond3A_126 = arith.constant 0 : i32
      %cond3A_127 = arith.cmpi ne, %convert_element_type3A_125, %cond3A_126 : i32
      scf.if %cond3A_127 {
        %dma_wait3A = arith.constant 1 : i32
        %dma_wait3A_138 = arith.constant 3 : i32
        %dma_wait3A_139 = arith.constant 1 : i32
        %dma_wait3A_140 = arith.constant 0 : i32
        %dma_wait3A_141 = arith.constant 0 : i32
        %dma_wait3A_142 = tpu.memref_slice %arg9[%dma_wait3A, %dma_wait3A_140, %dma_wait3A_141] : memref<2x128x128xf32, #tpu.memory_space<vmem>> -> memref<1x128x128xf32, #tpu.memory_space<vmem>>
        %dma_wait3A_143 = tpu.memref_squeeze %dma_wait3A_142 : memref<1x128x128xf32, #tpu.memory_space<vmem>> -> memref<128x128xf32, #tpu.memory_space<vmem>>
        %dma_wait3A_144 = arith.constant 0 : i32
        %dma_wait3A_145 = tpu.memref_slice %arg8[%dma_wait3A_138, %dma_wait3A_139, %dma_wait3A_144] : memref<4x2x128xi32, #tpu.memory_space<vmem>> -> memref<1x1x128xi32, #tpu.memory_space<vmem>>
        %dma_wait3A_146 = tpu.memref_squeeze %dma_wait3A_145 : memref<1x1x128xi32, #tpu.memory_space<vmem>> -> memref<128xi32, #tpu.memory_space<vmem>>
        %dma_wait3A_147 = arith.constant 0 : i32
        %dma_wait3A_148 = arith.constant 0 : i32
        %dma_wait3A_149 = tpu.memref_slice %arg11[%dma_wait3A_147, %dma_wait3A_148] : memref<10240x128xf32, #tpu.memory_space<vmem_shared>> -> memref<10240x128xf32, #tpu.memory_space<vmem_shared>>
        tpu.wait_indirect_dma semaphore(%arg15 : memref<!tpu.dma_semaphore, #tpu.memory_space<semaphore_mem>>) src(%dma_wait3A_143 : memref<128x128xf32, #tpu.memory_space<vmem>>) dst(%dma_wait3A_149 : memref<10240x128xf32, #tpu.memory_space<vmem_shared>>)
        %min3A_150 = arith.constant 2499 : i32
        %min3A_151 = arith.minsi %while3A_115, %min3A_150 : i32
        %dma_wait3A_152 = arith.constant 1 : i32
        %dma_wait3A_153 = arith.constant 0 : i32
        %dma_wait3A_154 = arith.constant 0 : i32
        %dma_wait3A_155 = tpu.memref_slice %arg8[%dma_wait3A_152, %dma_wait3A_153, %dma_wait3A_154] : memref<4x2x128xi32, #tpu.memory_space<vmem>> -> memref<1x2x128xi32, #tpu.memory_space<vmem>>
        %dma_wait3A_156 = tpu.memref_squeeze %dma_wait3A_155 : memref<1x2x128xi32, #tpu.memory_space<vmem>> -> memref<2x128xi32, #tpu.memory_space<vmem>>
        %dma_wait3A_157 = arith.constant 0 : i32
        %dma_wait3A_158 = arith.constant 0 : i32
        %dma_wait3A_159 = tpu.memref_slice %arg3[%arg0, %min3A_151, %dma_wait3A_157, %dma_wait3A_158] : memref<2x2500x2x128xi32, #tpu.memory_space<hbm>> -> memref<1x1x2x128xi32, #tpu.memory_space<hbm>>
        %dma_wait3A_160 = tpu.memref_squeeze %dma_wait3A_159 : memref<1x1x2x128xi32, #tpu.memory_space<hbm>> -> memref<2x128xi32, #tpu.memory_space<hbm>>
        %dma_wait3A_161 = arith.constant 0 : i32
        %dma_wait3A_162 = arith.constant 0 : i32
        %dma_wait3A_163 = tpu.memref_slice %arg8[%dma_wait3A_152, %dma_wait3A_161, %dma_wait3A_162] : memref<4x2x128xi32, #tpu.memory_space<vmem>> -> memref<1x2x128xi32, #tpu.memory_space<vmem>>
        %dma_wait3A_164 = tpu.memref_squeeze %dma_wait3A_163 : memref<1x2x128xi32, #tpu.memory_space<vmem>> -> memref<2x128xi32, #tpu.memory_space<vmem>>
        %dma_wait3A_165 = arith.constant 0 : i32
        %dma_wait3A_166 = arith.constant 0 : i32
        %dma_wait3A_167 = tpu.memref_slice %arg3[%arg0, %min3A_151, %dma_wait3A_165, %dma_wait3A_166] : memref<2x2500x2x128xi32, #tpu.memory_space<hbm>> -> memref<1x1x2x128xi32, #tpu.memory_space<hbm>>
        %dma_wait3A_168 = tpu.memref_squeeze %dma_wait3A_167 : memref<1x1x2x128xi32, #tpu.memory_space<hbm>> -> memref<2x128xi32, #tpu.memory_space<hbm>>
        tpu.wait_dma2 semaphore(%arg16 : memref<!tpu.dma_semaphore, #tpu.memory_space<semaphore_mem>>) src(%dma_wait3A_168 : memref<2x128xi32, #tpu.memory_space<hbm>>) dst(%dma_wait3A_164 : memref<2x128xi32, #tpu.memory_space<vmem>>)
        %dma_start3A = arith.constant 1 : i32
        %dma_start3A_169 = arith.constant 0 : i32
        %dma_start3A_170 = arith.constant 1 : i32
        %dma_start3A_171 = arith.constant 0 : i32
        %dma_start3A_172 = arith.constant 0 : i32
        %dma_start3A_173 = tpu.memref_slice %arg9[%dma_start3A_170, %dma_start3A_171, %dma_start3A_172] : memref<2x128x128xf32, #tpu.memory_space<vmem>> -> memref<1x128x128xf32, #tpu.memory_space<vmem>>
        %dma_start3A_174 = tpu.memref_squeeze %dma_start3A_173 : memref<1x128x128xf32, #tpu.memory_space<vmem>> -> memref<128x128xf32, #tpu.memory_space<vmem>>
        %dma_start3A_175 = arith.constant 0 : i32
        %dma_start3A_176 = tpu.memref_slice %arg8[%dma_start3A, %dma_start3A_169, %dma_start3A_175] : memref<4x2x128xi32, #tpu.memory_space<vmem>> -> memref<1x1x128xi32, #tpu.memory_space<vmem>>
        %dma_start3A_177 = tpu.memref_squeeze %dma_start3A_176 : memref<1x1x128xi32, #tpu.memory_space<vmem>> -> memref<128xi32, #tpu.memory_space<vmem>>
        %dma_start3A_178 = arith.constant 0 : i32
        %dma_start3A_179 = arith.constant 0 : i32
        %dma_start3A_180 = tpu.memref_slice %arg2[%dma_start3A_178, %dma_start3A_179] : memref<10000x128xf32, #tpu.memory_space<hbm>> -> memref<10000x128xf32, #tpu.memory_space<hbm>>
        tpu.enqueue_indirect_dma source(%dma_start3A_180 : memref<10000x128xf32, #tpu.memory_space<hbm>>) target(%dma_start3A_174 : memref<128x128xf32, #tpu.memory_space<vmem>>) offsets(%dma_start3A_177 : memref<128xi32, #tpu.memory_space<vmem>>) semaphore(%arg13 : memref<!tpu.dma_semaphore, #tpu.memory_space<semaphore_mem>>)
        %add3A_181 = arith.constant 1 : i32
        %add3A_182 = arith.addi %while3A_115, %add3A_181 : i32
        %min3A_183 = arith.constant 2499 : i32
        %min3A_184 = arith.minsi %add3A_182, %min3A_183 : i32
        %dma_start3A_185 = arith.constant 2 : i32
        %dma_start3A_186 = arith.constant 0 : i32
        %dma_start3A_187 = arith.constant 0 : i32
        %dma_start3A_188 = tpu.memref_slice %arg8[%dma_start3A_185, %dma_start3A_186, %dma_start3A_187] : memref<4x2x128xi32, #tpu.memory_space<vmem>> -> memref<1x2x128xi32, #tpu.memory_space<vmem>>
        %dma_start3A_189 = tpu.memref_squeeze %dma_start3A_188 : memref<1x2x128xi32, #tpu.memory_space<vmem>> -> memref<2x128xi32, #tpu.memory_space<vmem>>
        %dma_start3A_190 = arith.constant 0 : i32
        %dma_start3A_191 = arith.constant 0 : i32
        %dma_start3A_192 = tpu.memref_slice %arg3[%arg0, %min3A_184, %dma_start3A_190, %dma_start3A_191] : memref<2x2500x2x128xi32, #tpu.memory_space<hbm>> -> memref<1x1x2x128xi32, #tpu.memory_space<hbm>>
        %dma_start3A_193 = tpu.memref_squeeze %dma_start3A_192 : memref<1x1x2x128xi32, #tpu.memory_space<hbm>> -> memref<2x128xi32, #tpu.memory_space<hbm>>
        %dma_start3A_194 = arith.constant 0 : i32
        %dma_start3A_195 = arith.constant 0 : i32
        %dma_start3A_196 = tpu.memref_slice %arg8[%dma_start3A_185, %dma_start3A_194, %dma_start3A_195] : memref<4x2x128xi32, #tpu.memory_space<vmem>> -> memref<1x2x128xi32, #tpu.memory_space<vmem>>
        %dma_start3A_197 = tpu.memref_squeeze %dma_start3A_196 : memref<1x2x128xi32, #tpu.memory_space<vmem>> -> memref<2x128xi32, #tpu.memory_space<vmem>>
        %dma_start3A_198 = arith.constant 0 : i32
        %dma_start3A_199 = arith.constant 0 : i32
        %dma_start3A_200 = tpu.memref_slice %arg3[%arg0, %min3A_184, %dma_start3A_198, %dma_start3A_199] : memref<2x2500x2x128xi32, #tpu.memory_space<hbm>> -> memref<1x1x2x128xi32, #tpu.memory_space<hbm>>
        %dma_start3A_201 = tpu.memref_squeeze %dma_start3A_200 : memref<1x1x2x128xi32, #tpu.memory_space<hbm>> -> memref<2x128xi32, #tpu.memory_space<hbm>>
        tpu.enqueue_dma source(%dma_start3A_201 : memref<2x128xi32, #tpu.memory_space<hbm>>) target(%dma_start3A_197 : memref<2x128xi32, #tpu.memory_space<vmem>>) target_semaphore(%arg16 : memref<!tpu.dma_semaphore, #tpu.memory_space<semaphore_mem>>)
        %dma_wait3A_202 = arith.constant 0 : i32
        %dma_wait3A_203 = arith.constant 0 : i32
        %dma_wait3A_204 = arith.constant 0 : i32
        %dma_wait3A_205 = arith.constant 0 : i32
        %dma_wait3A_206 = arith.constant 0 : i32
        %dma_wait3A_207 = tpu.memref_slice %arg9[%dma_wait3A_204, %dma_wait3A_205, %dma_wait3A_206] : memref<2x128x128xf32, #tpu.memory_space<vmem>> -> memref<1x128x128xf32, #tpu.memory_space<vmem>>
        %dma_wait3A_208 = tpu.memref_squeeze %dma_wait3A_207 : memref<1x128x128xf32, #tpu.memory_space<vmem>> -> memref<128x128xf32, #tpu.memory_space<vmem>>
        %dma_wait3A_209 = arith.constant 0 : i32
        %dma_wait3A_210 = tpu.memref_slice %arg8[%dma_wait3A_202, %dma_wait3A_203, %dma_wait3A_209] : memref<4x2x128xi32, #tpu.memory_space<vmem>> -> memref<1x1x128xi32, #tpu.memory_space<vmem>>
        %dma_wait3A_211 = tpu.memref_squeeze %dma_wait3A_210 : memref<1x1x128xi32, #tpu.memory_space<vmem>> -> memref<128xi32, #tpu.memory_space<vmem>>
        %dma_wait3A_212 = arith.constant 0 : i32
        %dma_wait3A_213 = arith.constant 0 : i32
        %dma_wait3A_214 = tpu.memref_slice %arg2[%dma_wait3A_212, %dma_wait3A_213] : memref<10000x128xf32, #tpu.memory_space<hbm>> -> memref<10000x128xf32, #tpu.memory_space<hbm>>
        tpu.wait_indirect_dma semaphore(%arg12 : memref<!tpu.dma_semaphore, #tpu.memory_space<semaphore_mem>>) src(%dma_wait3A_214 : memref<10000x128xf32, #tpu.memory_space<hbm>>) dst(%dma_wait3A_208 : memref<128x128xf32, #tpu.memory_space<vmem>>)
        %dma_start3A_215 = arith.constant 0 : i32
        %dma_start3A_216 = arith.constant 0 : i32
        %dma_start3A_217 = arith.constant 1 : i32
        %dma_start3A_218 = arith.constant 0 : i32
        %dma_start3A_219 = arith.constant 0 : i32
        %dma_start3A_220 = tpu.memref_slice %arg9[%dma_start3A_215, %dma_start3A_218, %dma_start3A_219] : memref<2x128x128xf32, #tpu.memory_space<vmem>> -> memref<1x128x128xf32, #tpu.memory_space<vmem>>
        %dma_start3A_221 = tpu.memref_squeeze %dma_start3A_220 : memref<1x128x128xf32, #tpu.memory_space<vmem>> -> memref<128x128xf32, #tpu.memory_space<vmem>>
        %dma_start3A_222 = arith.constant 0 : i32
        %dma_start3A_223 = tpu.memref_slice %arg8[%dma_start3A_216, %dma_start3A_217, %dma_start3A_222] : memref<4x2x128xi32, #tpu.memory_space<vmem>> -> memref<1x1x128xi32, #tpu.memory_space<vmem>>
        %dma_start3A_224 = tpu.memref_squeeze %dma_start3A_223 : memref<1x1x128xi32, #tpu.memory_space<vmem>> -> memref<128xi32, #tpu.memory_space<vmem>>
        %dma_start3A_225 = arith.constant 0 : i32
        %dma_start3A_226 = arith.constant 0 : i32
        %dma_start3A_227 = tpu.memref_slice %arg11[%dma_start3A_225, %dma_start3A_226] : memref<10240x128xf32, #tpu.memory_space<vmem_shared>> -> memref<10240x128xf32, #tpu.memory_space<vmem_shared>>
        tpu.enqueue_indirect_dma source(%dma_start3A_221 : memref<128x128xf32, #tpu.memory_space<vmem>>) target(%dma_start3A_227 : memref<10240x128xf32, #tpu.memory_space<vmem_shared>>) offsets(%dma_start3A_224 : memref<128xi32, #tpu.memory_space<vmem>>) semaphore(%arg14 : memref<!tpu.dma_semaphore, #tpu.memory_space<semaphore_mem>>) {add = true}
        %get3A = arith.constant 0 : i32
        %get3A_228 = arith.constant 1 : i32
        %get3A_229 = arith.index_cast %get3A : i32 to index
        %get3A_230 = arith.index_cast %get3A_228 : i32 to index
        %get3A_231 = arith.constant 0 : index
        %get3A_232 = tpu.vector_load %arg8[%get3A_229, %get3A_230, %get3A_231] {strides = array<i32>} : memref<4x2x128xi32, #tpu.memory_space<vmem>>, vector<16xi32>,
        tpu.vector_store_idx %arg10[%get3A_232], %broadcast_in_dim3A_8 {add = true} : memref<10240xf32, #tpu.memory_space<vmem>>[vector<16xi32>], vector<16xf32>,
        %get3A_233 = arith.constant 0 : i32
        %get3A_234 = arith.constant 1 : i32
        %get3A_235 = arith.index_cast %get3A_233 : i32 to index
        %get3A_236 = arith.index_cast %get3A_234 : i32 to index
        %get3A_237 = arith.constant 16 : index
        %get3A_238 = tpu.vector_load %arg8[%get3A_235, %get3A_236, %get3A_237] {strides = array<i32>} : memref<4x2x128xi32, #tpu.memory_space<vmem>>, vector<16xi32>,
        tpu.vector_store_idx %arg10[%get3A_238], %broadcast_in_dim3A_8 {add = true} : memref<10240xf32, #tpu.memory_space<vmem>>[vector<16xi32>], vector<16xf32>,
        %get3A_239 = arith.constant 0 : i32
        %get3A_240 = arith.constant 1 : i32
        %get3A_241 = arith.index_cast %get3A_239 : i32 to index
        %get3A_242 = arith.index_cast %get3A_240 : i32 to index
        %get3A_243 = arith.constant 32 : index
        %get3A_244 = tpu.vector_load %arg8[%get3A_241, %get3A_242, %get3A_243] {strides = array<i32>} : memref<4x2x128xi32, #tpu.memory_space<vmem>>, vector<16xi32>,
        tpu.vector_store_idx %arg10[%get3A_244], %broadcast_in_dim3A_8 {add = true} : memref<10240xf32, #tpu.memory_space<vmem>>[vector<16xi32>], vector<16xf32>,
        %get3A_245 = arith.constant 0 : i32
        %get3A_246 = arith.constant 1 : i32
        %get3A_247 = arith.index_cast %get3A_245 : i32 to index
        %get3A_248 = arith.index_cast %get3A_246 : i32 to index
        %get3A_249 = arith.constant 48 : index
        %get3A_250 = tpu.vector_load %arg8[%get3A_247, %get3A_248, %get3A_249] {strides = array<i32>} : memref<4x2x128xi32, #tpu.memory_space<vmem>>, vector<16xi32>,
        tpu.vector_store_idx %arg10[%get3A_250], %broadcast_in_dim3A_8 {add = true} : memref<10240xf32, #tpu.memory_space<vmem>>[vector<16xi32>], vector<16xf32>,
        %get3A_251 = arith.constant 0 : i32
        %get3A_252 = arith.constant 1 : i32
        %get3A_253 = arith.index_cast %get3A_251 : i32 to index
        %get3A_254 = arith.index_cast %get3A_252 : i32 to index
        %get3A_255 = arith.constant 64 : index
        %get3A_256 = tpu.vector_load %arg8[%get3A_253, %get3A_254, %get3A_255] {strides = array<i32>} : memref<4x2x128xi32, #tpu.memory_space<vmem>>, vector<16xi32>,
        tpu.vector_store_idx %arg10[%get3A_256], %broadcast_in_dim3A_8 {add = true} : memref<10240xf32, #tpu.memory_space<vmem>>[vector<16xi32>], vector<16xf32>,
        %get3A_257 = arith.constant 0 : i32
        %get3A_258 = arith.constant 1 : i32
        %get3A_259 = arith.index_cast %get3A_257 : i32 to index
        %get3A_260 = arith.index_cast %get3A_258 : i32 to index
        %get3A_261 = arith.constant 80 : index
        %get3A_262 = tpu.vector_load %arg8[%get3A_259, %get3A_260, %get3A_261] {strides = array<i32>} : memref<4x2x128xi32, #tpu.memory_space<vmem>>, vector<16xi32>,
        tpu.vector_store_idx %arg10[%get3A_262], %broadcast_in_dim3A_8 {add = true} : memref<10240xf32, #tpu.memory_space<vmem>>[vector<16xi32>], vector<16xf32>,
        %get3A_263 = arith.constant 0 : i32
        %get3A_264 = arith.constant 1 : i32
        %get3A_265 = arith.index_cast %get3A_263 : i32 to index
        %get3A_266 = arith.index_cast %get3A_264 : i32 to index
        %get3A_267 = arith.constant 96 : index
        %get3A_268 = tpu.vector_load %arg8[%get3A_265, %get3A_266, %get3A_267] {strides = array<i32>} : memref<4x2x128xi32, #tpu.memory_space<vmem>>, vector<16xi32>,
        tpu.vector_store_idx %arg10[%get3A_268], %broadcast_in_dim3A_8 {add = true} : memref<10240xf32, #tpu.memory_space<vmem>>[vector<16xi32>], vector<16xf32>,
        %get3A_269 = arith.constant 0 : i32
        %get3A_270 = arith.constant 1 : i32
        %get3A_271 = arith.index_cast %get3A_269 : i32 to index
        %get3A_272 = arith.index_cast %get3A_270 : i32 to index
        %get3A_273 = arith.constant 112 : index
        %get3A_274 = tpu.vector_load %arg8[%get3A_271, %get3A_272, %get3A_273] {strides = array<i32>} : memref<4x2x128xi32, #tpu.memory_space<vmem>>, vector<16xi32>,
        tpu.vector_store_idx %arg10[%get3A_274], %broadcast_in_dim3A_8 {add = true} : memref<10240xf32, #tpu.memory_space<vmem>>[vector<16xi32>], vector<16xf32>,
      } else {
      }
      %eq3A_128 = arith.constant 2 : i32
      %eq3A_129 = arith.cmpi eq, %and3A_117, %eq3A_128 : i32
      %convert_element_type3A_130 = arith.extui %eq3A_129 : i1 to i32
      %cond3A_131 = arith.constant 0 : i32
      %cond3A_132 = arith.cmpi ne, %convert_element_type3A_130, %cond3A_131 : i32
      scf.if %cond3A_132 {
        %dma_wait3A = arith.constant 0 : i32
        %dma_wait3A_138 = arith.constant 0 : i32
        %dma_wait3A_139 = arith.constant 1 : i32
        %dma_wait3A_140 = arith.constant 0 : i32
        %dma_wait3A_141 = arith.constant 0 : i32
        %dma_wait3A_142 = tpu.memref_slice %arg9[%dma_wait3A, %dma_wait3A_140, %dma_wait3A_141] : memref<2x128x128xf32, #tpu.memory_space<vmem>> -> memref<1x128x128xf32, #tpu.memory_space<vmem>>
        %dma_wait3A_143 = tpu.memref_squeeze %dma_wait3A_142 : memref<1x128x128xf32, #tpu.memory_space<vmem>> -> memref<128x128xf32, #tpu.memory_space<vmem>>
        %dma_wait3A_144 = arith.constant 0 : i32
        %dma_wait3A_145 = tpu.memref_slice %arg8[%dma_wait3A_138, %dma_wait3A_139, %dma_wait3A_144] : memref<4x2x128xi32, #tpu.memory_space<vmem>> -> memref<1x1x128xi32, #tpu.memory_space<vmem>>
        %dma_wait3A_146 = tpu.memref_squeeze %dma_wait3A_145 : memref<1x1x128xi32, #tpu.memory_space<vmem>> -> memref<128xi32, #tpu.memory_space<vmem>>
        %dma_wait3A_147 = arith.constant 0 : i32
        %dma_wait3A_148 = arith.constant 0 : i32
        %dma_wait3A_149 = tpu.memref_slice %arg11[%dma_wait3A_147, %dma_wait3A_148] : memref<10240x128xf32, #tpu.memory_space<vmem_shared>> -> memref<10240x128xf32, #tpu.memory_space<vmem_shared>>
        tpu.wait_indirect_dma semaphore(%arg14 : memref<!tpu.dma_semaphore, #tpu.memory_space<semaphore_mem>>) src(%dma_wait3A_143 : memref<128x128xf32, #tpu.memory_space<vmem>>) dst(%dma_wait3A_149 : memref<10240x128xf32, #tpu.memory_space<vmem_shared>>)
        %min3A_150 = arith.constant 2499 : i32
        %min3A_151 = arith.minsi %while3A_115, %min3A_150 : i32
        %dma_wait3A_152 = arith.constant 2 : i32
        %dma_wait3A_153 = arith.constant 0 : i32
        %dma_wait3A_154 = arith.constant 0 : i32
        %dma_wait3A_155 = tpu.memref_slice %arg8[%dma_wait3A_152, %dma_wait3A_153, %dma_wait3A_154] : memref<4x2x128xi32, #tpu.memory_space<vmem>> -> memref<1x2x128xi32, #tpu.memory_space<vmem>>
        %dma_wait3A_156 = tpu.memref_squeeze %dma_wait3A_155 : memref<1x2x128xi32, #tpu.memory_space<vmem>> -> memref<2x128xi32, #tpu.memory_space<vmem>>
        %dma_wait3A_157 = arith.constant 0 : i32
        %dma_wait3A_158 = arith.constant 0 : i32
        %dma_wait3A_159 = tpu.memref_slice %arg3[%arg0, %min3A_151, %dma_wait3A_157, %dma_wait3A_158] : memref<2x2500x2x128xi32, #tpu.memory_space<hbm>> -> memref<1x1x2x128xi32, #tpu.memory_space<hbm>>
        %dma_wait3A_160 = tpu.memref_squeeze %dma_wait3A_159 : memref<1x1x2x128xi32, #tpu.memory_space<hbm>> -> memref<2x128xi32, #tpu.memory_space<hbm>>
        %dma_wait3A_161 = arith.constant 0 : i32
        %dma_wait3A_162 = arith.constant 0 : i32
        %dma_wait3A_163 = tpu.memref_slice %arg8[%dma_wait3A_152, %dma_wait3A_161, %dma_wait3A_162] : memref<4x2x128xi32, #tpu.memory_space<vmem>> -> memref<1x2x128xi32, #tpu.memory_space<vmem>>
        %dma_wait3A_164 = tpu.memref_squeeze %dma_wait3A_163 : memref<1x2x128xi32, #tpu.memory_space<vmem>> -> memref<2x128xi32, #tpu.memory_space<vmem>>
        %dma_wait3A_165 = arith.constant 0 : i32
        %dma_wait3A_166 = arith.constant 0 : i32
        %dma_wait3A_167 = tpu.memref_slice %arg3[%arg0, %min3A_151, %dma_wait3A_165, %dma_wait3A_166] : memref<2x2500x2x128xi32, #tpu.memory_space<hbm>> -> memref<1x1x2x128xi32, #tpu.memory_space<hbm>>
        %dma_wait3A_168 = tpu.memref_squeeze %dma_wait3A_167 : memref<1x1x2x128xi32, #tpu.memory_space<hbm>> -> memref<2x128xi32, #tpu.memory_space<hbm>>
        tpu.wait_dma2 semaphore(%arg16 : memref<!tpu.dma_semaphore, #tpu.memory_space<semaphore_mem>>) src(%dma_wait3A_168 : memref<2x128xi32, #tpu.memory_space<hbm>>) dst(%dma_wait3A_164 : memref<2x128xi32, #tpu.memory_space<vmem>>)
        %dma_start3A = arith.constant 2 : i32
        %dma_start3A_169 = arith.constant 0 : i32
        %dma_start3A_170 = arith.constant 0 : i32
        %dma_start3A_171 = arith.constant 0 : i32
        %dma_start3A_172 = arith.constant 0 : i32
        %dma_start3A_173 = tpu.memref_slice %arg9[%dma_start3A_170, %dma_start3A_171, %dma_start3A_172] : memref<2x128x128xf32, #tpu.memory_space<vmem>> -> memref<1x128x128xf32, #tpu.memory_space<vmem>>
        %dma_start3A_174 = tpu.memref_squeeze %dma_start3A_173 : memref<1x128x128xf32, #tpu.memory_space<vmem>> -> memref<128x128xf32, #tpu.memory_space<vmem>>
        %dma_start3A_175 = arith.constant 0 : i32
        %dma_start3A_176 = tpu.memref_slice %arg8[%dma_start3A, %dma_start3A_169, %dma_start3A_175] : memref<4x2x128xi32, #tpu.memory_space<vmem>> -> memref<1x1x128xi32, #tpu.memory_space<vmem>>
        %dma_start3A_177 = tpu.memref_squeeze %dma_start3A_176 : memref<1x1x128xi32, #tpu.memory_space<vmem>> -> memref<128xi32, #tpu.memory_space<vmem>>
        %dma_start3A_178 = arith.constant 0 : i32
        %dma_start3A_179 = arith.constant 0 : i32
        %dma_start3A_180 = tpu.memref_slice %arg2[%dma_start3A_178, %dma_start3A_179] : memref<10000x128xf32, #tpu.memory_space<hbm>> -> memref<10000x128xf32, #tpu.memory_space<hbm>>
        tpu.enqueue_indirect_dma source(%dma_start3A_180 : memref<10000x128xf32, #tpu.memory_space<hbm>>) target(%dma_start3A_174 : memref<128x128xf32, #tpu.memory_space<vmem>>) offsets(%dma_start3A_177 : memref<128xi32, #tpu.memory_space<vmem>>) semaphore(%arg12 : memref<!tpu.dma_semaphore, #tpu.memory_space<semaphore_mem>>)
        %add3A_181 = arith.constant 1 : i32
        %add3A_182 = arith.addi %while3A_115, %add3A_181 : i32
        %min3A_183 = arith.constant 2499 : i32
        %min3A_184 = arith.minsi %add3A_182, %min3A_183 : i32
        %dma_start3A_185 = arith.constant 3 : i32
        %dma_start3A_186 = arith.constant 0 : i32
        %dma_start3A_187 = arith.constant 0 : i32
        %dma_start3A_188 = tpu.memref_slice %arg8[%dma_start3A_185, %dma_start3A_186, %dma_start3A_187] : memref<4x2x128xi32, #tpu.memory_space<vmem>> -> memref<1x2x128xi32, #tpu.memory_space<vmem>>
        %dma_start3A_189 = tpu.memref_squeeze %dma_start3A_188 : memref<1x2x128xi32, #tpu.memory_space<vmem>> -> memref<2x128xi32, #tpu.memory_space<vmem>>
        %dma_start3A_190 = arith.constant 0 : i32
        %dma_start3A_191 = arith.constant 0 : i32
        %dma_start3A_192 = tpu.memref_slice %arg3[%arg0, %min3A_184, %dma_start3A_190, %dma_start3A_191] : memref<2x2500x2x128xi32, #tpu.memory_space<hbm>> -> memref<1x1x2x128xi32, #tpu.memory_space<hbm>>
        %dma_start3A_193 = tpu.memref_squeeze %dma_start3A_192 : memref<1x1x2x128xi32, #tpu.memory_space<hbm>> -> memref<2x128xi32, #tpu.memory_space<hbm>>
        %dma_start3A_194 = arith.constant 0 : i32
        %dma_start3A_195 = arith.constant 0 : i32
        %dma_start3A_196 = tpu.memref_slice %arg8[%dma_start3A_185, %dma_start3A_194, %dma_start3A_195] : memref<4x2x128xi32, #tpu.memory_space<vmem>> -> memref<1x2x128xi32, #tpu.memory_space<vmem>>
        %dma_start3A_197 = tpu.memref_squeeze %dma_start3A_196 : memref<1x2x128xi32, #tpu.memory_space<vmem>> -> memref<2x128xi32, #tpu.memory_space<vmem>>
        %dma_start3A_198 = arith.constant 0 : i32
        %dma_start3A_199 = arith.constant 0 : i32
        %dma_start3A_200 = tpu.memref_slice %arg3[%arg0, %min3A_184, %dma_start3A_198, %dma_start3A_199] : memref<2x2500x2x128xi32, #tpu.memory_space<hbm>> -> memref<1x1x2x128xi32, #tpu.memory_space<hbm>>
        %dma_start3A_201 = tpu.memref_squeeze %dma_start3A_200 : memref<1x1x2x128xi32, #tpu.memory_space<hbm>> -> memref<2x128xi32, #tpu.memory_space<hbm>>
        tpu.enqueue_dma source(%dma_start3A_201 : memref<2x128xi32, #tpu.memory_space<hbm>>) target(%dma_start3A_197 : memref<2x128xi32, #tpu.memory_space<vmem>>) target_semaphore(%arg16 : memref<!tpu.dma_semaphore, #tpu.memory_space<semaphore_mem>>)
        %dma_wait3A_202 = arith.constant 1 : i32
        %dma_wait3A_203 = arith.constant 0 : i32
        %dma_wait3A_204 = arith.constant 1 : i32
        %dma_wait3A_205 = arith.constant 0 : i32
        %dma_wait3A_206 = arith.constant 0 : i32
        %dma_wait3A_207 = tpu.memref_slice %arg9[%dma_wait3A_204, %dma_wait3A_205, %dma_wait3A_206] : memref<2x128x128xf32, #tpu.memory_space<vmem>> -> memref<1x128x128xf32, #tpu.memory_space<vmem>>
        %dma_wait3A_208 = tpu.memref_squeeze %dma_wait3A_207 : memref<1x128x128xf32, #tpu.memory_space<vmem>> -> memref<128x128xf32, #tpu.memory_space<vmem>>
        %dma_wait3A_209 = arith.constant 0 : i32
        %dma_wait3A_210 = tpu.memref_slice %arg8[%dma_wait3A_202, %dma_wait3A_203, %dma_wait3A_209] : memref<4x2x128xi32, #tpu.memory_space<vmem>> -> memref<1x1x128xi32, #tpu.memory_space<vmem>>
        %dma_wait3A_211 = tpu.memref_squeeze %dma_wait3A_210 : memref<1x1x128xi32, #tpu.memory_space<vmem>> -> memref<128xi32, #tpu.memory_space<vmem>>
        %dma_wait3A_212 = arith.constant 0 : i32
        %dma_wait3A_213 = arith.constant 0 : i32
        %dma_wait3A_214 = tpu.memref_slice %arg2[%dma_wait3A_212, %dma_wait3A_213] : memref<10000x128xf32, #tpu.memory_space<hbm>> -> memref<10000x128xf32, #tpu.memory_space<hbm>>
        tpu.wait_indirect_dma semaphore(%arg13 : memref<!tpu.dma_semaphore, #tpu.memory_space<semaphore_mem>>) src(%dma_wait3A_214 : memref<10000x128xf32, #tpu.memory_space<hbm>>) dst(%dma_wait3A_208 : memref<128x128xf32, #tpu.memory_space<vmem>>)
        %dma_start3A_215 = arith.constant 1 : i32
        %dma_start3A_216 = arith.constant 1 : i32
        %dma_start3A_217 = arith.constant 1 : i32
        %dma_start3A_218 = arith.constant 0 : i32
        %dma_start3A_219 = arith.constant 0 : i32
        %dma_start3A_220 = tpu.memref_slice %arg9[%dma_start3A_215, %dma_start3A_218, %dma_start3A_219] : memref<2x128x128xf32, #tpu.memory_space<vmem>> -> memref<1x128x128xf32, #tpu.memory_space<vmem>>
        %dma_start3A_221 = tpu.memref_squeeze %dma_start3A_220 : memref<1x128x128xf32, #tpu.memory_space<vmem>> -> memref<128x128xf32, #tpu.memory_space<vmem>>
        %dma_start3A_222 = arith.constant 0 : i32
        %dma_start3A_223 = tpu.memref_slice %arg8[%dma_start3A_216, %dma_start3A_217, %dma_start3A_222] : memref<4x2x128xi32, #tpu.memory_space<vmem>> -> memref<1x1x128xi32, #tpu.memory_space<vmem>>
        %dma_start3A_224 = tpu.memref_squeeze %dma_start3A_223 : memref<1x1x128xi32, #tpu.memory_space<vmem>> -> memref<128xi32, #tpu.memory_space<vmem>>
        %dma_start3A_225 = arith.constant 0 : i32
        %dma_start3A_226 = arith.constant 0 : i32
        %dma_start3A_227 = tpu.memref_slice %arg11[%dma_start3A_225, %dma_start3A_226] : memref<10240x128xf32, #tpu.memory_space<vmem_shared>> -> memref<10240x128xf32, #tpu.memory_space<vmem_shared>>
        tpu.enqueue_indirect_dma source(%dma_start3A_221 : memref<128x128xf32, #tpu.memory_space<vmem>>) target(%dma_start3A_227 : memref<10240x128xf32, #tpu.memory_space<vmem_shared>>) offsets(%dma_start3A_224 : memref<128xi32, #tpu.memory_space<vmem>>) semaphore(%arg15 : memref<!tpu.dma_semaphore, #tpu.memory_space<semaphore_mem>>) {add = true}
        %get3A = arith.constant 1 : i32
        %get3A_228 = arith.constant 1 : i32
        %get3A_229 = arith.index_cast %get3A : i32 to index
        %get3A_230 = arith.index_cast %get3A_228 : i32 to index
        %get3A_231 = arith.constant 0 : index
        %get3A_232 = tpu.vector_load %arg8[%get3A_229, %get3A_230, %get3A_231] {strides = array<i32>} : memref<4x2x128xi32, #tpu.memory_space<vmem>>, vector<16xi32>,
        tpu.vector_store_idx %arg10[%get3A_232], %broadcast_in_dim3A_8 {add = true} : memref<10240xf32, #tpu.memory_space<vmem>>[vector<16xi32>], vector<16xf32>,
        %get3A_233 = arith.constant 1 : i32
        %get3A_234 = arith.constant 1 : i32
        %get3A_235 = arith.index_cast %get3A_233 : i32 to index
        %get3A_236 = arith.index_cast %get3A_234 : i32 to index
        %get3A_237 = arith.constant 16 : index
        %get3A_238 = tpu.vector_load %arg8[%get3A_235, %get3A_236, %get3A_237] {strides = array<i32>} : memref<4x2x128xi32, #tpu.memory_space<vmem>>, vector<16xi32>,
        tpu.vector_store_idx %arg10[%get3A_238], %broadcast_in_dim3A_8 {add = true} : memref<10240xf32, #tpu.memory_space<vmem>>[vector<16xi32>], vector<16xf32>,
        %get3A_239 = arith.constant 1 : i32
        %get3A_240 = arith.constant 1 : i32
        %get3A_241 = arith.index_cast %get3A_239 : i32 to index
        %get3A_242 = arith.index_cast %get3A_240 : i32 to index
        %get3A_243 = arith.constant 32 : index
        %get3A_244 = tpu.vector_load %arg8[%get3A_241, %get3A_242, %get3A_243] {strides = array<i32>} : memref<4x2x128xi32, #tpu.memory_space<vmem>>, vector<16xi32>,
        tpu.vector_store_idx %arg10[%get3A_244], %broadcast_in_dim3A_8 {add = true} : memref<10240xf32, #tpu.memory_space<vmem>>[vector<16xi32>], vector<16xf32>,
        %get3A_245 = arith.constant 1 : i32
        %get3A_246 = arith.constant 1 : i32
        %get3A_247 = arith.index_cast %get3A_245 : i32 to index
        %get3A_248 = arith.index_cast %get3A_246 : i32 to index
        %get3A_249 = arith.constant 48 : index
        %get3A_250 = tpu.vector_load %arg8[%get3A_247, %get3A_248, %get3A_249] {strides = array<i32>} : memref<4x2x128xi32, #tpu.memory_space<vmem>>, vector<16xi32>,
        tpu.vector_store_idx %arg10[%get3A_250], %broadcast_in_dim3A_8 {add = true} : memref<10240xf32, #tpu.memory_space<vmem>>[vector<16xi32>], vector<16xf32>,
        %get3A_251 = arith.constant 1 : i32
        %get3A_252 = arith.constant 1 : i32
        %get3A_253 = arith.index_cast %get3A_251 : i32 to index
        %get3A_254 = arith.index_cast %get3A_252 : i32 to index
        %get3A_255 = arith.constant 64 : index
        %get3A_256 = tpu.vector_load %arg8[%get3A_253, %get3A_254, %get3A_255] {strides = array<i32>} : memref<4x2x128xi32, #tpu.memory_space<vmem>>, vector<16xi32>,
        tpu.vector_store_idx %arg10[%get3A_256], %broadcast_in_dim3A_8 {add = true} : memref<10240xf32, #tpu.memory_space<vmem>>[vector<16xi32>], vector<16xf32>,
        %get3A_257 = arith.constant 1 : i32
        %get3A_258 = arith.constant 1 : i32
        %get3A_259 = arith.index_cast %get3A_257 : i32 to index
        %get3A_260 = arith.index_cast %get3A_258 : i32 to index
        %get3A_261 = arith.constant 80 : index
        %get3A_262 = tpu.vector_load %arg8[%get3A_259, %get3A_260, %get3A_261] {strides = array<i32>} : memref<4x2x128xi32, #tpu.memory_space<vmem>>, vector<16xi32>,
        tpu.vector_store_idx %arg10[%get3A_262], %broadcast_in_dim3A_8 {add = true} : memref<10240xf32, #tpu.memory_space<vmem>>[vector<16xi32>], vector<16xf32>,
        %get3A_263 = arith.constant 1 : i32
        %get3A_264 = arith.constant 1 : i32
        %get3A_265 = arith.index_cast %get3A_263 : i32 to index
        %get3A_266 = arith.index_cast %get3A_264 : i32 to index
        %get3A_267 = arith.constant 96 : index
        %get3A_268 = tpu.vector_load %arg8[%get3A_265, %get3A_266, %get3A_267] {strides = array<i32>} : memref<4x2x128xi32, #tpu.memory_space<vmem>>, vector<16xi32>,
        tpu.vector_store_idx %arg10[%get3A_268], %broadcast_in_dim3A_8 {add = true} : memref<10240xf32, #tpu.memory_space<vmem>>[vector<16xi32>], vector<16xf32>,
        %get3A_269 = arith.constant 1 : i32
        %get3A_270 = arith.constant 1 : i32
        %get3A_271 = arith.index_cast %get3A_269 : i32 to index
        %get3A_272 = arith.index_cast %get3A_270 : i32 to index
        %get3A_273 = arith.constant 112 : index
        %get3A_274 = tpu.vector_load %arg8[%get3A_271, %get3A_272, %get3A_273] {strides = array<i32>} : memref<4x2x128xi32, #tpu.memory_space<vmem>>, vector<16xi32>,
        tpu.vector_store_idx %arg10[%get3A_274], %broadcast_in_dim3A_8 {add = true} : memref<10240xf32, #tpu.memory_space<vmem>>[vector<16xi32>], vector<16xf32>,
      } else {
      }
      %eq3A_133 = arith.constant 3 : i32
      %eq3A_134 = arith.cmpi eq, %and3A_117, %eq3A_133 : i32
      %convert_element_type3A_135 = arith.extui %eq3A_134 : i1 to i32
      %cond3A_136 = arith.constant 0 : i32
      %cond3A_137 = arith.cmpi ne, %convert_element_type3A_135, %cond3A_136 : i32
      scf.if %cond3A_137 {
        %dma_wait3A = arith.constant 1 : i32
        %dma_wait3A_138 = arith.constant 1 : i32
        %dma_wait3A_139 = arith.constant 1 : i32
        %dma_wait3A_140 = arith.constant 0 : i32
        %dma_wait3A_141 = arith.constant 0 : i32
        %dma_wait3A_142 = tpu.memref_slice %arg9[%dma_wait3A, %dma_wait3A_140, %dma_wait3A_141] : memref<2x128x128xf32, #tpu.memory_space<vmem>> -> memref<1x128x128xf32, #tpu.memory_space<vmem>>
        %dma_wait3A_143 = tpu.memref_squeeze %dma_wait3A_142 : memref<1x128x128xf32, #tpu.memory_space<vmem>> -> memref<128x128xf32, #tpu.memory_space<vmem>>
        %dma_wait3A_144 = arith.constant 0 : i32
        %dma_wait3A_145 = tpu.memref_slice %arg8[%dma_wait3A_138, %dma_wait3A_139, %dma_wait3A_144] : memref<4x2x128xi32, #tpu.memory_space<vmem>> -> memref<1x1x128xi32, #tpu.memory_space<vmem>>
        %dma_wait3A_146 = tpu.memref_squeeze %dma_wait3A_145 : memref<1x1x128xi32, #tpu.memory_space<vmem>> -> memref<128xi32, #tpu.memory_space<vmem>>
        %dma_wait3A_147 = arith.constant 0 : i32
        %dma_wait3A_148 = arith.constant 0 : i32
        %dma_wait3A_149 = tpu.memref_slice %arg11[%dma_wait3A_147, %dma_wait3A_148] : memref<10240x128xf32, #tpu.memory_space<vmem_shared>> -> memref<10240x128xf32, #tpu.memory_space<vmem_shared>>
        tpu.wait_indirect_dma semaphore(%arg15 : memref<!tpu.dma_semaphore, #tpu.memory_space<semaphore_mem>>) src(%dma_wait3A_143 : memref<128x128xf32, #tpu.memory_space<vmem>>) dst(%dma_wait3A_149 : memref<10240x128xf32, #tpu.memory_space<vmem_shared>>)
        %min3A_150 = arith.constant 2499 : i32
        %min3A_151 = arith.minsi %while3A_115, %min3A_150 : i32
        %dma_wait3A_152 = arith.constant 3 : i32
        %dma_wait3A_153 = arith.constant 0 : i32
        %dma_wait3A_154 = arith.constant 0 : i32
        %dma_wait3A_155 = tpu.memref_slice %arg8[%dma_wait3A_152, %dma_wait3A_153, %dma_wait3A_154] : memref<4x2x128xi32, #tpu.memory_space<vmem>> -> memref<1x2x128xi32, #tpu.memory_space<vmem>>
        %dma_wait3A_156 = tpu.memref_squeeze %dma_wait3A_155 : memref<1x2x128xi32, #tpu.memory_space<vmem>> -> memref<2x128xi32, #tpu.memory_space<vmem>>
        %dma_wait3A_157 = arith.constant 0 : i32
        %dma_wait3A_158 = arith.constant 0 : i32
        %dma_wait3A_159 = tpu.memref_slice %arg3[%arg0, %min3A_151, %dma_wait3A_157, %dma_wait3A_158] : memref<2x2500x2x128xi32, #tpu.memory_space<hbm>> -> memref<1x1x2x128xi32, #tpu.memory_space<hbm>>
        %dma_wait3A_160 = tpu.memref_squeeze %dma_wait3A_159 : memref<1x1x2x128xi32, #tpu.memory_space<hbm>> -> memref<2x128xi32, #tpu.memory_space<hbm>>
        %dma_wait3A_161 = arith.constant 0 : i32
        %dma_wait3A_162 = arith.constant 0 : i32
        %dma_wait3A_163 = tpu.memref_slice %arg8[%dma_wait3A_152, %dma_wait3A_161, %dma_wait3A_162] : memref<4x2x128xi32, #tpu.memory_space<vmem>> -> memref<1x2x128xi32, #tpu.memory_space<vmem>>
        %dma_wait3A_164 = tpu.memref_squeeze %dma_wait3A_163 : memref<1x2x128xi32, #tpu.memory_space<vmem>> -> memref<2x128xi32, #tpu.memory_space<vmem>>
        %dma_wait3A_165 = arith.constant 0 : i32
        %dma_wait3A_166 = arith.constant 0 : i32
        %dma_wait3A_167 = tpu.memref_slice %arg3[%arg0, %min3A_151, %dma_wait3A_165, %dma_wait3A_166] : memref<2x2500x2x128xi32, #tpu.memory_space<hbm>> -> memref<1x1x2x128xi32, #tpu.memory_space<hbm>>
        %dma_wait3A_168 = tpu.memref_squeeze %dma_wait3A_167 : memref<1x1x2x128xi32, #tpu.memory_space<hbm>> -> memref<2x128xi32, #tpu.memory_space<hbm>>
        tpu.wait_dma2 semaphore(%arg16 : memref<!tpu.dma_semaphore, #tpu.memory_space<semaphore_mem>>) src(%dma_wait3A_168 : memref<2x128xi32, #tpu.memory_space<hbm>>) dst(%dma_wait3A_164 : memref<2x128xi32, #tpu.memory_space<vmem>>)
        %dma_start3A = arith.constant 3 : i32
        %dma_start3A_169 = arith.constant 0 : i32
        %dma_start3A_170 = arith.constant 1 : i32
        %dma_start3A_171 = arith.constant 0 : i32
        %dma_start3A_172 = arith.constant 0 : i32
        %dma_start3A_173 = tpu.memref_slice %arg9[%dma_start3A_170, %dma_start3A_171, %dma_start3A_172] : memref<2x128x128xf32, #tpu.memory_space<vmem>> -> memref<1x128x128xf32, #tpu.memory_space<vmem>>
        %dma_start3A_174 = tpu.memref_squeeze %dma_start3A_173 : memref<1x128x128xf32, #tpu.memory_space<vmem>> -> memref<128x128xf32, #tpu.memory_space<vmem>>
        %dma_start3A_175 = arith.constant 0 : i32
        %dma_start3A_176 = tpu.memref_slice %arg8[%dma_start3A, %dma_start3A_169, %dma_start3A_175] : memref<4x2x128xi32, #tpu.memory_space<vmem>> -> memref<1x1x128xi32, #tpu.memory_space<vmem>>
        %dma_start3A_177 = tpu.memref_squeeze %dma_start3A_176 : memref<1x1x128xi32, #tpu.memory_space<vmem>> -> memref<128xi32, #tpu.memory_space<vmem>>
        %dma_start3A_178 = arith.constant 0 : i32
        %dma_start3A_179 = arith.constant 0 : i32
        %dma_start3A_180 = tpu.memref_slice %arg2[%dma_start3A_178, %dma_start3A_179] : memref<10000x128xf32, #tpu.memory_space<hbm>> -> memref<10000x128xf32, #tpu.memory_space<hbm>>
        tpu.enqueue_indirect_dma source(%dma_start3A_180 : memref<10000x128xf32, #tpu.memory_space<hbm>>) target(%dma_start3A_174 : memref<128x128xf32, #tpu.memory_space<vmem>>) offsets(%dma_start3A_177 : memref<128xi32, #tpu.memory_space<vmem>>) semaphore(%arg13 : memref<!tpu.dma_semaphore, #tpu.memory_space<semaphore_mem>>)
        %add3A_181 = arith.constant 1 : i32
        %add3A_182 = arith.addi %while3A_115, %add3A_181 : i32
        %min3A_183 = arith.constant 2499 : i32
        %min3A_184 = arith.minsi %add3A_182, %min3A_183 : i32
        %dma_start3A_185 = arith.constant 0 : i32
        %dma_start3A_186 = arith.constant 0 : i32
        %dma_start3A_187 = arith.constant 0 : i32
        %dma_start3A_188 = tpu.memref_slice %arg8[%dma_start3A_185, %dma_start3A_186, %dma_start3A_187] : memref<4x2x128xi32, #tpu.memory_space<vmem>> -> memref<1x2x128xi32, #tpu.memory_space<vmem>>
        %dma_start3A_189 = tpu.memref_squeeze %dma_start3A_188 : memref<1x2x128xi32, #tpu.memory_space<vmem>> -> memref<2x128xi32, #tpu.memory_space<vmem>>
        %dma_start3A_190 = arith.constant 0 : i32
        %dma_start3A_191 = arith.constant 0 : i32
        %dma_start3A_192 = tpu.memref_slice %arg3[%arg0, %min3A_184, %dma_start3A_190, %dma_start3A_191] : memref<2x2500x2x128xi32, #tpu.memory_space<hbm>> -> memref<1x1x2x128xi32, #tpu.memory_space<hbm>>
        %dma_start3A_193 = tpu.memref_squeeze %dma_start3A_192 : memref<1x1x2x128xi32, #tpu.memory_space<hbm>> -> memref<2x128xi32, #tpu.memory_space<hbm>>
        %dma_start3A_194 = arith.constant 0 : i32
        %dma_start3A_195 = arith.constant 0 : i32
        %dma_start3A_196 = tpu.memref_slice %arg8[%dma_start3A_185, %dma_start3A_194, %dma_start3A_195] : memref<4x2x128xi32, #tpu.memory_space<vmem>> -> memref<1x2x128xi32, #tpu.memory_space<vmem>>
        %dma_start3A_197 = tpu.memref_squeeze %dma_start3A_196 : memref<1x2x128xi32, #tpu.memory_space<vmem>> -> memref<2x128xi32, #tpu.memory_space<vmem>>
        %dma_start3A_198 = arith.constant 0 : i32
        %dma_start3A_199 = arith.constant 0 : i32
        %dma_start3A_200 = tpu.memref_slice %arg3[%arg0, %min3A_184, %dma_start3A_198, %dma_start3A_199] : memref<2x2500x2x128xi32, #tpu.memory_space<hbm>> -> memref<1x1x2x128xi32, #tpu.memory_space<hbm>>
        %dma_start3A_201 = tpu.memref_squeeze %dma_start3A_200 : memref<1x1x2x128xi32, #tpu.memory_space<hbm>> -> memref<2x128xi32, #tpu.memory_space<hbm>>
        tpu.enqueue_dma source(%dma_start3A_201 : memref<2x128xi32, #tpu.memory_space<hbm>>) target(%dma_start3A_197 : memref<2x128xi32, #tpu.memory_space<vmem>>) target_semaphore(%arg16 : memref<!tpu.dma_semaphore, #tpu.memory_space<semaphore_mem>>)
        %dma_wait3A_202 = arith.constant 2 : i32
        %dma_wait3A_203 = arith.constant 0 : i32
        %dma_wait3A_204 = arith.constant 0 : i32
        %dma_wait3A_205 = arith.constant 0 : i32
        %dma_wait3A_206 = arith.constant 0 : i32
        %dma_wait3A_207 = tpu.memref_slice %arg9[%dma_wait3A_204, %dma_wait3A_205, %dma_wait3A_206] : memref<2x128x128xf32, #tpu.memory_space<vmem>> -> memref<1x128x128xf32, #tpu.memory_space<vmem>>
        %dma_wait3A_208 = tpu.memref_squeeze %dma_wait3A_207 : memref<1x128x128xf32, #tpu.memory_space<vmem>> -> memref<128x128xf32, #tpu.memory_space<vmem>>
        %dma_wait3A_209 = arith.constant 0 : i32
        %dma_wait3A_210 = tpu.memref_slice %arg8[%dma_wait3A_202, %dma_wait3A_203, %dma_wait3A_209] : memref<4x2x128xi32, #tpu.memory_space<vmem>> -> memref<1x1x128xi32, #tpu.memory_space<vmem>>
        %dma_wait3A_211 = tpu.memref_squeeze %dma_wait3A_210 : memref<1x1x128xi32, #tpu.memory_space<vmem>> -> memref<128xi32, #tpu.memory_space<vmem>>
        %dma_wait3A_212 = arith.constant 0 : i32
        %dma_wait3A_213 = arith.constant 0 : i32
        %dma_wait3A_214 = tpu.memref_slice %arg2[%dma_wait3A_212, %dma_wait3A_213] : memref<10000x128xf32, #tpu.memory_space<hbm>> -> memref<10000x128xf32, #tpu.memory_space<hbm>>
        tpu.wait_indirect_dma semaphore(%arg12 : memref<!tpu.dma_semaphore, #tpu.memory_space<semaphore_mem>>) src(%dma_wait3A_214 : memref<10000x128xf32, #tpu.memory_space<hbm>>) dst(%dma_wait3A_208 : memref<128x128xf32, #tpu.memory_space<vmem>>)
        %dma_start3A_215 = arith.constant 0 : i32
        %dma_start3A_216 = arith.constant 2 : i32
        %dma_start3A_217 = arith.constant 1 : i32
        %dma_start3A_218 = arith.constant 0 : i32
        %dma_start3A_219 = arith.constant 0 : i32
        %dma_start3A_220 = tpu.memref_slice %arg9[%dma_start3A_215, %dma_start3A_218, %dma_start3A_219] : memref<2x128x128xf32, #tpu.memory_space<vmem>> -> memref<1x128x128xf32, #tpu.memory_space<vmem>>
        %dma_start3A_221 = tpu.memref_squeeze %dma_start3A_220 : memref<1x128x128xf32, #tpu.memory_space<vmem>> -> memref<128x128xf32, #tpu.memory_space<vmem>>
        %dma_start3A_222 = arith.constant 0 : i32
        %dma_start3A_223 = tpu.memref_slice %arg8[%dma_start3A_216, %dma_start3A_217, %dma_start3A_222] : memref<4x2x128xi32, #tpu.memory_space<vmem>> -> memref<1x1x128xi32, #tpu.memory_space<vmem>>
        %dma_start3A_224 = tpu.memref_squeeze %dma_start3A_223 : memref<1x1x128xi32, #tpu.memory_space<vmem>> -> memref<128xi32, #tpu.memory_space<vmem>>
        %dma_start3A_225 = arith.constant 0 : i32
        %dma_start3A_226 = arith.constant 0 : i32
        %dma_start3A_227 = tpu.memref_slice %arg11[%dma_start3A_225, %dma_start3A_226] : memref<10240x128xf32, #tpu.memory_space<vmem_shared>> -> memref<10240x128xf32, #tpu.memory_space<vmem_shared>>
        tpu.enqueue_indirect_dma source(%dma_start3A_221 : memref<128x128xf32, #tpu.memory_space<vmem>>) target(%dma_start3A_227 : memref<10240x128xf32, #tpu.memory_space<vmem_shared>>) offsets(%dma_start3A_224 : memref<128xi32, #tpu.memory_space<vmem>>) semaphore(%arg14 : memref<!tpu.dma_semaphore, #tpu.memory_space<semaphore_mem>>) {add = true}
        %get3A = arith.constant 2 : i32
        %get3A_228 = arith.constant 1 : i32
        %get3A_229 = arith.index_cast %get3A : i32 to index
        %get3A_230 = arith.index_cast %get3A_228 : i32 to index
        %get3A_231 = arith.constant 0 : index
        %get3A_232 = tpu.vector_load %arg8[%get3A_229, %get3A_230, %get3A_231] {strides = array<i32>} : memref<4x2x128xi32, #tpu.memory_space<vmem>>, vector<16xi32>,
        tpu.vector_store_idx %arg10[%get3A_232], %broadcast_in_dim3A_8 {add = true} : memref<10240xf32, #tpu.memory_space<vmem>>[vector<16xi32>], vector<16xf32>,
        %get3A_233 = arith.constant 2 : i32
        %get3A_234 = arith.constant 1 : i32
        %get3A_235 = arith.index_cast %get3A_233 : i32 to index
        %get3A_236 = arith.index_cast %get3A_234 : i32 to index
        %get3A_237 = arith.constant 16 : index
        %get3A_238 = tpu.vector_load %arg8[%get3A_235, %get3A_236, %get3A_237] {strides = array<i32>} : memref<4x2x128xi32, #tpu.memory_space<vmem>>, vector<16xi32>,
        tpu.vector_store_idx %arg10[%get3A_238], %broadcast_in_dim3A_8 {add = true} : memref<10240xf32, #tpu.memory_space<vmem>>[vector<16xi32>], vector<16xf32>,
        %get3A_239 = arith.constant 2 : i32
        %get3A_240 = arith.constant 1 : i32
        %get3A_241 = arith.index_cast %get3A_239 : i32 to index
        %get3A_242 = arith.index_cast %get3A_240 : i32 to index
        %get3A_243 = arith.constant 32 : index
        %get3A_244 = tpu.vector_load %arg8[%get3A_241, %get3A_242, %get3A_243] {strides = array<i32>} : memref<4x2x128xi32, #tpu.memory_space<vmem>>, vector<16xi32>,
        tpu.vector_store_idx %arg10[%get3A_244], %broadcast_in_dim3A_8 {add = true} : memref<10240xf32, #tpu.memory_space<vmem>>[vector<16xi32>], vector<16xf32>,
        %get3A_245 = arith.constant 2 : i32
        %get3A_246 = arith.constant 1 : i32
        %get3A_247 = arith.index_cast %get3A_245 : i32 to index
        %get3A_248 = arith.index_cast %get3A_246 : i32 to index
        %get3A_249 = arith.constant 48 : index
        %get3A_250 = tpu.vector_load %arg8[%get3A_247, %get3A_248, %get3A_249] {strides = array<i32>} : memref<4x2x128xi32, #tpu.memory_space<vmem>>, vector<16xi32>,
        tpu.vector_store_idx %arg10[%get3A_250], %broadcast_in_dim3A_8 {add = true} : memref<10240xf32, #tpu.memory_space<vmem>>[vector<16xi32>], vector<16xf32>,
        %get3A_251 = arith.constant 2 : i32
        %get3A_252 = arith.constant 1 : i32
        %get3A_253 = arith.index_cast %get3A_251 : i32 to index
        %get3A_254 = arith.index_cast %get3A_252 : i32 to index
        %get3A_255 = arith.constant 64 : index
        %get3A_256 = tpu.vector_load %arg8[%get3A_253, %get3A_254, %get3A_255] {strides = array<i32>} : memref<4x2x128xi32, #tpu.memory_space<vmem>>, vector<16xi32>,
        tpu.vector_store_idx %arg10[%get3A_256], %broadcast_in_dim3A_8 {add = true} : memref<10240xf32, #tpu.memory_space<vmem>>[vector<16xi32>], vector<16xf32>,
        %get3A_257 = arith.constant 2 : i32
        %get3A_258 = arith.constant 1 : i32
        %get3A_259 = arith.index_cast %get3A_257 : i32 to index
        %get3A_260 = arith.index_cast %get3A_258 : i32 to index
        %get3A_261 = arith.constant 80 : index
        %get3A_262 = tpu.vector_load %arg8[%get3A_259, %get3A_260, %get3A_261] {strides = array<i32>} : memref<4x2x128xi32, #tpu.memory_space<vmem>>, vector<16xi32>,
        tpu.vector_store_idx %arg10[%get3A_262], %broadcast_in_dim3A_8 {add = true} : memref<10240xf32, #tpu.memory_space<vmem>>[vector<16xi32>], vector<16xf32>,
        %get3A_263 = arith.constant 2 : i32
        %get3A_264 = arith.constant 1 : i32
        %get3A_265 = arith.index_cast %get3A_263 : i32 to index
        %get3A_266 = arith.index_cast %get3A_264 : i32 to index
        %get3A_267 = arith.constant 96 : index
        %get3A_268 = tpu.vector_load %arg8[%get3A_265, %get3A_266, %get3A_267] {strides = array<i32>} : memref<4x2x128xi32, #tpu.memory_space<vmem>>, vector<16xi32>,
        tpu.vector_store_idx %arg10[%get3A_268], %broadcast_in_dim3A_8 {add = true} : memref<10240xf32, #tpu.memory_space<vmem>>[vector<16xi32>], vector<16xf32>,
        %get3A_269 = arith.constant 2 : i32
        %get3A_270 = arith.constant 1 : i32
        %get3A_271 = arith.index_cast %get3A_269 : i32 to index
        %get3A_272 = arith.index_cast %get3A_270 : i32 to index
        %get3A_273 = arith.constant 112 : index
        %get3A_274 = tpu.vector_load %arg8[%get3A_271, %get3A_272, %get3A_273] {strides = array<i32>} : memref<4x2x128xi32, #tpu.memory_space<vmem>>, vector<16xi32>,
        tpu.vector_store_idx %arg10[%get3A_274], %broadcast_in_dim3A_8 {add = true} : memref<10240xf32, #tpu.memory_space<vmem>>[vector<16xi32>], vector<16xf32>,
      } else {
      }
    }
    %while3A_79 = arith.constant 1 : i32
    scf.for %while3A_115 = %while3A_77 to %while3A_73 step %while3A_79  : i32 {
      %and3A_116 = arith.constant 3 : i32
      %and3A_117 = arith.andi %while3A_115, %and3A_116 : i32
      %eq3A_118 = arith.constant 0 : i32
      %eq3A_119 = arith.cmpi eq, %and3A_117, %eq3A_118 : i32
      %convert_element_type3A_120 = arith.extui %eq3A_119 : i1 to i32
      %cond3A_121 = arith.constant 0 : i32
      %cond3A_122 = arith.cmpi ne, %convert_element_type3A_120, %cond3A_121 : i32
      scf.if %cond3A_122 {
        %dma_wait3A = arith.constant 0 : i32
        %dma_wait3A_138 = arith.constant 2 : i32
        %dma_wait3A_139 = arith.constant 1 : i32
        %dma_wait3A_140 = arith.constant 0 : i32
        %dma_wait3A_141 = arith.constant 0 : i32
        %dma_wait3A_142 = tpu.memref_slice %arg9[%dma_wait3A, %dma_wait3A_140, %dma_wait3A_141] : memref<2x128x128xf32, #tpu.memory_space<vmem>> -> memref<1x128x128xf32, #tpu.memory_space<vmem>>
        %dma_wait3A_143 = tpu.memref_squeeze %dma_wait3A_142 : memref<1x128x128xf32, #tpu.memory_space<vmem>> -> memref<128x128xf32, #tpu.memory_space<vmem>>
        %dma_wait3A_144 = arith.constant 0 : i32
        %dma_wait3A_145 = tpu.memref_slice %arg8[%dma_wait3A_138, %dma_wait3A_139, %dma_wait3A_144] : memref<4x2x128xi32, #tpu.memory_space<vmem>> -> memref<1x1x128xi32, #tpu.memory_space<vmem>>
        %dma_wait3A_146 = tpu.memref_squeeze %dma_wait3A_145 : memref<1x1x128xi32, #tpu.memory_space<vmem>> -> memref<128xi32, #tpu.memory_space<vmem>>
        %dma_wait3A_147 = arith.constant 0 : i32
        %dma_wait3A_148 = arith.constant 0 : i32
        %dma_wait3A_149 = tpu.memref_slice %arg11[%dma_wait3A_147, %dma_wait3A_148] : memref<10240x128xf32, #tpu.memory_space<vmem_shared>> -> memref<10240x128xf32, #tpu.memory_space<vmem_shared>>
        tpu.wait_indirect_dma semaphore(%arg14 : memref<!tpu.dma_semaphore, #tpu.memory_space<semaphore_mem>>) src(%dma_wait3A_143 : memref<128x128xf32, #tpu.memory_space<vmem>>) dst(%dma_wait3A_149 : memref<10240x128xf32, #tpu.memory_space<vmem_shared>>)
        %min3A_150 = arith.constant 2499 : i32
        %min3A_151 = arith.minsi %while3A_115, %min3A_150 : i32
        %dma_wait3A_152 = arith.constant 0 : i32
        %dma_wait3A_153 = arith.constant 0 : i32
        %dma_wait3A_154 = arith.constant 0 : i32
        %dma_wait3A_155 = tpu.memref_slice %arg8[%dma_wait3A_152, %dma_wait3A_153, %dma_wait3A_154] : memref<4x2x128xi32, #tpu.memory_space<vmem>> -> memref<1x2x128xi32, #tpu.memory_space<vmem>>
        %dma_wait3A_156 = tpu.memref_squeeze %dma_wait3A_155 : memref<1x2x128xi32, #tpu.memory_space<vmem>> -> memref<2x128xi32, #tpu.memory_space<vmem>>
        %dma_wait3A_157 = arith.constant 0 : i32
        %dma_wait3A_158 = arith.constant 0 : i32
        %dma_wait3A_159 = tpu.memref_slice %arg3[%arg0, %min3A_151, %dma_wait3A_157, %dma_wait3A_158] : memref<2x2500x2x128xi32, #tpu.memory_space<hbm>> -> memref<1x1x2x128xi32, #tpu.memory_space<hbm>>
        %dma_wait3A_160 = tpu.memref_squeeze %dma_wait3A_159 : memref<1x1x2x128xi32, #tpu.memory_space<hbm>> -> memref<2x128xi32, #tpu.memory_space<hbm>>
        %dma_wait3A_161 = arith.constant 0 : i32
        %dma_wait3A_162 = arith.constant 0 : i32
        %dma_wait3A_163 = tpu.memref_slice %arg8[%dma_wait3A_152, %dma_wait3A_161, %dma_wait3A_162] : memref<4x2x128xi32, #tpu.memory_space<vmem>> -> memref<1x2x128xi32, #tpu.memory_space<vmem>>
        %dma_wait3A_164 = tpu.memref_squeeze %dma_wait3A_163 : memref<1x2x128xi32, #tpu.memory_space<vmem>> -> memref<2x128xi32, #tpu.memory_space<vmem>>
        %dma_wait3A_165 = arith.constant 0 : i32
        %dma_wait3A_166 = arith.constant 0 : i32
        %dma_wait3A_167 = tpu.memref_slice %arg3[%arg0, %min3A_151, %dma_wait3A_165, %dma_wait3A_166] : memref<2x2500x2x128xi32, #tpu.memory_space<hbm>> -> memref<1x1x2x128xi32, #tpu.memory_space<hbm>>
        %dma_wait3A_168 = tpu.memref_squeeze %dma_wait3A_167 : memref<1x1x2x128xi32, #tpu.memory_space<hbm>> -> memref<2x128xi32, #tpu.memory_space<hbm>>
        tpu.wait_dma2 semaphore(%arg16 : memref<!tpu.dma_semaphore, #tpu.memory_space<semaphore_mem>>) src(%dma_wait3A_168 : memref<2x128xi32, #tpu.memory_space<hbm>>) dst(%dma_wait3A_164 : memref<2x128xi32, #tpu.memory_space<vmem>>)
        %dma_start3A = arith.constant 0 : i32
        %dma_start3A_169 = arith.constant 0 : i32
        %dma_start3A_170 = arith.constant 0 : i32
        %dma_start3A_171 = arith.constant 0 : i32
        %dma_start3A_172 = arith.constant 0 : i32
        %dma_start3A_173 = tpu.memref_slice %arg9[%dma_start3A_170, %dma_start3A_171, %dma_start3A_172] : memref<2x128x128xf32, #tpu.memory_space<vmem>> -> memref<1x128x128xf32, #tpu.memory_space<vmem>>
        %dma_start3A_174 = tpu.memref_squeeze %dma_start3A_173 : memref<1x128x128xf32, #tpu.memory_space<vmem>> -> memref<128x128xf32, #tpu.memory_space<vmem>>
        %dma_start3A_175 = arith.constant 0 : i32
        %dma_start3A_176 = tpu.memref_slice %arg8[%dma_start3A, %dma_start3A_169, %dma_start3A_175] : memref<4x2x128xi32, #tpu.memory_space<vmem>> -> memref<1x1x128xi32, #tpu.memory_space<vmem>>
        %dma_start3A_177 = tpu.memref_squeeze %dma_start3A_176 : memref<1x1x128xi32, #tpu.memory_space<vmem>> -> memref<128xi32, #tpu.memory_space<vmem>>
        %dma_start3A_178 = arith.constant 0 : i32
        %dma_start3A_179 = arith.constant 0 : i32
        %dma_start3A_180 = tpu.memref_slice %arg2[%dma_start3A_178, %dma_start3A_179] : memref<10000x128xf32, #tpu.memory_space<hbm>> -> memref<10000x128xf32, #tpu.memory_space<hbm>>
        tpu.enqueue_indirect_dma source(%dma_start3A_180 : memref<10000x128xf32, #tpu.memory_space<hbm>>) target(%dma_start3A_174 : memref<128x128xf32, #tpu.memory_space<vmem>>) offsets(%dma_start3A_177 : memref<128xi32, #tpu.memory_space<vmem>>) semaphore(%arg12 : memref<!tpu.dma_semaphore, #tpu.memory_space<semaphore_mem>>)
        %add3A_181 = arith.constant 1 : i32
        %add3A_182 = arith.addi %while3A_115, %add3A_181 : i32
        %min3A_183 = arith.constant 2499 : i32
        %min3A_184 = arith.minsi %add3A_182, %min3A_183 : i32
        %dma_start3A_185 = arith.constant 1 : i32
        %dma_start3A_186 = arith.constant 0 : i32
        %dma_start3A_187 = arith.constant 0 : i32
        %dma_start3A_188 = tpu.memref_slice %arg8[%dma_start3A_185, %dma_start3A_186, %dma_start3A_187] : memref<4x2x128xi32, #tpu.memory_space<vmem>> -> memref<1x2x128xi32, #tpu.memory_space<vmem>>
        %dma_start3A_189 = tpu.memref_squeeze %dma_start3A_188 : memref<1x2x128xi32, #tpu.memory_space<vmem>> -> memref<2x128xi32, #tpu.memory_space<vmem>>
        %dma_start3A_190 = arith.constant 0 : i32
        %dma_start3A_191 = arith.constant 0 : i32
        %dma_start3A_192 = tpu.memref_slice %arg3[%arg0, %min3A_184, %dma_start3A_190, %dma_start3A_191] : memref<2x2500x2x128xi32, #tpu.memory_space<hbm>> -> memref<1x1x2x128xi32, #tpu.memory_space<hbm>>
        %dma_start3A_193 = tpu.memref_squeeze %dma_start3A_192 : memref<1x1x2x128xi32, #tpu.memory_space<hbm>> -> memref<2x128xi32, #tpu.memory_space<hbm>>
        %dma_start3A_194 = arith.constant 0 : i32
        %dma_start3A_195 = arith.constant 0 : i32
        %dma_start3A_196 = tpu.memref_slice %arg8[%dma_start3A_185, %dma_start3A_194, %dma_start3A_195] : memref<4x2x128xi32, #tpu.memory_space<vmem>> -> memref<1x2x128xi32, #tpu.memory_space<vmem>>
        %dma_start3A_197 = tpu.memref_squeeze %dma_start3A_196 : memref<1x2x128xi32, #tpu.memory_space<vmem>> -> memref<2x128xi32, #tpu.memory_space<vmem>>
        %dma_start3A_198 = arith.constant 0 : i32
        %dma_start3A_199 = arith.constant 0 : i32
        %dma_start3A_200 = tpu.memref_slice %arg3[%arg0, %min3A_184, %dma_start3A_198, %dma_start3A_199] : memref<2x2500x2x128xi32, #tpu.memory_space<hbm>> -> memref<1x1x2x128xi32, #tpu.memory_space<hbm>>
        %dma_start3A_201 = tpu.memref_squeeze %dma_start3A_200 : memref<1x1x2x128xi32, #tpu.memory_space<hbm>> -> memref<2x128xi32, #tpu.memory_space<hbm>>
        tpu.enqueue_dma source(%dma_start3A_201 : memref<2x128xi32, #tpu.memory_space<hbm>>) target(%dma_start3A_197 : memref<2x128xi32, #tpu.memory_space<vmem>>) target_semaphore(%arg16 : memref<!tpu.dma_semaphore, #tpu.memory_space<semaphore_mem>>)
        %dma_wait3A_202 = arith.constant 3 : i32
        %dma_wait3A_203 = arith.constant 0 : i32
        %dma_wait3A_204 = arith.constant 1 : i32
        %dma_wait3A_205 = arith.constant 0 : i32
        %dma_wait3A_206 = arith.constant 0 : i32
        %dma_wait3A_207 = tpu.memref_slice %arg9[%dma_wait3A_204, %dma_wait3A_205, %dma_wait3A_206] : memref<2x128x128xf32, #tpu.memory_space<vmem>> -> memref<1x128x128xf32, #tpu.memory_space<vmem>>
        %dma_wait3A_208 = tpu.memref_squeeze %dma_wait3A_207 : memref<1x128x128xf32, #tpu.memory_space<vmem>> -> memref<128x128xf32, #tpu.memory_space<vmem>>
        %dma_wait3A_209 = arith.constant 0 : i32
        %dma_wait3A_210 = tpu.memref_slice %arg8[%dma_wait3A_202, %dma_wait3A_203, %dma_wait3A_209] : memref<4x2x128xi32, #tpu.memory_space<vmem>> -> memref<1x1x128xi32, #tpu.memory_space<vmem>>
        %dma_wait3A_211 = tpu.memref_squeeze %dma_wait3A_210 : memref<1x1x128xi32, #tpu.memory_space<vmem>> -> memref<128xi32, #tpu.memory_space<vmem>>
        %dma_wait3A_212 = arith.constant 0 : i32
        %dma_wait3A_213 = arith.constant 0 : i32
        %dma_wait3A_214 = tpu.memref_slice %arg2[%dma_wait3A_212, %dma_wait3A_213] : memref<10000x128xf32, #tpu.memory_space<hbm>> -> memref<10000x128xf32, #tpu.memory_space<hbm>>
        tpu.wait_indirect_dma semaphore(%arg13 : memref<!tpu.dma_semaphore, #tpu.memory_space<semaphore_mem>>) src(%dma_wait3A_214 : memref<10000x128xf32, #tpu.memory_space<hbm>>) dst(%dma_wait3A_208 : memref<128x128xf32, #tpu.memory_space<vmem>>)
        %dma_start3A_215 = arith.constant 1 : i32
        %dma_start3A_216 = arith.constant 3 : i32
        %dma_start3A_217 = arith.constant 1 : i32
        %dma_start3A_218 = arith.constant 0 : i32
        %dma_start3A_219 = arith.constant 0 : i32
        %dma_start3A_220 = tpu.memref_slice %arg9[%dma_start3A_215, %dma_start3A_218, %dma_start3A_219] : memref<2x128x128xf32, #tpu.memory_space<vmem>> -> memref<1x128x128xf32, #tpu.memory_space<vmem>>
        %dma_start3A_221 = tpu.memref_squeeze %dma_start3A_220 : memref<1x128x128xf32, #tpu.memory_space<vmem>> -> memref<128x128xf32, #tpu.memory_space<vmem>>
        %dma_start3A_222 = arith.constant 0 : i32
        %dma_start3A_223 = tpu.memref_slice %arg8[%dma_start3A_216, %dma_start3A_217, %dma_start3A_222] : memref<4x2x128xi32, #tpu.memory_space<vmem>> -> memref<1x1x128xi32, #tpu.memory_space<vmem>>
        %dma_start3A_224 = tpu.memref_squeeze %dma_start3A_223 : memref<1x1x128xi32, #tpu.memory_space<vmem>> -> memref<128xi32, #tpu.memory_space<vmem>>
        %dma_start3A_225 = arith.constant 0 : i32
        %dma_start3A_226 = arith.constant 0 : i32
        %dma_start3A_227 = tpu.memref_slice %arg11[%dma_start3A_225, %dma_start3A_226] : memref<10240x128xf32, #tpu.memory_space<vmem_shared>> -> memref<10240x128xf32, #tpu.memory_space<vmem_shared>>
        tpu.enqueue_indirect_dma source(%dma_start3A_221 : memref<128x128xf32, #tpu.memory_space<vmem>>) target(%dma_start3A_227 : memref<10240x128xf32, #tpu.memory_space<vmem_shared>>) offsets(%dma_start3A_224 : memref<128xi32, #tpu.memory_space<vmem>>) semaphore(%arg15 : memref<!tpu.dma_semaphore, #tpu.memory_space<semaphore_mem>>) {add = true}
        %get3A = arith.constant 3 : i32
        %get3A_228 = arith.constant 1 : i32
        %get3A_229 = arith.index_cast %get3A : i32 to index
        %get3A_230 = arith.index_cast %get3A_228 : i32 to index
        %get3A_231 = arith.constant 0 : index
        %get3A_232 = tpu.vector_load %arg8[%get3A_229, %get3A_230, %get3A_231] {strides = array<i32>} : memref<4x2x128xi32, #tpu.memory_space<vmem>>, vector<16xi32>,
        tpu.vector_store_idx %arg10[%get3A_232], %broadcast_in_dim3A_8 {add = true} : memref<10240xf32, #tpu.memory_space<vmem>>[vector<16xi32>], vector<16xf32>,
        %get3A_233 = arith.constant 3 : i32
        %get3A_234 = arith.constant 1 : i32
        %get3A_235 = arith.index_cast %get3A_233 : i32 to index
        %get3A_236 = arith.index_cast %get3A_234 : i32 to index
        %get3A_237 = arith.constant 16 : index
        %get3A_238 = tpu.vector_load %arg8[%get3A_235, %get3A_236, %get3A_237] {strides = array<i32>} : memref<4x2x128xi32, #tpu.memory_space<vmem>>, vector<16xi32>,
        tpu.vector_store_idx %arg10[%get3A_238], %broadcast_in_dim3A_8 {add = true} : memref<10240xf32, #tpu.memory_space<vmem>>[vector<16xi32>], vector<16xf32>,
        %get3A_239 = arith.constant 3 : i32
        %get3A_240 = arith.constant 1 : i32
        %get3A_241 = arith.index_cast %get3A_239 : i32 to index
        %get3A_242 = arith.index_cast %get3A_240 : i32 to index
        %get3A_243 = arith.constant 32 : index
        %get3A_244 = tpu.vector_load %arg8[%get3A_241, %get3A_242, %get3A_243] {strides = array<i32>} : memref<4x2x128xi32, #tpu.memory_space<vmem>>, vector<16xi32>,
        tpu.vector_store_idx %arg10[%get3A_244], %broadcast_in_dim3A_8 {add = true} : memref<10240xf32, #tpu.memory_space<vmem>>[vector<16xi32>], vector<16xf32>,
        %get3A_245 = arith.constant 3 : i32
        %get3A_246 = arith.constant 1 : i32
        %get3A_247 = arith.index_cast %get3A_245 : i32 to index
        %get3A_248 = arith.index_cast %get3A_246 : i32 to index
        %get3A_249 = arith.constant 48 : index
        %get3A_250 = tpu.vector_load %arg8[%get3A_247, %get3A_248, %get3A_249] {strides = array<i32>} : memref<4x2x128xi32, #tpu.memory_space<vmem>>, vector<16xi32>,
        tpu.vector_store_idx %arg10[%get3A_250], %broadcast_in_dim3A_8 {add = true} : memref<10240xf32, #tpu.memory_space<vmem>>[vector<16xi32>], vector<16xf32>,
        %get3A_251 = arith.constant 3 : i32
        %get3A_252 = arith.constant 1 : i32
        %get3A_253 = arith.index_cast %get3A_251 : i32 to index
        %get3A_254 = arith.index_cast %get3A_252 : i32 to index
        %get3A_255 = arith.constant 64 : index
        %get3A_256 = tpu.vector_load %arg8[%get3A_253, %get3A_254, %get3A_255] {strides = array<i32>} : memref<4x2x128xi32, #tpu.memory_space<vmem>>, vector<16xi32>,
        tpu.vector_store_idx %arg10[%get3A_256], %broadcast_in_dim3A_8 {add = true} : memref<10240xf32, #tpu.memory_space<vmem>>[vector<16xi32>], vector<16xf32>,
        %get3A_257 = arith.constant 3 : i32
        %get3A_258 = arith.constant 1 : i32
        %get3A_259 = arith.index_cast %get3A_257 : i32 to index
        %get3A_260 = arith.index_cast %get3A_258 : i32 to index
        %get3A_261 = arith.constant 80 : index
        %get3A_262 = tpu.vector_load %arg8[%get3A_259, %get3A_260, %get3A_261] {strides = array<i32>} : memref<4x2x128xi32, #tpu.memory_space<vmem>>, vector<16xi32>,
        tpu.vector_store_idx %arg10[%get3A_262], %broadcast_in_dim3A_8 {add = true} : memref<10240xf32, #tpu.memory_space<vmem>>[vector<16xi32>], vector<16xf32>,
        %get3A_263 = arith.constant 3 : i32
        %get3A_264 = arith.constant 1 : i32
        %get3A_265 = arith.index_cast %get3A_263 : i32 to index
        %get3A_266 = arith.index_cast %get3A_264 : i32 to index
        %get3A_267 = arith.constant 96 : index
        %get3A_268 = tpu.vector_load %arg8[%get3A_265, %get3A_266, %get3A_267] {strides = array<i32>} : memref<4x2x128xi32, #tpu.memory_space<vmem>>, vector<16xi32>,
        tpu.vector_store_idx %arg10[%get3A_268], %broadcast_in_dim3A_8 {add = true} : memref<10240xf32, #tpu.memory_space<vmem>>[vector<16xi32>], vector<16xf32>,
        %get3A_269 = arith.constant 3 : i32
        %get3A_270 = arith.constant 1 : i32
        %get3A_271 = arith.index_cast %get3A_269 : i32 to index
        %get3A_272 = arith.index_cast %get3A_270 : i32 to index
        %get3A_273 = arith.constant 112 : index
        %get3A_274 = tpu.vector_load %arg8[%get3A_271, %get3A_272, %get3A_273] {strides = array<i32>} : memref<4x2x128xi32, #tpu.memory_space<vmem>>, vector<16xi32>,
        tpu.vector_store_idx %arg10[%get3A_274], %broadcast_in_dim3A_8 {add = true} : memref<10240xf32, #tpu.memory_space<vmem>>[vector<16xi32>], vector<16xf32>,
      } else {
      }
      %eq3A_123 = arith.constant 1 : i32
      %eq3A_124 = arith.cmpi eq, %and3A_117, %eq3A_123 : i32
      %convert_element_type3A_125 = arith.extui %eq3A_124 : i1 to i32
      %cond3A_126 = arith.constant 0 : i32
      %cond3A_127 = arith.cmpi ne, %convert_element_type3A_125, %cond3A_126 : i32
      scf.if %cond3A_127 {
        %dma_wait3A = arith.constant 1 : i32
        %dma_wait3A_138 = arith.constant 3 : i32
        %dma_wait3A_139 = arith.constant 1 : i32
        %dma_wait3A_140 = arith.constant 0 : i32
        %dma_wait3A_141 = arith.constant 0 : i32
        %dma_wait3A_142 = tpu.memref_slice %arg9[%dma_wait3A, %dma_wait3A_140, %dma_wait3A_141] : memref<2x128x128xf32, #tpu.memory_space<vmem>> -> memref<1x128x128xf32, #tpu.memory_space<vmem>>
        %dma_wait3A_143 = tpu.memref_squeeze %dma_wait3A_142 : memref<1x128x128xf32, #tpu.memory_space<vmem>> -> memref<128x128xf32, #tpu.memory_space<vmem>>
        %dma_wait3A_144 = arith.constant 0 : i32
        %dma_wait3A_145 = tpu.memref_slice %arg8[%dma_wait3A_138, %dma_wait3A_139, %dma_wait3A_144] : memref<4x2x128xi32, #tpu.memory_space<vmem>> -> memref<1x1x128xi32, #tpu.memory_space<vmem>>
        %dma_wait3A_146 = tpu.memref_squeeze %dma_wait3A_145 : memref<1x1x128xi32, #tpu.memory_space<vmem>> -> memref<128xi32, #tpu.memory_space<vmem>>
        %dma_wait3A_147 = arith.constant 0 : i32
        %dma_wait3A_148 = arith.constant 0 : i32
        %dma_wait3A_149 = tpu.memref_slice %arg11[%dma_wait3A_147, %dma_wait3A_148] : memref<10240x128xf32, #tpu.memory_space<vmem_shared>> -> memref<10240x128xf32, #tpu.memory_space<vmem_shared>>
        tpu.wait_indirect_dma semaphore(%arg15 : memref<!tpu.dma_semaphore, #tpu.memory_space<semaphore_mem>>) src(%dma_wait3A_143 : memref<128x128xf32, #tpu.memory_space<vmem>>) dst(%dma_wait3A_149 : memref<10240x128xf32, #tpu.memory_space<vmem_shared>>)
        %min3A_150 = arith.constant 2499 : i32
        %min3A_151 = arith.minsi %while3A_115, %min3A_150 : i32
        %dma_wait3A_152 = arith.constant 1 : i32
        %dma_wait3A_153 = arith.constant 0 : i32
        %dma_wait3A_154 = arith.constant 0 : i32
        %dma_wait3A_155 = tpu.memref_slice %arg8[%dma_wait3A_152, %dma_wait3A_153, %dma_wait3A_154] : memref<4x2x128xi32, #tpu.memory_space<vmem>> -> memref<1x2x128xi32, #tpu.memory_space<vmem>>
        %dma_wait3A_156 = tpu.memref_squeeze %dma_wait3A_155 : memref<1x2x128xi32, #tpu.memory_space<vmem>> -> memref<2x128xi32, #tpu.memory_space<vmem>>
        %dma_wait3A_157 = arith.constant 0 : i32
        %dma_wait3A_158 = arith.constant 0 : i32
        %dma_wait3A_159 = tpu.memref_slice %arg3[%arg0, %min3A_151, %dma_wait3A_157, %dma_wait3A_158] : memref<2x2500x2x128xi32, #tpu.memory_space<hbm>> -> memref<1x1x2x128xi32, #tpu.memory_space<hbm>>
        %dma_wait3A_160 = tpu.memref_squeeze %dma_wait3A_159 : memref<1x1x2x128xi32, #tpu.memory_space<hbm>> -> memref<2x128xi32, #tpu.memory_space<hbm>>
        %dma_wait3A_161 = arith.constant 0 : i32
        %dma_wait3A_162 = arith.constant 0 : i32
        %dma_wait3A_163 = tpu.memref_slice %arg8[%dma_wait3A_152, %dma_wait3A_161, %dma_wait3A_162] : memref<4x2x128xi32, #tpu.memory_space<vmem>> -> memref<1x2x128xi32, #tpu.memory_space<vmem>>
        %dma_wait3A_164 = tpu.memref_squeeze %dma_wait3A_163 : memref<1x2x128xi32, #tpu.memory_space<vmem>> -> memref<2x128xi32, #tpu.memory_space<vmem>>
        %dma_wait3A_165 = arith.constant 0 : i32
        %dma_wait3A_166 = arith.constant 0 : i32
        %dma_wait3A_167 = tpu.memref_slice %arg3[%arg0, %min3A_151, %dma_wait3A_165, %dma_wait3A_166] : memref<2x2500x2x128xi32, #tpu.memory_space<hbm>> -> memref<1x1x2x128xi32, #tpu.memory_space<hbm>>
        %dma_wait3A_168 = tpu.memref_squeeze %dma_wait3A_167 : memref<1x1x2x128xi32, #tpu.memory_space<hbm>> -> memref<2x128xi32, #tpu.memory_space<hbm>>
        tpu.wait_dma2 semaphore(%arg16 : memref<!tpu.dma_semaphore, #tpu.memory_space<semaphore_mem>>) src(%dma_wait3A_168 : memref<2x128xi32, #tpu.memory_space<hbm>>) dst(%dma_wait3A_164 : memref<2x128xi32, #tpu.memory_space<vmem>>)
        %dma_start3A = arith.constant 1 : i32
        %dma_start3A_169 = arith.constant 0 : i32
        %dma_start3A_170 = arith.constant 1 : i32
        %dma_start3A_171 = arith.constant 0 : i32
        %dma_start3A_172 = arith.constant 0 : i32
        %dma_start3A_173 = tpu.memref_slice %arg9[%dma_start3A_170, %dma_start3A_171, %dma_start3A_172] : memref<2x128x128xf32, #tpu.memory_space<vmem>> -> memref<1x128x128xf32, #tpu.memory_space<vmem>>
        %dma_start3A_174 = tpu.memref_squeeze %dma_start3A_173 : memref<1x128x128xf32, #tpu.memory_space<vmem>> -> memref<128x128xf32, #tpu.memory_space<vmem>>
        %dma_start3A_175 = arith.constant 0 : i32
        %dma_start3A_176 = tpu.memref_slice %arg8[%dma_start3A, %dma_start3A_169, %dma_start3A_175] : memref<4x2x128xi32, #tpu.memory_space<vmem>> -> memref<1x1x128xi32, #tpu.memory_space<vmem>>
        %dma_start3A_177 = tpu.memref_squeeze %dma_start3A_176 : memref<1x1x128xi32, #tpu.memory_space<vmem>> -> memref<128xi32, #tpu.memory_space<vmem>>
        %dma_start3A_178 = arith.constant 0 : i32
        %dma_start3A_179 = arith.constant 0 : i32
        %dma_start3A_180 = tpu.memref_slice %arg2[%dma_start3A_178, %dma_start3A_179] : memref<10000x128xf32, #tpu.memory_space<hbm>> -> memref<10000x128xf32, #tpu.memory_space<hbm>>
        tpu.enqueue_indirect_dma source(%dma_start3A_180 : memref<10000x128xf32, #tpu.memory_space<hbm>>) target(%dma_start3A_174 : memref<128x128xf32, #tpu.memory_space<vmem>>) offsets(%dma_start3A_177 : memref<128xi32, #tpu.memory_space<vmem>>) semaphore(%arg13 : memref<!tpu.dma_semaphore, #tpu.memory_space<semaphore_mem>>)
        %add3A_181 = arith.constant 1 : i32
        %add3A_182 = arith.addi %while3A_115, %add3A_181 : i32
        %min3A_183 = arith.constant 2499 : i32
        %min3A_184 = arith.minsi %add3A_182, %min3A_183 : i32
        %dma_start3A_185 = arith.constant 2 : i32
        %dma_start3A_186 = arith.constant 0 : i32
        %dma_start3A_187 = arith.constant 0 : i32
        %dma_start3A_188 = tpu.memref_slice %arg8[%dma_start3A_185, %dma_start3A_186, %dma_start3A_187] : memref<4x2x128xi32, #tpu.memory_space<vmem>> -> memref<1x2x128xi32, #tpu.memory_space<vmem>>
        %dma_start3A_189 = tpu.memref_squeeze %dma_start3A_188 : memref<1x2x128xi32, #tpu.memory_space<vmem>> -> memref<2x128xi32, #tpu.memory_space<vmem>>
        %dma_start3A_190 = arith.constant 0 : i32
        %dma_start3A_191 = arith.constant 0 : i32
        %dma_start3A_192 = tpu.memref_slice %arg3[%arg0, %min3A_184, %dma_start3A_190, %dma_start3A_191] : memref<2x2500x2x128xi32, #tpu.memory_space<hbm>> -> memref<1x1x2x128xi32, #tpu.memory_space<hbm>>
        %dma_start3A_193 = tpu.memref_squeeze %dma_start3A_192 : memref<1x1x2x128xi32, #tpu.memory_space<hbm>> -> memref<2x128xi32, #tpu.memory_space<hbm>>
        %dma_start3A_194 = arith.constant 0 : i32
        %dma_start3A_195 = arith.constant 0 : i32
        %dma_start3A_196 = tpu.memref_slice %arg8[%dma_start3A_185, %dma_start3A_194, %dma_start3A_195] : memref<4x2x128xi32, #tpu.memory_space<vmem>> -> memref<1x2x128xi32, #tpu.memory_space<vmem>>
        %dma_start3A_197 = tpu.memref_squeeze %dma_start3A_196 : memref<1x2x128xi32, #tpu.memory_space<vmem>> -> memref<2x128xi32, #tpu.memory_space<vmem>>
        %dma_start3A_198 = arith.constant 0 : i32
        %dma_start3A_199 = arith.constant 0 : i32
        %dma_start3A_200 = tpu.memref_slice %arg3[%arg0, %min3A_184, %dma_start3A_198, %dma_start3A_199] : memref<2x2500x2x128xi32, #tpu.memory_space<hbm>> -> memref<1x1x2x128xi32, #tpu.memory_space<hbm>>
        %dma_start3A_201 = tpu.memref_squeeze %dma_start3A_200 : memref<1x1x2x128xi32, #tpu.memory_space<hbm>> -> memref<2x128xi32, #tpu.memory_space<hbm>>
        tpu.enqueue_dma source(%dma_start3A_201 : memref<2x128xi32, #tpu.memory_space<hbm>>) target(%dma_start3A_197 : memref<2x128xi32, #tpu.memory_space<vmem>>) target_semaphore(%arg16 : memref<!tpu.dma_semaphore, #tpu.memory_space<semaphore_mem>>)
        %dma_wait3A_202 = arith.constant 0 : i32
        %dma_wait3A_203 = arith.constant 0 : i32
        %dma_wait3A_204 = arith.constant 0 : i32
        %dma_wait3A_205 = arith.constant 0 : i32
        %dma_wait3A_206 = arith.constant 0 : i32
        %dma_wait3A_207 = tpu.memref_slice %arg9[%dma_wait3A_204, %dma_wait3A_205, %dma_wait3A_206] : memref<2x128x128xf32, #tpu.memory_space<vmem>> -> memref<1x128x128xf32, #tpu.memory_space<vmem>>
        %dma_wait3A_208 = tpu.memref_squeeze %dma_wait3A_207 : memref<1x128x128xf32, #tpu.memory_space<vmem>> -> memref<128x128xf32, #tpu.memory_space<vmem>>
        %dma_wait3A_209 = arith.constant 0 : i32
        %dma_wait3A_210 = tpu.memref_slice %arg8[%dma_wait3A_202, %dma_wait3A_203, %dma_wait3A_209] : memref<4x2x128xi32, #tpu.memory_space<vmem>> -> memref<1x1x128xi32, #tpu.memory_space<vmem>>
        %dma_wait3A_211 = tpu.memref_squeeze %dma_wait3A_210 : memref<1x1x128xi32, #tpu.memory_space<vmem>> -> memref<128xi32, #tpu.memory_space<vmem>>
        %dma_wait3A_212 = arith.constant 0 : i32
        %dma_wait3A_213 = arith.constant 0 : i32
        %dma_wait3A_214 = tpu.memref_slice %arg2[%dma_wait3A_212, %dma_wait3A_213] : memref<10000x128xf32, #tpu.memory_space<hbm>> -> memref<10000x128xf32, #tpu.memory_space<hbm>>
        tpu.wait_indirect_dma semaphore(%arg12 : memref<!tpu.dma_semaphore, #tpu.memory_space<semaphore_mem>>) src(%dma_wait3A_214 : memref<10000x128xf32, #tpu.memory_space<hbm>>) dst(%dma_wait3A_208 : memref<128x128xf32, #tpu.memory_space<vmem>>)
        %dma_start3A_215 = arith.constant 0 : i32
        %dma_start3A_216 = arith.constant 0 : i32
        %dma_start3A_217 = arith.constant 1 : i32
        %dma_start3A_218 = arith.constant 0 : i32
        %dma_start3A_219 = arith.constant 0 : i32
        %dma_start3A_220 = tpu.memref_slice %arg9[%dma_start3A_215, %dma_start3A_218, %dma_start3A_219] : memref<2x128x128xf32, #tpu.memory_space<vmem>> -> memref<1x128x128xf32, #tpu.memory_space<vmem>>
        %dma_start3A_221 = tpu.memref_squeeze %dma_start3A_220 : memref<1x128x128xf32, #tpu.memory_space<vmem>> -> memref<128x128xf32, #tpu.memory_space<vmem>>
        %dma_start3A_222 = arith.constant 0 : i32
        %dma_start3A_223 = tpu.memref_slice %arg8[%dma_start3A_216, %dma_start3A_217, %dma_start3A_222] : memref<4x2x128xi32, #tpu.memory_space<vmem>> -> memref<1x1x128xi32, #tpu.memory_space<vmem>>
        %dma_start3A_224 = tpu.memref_squeeze %dma_start3A_223 : memref<1x1x128xi32, #tpu.memory_space<vmem>> -> memref<128xi32, #tpu.memory_space<vmem>>
        %dma_start3A_225 = arith.constant 0 : i32
        %dma_start3A_226 = arith.constant 0 : i32
        %dma_start3A_227 = tpu.memref_slice %arg11[%dma_start3A_225, %dma_start3A_226] : memref<10240x128xf32, #tpu.memory_space<vmem_shared>> -> memref<10240x128xf32, #tpu.memory_space<vmem_shared>>
        tpu.enqueue_indirect_dma source(%dma_start3A_221 : memref<128x128xf32, #tpu.memory_space<vmem>>) target(%dma_start3A_227 : memref<10240x128xf32, #tpu.memory_space<vmem_shared>>) offsets(%dma_start3A_224 : memref<128xi32, #tpu.memory_space<vmem>>) semaphore(%arg14 : memref<!tpu.dma_semaphore, #tpu.memory_space<semaphore_mem>>) {add = true}
        %get3A = arith.constant 0 : i32
        %get3A_228 = arith.constant 1 : i32
        %get3A_229 = arith.index_cast %get3A : i32 to index
        %get3A_230 = arith.index_cast %get3A_228 : i32 to index
        %get3A_231 = arith.constant 0 : index
        %get3A_232 = tpu.vector_load %arg8[%get3A_229, %get3A_230, %get3A_231] {strides = array<i32>} : memref<4x2x128xi32, #tpu.memory_space<vmem>>, vector<16xi32>,
        tpu.vector_store_idx %arg10[%get3A_232], %broadcast_in_dim3A_8 {add = true} : memref<10240xf32, #tpu.memory_space<vmem>>[vector<16xi32>], vector<16xf32>,
        %get3A_233 = arith.constant 0 : i32
        %get3A_234 = arith.constant 1 : i32
        %get3A_235 = arith.index_cast %get3A_233 : i32 to index
        %get3A_236 = arith.index_cast %get3A_234 : i32 to index
        %get3A_237 = arith.constant 16 : index
        %get3A_238 = tpu.vector_load %arg8[%get3A_235, %get3A_236, %get3A_237] {strides = array<i32>} : memref<4x2x128xi32, #tpu.memory_space<vmem>>, vector<16xi32>,
        tpu.vector_store_idx %arg10[%get3A_238], %broadcast_in_dim3A_8 {add = true} : memref<10240xf32, #tpu.memory_space<vmem>>[vector<16xi32>], vector<16xf32>,
        %get3A_239 = arith.constant 0 : i32
        %get3A_240 = arith.constant 1 : i32
        %get3A_241 = arith.index_cast %get3A_239 : i32 to index
        %get3A_242 = arith.index_cast %get3A_240 : i32 to index
        %get3A_243 = arith.constant 32 : index
        %get3A_244 = tpu.vector_load %arg8[%get3A_241, %get3A_242, %get3A_243] {strides = array<i32>} : memref<4x2x128xi32, #tpu.memory_space<vmem>>, vector<16xi32>,
        tpu.vector_store_idx %arg10[%get3A_244], %broadcast_in_dim3A_8 {add = true} : memref<10240xf32, #tpu.memory_space<vmem>>[vector<16xi32>], vector<16xf32>,
        %get3A_245 = arith.constant 0 : i32
        %get3A_246 = arith.constant 1 : i32
        %get3A_247 = arith.index_cast %get3A_245 : i32 to index
        %get3A_248 = arith.index_cast %get3A_246 : i32 to index
        %get3A_249 = arith.constant 48 : index
        %get3A_250 = tpu.vector_load %arg8[%get3A_247, %get3A_248, %get3A_249] {strides = array<i32>} : memref<4x2x128xi32, #tpu.memory_space<vmem>>, vector<16xi32>,
        tpu.vector_store_idx %arg10[%get3A_250], %broadcast_in_dim3A_8 {add = true} : memref<10240xf32, #tpu.memory_space<vmem>>[vector<16xi32>], vector<16xf32>,
        %get3A_251 = arith.constant 0 : i32
        %get3A_252 = arith.constant 1 : i32
        %get3A_253 = arith.index_cast %get3A_251 : i32 to index
        %get3A_254 = arith.index_cast %get3A_252 : i32 to index
        %get3A_255 = arith.constant 64 : index
        %get3A_256 = tpu.vector_load %arg8[%get3A_253, %get3A_254, %get3A_255] {strides = array<i32>} : memref<4x2x128xi32, #tpu.memory_space<vmem>>, vector<16xi32>,
        tpu.vector_store_idx %arg10[%get3A_256], %broadcast_in_dim3A_8 {add = true} : memref<10240xf32, #tpu.memory_space<vmem>>[vector<16xi32>], vector<16xf32>,
        %get3A_257 = arith.constant 0 : i32
        %get3A_258 = arith.constant 1 : i32
        %get3A_259 = arith.index_cast %get3A_257 : i32 to index
        %get3A_260 = arith.index_cast %get3A_258 : i32 to index
        %get3A_261 = arith.constant 80 : index
        %get3A_262 = tpu.vector_load %arg8[%get3A_259, %get3A_260, %get3A_261] {strides = array<i32>} : memref<4x2x128xi32, #tpu.memory_space<vmem>>, vector<16xi32>,
        tpu.vector_store_idx %arg10[%get3A_262], %broadcast_in_dim3A_8 {add = true} : memref<10240xf32, #tpu.memory_space<vmem>>[vector<16xi32>], vector<16xf32>,
        %get3A_263 = arith.constant 0 : i32
        %get3A_264 = arith.constant 1 : i32
        %get3A_265 = arith.index_cast %get3A_263 : i32 to index
        %get3A_266 = arith.index_cast %get3A_264 : i32 to index
        %get3A_267 = arith.constant 96 : index
        %get3A_268 = tpu.vector_load %arg8[%get3A_265, %get3A_266, %get3A_267] {strides = array<i32>} : memref<4x2x128xi32, #tpu.memory_space<vmem>>, vector<16xi32>,
        tpu.vector_store_idx %arg10[%get3A_268], %broadcast_in_dim3A_8 {add = true} : memref<10240xf32, #tpu.memory_space<vmem>>[vector<16xi32>], vector<16xf32>,
        %get3A_269 = arith.constant 0 : i32
        %get3A_270 = arith.constant 1 : i32
        %get3A_271 = arith.index_cast %get3A_269 : i32 to index
        %get3A_272 = arith.index_cast %get3A_270 : i32 to index
        %get3A_273 = arith.constant 112 : index
        %get3A_274 = tpu.vector_load %arg8[%get3A_271, %get3A_272, %get3A_273] {strides = array<i32>} : memref<4x2x128xi32, #tpu.memory_space<vmem>>, vector<16xi32>,
        tpu.vector_store_idx %arg10[%get3A_274], %broadcast_in_dim3A_8 {add = true} : memref<10240xf32, #tpu.memory_space<vmem>>[vector<16xi32>], vector<16xf32>,
      } else {
      }
      %eq3A_128 = arith.constant 2 : i32
      %eq3A_129 = arith.cmpi eq, %and3A_117, %eq3A_128 : i32
      %convert_element_type3A_130 = arith.extui %eq3A_129 : i1 to i32
      %cond3A_131 = arith.constant 0 : i32
      %cond3A_132 = arith.cmpi ne, %convert_element_type3A_130, %cond3A_131 : i32
      scf.if %cond3A_132 {
        %dma_wait3A = arith.constant 0 : i32
        %dma_wait3A_138 = arith.constant 0 : i32
        %dma_wait3A_139 = arith.constant 1 : i32
        %dma_wait3A_140 = arith.constant 0 : i32
        %dma_wait3A_141 = arith.constant 0 : i32
        %dma_wait3A_142 = tpu.memref_slice %arg9[%dma_wait3A, %dma_wait3A_140, %dma_wait3A_141] : memref<2x128x128xf32, #tpu.memory_space<vmem>> -> memref<1x128x128xf32, #tpu.memory_space<vmem>>
        %dma_wait3A_143 = tpu.memref_squeeze %dma_wait3A_142 : memref<1x128x128xf32, #tpu.memory_space<vmem>> -> memref<128x128xf32, #tpu.memory_space<vmem>>
        %dma_wait3A_144 = arith.constant 0 : i32
        %dma_wait3A_145 = tpu.memref_slice %arg8[%dma_wait3A_138, %dma_wait3A_139, %dma_wait3A_144] : memref<4x2x128xi32, #tpu.memory_space<vmem>> -> memref<1x1x128xi32, #tpu.memory_space<vmem>>
        %dma_wait3A_146 = tpu.memref_squeeze %dma_wait3A_145 : memref<1x1x128xi32, #tpu.memory_space<vmem>> -> memref<128xi32, #tpu.memory_space<vmem>>
        %dma_wait3A_147 = arith.constant 0 : i32
        %dma_wait3A_148 = arith.constant 0 : i32
        %dma_wait3A_149 = tpu.memref_slice %arg11[%dma_wait3A_147, %dma_wait3A_148] : memref<10240x128xf32, #tpu.memory_space<vmem_shared>> -> memref<10240x128xf32, #tpu.memory_space<vmem_shared>>
        tpu.wait_indirect_dma semaphore(%arg14 : memref<!tpu.dma_semaphore, #tpu.memory_space<semaphore_mem>>) src(%dma_wait3A_143 : memref<128x128xf32, #tpu.memory_space<vmem>>) dst(%dma_wait3A_149 : memref<10240x128xf32, #tpu.memory_space<vmem_shared>>)
        %min3A_150 = arith.constant 2499 : i32
        %min3A_151 = arith.minsi %while3A_115, %min3A_150 : i32
        %dma_wait3A_152 = arith.constant 2 : i32
        %dma_wait3A_153 = arith.constant 0 : i32
        %dma_wait3A_154 = arith.constant 0 : i32
        %dma_wait3A_155 = tpu.memref_slice %arg8[%dma_wait3A_152, %dma_wait3A_153, %dma_wait3A_154] : memref<4x2x128xi32, #tpu.memory_space<vmem>> -> memref<1x2x128xi32, #tpu.memory_space<vmem>>
        %dma_wait3A_156 = tpu.memref_squeeze %dma_wait3A_155 : memref<1x2x128xi32, #tpu.memory_space<vmem>> -> memref<2x128xi32, #tpu.memory_space<vmem>>
        %dma_wait3A_157 = arith.constant 0 : i32
        %dma_wait3A_158 = arith.constant 0 : i32
        %dma_wait3A_159 = tpu.memref_slice %arg3[%arg0, %min3A_151, %dma_wait3A_157, %dma_wait3A_158] : memref<2x2500x2x128xi32, #tpu.memory_space<hbm>> -> memref<1x1x2x128xi32, #tpu.memory_space<hbm>>
        %dma_wait3A_160 = tpu.memref_squeeze %dma_wait3A_159 : memref<1x1x2x128xi32, #tpu.memory_space<hbm>> -> memref<2x128xi32, #tpu.memory_space<hbm>>
        %dma_wait3A_161 = arith.constant 0 : i32
        %dma_wait3A_162 = arith.constant 0 : i32
        %dma_wait3A_163 = tpu.memref_slice %arg8[%dma_wait3A_152, %dma_wait3A_161, %dma_wait3A_162] : memref<4x2x128xi32, #tpu.memory_space<vmem>> -> memref<1x2x128xi32, #tpu.memory_space<vmem>>
        %dma_wait3A_164 = tpu.memref_squeeze %dma_wait3A_163 : memref<1x2x128xi32, #tpu.memory_space<vmem>> -> memref<2x128xi32, #tpu.memory_space<vmem>>
        %dma_wait3A_165 = arith.constant 0 : i32
        %dma_wait3A_166 = arith.constant 0 : i32
        %dma_wait3A_167 = tpu.memref_slice %arg3[%arg0, %min3A_151, %dma_wait3A_165, %dma_wait3A_166] : memref<2x2500x2x128xi32, #tpu.memory_space<hbm>> -> memref<1x1x2x128xi32, #tpu.memory_space<hbm>>
        %dma_wait3A_168 = tpu.memref_squeeze %dma_wait3A_167 : memref<1x1x2x128xi32, #tpu.memory_space<hbm>> -> memref<2x128xi32, #tpu.memory_space<hbm>>
        tpu.wait_dma2 semaphore(%arg16 : memref<!tpu.dma_semaphore, #tpu.memory_space<semaphore_mem>>) src(%dma_wait3A_168 : memref<2x128xi32, #tpu.memory_space<hbm>>) dst(%dma_wait3A_164 : memref<2x128xi32, #tpu.memory_space<vmem>>)
        %dma_start3A = arith.constant 2 : i32
        %dma_start3A_169 = arith.constant 0 : i32
        %dma_start3A_170 = arith.constant 0 : i32
        %dma_start3A_171 = arith.constant 0 : i32
        %dma_start3A_172 = arith.constant 0 : i32
        %dma_start3A_173 = tpu.memref_slice %arg9[%dma_start3A_170, %dma_start3A_171, %dma_start3A_172] : memref<2x128x128xf32, #tpu.memory_space<vmem>> -> memref<1x128x128xf32, #tpu.memory_space<vmem>>
        %dma_start3A_174 = tpu.memref_squeeze %dma_start3A_173 : memref<1x128x128xf32, #tpu.memory_space<vmem>> -> memref<128x128xf32, #tpu.memory_space<vmem>>
        %dma_start3A_175 = arith.constant 0 : i32
        %dma_start3A_176 = tpu.memref_slice %arg8[%dma_start3A, %dma_start3A_169, %dma_start3A_175] : memref<4x2x128xi32, #tpu.memory_space<vmem>> -> memref<1x1x128xi32, #tpu.memory_space<vmem>>
        %dma_start3A_177 = tpu.memref_squeeze %dma_start3A_176 : memref<1x1x128xi32, #tpu.memory_space<vmem>> -> memref<128xi32, #tpu.memory_space<vmem>>
        %dma_start3A_178 = arith.constant 0 : i32
        %dma_start3A_179 = arith.constant 0 : i32
        %dma_start3A_180 = tpu.memref_slice %arg2[%dma_start3A_178, %dma_start3A_179] : memref<10000x128xf32, #tpu.memory_space<hbm>> -> memref<10000x128xf32, #tpu.memory_space<hbm>>
        tpu.enqueue_indirect_dma source(%dma_start3A_180 : memref<10000x128xf32, #tpu.memory_space<hbm>>) target(%dma_start3A_174 : memref<128x128xf32, #tpu.memory_space<vmem>>) offsets(%dma_start3A_177 : memref<128xi32, #tpu.memory_space<vmem>>) semaphore(%arg12 : memref<!tpu.dma_semaphore, #tpu.memory_space<semaphore_mem>>)
        %add3A_181 = arith.constant 1 : i32
        %add3A_182 = arith.addi %while3A_115, %add3A_181 : i32
        %min3A_183 = arith.constant 2499 : i32
        %min3A_184 = arith.minsi %add3A_182, %min3A_183 : i32
        %dma_start3A_185 = arith.constant 3 : i32
        %dma_start3A_186 = arith.constant 0 : i32
        %dma_start3A_187 = arith.constant 0 : i32
        %dma_start3A_188 = tpu.memref_slice %arg8[%dma_start3A_185, %dma_start3A_186, %dma_start3A_187] : memref<4x2x128xi32, #tpu.memory_space<vmem>> -> memref<1x2x128xi32, #tpu.memory_space<vmem>>
        %dma_start3A_189 = tpu.memref_squeeze %dma_start3A_188 : memref<1x2x128xi32, #tpu.memory_space<vmem>> -> memref<2x128xi32, #tpu.memory_space<vmem>>
        %dma_start3A_190 = arith.constant 0 : i32
        %dma_start3A_191 = arith.constant 0 : i32
        %dma_start3A_192 = tpu.memref_slice %arg3[%arg0, %min3A_184, %dma_start3A_190, %dma_start3A_191] : memref<2x2500x2x128xi32, #tpu.memory_space<hbm>> -> memref<1x1x2x128xi32, #tpu.memory_space<hbm>>
        %dma_start3A_193 = tpu.memref_squeeze %dma_start3A_192 : memref<1x1x2x128xi32, #tpu.memory_space<hbm>> -> memref<2x128xi32, #tpu.memory_space<hbm>>
        %dma_start3A_194 = arith.constant 0 : i32
        %dma_start3A_195 = arith.constant 0 : i32
        %dma_start3A_196 = tpu.memref_slice %arg8[%dma_start3A_185, %dma_start3A_194, %dma_start3A_195] : memref<4x2x128xi32, #tpu.memory_space<vmem>> -> memref<1x2x128xi32, #tpu.memory_space<vmem>>
        %dma_start3A_197 = tpu.memref_squeeze %dma_start3A_196 : memref<1x2x128xi32, #tpu.memory_space<vmem>> -> memref<2x128xi32, #tpu.memory_space<vmem>>
        %dma_start3A_198 = arith.constant 0 : i32
        %dma_start3A_199 = arith.constant 0 : i32
        %dma_start3A_200 = tpu.memref_slice %arg3[%arg0, %min3A_184, %dma_start3A_198, %dma_start3A_199] : memref<2x2500x2x128xi32, #tpu.memory_space<hbm>> -> memref<1x1x2x128xi32, #tpu.memory_space<hbm>>
        %dma_start3A_201 = tpu.memref_squeeze %dma_start3A_200 : memref<1x1x2x128xi32, #tpu.memory_space<hbm>> -> memref<2x128xi32, #tpu.memory_space<hbm>>
        tpu.enqueue_dma source(%dma_start3A_201 : memref<2x128xi32, #tpu.memory_space<hbm>>) target(%dma_start3A_197 : memref<2x128xi32, #tpu.memory_space<vmem>>) target_semaphore(%arg16 : memref<!tpu.dma_semaphore, #tpu.memory_space<semaphore_mem>>)
        %dma_wait3A_202 = arith.constant 1 : i32
        %dma_wait3A_203 = arith.constant 0 : i32
        %dma_wait3A_204 = arith.constant 1 : i32
        %dma_wait3A_205 = arith.constant 0 : i32
        %dma_wait3A_206 = arith.constant 0 : i32
        %dma_wait3A_207 = tpu.memref_slice %arg9[%dma_wait3A_204, %dma_wait3A_205, %dma_wait3A_206] : memref<2x128x128xf32, #tpu.memory_space<vmem>> -> memref<1x128x128xf32, #tpu.memory_space<vmem>>
        %dma_wait3A_208 = tpu.memref_squeeze %dma_wait3A_207 : memref<1x128x128xf32, #tpu.memory_space<vmem>> -> memref<128x128xf32, #tpu.memory_space<vmem>>
        %dma_wait3A_209 = arith.constant 0 : i32
        %dma_wait3A_210 = tpu.memref_slice %arg8[%dma_wait3A_202, %dma_wait3A_203, %dma_wait3A_209] : memref<4x2x128xi32, #tpu.memory_space<vmem>> -> memref<1x1x128xi32, #tpu.memory_space<vmem>>
        %dma_wait3A_211 = tpu.memref_squeeze %dma_wait3A_210 : memref<1x1x128xi32, #tpu.memory_space<vmem>> -> memref<128xi32, #tpu.memory_space<vmem>>
        %dma_wait3A_212 = arith.constant 0 : i32
        %dma_wait3A_213 = arith.constant 0 : i32
        %dma_wait3A_214 = tpu.memref_slice %arg2[%dma_wait3A_212, %dma_wait3A_213] : memref<10000x128xf32, #tpu.memory_space<hbm>> -> memref<10000x128xf32, #tpu.memory_space<hbm>>
        tpu.wait_indirect_dma semaphore(%arg13 : memref<!tpu.dma_semaphore, #tpu.memory_space<semaphore_mem>>) src(%dma_wait3A_214 : memref<10000x128xf32, #tpu.memory_space<hbm>>) dst(%dma_wait3A_208 : memref<128x128xf32, #tpu.memory_space<vmem>>)
        %dma_start3A_215 = arith.constant 1 : i32
        %dma_start3A_216 = arith.constant 1 : i32
        %dma_start3A_217 = arith.constant 1 : i32
        %dma_start3A_218 = arith.constant 0 : i32
        %dma_start3A_219 = arith.constant 0 : i32
        %dma_start3A_220 = tpu.memref_slice %arg9[%dma_start3A_215, %dma_start3A_218, %dma_start3A_219] : memref<2x128x128xf32, #tpu.memory_space<vmem>> -> memref<1x128x128xf32, #tpu.memory_space<vmem>>
        %dma_start3A_221 = tpu.memref_squeeze %dma_start3A_220 : memref<1x128x128xf32, #tpu.memory_space<vmem>> -> memref<128x128xf32, #tpu.memory_space<vmem>>
        %dma_start3A_222 = arith.constant 0 : i32
        %dma_start3A_223 = tpu.memref_slice %arg8[%dma_start3A_216, %dma_start3A_217, %dma_start3A_222] : memref<4x2x128xi32, #tpu.memory_space<vmem>> -> memref<1x1x128xi32, #tpu.memory_space<vmem>>
        %dma_start3A_224 = tpu.memref_squeeze %dma_start3A_223 : memref<1x1x128xi32, #tpu.memory_space<vmem>> -> memref<128xi32, #tpu.memory_space<vmem>>
        %dma_start3A_225 = arith.constant 0 : i32
        %dma_start3A_226 = arith.constant 0 : i32
        %dma_start3A_227 = tpu.memref_slice %arg11[%dma_start3A_225, %dma_start3A_226] : memref<10240x128xf32, #tpu.memory_space<vmem_shared>> -> memref<10240x128xf32, #tpu.memory_space<vmem_shared>>
        tpu.enqueue_indirect_dma source(%dma_start3A_221 : memref<128x128xf32, #tpu.memory_space<vmem>>) target(%dma_start3A_227 : memref<10240x128xf32, #tpu.memory_space<vmem_shared>>) offsets(%dma_start3A_224 : memref<128xi32, #tpu.memory_space<vmem>>) semaphore(%arg15 : memref<!tpu.dma_semaphore, #tpu.memory_space<semaphore_mem>>) {add = true}
        %get3A = arith.constant 1 : i32
        %get3A_228 = arith.constant 1 : i32
        %get3A_229 = arith.index_cast %get3A : i32 to index
        %get3A_230 = arith.index_cast %get3A_228 : i32 to index
        %get3A_231 = arith.constant 0 : index
        %get3A_232 = tpu.vector_load %arg8[%get3A_229, %get3A_230, %get3A_231] {strides = array<i32>} : memref<4x2x128xi32, #tpu.memory_space<vmem>>, vector<16xi32>,
        tpu.vector_store_idx %arg10[%get3A_232], %broadcast_in_dim3A_8 {add = true} : memref<10240xf32, #tpu.memory_space<vmem>>[vector<16xi32>], vector<16xf32>,
        %get3A_233 = arith.constant 1 : i32
        %get3A_234 = arith.constant 1 : i32
        %get3A_235 = arith.index_cast %get3A_233 : i32 to index
        %get3A_236 = arith.index_cast %get3A_234 : i32 to index
        %get3A_237 = arith.constant 16 : index
        %get3A_238 = tpu.vector_load %arg8[%get3A_235, %get3A_236, %get3A_237] {strides = array<i32>} : memref<4x2x128xi32, #tpu.memory_space<vmem>>, vector<16xi32>,
        tpu.vector_store_idx %arg10[%get3A_238], %broadcast_in_dim3A_8 {add = true} : memref<10240xf32, #tpu.memory_space<vmem>>[vector<16xi32>], vector<16xf32>,
        %get3A_239 = arith.constant 1 : i32
        %get3A_240 = arith.constant 1 : i32
        %get3A_241 = arith.index_cast %get3A_239 : i32 to index
        %get3A_242 = arith.index_cast %get3A_240 : i32 to index
        %get3A_243 = arith.constant 32 : index
        %get3A_244 = tpu.vector_load %arg8[%get3A_241, %get3A_242, %get3A_243] {strides = array<i32>} : memref<4x2x128xi32, #tpu.memory_space<vmem>>, vector<16xi32>,
        tpu.vector_store_idx %arg10[%get3A_244], %broadcast_in_dim3A_8 {add = true} : memref<10240xf32, #tpu.memory_space<vmem>>[vector<16xi32>], vector<16xf32>,
        %get3A_245 = arith.constant 1 : i32
        %get3A_246 = arith.constant 1 : i32
        %get3A_247 = arith.index_cast %get3A_245 : i32 to index
        %get3A_248 = arith.index_cast %get3A_246 : i32 to index
        %get3A_249 = arith.constant 48 : index
        %get3A_250 = tpu.vector_load %arg8[%get3A_247, %get3A_248, %get3A_249] {strides = array<i32>} : memref<4x2x128xi32, #tpu.memory_space<vmem>>, vector<16xi32>,
        tpu.vector_store_idx %arg10[%get3A_250], %broadcast_in_dim3A_8 {add = true} : memref<10240xf32, #tpu.memory_space<vmem>>[vector<16xi32>], vector<16xf32>,
        %get3A_251 = arith.constant 1 : i32
        %get3A_252 = arith.constant 1 : i32
        %get3A_253 = arith.index_cast %get3A_251 : i32 to index
        %get3A_254 = arith.index_cast %get3A_252 : i32 to index
        %get3A_255 = arith.constant 64 : index
        %get3A_256 = tpu.vector_load %arg8[%get3A_253, %get3A_254, %get3A_255] {strides = array<i32>} : memref<4x2x128xi32, #tpu.memory_space<vmem>>, vector<16xi32>,
        tpu.vector_store_idx %arg10[%get3A_256], %broadcast_in_dim3A_8 {add = true} : memref<10240xf32, #tpu.memory_space<vmem>>[vector<16xi32>], vector<16xf32>,
        %get3A_257 = arith.constant 1 : i32
        %get3A_258 = arith.constant 1 : i32
        %get3A_259 = arith.index_cast %get3A_257 : i32 to index
        %get3A_260 = arith.index_cast %get3A_258 : i32 to index
        %get3A_261 = arith.constant 80 : index
        %get3A_262 = tpu.vector_load %arg8[%get3A_259, %get3A_260, %get3A_261] {strides = array<i32>} : memref<4x2x128xi32, #tpu.memory_space<vmem>>, vector<16xi32>,
        tpu.vector_store_idx %arg10[%get3A_262], %broadcast_in_dim3A_8 {add = true} : memref<10240xf32, #tpu.memory_space<vmem>>[vector<16xi32>], vector<16xf32>,
        %get3A_263 = arith.constant 1 : i32
        %get3A_264 = arith.constant 1 : i32
        %get3A_265 = arith.index_cast %get3A_263 : i32 to index
        %get3A_266 = arith.index_cast %get3A_264 : i32 to index
        %get3A_267 = arith.constant 96 : index
        %get3A_268 = tpu.vector_load %arg8[%get3A_265, %get3A_266, %get3A_267] {strides = array<i32>} : memref<4x2x128xi32, #tpu.memory_space<vmem>>, vector<16xi32>,
        tpu.vector_store_idx %arg10[%get3A_268], %broadcast_in_dim3A_8 {add = true} : memref<10240xf32, #tpu.memory_space<vmem>>[vector<16xi32>], vector<16xf32>,
        %get3A_269 = arith.constant 1 : i32
        %get3A_270 = arith.constant 1 : i32
        %get3A_271 = arith.index_cast %get3A_269 : i32 to index
        %get3A_272 = arith.index_cast %get3A_270 : i32 to index
        %get3A_273 = arith.constant 112 : index
        %get3A_274 = tpu.vector_load %arg8[%get3A_271, %get3A_272, %get3A_273] {strides = array<i32>} : memref<4x2x128xi32, #tpu.memory_space<vmem>>, vector<16xi32>,
        tpu.vector_store_idx %arg10[%get3A_274], %broadcast_in_dim3A_8 {add = true} : memref<10240xf32, #tpu.memory_space<vmem>>[vector<16xi32>], vector<16xf32>,
      } else {
      }
      %eq3A_133 = arith.constant 3 : i32
      %eq3A_134 = arith.cmpi eq, %and3A_117, %eq3A_133 : i32
      %convert_element_type3A_135 = arith.extui %eq3A_134 : i1 to i32
      %cond3A_136 = arith.constant 0 : i32
      %cond3A_137 = arith.cmpi ne, %convert_element_type3A_135, %cond3A_136 : i32
      scf.if %cond3A_137 {
        %dma_wait3A = arith.constant 1 : i32
        %dma_wait3A_138 = arith.constant 1 : i32
        %dma_wait3A_139 = arith.constant 1 : i32
        %dma_wait3A_140 = arith.constant 0 : i32
        %dma_wait3A_141 = arith.constant 0 : i32
        %dma_wait3A_142 = tpu.memref_slice %arg9[%dma_wait3A, %dma_wait3A_140, %dma_wait3A_141] : memref<2x128x128xf32, #tpu.memory_space<vmem>> -> memref<1x128x128xf32, #tpu.memory_space<vmem>>
        %dma_wait3A_143 = tpu.memref_squeeze %dma_wait3A_142 : memref<1x128x128xf32, #tpu.memory_space<vmem>> -> memref<128x128xf32, #tpu.memory_space<vmem>>
        %dma_wait3A_144 = arith.constant 0 : i32
        %dma_wait3A_145 = tpu.memref_slice %arg8[%dma_wait3A_138, %dma_wait3A_139, %dma_wait3A_144] : memref<4x2x128xi32, #tpu.memory_space<vmem>> -> memref<1x1x128xi32, #tpu.memory_space<vmem>>
        %dma_wait3A_146 = tpu.memref_squeeze %dma_wait3A_145 : memref<1x1x128xi32, #tpu.memory_space<vmem>> -> memref<128xi32, #tpu.memory_space<vmem>>
        %dma_wait3A_147 = arith.constant 0 : i32
        %dma_wait3A_148 = arith.constant 0 : i32
        %dma_wait3A_149 = tpu.memref_slice %arg11[%dma_wait3A_147, %dma_wait3A_148] : memref<10240x128xf32, #tpu.memory_space<vmem_shared>> -> memref<10240x128xf32, #tpu.memory_space<vmem_shared>>
        tpu.wait_indirect_dma semaphore(%arg15 : memref<!tpu.dma_semaphore, #tpu.memory_space<semaphore_mem>>) src(%dma_wait3A_143 : memref<128x128xf32, #tpu.memory_space<vmem>>) dst(%dma_wait3A_149 : memref<10240x128xf32, #tpu.memory_space<vmem_shared>>)
        %min3A_150 = arith.constant 2499 : i32
        %min3A_151 = arith.minsi %while3A_115, %min3A_150 : i32
        %dma_wait3A_152 = arith.constant 3 : i32
        %dma_wait3A_153 = arith.constant 0 : i32
        %dma_wait3A_154 = arith.constant 0 : i32
        %dma_wait3A_155 = tpu.memref_slice %arg8[%dma_wait3A_152, %dma_wait3A_153, %dma_wait3A_154] : memref<4x2x128xi32, #tpu.memory_space<vmem>> -> memref<1x2x128xi32, #tpu.memory_space<vmem>>
        %dma_wait3A_156 = tpu.memref_squeeze %dma_wait3A_155 : memref<1x2x128xi32, #tpu.memory_space<vmem>> -> memref<2x128xi32, #tpu.memory_space<vmem>>
        %dma_wait3A_157 = arith.constant 0 : i32
        %dma_wait3A_158 = arith.constant 0 : i32
        %dma_wait3A_159 = tpu.memref_slice %arg3[%arg0, %min3A_151, %dma_wait3A_157, %dma_wait3A_158] : memref<2x2500x2x128xi32, #tpu.memory_space<hbm>> -> memref<1x1x2x128xi32, #tpu.memory_space<hbm>>
        %dma_wait3A_160 = tpu.memref_squeeze %dma_wait3A_159 : memref<1x1x2x128xi32, #tpu.memory_space<hbm>> -> memref<2x128xi32, #tpu.memory_space<hbm>>
        %dma_wait3A_161 = arith.constant 0 : i32
        %dma_wait3A_162 = arith.constant 0 : i32
        %dma_wait3A_163 = tpu.memref_slice %arg8[%dma_wait3A_152, %dma_wait3A_161, %dma_wait3A_162] : memref<4x2x128xi32, #tpu.memory_space<vmem>> -> memref<1x2x128xi32, #tpu.memory_space<vmem>>
        %dma_wait3A_164 = tpu.memref_squeeze %dma_wait3A_163 : memref<1x2x128xi32, #tpu.memory_space<vmem>> -> memref<2x128xi32, #tpu.memory_space<vmem>>
        %dma_wait3A_165 = arith.constant 0 : i32
        %dma_wait3A_166 = arith.constant 0 : i32
        %dma_wait3A_167 = tpu.memref_slice %arg3[%arg0, %min3A_151, %dma_wait3A_165, %dma_wait3A_166] : memref<2x2500x2x128xi32, #tpu.memory_space<hbm>> -> memref<1x1x2x128xi32, #tpu.memory_space<hbm>>
        %dma_wait3A_168 = tpu.memref_squeeze %dma_wait3A_167 : memref<1x1x2x128xi32, #tpu.memory_space<hbm>> -> memref<2x128xi32, #tpu.memory_space<hbm>>
        tpu.wait_dma2 semaphore(%arg16 : memref<!tpu.dma_semaphore, #tpu.memory_space<semaphore_mem>>) src(%dma_wait3A_168 : memref<2x128xi32, #tpu.memory_space<hbm>>) dst(%dma_wait3A_164 : memref<2x128xi32, #tpu.memory_space<vmem>>)
        %dma_start3A = arith.constant 3 : i32
        %dma_start3A_169 = arith.constant 0 : i32
        %dma_start3A_170 = arith.constant 1 : i32
        %dma_start3A_171 = arith.constant 0 : i32
        %dma_start3A_172 = arith.constant 0 : i32
        %dma_start3A_173 = tpu.memref_slice %arg9[%dma_start3A_170, %dma_start3A_171, %dma_start3A_172] : memref<2x128x128xf32, #tpu.memory_space<vmem>> -> memref<1x128x128xf32, #tpu.memory_space<vmem>>
        %dma_start3A_174 = tpu.memref_squeeze %dma_start3A_173 : memref<1x128x128xf32, #tpu.memory_space<vmem>> -> memref<128x128xf32, #tpu.memory_space<vmem>>
        %dma_start3A_175 = arith.constant 0 : i32
        %dma_start3A_176 = tpu.memref_slice %arg8[%dma_start3A, %dma_start3A_169, %dma_start3A_175] : memref<4x2x128xi32, #tpu.memory_space<vmem>> -> memref<1x1x128xi32, #tpu.memory_space<vmem>>
        %dma_start3A_177 = tpu.memref_squeeze %dma_start3A_176 : memref<1x1x128xi32, #tpu.memory_space<vmem>> -> memref<128xi32, #tpu.memory_space<vmem>>
        %dma_start3A_178 = arith.constant 0 : i32
        %dma_start3A_179 = arith.constant 0 : i32
        %dma_start3A_180 = tpu.memref_slice %arg2[%dma_start3A_178, %dma_start3A_179] : memref<10000x128xf32, #tpu.memory_space<hbm>> -> memref<10000x128xf32, #tpu.memory_space<hbm>>
        tpu.enqueue_indirect_dma source(%dma_start3A_180 : memref<10000x128xf32, #tpu.memory_space<hbm>>) target(%dma_start3A_174 : memref<128x128xf32, #tpu.memory_space<vmem>>) offsets(%dma_start3A_177 : memref<128xi32, #tpu.memory_space<vmem>>) semaphore(%arg13 : memref<!tpu.dma_semaphore, #tpu.memory_space<semaphore_mem>>)
        %add3A_181 = arith.constant 1 : i32
        %add3A_182 = arith.addi %while3A_115, %add3A_181 : i32
        %min3A_183 = arith.constant 2499 : i32
        %min3A_184 = arith.minsi %add3A_182, %min3A_183 : i32
        %dma_start3A_185 = arith.constant 0 : i32
        %dma_start3A_186 = arith.constant 0 : i32
        %dma_start3A_187 = arith.constant 0 : i32
        %dma_start3A_188 = tpu.memref_slice %arg8[%dma_start3A_185, %dma_start3A_186, %dma_start3A_187] : memref<4x2x128xi32, #tpu.memory_space<vmem>> -> memref<1x2x128xi32, #tpu.memory_space<vmem>>
        %dma_start3A_189 = tpu.memref_squeeze %dma_start3A_188 : memref<1x2x128xi32, #tpu.memory_space<vmem>> -> memref<2x128xi32, #tpu.memory_space<vmem>>
        %dma_start3A_190 = arith.constant 0 : i32
        %dma_start3A_191 = arith.constant 0 : i32
        %dma_start3A_192 = tpu.memref_slice %arg3[%arg0, %min3A_184, %dma_start3A_190, %dma_start3A_191] : memref<2x2500x2x128xi32, #tpu.memory_space<hbm>> -> memref<1x1x2x128xi32, #tpu.memory_space<hbm>>
        %dma_start3A_193 = tpu.memref_squeeze %dma_start3A_192 : memref<1x1x2x128xi32, #tpu.memory_space<hbm>> -> memref<2x128xi32, #tpu.memory_space<hbm>>
        %dma_start3A_194 = arith.constant 0 : i32
        %dma_start3A_195 = arith.constant 0 : i32
        %dma_start3A_196 = tpu.memref_slice %arg8[%dma_start3A_185, %dma_start3A_194, %dma_start3A_195] : memref<4x2x128xi32, #tpu.memory_space<vmem>> -> memref<1x2x128xi32, #tpu.memory_space<vmem>>
        %dma_start3A_197 = tpu.memref_squeeze %dma_start3A_196 : memref<1x2x128xi32, #tpu.memory_space<vmem>> -> memref<2x128xi32, #tpu.memory_space<vmem>>
        %dma_start3A_198 = arith.constant 0 : i32
        %dma_start3A_199 = arith.constant 0 : i32
        %dma_start3A_200 = tpu.memref_slice %arg3[%arg0, %min3A_184, %dma_start3A_198, %dma_start3A_199] : memref<2x2500x2x128xi32, #tpu.memory_space<hbm>> -> memref<1x1x2x128xi32, #tpu.memory_space<hbm>>
        %dma_start3A_201 = tpu.memref_squeeze %dma_start3A_200 : memref<1x1x2x128xi32, #tpu.memory_space<hbm>> -> memref<2x128xi32, #tpu.memory_space<hbm>>
        tpu.enqueue_dma source(%dma_start3A_201 : memref<2x128xi32, #tpu.memory_space<hbm>>) target(%dma_start3A_197 : memref<2x128xi32, #tpu.memory_space<vmem>>) target_semaphore(%arg16 : memref<!tpu.dma_semaphore, #tpu.memory_space<semaphore_mem>>)
        %dma_wait3A_202 = arith.constant 2 : i32
        %dma_wait3A_203 = arith.constant 0 : i32
        %dma_wait3A_204 = arith.constant 0 : i32
        %dma_wait3A_205 = arith.constant 0 : i32
        %dma_wait3A_206 = arith.constant 0 : i32
        %dma_wait3A_207 = tpu.memref_slice %arg9[%dma_wait3A_204, %dma_wait3A_205, %dma_wait3A_206] : memref<2x128x128xf32, #tpu.memory_space<vmem>> -> memref<1x128x128xf32, #tpu.memory_space<vmem>>
        %dma_wait3A_208 = tpu.memref_squeeze %dma_wait3A_207 : memref<1x128x128xf32, #tpu.memory_space<vmem>> -> memref<128x128xf32, #tpu.memory_space<vmem>>
        %dma_wait3A_209 = arith.constant 0 : i32
        %dma_wait3A_210 = tpu.memref_slice %arg8[%dma_wait3A_202, %dma_wait3A_203, %dma_wait3A_209] : memref<4x2x128xi32, #tpu.memory_space<vmem>> -> memref<1x1x128xi32, #tpu.memory_space<vmem>>
        %dma_wait3A_211 = tpu.memref_squeeze %dma_wait3A_210 : memref<1x1x128xi32, #tpu.memory_space<vmem>> -> memref<128xi32, #tpu.memory_space<vmem>>
        %dma_wait3A_212 = arith.constant 0 : i32
        %dma_wait3A_213 = arith.constant 0 : i32
        %dma_wait3A_214 = tpu.memref_slice %arg2[%dma_wait3A_212, %dma_wait3A_213] : memref<10000x128xf32, #tpu.memory_space<hbm>> -> memref<10000x128xf32, #tpu.memory_space<hbm>>
        tpu.wait_indirect_dma semaphore(%arg12 : memref<!tpu.dma_semaphore, #tpu.memory_space<semaphore_mem>>) src(%dma_wait3A_214 : memref<10000x128xf32, #tpu.memory_space<hbm>>) dst(%dma_wait3A_208 : memref<128x128xf32, #tpu.memory_space<vmem>>)
        %dma_start3A_215 = arith.constant 0 : i32
        %dma_start3A_216 = arith.constant 2 : i32
        %dma_start3A_217 = arith.constant 1 : i32
        %dma_start3A_218 = arith.constant 0 : i32
        %dma_start3A_219 = arith.constant 0 : i32
        %dma_start3A_220 = tpu.memref_slice %arg9[%dma_start3A_215, %dma_start3A_218, %dma_start3A_219] : memref<2x128x128xf32, #tpu.memory_space<vmem>> -> memref<1x128x128xf32, #tpu.memory_space<vmem>>
        %dma_start3A_221 = tpu.memref_squeeze %dma_start3A_220 : memref<1x128x128xf32, #tpu.memory_space<vmem>> -> memref<128x128xf32, #tpu.memory_space<vmem>>
        %dma_start3A_222 = arith.constant 0 : i32
        %dma_start3A_223 = tpu.memref_slice %arg8[%dma_start3A_216, %dma_start3A_217, %dma_start3A_222] : memref<4x2x128xi32, #tpu.memory_space<vmem>> -> memref<1x1x128xi32, #tpu.memory_space<vmem>>
        %dma_start3A_224 = tpu.memref_squeeze %dma_start3A_223 : memref<1x1x128xi32, #tpu.memory_space<vmem>> -> memref<128xi32, #tpu.memory_space<vmem>>
        %dma_start3A_225 = arith.constant 0 : i32
        %dma_start3A_226 = arith.constant 0 : i32
        %dma_start3A_227 = tpu.memref_slice %arg11[%dma_start3A_225, %dma_start3A_226] : memref<10240x128xf32, #tpu.memory_space<vmem_shared>> -> memref<10240x128xf32, #tpu.memory_space<vmem_shared>>
        tpu.enqueue_indirect_dma source(%dma_start3A_221 : memref<128x128xf32, #tpu.memory_space<vmem>>) target(%dma_start3A_227 : memref<10240x128xf32, #tpu.memory_space<vmem_shared>>) offsets(%dma_start3A_224 : memref<128xi32, #tpu.memory_space<vmem>>) semaphore(%arg14 : memref<!tpu.dma_semaphore, #tpu.memory_space<semaphore_mem>>) {add = true}
        %get3A = arith.constant 2 : i32
        %get3A_228 = arith.constant 1 : i32
        %get3A_229 = arith.index_cast %get3A : i32 to index
        %get3A_230 = arith.index_cast %get3A_228 : i32 to index
        %get3A_231 = arith.constant 0 : index
        %get3A_232 = tpu.vector_load %arg8[%get3A_229, %get3A_230, %get3A_231] {strides = array<i32>} : memref<4x2x128xi32, #tpu.memory_space<vmem>>, vector<16xi32>,
        tpu.vector_store_idx %arg10[%get3A_232], %broadcast_in_dim3A_8 {add = true} : memref<10240xf32, #tpu.memory_space<vmem>>[vector<16xi32>], vector<16xf32>,
        %get3A_233 = arith.constant 2 : i32
        %get3A_234 = arith.constant 1 : i32
        %get3A_235 = arith.index_cast %get3A_233 : i32 to index
        %get3A_236 = arith.index_cast %get3A_234 : i32 to index
        %get3A_237 = arith.constant 16 : index
        %get3A_238 = tpu.vector_load %arg8[%get3A_235, %get3A_236, %get3A_237] {strides = array<i32>} : memref<4x2x128xi32, #tpu.memory_space<vmem>>, vector<16xi32>,
        tpu.vector_store_idx %arg10[%get3A_238], %broadcast_in_dim3A_8 {add = true} : memref<10240xf32, #tpu.memory_space<vmem>>[vector<16xi32>], vector<16xf32>,
        %get3A_239 = arith.constant 2 : i32
        %get3A_240 = arith.constant 1 : i32
        %get3A_241 = arith.index_cast %get3A_239 : i32 to index
        %get3A_242 = arith.index_cast %get3A_240 : i32 to index
        %get3A_243 = arith.constant 32 : index
        %get3A_244 = tpu.vector_load %arg8[%get3A_241, %get3A_242, %get3A_243] {strides = array<i32>} : memref<4x2x128xi32, #tpu.memory_space<vmem>>, vector<16xi32>,
        tpu.vector_store_idx %arg10[%get3A_244], %broadcast_in_dim3A_8 {add = true} : memref<10240xf32, #tpu.memory_space<vmem>>[vector<16xi32>], vector<16xf32>,
        %get3A_245 = arith.constant 2 : i32
        %get3A_246 = arith.constant 1 : i32
        %get3A_247 = arith.index_cast %get3A_245 : i32 to index
        %get3A_248 = arith.index_cast %get3A_246 : i32 to index
        %get3A_249 = arith.constant 48 : index
        %get3A_250 = tpu.vector_load %arg8[%get3A_247, %get3A_248, %get3A_249] {strides = array<i32>} : memref<4x2x128xi32, #tpu.memory_space<vmem>>, vector<16xi32>,
        tpu.vector_store_idx %arg10[%get3A_250], %broadcast_in_dim3A_8 {add = true} : memref<10240xf32, #tpu.memory_space<vmem>>[vector<16xi32>], vector<16xf32>,
        %get3A_251 = arith.constant 2 : i32
        %get3A_252 = arith.constant 1 : i32
        %get3A_253 = arith.index_cast %get3A_251 : i32 to index
        %get3A_254 = arith.index_cast %get3A_252 : i32 to index
        %get3A_255 = arith.constant 64 : index
        %get3A_256 = tpu.vector_load %arg8[%get3A_253, %get3A_254, %get3A_255] {strides = array<i32>} : memref<4x2x128xi32, #tpu.memory_space<vmem>>, vector<16xi32>,
        tpu.vector_store_idx %arg10[%get3A_256], %broadcast_in_dim3A_8 {add = true} : memref<10240xf32, #tpu.memory_space<vmem>>[vector<16xi32>], vector<16xf32>,
        %get3A_257 = arith.constant 2 : i32
        %get3A_258 = arith.constant 1 : i32
        %get3A_259 = arith.index_cast %get3A_257 : i32 to index
        %get3A_260 = arith.index_cast %get3A_258 : i32 to index
        %get3A_261 = arith.constant 80 : index
        %get3A_262 = tpu.vector_load %arg8[%get3A_259, %get3A_260, %get3A_261] {strides = array<i32>} : memref<4x2x128xi32, #tpu.memory_space<vmem>>, vector<16xi32>,
        tpu.vector_store_idx %arg10[%get3A_262], %broadcast_in_dim3A_8 {add = true} : memref<10240xf32, #tpu.memory_space<vmem>>[vector<16xi32>], vector<16xf32>,
        %get3A_263 = arith.constant 2 : i32
        %get3A_264 = arith.constant 1 : i32
        %get3A_265 = arith.index_cast %get3A_263 : i32 to index
        %get3A_266 = arith.index_cast %get3A_264 : i32 to index
        %get3A_267 = arith.constant 96 : index
        %get3A_268 = tpu.vector_load %arg8[%get3A_265, %get3A_266, %get3A_267] {strides = array<i32>} : memref<4x2x128xi32, #tpu.memory_space<vmem>>, vector<16xi32>,
        tpu.vector_store_idx %arg10[%get3A_268], %broadcast_in_dim3A_8 {add = true} : memref<10240xf32, #tpu.memory_space<vmem>>[vector<16xi32>], vector<16xf32>,
        %get3A_269 = arith.constant 2 : i32
        %get3A_270 = arith.constant 1 : i32
        %get3A_271 = arith.index_cast %get3A_269 : i32 to index
        %get3A_272 = arith.index_cast %get3A_270 : i32 to index
        %get3A_273 = arith.constant 112 : index
        %get3A_274 = tpu.vector_load %arg8[%get3A_271, %get3A_272, %get3A_273] {strides = array<i32>} : memref<4x2x128xi32, #tpu.memory_space<vmem>>, vector<16xi32>,
        tpu.vector_store_idx %arg10[%get3A_274], %broadcast_in_dim3A_8 {add = true} : memref<10240xf32, #tpu.memory_space<vmem>>[vector<16xi32>], vector<16xf32>,
      } else {
      }
    }
    %add3A_80 = arith.addi %add3A, %add3A_7 : i32
    %sub3A = arith.constant 1 : i32
    %sub3A_81 = arith.subi %add3A_80, %sub3A : i32
    %and3A_82 = arith.constant 3 : i32
    %and3A_83 = arith.andi %sub3A_81, %and3A_82 : i32
    %eq3A_84 = arith.constant 0 : i32
    %eq3A_85 = arith.cmpi eq, %and3A_83, %eq3A_84 : i32
    %convert_element_type3A_86 = arith.extui %eq3A_85 : i1 to i32
    %cond3A_87 = arith.constant 0 : i32
    %cond3A_88 = arith.cmpi ne, %convert_element_type3A_86, %cond3A_87 : i32
    scf.if %cond3A_88 {
      %dma_wait3A = arith.constant 0 : i32
      %dma_wait3A_115 = arith.constant 0 : i32
      %dma_wait3A_116 = arith.constant 0 : i32
      %dma_wait3A_117 = arith.constant 0 : i32
      %dma_wait3A_118 = arith.constant 0 : i32
      %dma_wait3A_119 = tpu.memref_slice %arg9[%dma_wait3A_116, %dma_wait3A_117, %dma_wait3A_118] : memref<2x128x128xf32, #tpu.memory_space<vmem>> -> memref<1x128x128xf32, #tpu.memory_space<vmem>>
      %dma_wait3A_120 = tpu.memref_squeeze %dma_wait3A_119 : memref<1x128x128xf32, #tpu.memory_space<vmem>> -> memref<128x128xf32, #tpu.memory_space<vmem>>
      %dma_wait3A_121 = arith.constant 0 : i32
      %dma_wait3A_122 = tpu.memref_slice %arg8[%dma_wait3A, %dma_wait3A_115, %dma_wait3A_121] : memref<4x2x128xi32, #tpu.memory_space<vmem>> -> memref<1x1x128xi32, #tpu.memory_space<vmem>>
      %dma_wait3A_123 = tpu.memref_squeeze %dma_wait3A_122 : memref<1x1x128xi32, #tpu.memory_space<vmem>> -> memref<128xi32, #tpu.memory_space<vmem>>
      %dma_wait3A_124 = arith.constant 0 : i32
      %dma_wait3A_125 = arith.constant 0 : i32
      %dma_wait3A_126 = tpu.memref_slice %arg2[%dma_wait3A_124, %dma_wait3A_125] : memref<10000x128xf32, #tpu.memory_space<hbm>> -> memref<10000x128xf32, #tpu.memory_space<hbm>>
      tpu.wait_indirect_dma semaphore(%arg12 : memref<!tpu.dma_semaphore, #tpu.memory_space<semaphore_mem>>) src(%dma_wait3A_126 : memref<10000x128xf32, #tpu.memory_space<hbm>>) dst(%dma_wait3A_120 : memref<128x128xf32, #tpu.memory_space<vmem>>)
      %dma_start3A = arith.constant 0 : i32
      %dma_start3A_127 = arith.constant 0 : i32
      %dma_start3A_128 = arith.constant 1 : i32
      %dma_start3A_129 = arith.constant 0 : i32
      %dma_start3A_130 = arith.constant 0 : i32
      %dma_start3A_131 = tpu.memref_slice %arg9[%dma_start3A, %dma_start3A_129, %dma_start3A_130] : memref<2x128x128xf32, #tpu.memory_space<vmem>> -> memref<1x128x128xf32, #tpu.memory_space<vmem>>
      %dma_start3A_132 = tpu.memref_squeeze %dma_start3A_131 : memref<1x128x128xf32, #tpu.memory_space<vmem>> -> memref<128x128xf32, #tpu.memory_space<vmem>>
      %dma_start3A_133 = arith.constant 0 : i32
      %dma_start3A_134 = tpu.memref_slice %arg8[%dma_start3A_127, %dma_start3A_128, %dma_start3A_133] : memref<4x2x128xi32, #tpu.memory_space<vmem>> -> memref<1x1x128xi32, #tpu.memory_space<vmem>>
      %dma_start3A_135 = tpu.memref_squeeze %dma_start3A_134 : memref<1x1x128xi32, #tpu.memory_space<vmem>> -> memref<128xi32, #tpu.memory_space<vmem>>
      %dma_start3A_136 = arith.constant 0 : i32
      %dma_start3A_137 = arith.constant 0 : i32
      %dma_start3A_138 = tpu.memref_slice %arg11[%dma_start3A_136, %dma_start3A_137] : memref<10240x128xf32, #tpu.memory_space<vmem_shared>> -> memref<10240x128xf32, #tpu.memory_space<vmem_shared>>
      tpu.enqueue_indirect_dma source(%dma_start3A_132 : memref<128x128xf32, #tpu.memory_space<vmem>>) target(%dma_start3A_138 : memref<10240x128xf32, #tpu.memory_space<vmem_shared>>) offsets(%dma_start3A_135 : memref<128xi32, #tpu.memory_space<vmem>>) semaphore(%arg14 : memref<!tpu.dma_semaphore, #tpu.memory_space<semaphore_mem>>) {add = true}
      %get3A = arith.constant 0 : i32
      %get3A_139 = arith.constant 1 : i32
      %get3A_140 = arith.index_cast %get3A : i32 to index
      %get3A_141 = arith.index_cast %get3A_139 : i32 to index
      %get3A_142 = arith.constant 0 : index
      %get3A_143 = tpu.vector_load %arg8[%get3A_140, %get3A_141, %get3A_142] {strides = array<i32>} : memref<4x2x128xi32, #tpu.memory_space<vmem>>, vector<16xi32>,
      tpu.vector_store_idx %arg10[%get3A_143], %broadcast_in_dim3A_8 {add = true} : memref<10240xf32, #tpu.memory_space<vmem>>[vector<16xi32>], vector<16xf32>,
      %get3A_144 = arith.constant 0 : i32
      %get3A_145 = arith.constant 1 : i32
      %get3A_146 = arith.index_cast %get3A_144 : i32 to index
      %get3A_147 = arith.index_cast %get3A_145 : i32 to index
      %get3A_148 = arith.constant 16 : index
      %get3A_149 = tpu.vector_load %arg8[%get3A_146, %get3A_147, %get3A_148] {strides = array<i32>} : memref<4x2x128xi32, #tpu.memory_space<vmem>>, vector<16xi32>,
      tpu.vector_store_idx %arg10[%get3A_149], %broadcast_in_dim3A_8 {add = true} : memref<10240xf32, #tpu.memory_space<vmem>>[vector<16xi32>], vector<16xf32>,
      %get3A_150 = arith.constant 0 : i32
      %get3A_151 = arith.constant 1 : i32
      %get3A_152 = arith.index_cast %get3A_150 : i32 to index
      %get3A_153 = arith.index_cast %get3A_151 : i32 to index
      %get3A_154 = arith.constant 32 : index
      %get3A_155 = tpu.vector_load %arg8[%get3A_152, %get3A_153, %get3A_154] {strides = array<i32>} : memref<4x2x128xi32, #tpu.memory_space<vmem>>, vector<16xi32>,
      tpu.vector_store_idx %arg10[%get3A_155], %broadcast_in_dim3A_8 {add = true} : memref<10240xf32, #tpu.memory_space<vmem>>[vector<16xi32>], vector<16xf32>,
      %get3A_156 = arith.constant 0 : i32
      %get3A_157 = arith.constant 1 : i32
      %get3A_158 = arith.index_cast %get3A_156 : i32 to index
      %get3A_159 = arith.index_cast %get3A_157 : i32 to index
      %get3A_160 = arith.constant 48 : index
      %get3A_161 = tpu.vector_load %arg8[%get3A_158, %get3A_159, %get3A_160] {strides = array<i32>} : memref<4x2x128xi32, #tpu.memory_space<vmem>>, vector<16xi32>,
      tpu.vector_store_idx %arg10[%get3A_161], %broadcast_in_dim3A_8 {add = true} : memref<10240xf32, #tpu.memory_space<vmem>>[vector<16xi32>], vector<16xf32>,
      %get3A_162 = arith.constant 0 : i32
      %get3A_163 = arith.constant 1 : i32
      %get3A_164 = arith.index_cast %get3A_162 : i32 to index
      %get3A_165 = arith.index_cast %get3A_163 : i32 to index
      %get3A_166 = arith.constant 64 : index
      %get3A_167 = tpu.vector_load %arg8[%get3A_164, %get3A_165, %get3A_166] {strides = array<i32>} : memref<4x2x128xi32, #tpu.memory_space<vmem>>, vector<16xi32>,
      tpu.vector_store_idx %arg10[%get3A_167], %broadcast_in_dim3A_8 {add = true} : memref<10240xf32, #tpu.memory_space<vmem>>[vector<16xi32>], vector<16xf32>,
      %get3A_168 = arith.constant 0 : i32
      %get3A_169 = arith.constant 1 : i32
      %get3A_170 = arith.index_cast %get3A_168 : i32 to index
      %get3A_171 = arith.index_cast %get3A_169 : i32 to index
      %get3A_172 = arith.constant 80 : index
      %get3A_173 = tpu.vector_load %arg8[%get3A_170, %get3A_171, %get3A_172] {strides = array<i32>} : memref<4x2x128xi32, #tpu.memory_space<vmem>>, vector<16xi32>,
      tpu.vector_store_idx %arg10[%get3A_173], %broadcast_in_dim3A_8 {add = true} : memref<10240xf32, #tpu.memory_space<vmem>>[vector<16xi32>], vector<16xf32>,
      %get3A_174 = arith.constant 0 : i32
      %get3A_175 = arith.constant 1 : i32
      %get3A_176 = arith.index_cast %get3A_174 : i32 to index
      %get3A_177 = arith.index_cast %get3A_175 : i32 to index
      %get3A_178 = arith.constant 96 : index
      %get3A_179 = tpu.vector_load %arg8[%get3A_176, %get3A_177, %get3A_178] {strides = array<i32>} : memref<4x2x128xi32, #tpu.memory_space<vmem>>, vector<16xi32>,
      tpu.vector_store_idx %arg10[%get3A_179], %broadcast_in_dim3A_8 {add = true} : memref<10240xf32, #tpu.memory_space<vmem>>[vector<16xi32>], vector<16xf32>,
      %get3A_180 = arith.constant 0 : i32
      %get3A_181 = arith.constant 1 : i32
      %get3A_182 = arith.index_cast %get3A_180 : i32 to index
      %get3A_183 = arith.index_cast %get3A_181 : i32 to index
      %get3A_184 = arith.constant 112 : index
      %get3A_185 = tpu.vector_load %arg8[%get3A_182, %get3A_183, %get3A_184] {strides = array<i32>} : memref<4x2x128xi32, #tpu.memory_space<vmem>>, vector<16xi32>,
      tpu.vector_store_idx %arg10[%get3A_185], %broadcast_in_dim3A_8 {add = true} : memref<10240xf32, #tpu.memory_space<vmem>>[vector<16xi32>], vector<16xf32>,
      %dma_wait3A_186 = arith.constant 1 : i32
      %dma_wait3A_187 = arith.constant 3 : i32
      %dma_wait3A_188 = arith.constant 1 : i32
      %dma_wait3A_189 = arith.constant 0 : i32
      %dma_wait3A_190 = arith.constant 0 : i32
      %dma_wait3A_191 = tpu.memref_slice %arg9[%dma_wait3A_186, %dma_wait3A_189, %dma_wait3A_190] : memref<2x128x128xf32, #tpu.memory_space<vmem>> -> memref<1x128x128xf32, #tpu.memory_space<vmem>>
      %dma_wait3A_192 = tpu.memref_squeeze %dma_wait3A_191 : memref<1x128x128xf32, #tpu.memory_space<vmem>> -> memref<128x128xf32, #tpu.memory_space<vmem>>
      %dma_wait3A_193 = arith.constant 0 : i32
      %dma_wait3A_194 = tpu.memref_slice %arg8[%dma_wait3A_187, %dma_wait3A_188, %dma_wait3A_193] : memref<4x2x128xi32, #tpu.memory_space<vmem>> -> memref<1x1x128xi32, #tpu.memory_space<vmem>>
      %dma_wait3A_195 = tpu.memref_squeeze %dma_wait3A_194 : memref<1x1x128xi32, #tpu.memory_space<vmem>> -> memref<128xi32, #tpu.memory_space<vmem>>
      %dma_wait3A_196 = arith.constant 0 : i32
      %dma_wait3A_197 = arith.constant 0 : i32
      %dma_wait3A_198 = tpu.memref_slice %arg11[%dma_wait3A_196, %dma_wait3A_197] : memref<10240x128xf32, #tpu.memory_space<vmem_shared>> -> memref<10240x128xf32, #tpu.memory_space<vmem_shared>>
      tpu.wait_indirect_dma semaphore(%arg15 : memref<!tpu.dma_semaphore, #tpu.memory_space<semaphore_mem>>) src(%dma_wait3A_192 : memref<128x128xf32, #tpu.memory_space<vmem>>) dst(%dma_wait3A_198 : memref<10240x128xf32, #tpu.memory_space<vmem_shared>>)
      %dma_wait3A_199 = arith.constant 0 : i32
      %dma_wait3A_200 = arith.constant 0 : i32
      %dma_wait3A_201 = arith.constant 1 : i32
      %dma_wait3A_202 = arith.constant 0 : i32
      %dma_wait3A_203 = arith.constant 0 : i32
      %dma_wait3A_204 = tpu.memref_slice %arg9[%dma_wait3A_199, %dma_wait3A_202, %dma_wait3A_203] : memref<2x128x128xf32, #tpu.memory_space<vmem>> -> memref<1x128x128xf32, #tpu.memory_space<vmem>>
      %dma_wait3A_205 = tpu.memref_squeeze %dma_wait3A_204 : memref<1x128x128xf32, #tpu.memory_space<vmem>> -> memref<128x128xf32, #tpu.memory_space<vmem>>
      %dma_wait3A_206 = arith.constant 0 : i32
      %dma_wait3A_207 = tpu.memref_slice %arg8[%dma_wait3A_200, %dma_wait3A_201, %dma_wait3A_206] : memref<4x2x128xi32, #tpu.memory_space<vmem>> -> memref<1x1x128xi32, #tpu.memory_space<vmem>>
      %dma_wait3A_208 = tpu.memref_squeeze %dma_wait3A_207 : memref<1x1x128xi32, #tpu.memory_space<vmem>> -> memref<128xi32, #tpu.memory_space<vmem>>
      %dma_wait3A_209 = arith.constant 0 : i32
      %dma_wait3A_210 = arith.constant 0 : i32
      %dma_wait3A_211 = tpu.memref_slice %arg11[%dma_wait3A_209, %dma_wait3A_210] : memref<10240x128xf32, #tpu.memory_space<vmem_shared>> -> memref<10240x128xf32, #tpu.memory_space<vmem_shared>>
      tpu.wait_indirect_dma semaphore(%arg14 : memref<!tpu.dma_semaphore, #tpu.memory_space<semaphore_mem>>) src(%dma_wait3A_205 : memref<128x128xf32, #tpu.memory_space<vmem>>) dst(%dma_wait3A_211 : memref<10240x128xf32, #tpu.memory_space<vmem_shared>>)
      %add3A_212 = arith.constant 1 : i32
      %add3A_213 = arith.addi %sub3A_81, %add3A_212 : i32
      %min3A_214 = arith.constant 2499 : i32
      %min3A_215 = arith.minsi %add3A_213, %min3A_214 : i32
      %dma_wait3A_216 = arith.constant 1 : i32
      %dma_wait3A_217 = arith.constant 0 : i32
      %dma_wait3A_218 = arith.constant 0 : i32
      %dma_wait3A_219 = tpu.memref_slice %arg8[%dma_wait3A_216, %dma_wait3A_217, %dma_wait3A_218] : memref<4x2x128xi32, #tpu.memory_space<vmem>> -> memref<1x2x128xi32, #tpu.memory_space<vmem>>
      %dma_wait3A_220 = tpu.memref_squeeze %dma_wait3A_219 : memref<1x2x128xi32, #tpu.memory_space<vmem>> -> memref<2x128xi32, #tpu.memory_space<vmem>>
      %dma_wait3A_221 = arith.constant 0 : i32
      %dma_wait3A_222 = arith.constant 0 : i32
      %dma_wait3A_223 = tpu.memref_slice %arg3[%arg0, %min3A_215, %dma_wait3A_221, %dma_wait3A_222] : memref<2x2500x2x128xi32, #tpu.memory_space<hbm>> -> memref<1x1x2x128xi32, #tpu.memory_space<hbm>>
      %dma_wait3A_224 = tpu.memref_squeeze %dma_wait3A_223 : memref<1x1x2x128xi32, #tpu.memory_space<hbm>> -> memref<2x128xi32, #tpu.memory_space<hbm>>
      %dma_wait3A_225 = arith.constant 0 : i32
      %dma_wait3A_226 = arith.constant 0 : i32
      %dma_wait3A_227 = tpu.memref_slice %arg8[%dma_wait3A_216, %dma_wait3A_225, %dma_wait3A_226] : memref<4x2x128xi32, #tpu.memory_space<vmem>> -> memref<1x2x128xi32, #tpu.memory_space<vmem>>
      %dma_wait3A_228 = tpu.memref_squeeze %dma_wait3A_227 : memref<1x2x128xi32, #tpu.memory_space<vmem>> -> memref<2x128xi32, #tpu.memory_space<vmem>>
      %dma_wait3A_229 = arith.constant 0 : i32
      %dma_wait3A_230 = arith.constant 0 : i32
      %dma_wait3A_231 = tpu.memref_slice %arg3[%arg0, %min3A_215, %dma_wait3A_229, %dma_wait3A_230] : memref<2x2500x2x128xi32, #tpu.memory_space<hbm>> -> memref<1x1x2x128xi32, #tpu.memory_space<hbm>>
      %dma_wait3A_232 = tpu.memref_squeeze %dma_wait3A_231 : memref<1x1x2x128xi32, #tpu.memory_space<hbm>> -> memref<2x128xi32, #tpu.memory_space<hbm>>
      tpu.wait_dma2 semaphore(%arg16 : memref<!tpu.dma_semaphore, #tpu.memory_space<semaphore_mem>>) src(%dma_wait3A_232 : memref<2x128xi32, #tpu.memory_space<hbm>>) dst(%dma_wait3A_228 : memref<2x128xi32, #tpu.memory_space<vmem>>)
    } else {
    }
    %and3A_89 = arith.constant 3 : i32
    %and3A_90 = arith.andi %sub3A_81, %and3A_89 : i32
    %eq3A_91 = arith.constant 1 : i32
    %eq3A_92 = arith.cmpi eq, %and3A_90, %eq3A_91 : i32
    %convert_element_type3A_93 = arith.extui %eq3A_92 : i1 to i32
    %cond3A_94 = arith.constant 0 : i32
    %cond3A_95 = arith.cmpi ne, %convert_element_type3A_93, %cond3A_94 : i32
    scf.if %cond3A_95 {
      %dma_wait3A = arith.constant 1 : i32
      %dma_wait3A_115 = arith.constant 0 : i32
      %dma_wait3A_116 = arith.constant 1 : i32
      %dma_wait3A_117 = arith.constant 0 : i32
      %dma_wait3A_118 = arith.constant 0 : i32
      %dma_wait3A_119 = tpu.memref_slice %arg9[%dma_wait3A_116, %dma_wait3A_117, %dma_wait3A_118] : memref<2x128x128xf32, #tpu.memory_space<vmem>> -> memref<1x128x128xf32, #tpu.memory_space<vmem>>
      %dma_wait3A_120 = tpu.memref_squeeze %dma_wait3A_119 : memref<1x128x128xf32, #tpu.memory_space<vmem>> -> memref<128x128xf32, #tpu.memory_space<vmem>>
      %dma_wait3A_121 = arith.constant 0 : i32
      %dma_wait3A_122 = tpu.memref_slice %arg8[%dma_wait3A, %dma_wait3A_115, %dma_wait3A_121] : memref<4x2x128xi32, #tpu.memory_space<vmem>> -> memref<1x1x128xi32, #tpu.memory_space<vmem>>
      %dma_wait3A_123 = tpu.memref_squeeze %dma_wait3A_122 : memref<1x1x128xi32, #tpu.memory_space<vmem>> -> memref<128xi32, #tpu.memory_space<vmem>>
      %dma_wait3A_124 = arith.constant 0 : i32
      %dma_wait3A_125 = arith.constant 0 : i32
      %dma_wait3A_126 = tpu.memref_slice %arg2[%dma_wait3A_124, %dma_wait3A_125] : memref<10000x128xf32, #tpu.memory_space<hbm>> -> memref<10000x128xf32, #tpu.memory_space<hbm>>
      tpu.wait_indirect_dma semaphore(%arg13 : memref<!tpu.dma_semaphore, #tpu.memory_space<semaphore_mem>>) src(%dma_wait3A_126 : memref<10000x128xf32, #tpu.memory_space<hbm>>) dst(%dma_wait3A_120 : memref<128x128xf32, #tpu.memory_space<vmem>>)
      %dma_start3A = arith.constant 1 : i32
      %dma_start3A_127 = arith.constant 1 : i32
      %dma_start3A_128 = arith.constant 1 : i32
      %dma_start3A_129 = arith.constant 0 : i32
      %dma_start3A_130 = arith.constant 0 : i32
      %dma_start3A_131 = tpu.memref_slice %arg9[%dma_start3A, %dma_start3A_129, %dma_start3A_130] : memref<2x128x128xf32, #tpu.memory_space<vmem>> -> memref<1x128x128xf32, #tpu.memory_space<vmem>>
      %dma_start3A_132 = tpu.memref_squeeze %dma_start3A_131 : memref<1x128x128xf32, #tpu.memory_space<vmem>> -> memref<128x128xf32, #tpu.memory_space<vmem>>
      %dma_start3A_133 = arith.constant 0 : i32
      %dma_start3A_134 = tpu.memref_slice %arg8[%dma_start3A_127, %dma_start3A_128, %dma_start3A_133] : memref<4x2x128xi32, #tpu.memory_space<vmem>> -> memref<1x1x128xi32, #tpu.memory_space<vmem>>
      %dma_start3A_135 = tpu.memref_squeeze %dma_start3A_134 : memref<1x1x128xi32, #tpu.memory_space<vmem>> -> memref<128xi32, #tpu.memory_space<vmem>>
      %dma_start3A_136 = arith.constant 0 : i32
      %dma_start3A_137 = arith.constant 0 : i32
      %dma_start3A_138 = tpu.memref_slice %arg11[%dma_start3A_136, %dma_start3A_137] : memref<10240x128xf32, #tpu.memory_space<vmem_shared>> -> memref<10240x128xf32, #tpu.memory_space<vmem_shared>>
      tpu.enqueue_indirect_dma source(%dma_start3A_132 : memref<128x128xf32, #tpu.memory_space<vmem>>) target(%dma_start3A_138 : memref<10240x128xf32, #tpu.memory_space<vmem_shared>>) offsets(%dma_start3A_135 : memref<128xi32, #tpu.memory_space<vmem>>) semaphore(%arg15 : memref<!tpu.dma_semaphore, #tpu.memory_space<semaphore_mem>>) {add = true}
      %get3A = arith.constant 1 : i32
      %get3A_139 = arith.constant 1 : i32
      %get3A_140 = arith.index_cast %get3A : i32 to index
      %get3A_141 = arith.index_cast %get3A_139 : i32 to index
      %get3A_142 = arith.constant 0 : index
      %get3A_143 = tpu.vector_load %arg8[%get3A_140, %get3A_141, %get3A_142] {strides = array<i32>} : memref<4x2x128xi32, #tpu.memory_space<vmem>>, vector<16xi32>,
      tpu.vector_store_idx %arg10[%get3A_143], %broadcast_in_dim3A_8 {add = true} : memref<10240xf32, #tpu.memory_space<vmem>>[vector<16xi32>], vector<16xf32>,
      %get3A_144 = arith.constant 1 : i32
      %get3A_145 = arith.constant 1 : i32
      %get3A_146 = arith.index_cast %get3A_144 : i32 to index
      %get3A_147 = arith.index_cast %get3A_145 : i32 to index
      %get3A_148 = arith.constant 16 : index
      %get3A_149 = tpu.vector_load %arg8[%get3A_146, %get3A_147, %get3A_148] {strides = array<i32>} : memref<4x2x128xi32, #tpu.memory_space<vmem>>, vector<16xi32>,
      tpu.vector_store_idx %arg10[%get3A_149], %broadcast_in_dim3A_8 {add = true} : memref<10240xf32, #tpu.memory_space<vmem>>[vector<16xi32>], vector<16xf32>,
      %get3A_150 = arith.constant 1 : i32
      %get3A_151 = arith.constant 1 : i32
      %get3A_152 = arith.index_cast %get3A_150 : i32 to index
      %get3A_153 = arith.index_cast %get3A_151 : i32 to index
      %get3A_154 = arith.constant 32 : index
      %get3A_155 = tpu.vector_load %arg8[%get3A_152, %get3A_153, %get3A_154] {strides = array<i32>} : memref<4x2x128xi32, #tpu.memory_space<vmem>>, vector<16xi32>,
      tpu.vector_store_idx %arg10[%get3A_155], %broadcast_in_dim3A_8 {add = true} : memref<10240xf32, #tpu.memory_space<vmem>>[vector<16xi32>], vector<16xf32>,
      %get3A_156 = arith.constant 1 : i32
      %get3A_157 = arith.constant 1 : i32
      %get3A_158 = arith.index_cast %get3A_156 : i32 to index
      %get3A_159 = arith.index_cast %get3A_157 : i32 to index
      %get3A_160 = arith.constant 48 : index
      %get3A_161 = tpu.vector_load %arg8[%get3A_158, %get3A_159, %get3A_160] {strides = array<i32>} : memref<4x2x128xi32, #tpu.memory_space<vmem>>, vector<16xi32>,
      tpu.vector_store_idx %arg10[%get3A_161], %broadcast_in_dim3A_8 {add = true} : memref<10240xf32, #tpu.memory_space<vmem>>[vector<16xi32>], vector<16xf32>,
      %get3A_162 = arith.constant 1 : i32
      %get3A_163 = arith.constant 1 : i32
      %get3A_164 = arith.index_cast %get3A_162 : i32 to index
      %get3A_165 = arith.index_cast %get3A_163 : i32 to index
      %get3A_166 = arith.constant 64 : index
      %get3A_167 = tpu.vector_load %arg8[%get3A_164, %get3A_165, %get3A_166] {strides = array<i32>} : memref<4x2x128xi32, #tpu.memory_space<vmem>>, vector<16xi32>,
      tpu.vector_store_idx %arg10[%get3A_167], %broadcast_in_dim3A_8 {add = true} : memref<10240xf32, #tpu.memory_space<vmem>>[vector<16xi32>], vector<16xf32>,
      %get3A_168 = arith.constant 1 : i32
      %get3A_169 = arith.constant 1 : i32
      %get3A_170 = arith.index_cast %get3A_168 : i32 to index
      %get3A_171 = arith.index_cast %get3A_169 : i32 to index
      %get3A_172 = arith.constant 80 : index
      %get3A_173 = tpu.vector_load %arg8[%get3A_170, %get3A_171, %get3A_172] {strides = array<i32>} : memref<4x2x128xi32, #tpu.memory_space<vmem>>, vector<16xi32>,
      tpu.vector_store_idx %arg10[%get3A_173], %broadcast_in_dim3A_8 {add = true} : memref<10240xf32, #tpu.memory_space<vmem>>[vector<16xi32>], vector<16xf32>,
      %get3A_174 = arith.constant 1 : i32
      %get3A_175 = arith.constant 1 : i32
      %get3A_176 = arith.index_cast %get3A_174 : i32 to index
      %get3A_177 = arith.index_cast %get3A_175 : i32 to index
      %get3A_178 = arith.constant 96 : index
      %get3A_179 = tpu.vector_load %arg8[%get3A_176, %get3A_177, %get3A_178] {strides = array<i32>} : memref<4x2x128xi32, #tpu.memory_space<vmem>>, vector<16xi32>,
      tpu.vector_store_idx %arg10[%get3A_179], %broadcast_in_dim3A_8 {add = true} : memref<10240xf32, #tpu.memory_space<vmem>>[vector<16xi32>], vector<16xf32>,
      %get3A_180 = arith.constant 1 : i32
      %get3A_181 = arith.constant 1 : i32
      %get3A_182 = arith.index_cast %get3A_180 : i32 to index
      %get3A_183 = arith.index_cast %get3A_181 : i32 to index
      %get3A_184 = arith.constant 112 : index
      %get3A_185 = tpu.vector_load %arg8[%get3A_182, %get3A_183, %get3A_184] {strides = array<i32>} : memref<4x2x128xi32, #tpu.memory_space<vmem>>, vector<16xi32>,
      tpu.vector_store_idx %arg10[%get3A_185], %broadcast_in_dim3A_8 {add = true} : memref<10240xf32, #tpu.memory_space<vmem>>[vector<16xi32>], vector<16xf32>,
      %dma_wait3A_186 = arith.constant 0 : i32
      %dma_wait3A_187 = arith.constant 0 : i32
      %dma_wait3A_188 = arith.constant 1 : i32
      %dma_wait3A_189 = arith.constant 0 : i32
      %dma_wait3A_190 = arith.constant 0 : i32
      %dma_wait3A_191 = tpu.memref_slice %arg9[%dma_wait3A_186, %dma_wait3A_189, %dma_wait3A_190] : memref<2x128x128xf32, #tpu.memory_space<vmem>> -> memref<1x128x128xf32, #tpu.memory_space<vmem>>
      %dma_wait3A_192 = tpu.memref_squeeze %dma_wait3A_191 : memref<1x128x128xf32, #tpu.memory_space<vmem>> -> memref<128x128xf32, #tpu.memory_space<vmem>>
      %dma_wait3A_193 = arith.constant 0 : i32
      %dma_wait3A_194 = tpu.memref_slice %arg8[%dma_wait3A_187, %dma_wait3A_188, %dma_wait3A_193] : memref<4x2x128xi32, #tpu.memory_space<vmem>> -> memref<1x1x128xi32, #tpu.memory_space<vmem>>
      %dma_wait3A_195 = tpu.memref_squeeze %dma_wait3A_194 : memref<1x1x128xi32, #tpu.memory_space<vmem>> -> memref<128xi32, #tpu.memory_space<vmem>>
      %dma_wait3A_196 = arith.constant 0 : i32
      %dma_wait3A_197 = arith.constant 0 : i32
      %dma_wait3A_198 = tpu.memref_slice %arg11[%dma_wait3A_196, %dma_wait3A_197] : memref<10240x128xf32, #tpu.memory_space<vmem_shared>> -> memref<10240x128xf32, #tpu.memory_space<vmem_shared>>
      tpu.wait_indirect_dma semaphore(%arg14 : memref<!tpu.dma_semaphore, #tpu.memory_space<semaphore_mem>>) src(%dma_wait3A_192 : memref<128x128xf32, #tpu.memory_space<vmem>>) dst(%dma_wait3A_198 : memref<10240x128xf32, #tpu.memory_space<vmem_shared>>)
      %dma_wait3A_199 = arith.constant 1 : i32
      %dma_wait3A_200 = arith.constant 1 : i32
      %dma_wait3A_201 = arith.constant 1 : i32
      %dma_wait3A_202 = arith.constant 0 : i32
      %dma_wait3A_203 = arith.constant 0 : i32
      %dma_wait3A_204 = tpu.memref_slice %arg9[%dma_wait3A_199, %dma_wait3A_202, %dma_wait3A_203] : memref<2x128x128xf32, #tpu.memory_space<vmem>> -> memref<1x128x128xf32, #tpu.memory_space<vmem>>
      %dma_wait3A_205 = tpu.memref_squeeze %dma_wait3A_204 : memref<1x128x128xf32, #tpu.memory_space<vmem>> -> memref<128x128xf32, #tpu.memory_space<vmem>>
      %dma_wait3A_206 = arith.constant 0 : i32
      %dma_wait3A_207 = tpu.memref_slice %arg8[%dma_wait3A_200, %dma_wait3A_201, %dma_wait3A_206] : memref<4x2x128xi32, #tpu.memory_space<vmem>> -> memref<1x1x128xi32, #tpu.memory_space<vmem>>
      %dma_wait3A_208 = tpu.memref_squeeze %dma_wait3A_207 : memref<1x1x128xi32, #tpu.memory_space<vmem>> -> memref<128xi32, #tpu.memory_space<vmem>>
      %dma_wait3A_209 = arith.constant 0 : i32
      %dma_wait3A_210 = arith.constant 0 : i32
      %dma_wait3A_211 = tpu.memref_slice %arg11[%dma_wait3A_209, %dma_wait3A_210] : memref<10240x128xf32, #tpu.memory_space<vmem_shared>> -> memref<10240x128xf32, #tpu.memory_space<vmem_shared>>
      tpu.wait_indirect_dma semaphore(%arg15 : memref<!tpu.dma_semaphore, #tpu.memory_space<semaphore_mem>>) src(%dma_wait3A_205 : memref<128x128xf32, #tpu.memory_space<vmem>>) dst(%dma_wait3A_211 : memref<10240x128xf32, #tpu.memory_space<vmem_shared>>)
      %add3A_212 = arith.constant 1 : i32
      %add3A_213 = arith.addi %sub3A_81, %add3A_212 : i32
      %min3A_214 = arith.constant 2499 : i32
      %min3A_215 = arith.minsi %add3A_213, %min3A_214 : i32
      %dma_wait3A_216 = arith.constant 2 : i32
      %dma_wait3A_217 = arith.constant 0 : i32
      %dma_wait3A_218 = arith.constant 0 : i32
      %dma_wait3A_219 = tpu.memref_slice %arg8[%dma_wait3A_216, %dma_wait3A_217, %dma_wait3A_218] : memref<4x2x128xi32, #tpu.memory_space<vmem>> -> memref<1x2x128xi32, #tpu.memory_space<vmem>>
      %dma_wait3A_220 = tpu.memref_squeeze %dma_wait3A_219 : memref<1x2x128xi32, #tpu.memory_space<vmem>> -> memref<2x128xi32, #tpu.memory_space<vmem>>
      %dma_wait3A_221 = arith.constant 0 : i32
      %dma_wait3A_222 = arith.constant 0 : i32
      %dma_wait3A_223 = tpu.memref_slice %arg3[%arg0, %min3A_215, %dma_wait3A_221, %dma_wait3A_222] : memref<2x2500x2x128xi32, #tpu.memory_space<hbm>> -> memref<1x1x2x128xi32, #tpu.memory_space<hbm>>
      %dma_wait3A_224 = tpu.memref_squeeze %dma_wait3A_223 : memref<1x1x2x128xi32, #tpu.memory_space<hbm>> -> memref<2x128xi32, #tpu.memory_space<hbm>>
      %dma_wait3A_225 = arith.constant 0 : i32
      %dma_wait3A_226 = arith.constant 0 : i32
      %dma_wait3A_227 = tpu.memref_slice %arg8[%dma_wait3A_216, %dma_wait3A_225, %dma_wait3A_226] : memref<4x2x128xi32, #tpu.memory_space<vmem>> -> memref<1x2x128xi32, #tpu.memory_space<vmem>>
      %dma_wait3A_228 = tpu.memref_squeeze %dma_wait3A_227 : memref<1x2x128xi32, #tpu.memory_space<vmem>> -> memref<2x128xi32, #tpu.memory_space<vmem>>
      %dma_wait3A_229 = arith.constant 0 : i32
      %dma_wait3A_230 = arith.constant 0 : i32
      %dma_wait3A_231 = tpu.memref_slice %arg3[%arg0, %min3A_215, %dma_wait3A_229, %dma_wait3A_230] : memref<2x2500x2x128xi32, #tpu.memory_space<hbm>> -> memref<1x1x2x128xi32, #tpu.memory_space<hbm>>
      %dma_wait3A_232 = tpu.memref_squeeze %dma_wait3A_231 : memref<1x1x2x128xi32, #tpu.memory_space<hbm>> -> memref<2x128xi32, #tpu.memory_space<hbm>>
      tpu.wait_dma2 semaphore(%arg16 : memref<!tpu.dma_semaphore, #tpu.memory_space<semaphore_mem>>) src(%dma_wait3A_232 : memref<2x128xi32, #tpu.memory_space<hbm>>) dst(%dma_wait3A_228 : memref<2x128xi32, #tpu.memory_space<vmem>>)
    } else {
    }
    %and3A_96 = arith.constant 3 : i32
    %and3A_97 = arith.andi %sub3A_81, %and3A_96 : i32
    %eq3A_98 = arith.constant 2 : i32
    %eq3A_99 = arith.cmpi eq, %and3A_97, %eq3A_98 : i32
    %convert_element_type3A_100 = arith.extui %eq3A_99 : i1 to i32
    %cond3A_101 = arith.constant 0 : i32
    %cond3A_102 = arith.cmpi ne, %convert_element_type3A_100, %cond3A_101 : i32
    scf.if %cond3A_102 {
      %dma_wait3A = arith.constant 2 : i32
      %dma_wait3A_115 = arith.constant 0 : i32
      %dma_wait3A_116 = arith.constant 0 : i32
      %dma_wait3A_117 = arith.constant 0 : i32
      %dma_wait3A_118 = arith.constant 0 : i32
      %dma_wait3A_119 = tpu.memref_slice %arg9[%dma_wait3A_116, %dma_wait3A_117, %dma_wait3A_118] : memref<2x128x128xf32, #tpu.memory_space<vmem>> -> memref<1x128x128xf32, #tpu.memory_space<vmem>>
      %dma_wait3A_120 = tpu.memref_squeeze %dma_wait3A_119 : memref<1x128x128xf32, #tpu.memory_space<vmem>> -> memref<128x128xf32, #tpu.memory_space<vmem>>
      %dma_wait3A_121 = arith.constant 0 : i32
      %dma_wait3A_122 = tpu.memref_slice %arg8[%dma_wait3A, %dma_wait3A_115, %dma_wait3A_121] : memref<4x2x128xi32, #tpu.memory_space<vmem>> -> memref<1x1x128xi32, #tpu.memory_space<vmem>>
      %dma_wait3A_123 = tpu.memref_squeeze %dma_wait3A_122 : memref<1x1x128xi32, #tpu.memory_space<vmem>> -> memref<128xi32, #tpu.memory_space<vmem>>
      %dma_wait3A_124 = arith.constant 0 : i32
      %dma_wait3A_125 = arith.constant 0 : i32
      %dma_wait3A_126 = tpu.memref_slice %arg2[%dma_wait3A_124, %dma_wait3A_125] : memref<10000x128xf32, #tpu.memory_space<hbm>> -> memref<10000x128xf32, #tpu.memory_space<hbm>>
      tpu.wait_indirect_dma semaphore(%arg12 : memref<!tpu.dma_semaphore, #tpu.memory_space<semaphore_mem>>) src(%dma_wait3A_126 : memref<10000x128xf32, #tpu.memory_space<hbm>>) dst(%dma_wait3A_120 : memref<128x128xf32, #tpu.memory_space<vmem>>)
      %dma_start3A = arith.constant 0 : i32
      %dma_start3A_127 = arith.constant 2 : i32
      %dma_start3A_128 = arith.constant 1 : i32
      %dma_start3A_129 = arith.constant 0 : i32
      %dma_start3A_130 = arith.constant 0 : i32
      %dma_start3A_131 = tpu.memref_slice %arg9[%dma_start3A, %dma_start3A_129, %dma_start3A_130] : memref<2x128x128xf32, #tpu.memory_space<vmem>> -> memref<1x128x128xf32, #tpu.memory_space<vmem>>
      %dma_start3A_132 = tpu.memref_squeeze %dma_start3A_131 : memref<1x128x128xf32, #tpu.memory_space<vmem>> -> memref<128x128xf32, #tpu.memory_space<vmem>>
      %dma_start3A_133 = arith.constant 0 : i32
      %dma_start3A_134 = tpu.memref_slice %arg8[%dma_start3A_127, %dma_start3A_128, %dma_start3A_133] : memref<4x2x128xi32, #tpu.memory_space<vmem>> -> memref<1x1x128xi32, #tpu.memory_space<vmem>>
      %dma_start3A_135 = tpu.memref_squeeze %dma_start3A_134 : memref<1x1x128xi32, #tpu.memory_space<vmem>> -> memref<128xi32, #tpu.memory_space<vmem>>
      %dma_start3A_136 = arith.constant 0 : i32
      %dma_start3A_137 = arith.constant 0 : i32
      %dma_start3A_138 = tpu.memref_slice %arg11[%dma_start3A_136, %dma_start3A_137] : memref<10240x128xf32, #tpu.memory_space<vmem_shared>> -> memref<10240x128xf32, #tpu.memory_space<vmem_shared>>
      tpu.enqueue_indirect_dma source(%dma_start3A_132 : memref<128x128xf32, #tpu.memory_space<vmem>>) target(%dma_start3A_138 : memref<10240x128xf32, #tpu.memory_space<vmem_shared>>) offsets(%dma_start3A_135 : memref<128xi32, #tpu.memory_space<vmem>>) semaphore(%arg14 : memref<!tpu.dma_semaphore, #tpu.memory_space<semaphore_mem>>) {add = true}
      %get3A = arith.constant 2 : i32
      %get3A_139 = arith.constant 1 : i32
      %get3A_140 = arith.index_cast %get3A : i32 to index
      %get3A_141 = arith.index_cast %get3A_139 : i32 to index
      %get3A_142 = arith.constant 0 : index
      %get3A_143 = tpu.vector_load %arg8[%get3A_140, %get3A_141, %get3A_142] {strides = array<i32>} : memref<4x2x128xi32, #tpu.memory_space<vmem>>, vector<16xi32>,
      tpu.vector_store_idx %arg10[%get3A_143], %broadcast_in_dim3A_8 {add = true} : memref<10240xf32, #tpu.memory_space<vmem>>[vector<16xi32>], vector<16xf32>,
      %get3A_144 = arith.constant 2 : i32
      %get3A_145 = arith.constant 1 : i32
      %get3A_146 = arith.index_cast %get3A_144 : i32 to index
      %get3A_147 = arith.index_cast %get3A_145 : i32 to index
      %get3A_148 = arith.constant 16 : index
      %get3A_149 = tpu.vector_load %arg8[%get3A_146, %get3A_147, %get3A_148] {strides = array<i32>} : memref<4x2x128xi32, #tpu.memory_space<vmem>>, vector<16xi32>,
      tpu.vector_store_idx %arg10[%get3A_149], %broadcast_in_dim3A_8 {add = true} : memref<10240xf32, #tpu.memory_space<vmem>>[vector<16xi32>], vector<16xf32>,
      %get3A_150 = arith.constant 2 : i32
      %get3A_151 = arith.constant 1 : i32
      %get3A_152 = arith.index_cast %get3A_150 : i32 to index
      %get3A_153 = arith.index_cast %get3A_151 : i32 to index
      %get3A_154 = arith.constant 32 : index
      %get3A_155 = tpu.vector_load %arg8[%get3A_152, %get3A_153, %get3A_154] {strides = array<i32>} : memref<4x2x128xi32, #tpu.memory_space<vmem>>, vector<16xi32>,
      tpu.vector_store_idx %arg10[%get3A_155], %broadcast_in_dim3A_8 {add = true} : memref<10240xf32, #tpu.memory_space<vmem>>[vector<16xi32>], vector<16xf32>,
      %get3A_156 = arith.constant 2 : i32
      %get3A_157 = arith.constant 1 : i32
      %get3A_158 = arith.index_cast %get3A_156 : i32 to index
      %get3A_159 = arith.index_cast %get3A_157 : i32 to index
      %get3A_160 = arith.constant 48 : index
      %get3A_161 = tpu.vector_load %arg8[%get3A_158, %get3A_159, %get3A_160] {strides = array<i32>} : memref<4x2x128xi32, #tpu.memory_space<vmem>>, vector<16xi32>,
      tpu.vector_store_idx %arg10[%get3A_161], %broadcast_in_dim3A_8 {add = true} : memref<10240xf32, #tpu.memory_space<vmem>>[vector<16xi32>], vector<16xf32>,
      %get3A_162 = arith.constant 2 : i32
      %get3A_163 = arith.constant 1 : i32
      %get3A_164 = arith.index_cast %get3A_162 : i32 to index
      %get3A_165 = arith.index_cast %get3A_163 : i32 to index
      %get3A_166 = arith.constant 64 : index
      %get3A_167 = tpu.vector_load %arg8[%get3A_164, %get3A_165, %get3A_166] {strides = array<i32>} : memref<4x2x128xi32, #tpu.memory_space<vmem>>, vector<16xi32>,
      tpu.vector_store_idx %arg10[%get3A_167], %broadcast_in_dim3A_8 {add = true} : memref<10240xf32, #tpu.memory_space<vmem>>[vector<16xi32>], vector<16xf32>,
      %get3A_168 = arith.constant 2 : i32
      %get3A_169 = arith.constant 1 : i32
      %get3A_170 = arith.index_cast %get3A_168 : i32 to index
      %get3A_171 = arith.index_cast %get3A_169 : i32 to index
      %get3A_172 = arith.constant 80 : index
      %get3A_173 = tpu.vector_load %arg8[%get3A_170, %get3A_171, %get3A_172] {strides = array<i32>} : memref<4x2x128xi32, #tpu.memory_space<vmem>>, vector<16xi32>,
      tpu.vector_store_idx %arg10[%get3A_173], %broadcast_in_dim3A_8 {add = true} : memref<10240xf32, #tpu.memory_space<vmem>>[vector<16xi32>], vector<16xf32>,
      %get3A_174 = arith.constant 2 : i32
      %get3A_175 = arith.constant 1 : i32
      %get3A_176 = arith.index_cast %get3A_174 : i32 to index
      %get3A_177 = arith.index_cast %get3A_175 : i32 to index
      %get3A_178 = arith.constant 96 : index
      %get3A_179 = tpu.vector_load %arg8[%get3A_176, %get3A_177, %get3A_178] {strides = array<i32>} : memref<4x2x128xi32, #tpu.memory_space<vmem>>, vector<16xi32>,
      tpu.vector_store_idx %arg10[%get3A_179], %broadcast_in_dim3A_8 {add = true} : memref<10240xf32, #tpu.memory_space<vmem>>[vector<16xi32>], vector<16xf32>,
      %get3A_180 = arith.constant 2 : i32
      %get3A_181 = arith.constant 1 : i32
      %get3A_182 = arith.index_cast %get3A_180 : i32 to index
      %get3A_183 = arith.index_cast %get3A_181 : i32 to index
      %get3A_184 = arith.constant 112 : index
      %get3A_185 = tpu.vector_load %arg8[%get3A_182, %get3A_183, %get3A_184] {strides = array<i32>} : memref<4x2x128xi32, #tpu.memory_space<vmem>>, vector<16xi32>,
      tpu.vector_store_idx %arg10[%get3A_185], %broadcast_in_dim3A_8 {add = true} : memref<10240xf32, #tpu.memory_space<vmem>>[vector<16xi32>], vector<16xf32>,
      %dma_wait3A_186 = arith.constant 1 : i32
      %dma_wait3A_187 = arith.constant 1 : i32
      %dma_wait3A_188 = arith.constant 1 : i32
      %dma_wait3A_189 = arith.constant 0 : i32
      %dma_wait3A_190 = arith.constant 0 : i32
      %dma_wait3A_191 = tpu.memref_slice %arg9[%dma_wait3A_186, %dma_wait3A_189, %dma_wait3A_190] : memref<2x128x128xf32, #tpu.memory_space<vmem>> -> memref<1x128x128xf32, #tpu.memory_space<vmem>>
      %dma_wait3A_192 = tpu.memref_squeeze %dma_wait3A_191 : memref<1x128x128xf32, #tpu.memory_space<vmem>> -> memref<128x128xf32, #tpu.memory_space<vmem>>
      %dma_wait3A_193 = arith.constant 0 : i32
      %dma_wait3A_194 = tpu.memref_slice %arg8[%dma_wait3A_187, %dma_wait3A_188, %dma_wait3A_193] : memref<4x2x128xi32, #tpu.memory_space<vmem>> -> memref<1x1x128xi32, #tpu.memory_space<vmem>>
      %dma_wait3A_195 = tpu.memref_squeeze %dma_wait3A_194 : memref<1x1x128xi32, #tpu.memory_space<vmem>> -> memref<128xi32, #tpu.memory_space<vmem>>
      %dma_wait3A_196 = arith.constant 0 : i32
      %dma_wait3A_197 = arith.constant 0 : i32
      %dma_wait3A_198 = tpu.memref_slice %arg11[%dma_wait3A_196, %dma_wait3A_197] : memref<10240x128xf32, #tpu.memory_space<vmem_shared>> -> memref<10240x128xf32, #tpu.memory_space<vmem_shared>>
      tpu.wait_indirect_dma semaphore(%arg15 : memref<!tpu.dma_semaphore, #tpu.memory_space<semaphore_mem>>) src(%dma_wait3A_192 : memref<128x128xf32, #tpu.memory_space<vmem>>) dst(%dma_wait3A_198 : memref<10240x128xf32, #tpu.memory_space<vmem_shared>>)
      %dma_wait3A_199 = arith.constant 0 : i32
      %dma_wait3A_200 = arith.constant 2 : i32
      %dma_wait3A_201 = arith.constant 1 : i32
      %dma_wait3A_202 = arith.constant 0 : i32
      %dma_wait3A_203 = arith.constant 0 : i32
      %dma_wait3A_204 = tpu.memref_slice %arg9[%dma_wait3A_199, %dma_wait3A_202, %dma_wait3A_203] : memref<2x128x128xf32, #tpu.memory_space<vmem>> -> memref<1x128x128xf32, #tpu.memory_space<vmem>>
      %dma_wait3A_205 = tpu.memref_squeeze %dma_wait3A_204 : memref<1x128x128xf32, #tpu.memory_space<vmem>> -> memref<128x128xf32, #tpu.memory_space<vmem>>
      %dma_wait3A_206 = arith.constant 0 : i32
      %dma_wait3A_207 = tpu.memref_slice %arg8[%dma_wait3A_200, %dma_wait3A_201, %dma_wait3A_206] : memref<4x2x128xi32, #tpu.memory_space<vmem>> -> memref<1x1x128xi32, #tpu.memory_space<vmem>>
      %dma_wait3A_208 = tpu.memref_squeeze %dma_wait3A_207 : memref<1x1x128xi32, #tpu.memory_space<vmem>> -> memref<128xi32, #tpu.memory_space<vmem>>
      %dma_wait3A_209 = arith.constant 0 : i32
      %dma_wait3A_210 = arith.constant 0 : i32
      %dma_wait3A_211 = tpu.memref_slice %arg11[%dma_wait3A_209, %dma_wait3A_210] : memref<10240x128xf32, #tpu.memory_space<vmem_shared>> -> memref<10240x128xf32, #tpu.memory_space<vmem_shared>>
      tpu.wait_indirect_dma semaphore(%arg14 : memref<!tpu.dma_semaphore, #tpu.memory_space<semaphore_mem>>) src(%dma_wait3A_205 : memref<128x128xf32, #tpu.memory_space<vmem>>) dst(%dma_wait3A_211 : memref<10240x128xf32, #tpu.memory_space<vmem_shared>>)
      %add3A_212 = arith.constant 1 : i32
      %add3A_213 = arith.addi %sub3A_81, %add3A_212 : i32
      %min3A_214 = arith.constant 2499 : i32
      %min3A_215 = arith.minsi %add3A_213, %min3A_214 : i32
      %dma_wait3A_216 = arith.constant 3 : i32
      %dma_wait3A_217 = arith.constant 0 : i32
      %dma_wait3A_218 = arith.constant 0 : i32
      %dma_wait3A_219 = tpu.memref_slice %arg8[%dma_wait3A_216, %dma_wait3A_217, %dma_wait3A_218] : memref<4x2x128xi32, #tpu.memory_space<vmem>> -> memref<1x2x128xi32, #tpu.memory_space<vmem>>
      %dma_wait3A_220 = tpu.memref_squeeze %dma_wait3A_219 : memref<1x2x128xi32, #tpu.memory_space<vmem>> -> memref<2x128xi32, #tpu.memory_space<vmem>>
      %dma_wait3A_221 = arith.constant 0 : i32
      %dma_wait3A_222 = arith.constant 0 : i32
      %dma_wait3A_223 = tpu.memref_slice %arg3[%arg0, %min3A_215, %dma_wait3A_221, %dma_wait3A_222] : memref<2x2500x2x128xi32, #tpu.memory_space<hbm>> -> memref<1x1x2x128xi32, #tpu.memory_space<hbm>>
      %dma_wait3A_224 = tpu.memref_squeeze %dma_wait3A_223 : memref<1x1x2x128xi32, #tpu.memory_space<hbm>> -> memref<2x128xi32, #tpu.memory_space<hbm>>
      %dma_wait3A_225 = arith.constant 0 : i32
      %dma_wait3A_226 = arith.constant 0 : i32
      %dma_wait3A_227 = tpu.memref_slice %arg8[%dma_wait3A_216, %dma_wait3A_225, %dma_wait3A_226] : memref<4x2x128xi32, #tpu.memory_space<vmem>> -> memref<1x2x128xi32, #tpu.memory_space<vmem>>
      %dma_wait3A_228 = tpu.memref_squeeze %dma_wait3A_227 : memref<1x2x128xi32, #tpu.memory_space<vmem>> -> memref<2x128xi32, #tpu.memory_space<vmem>>
      %dma_wait3A_229 = arith.constant 0 : i32
      %dma_wait3A_230 = arith.constant 0 : i32
      %dma_wait3A_231 = tpu.memref_slice %arg3[%arg0, %min3A_215, %dma_wait3A_229, %dma_wait3A_230] : memref<2x2500x2x128xi32, #tpu.memory_space<hbm>> -> memref<1x1x2x128xi32, #tpu.memory_space<hbm>>
      %dma_wait3A_232 = tpu.memref_squeeze %dma_wait3A_231 : memref<1x1x2x128xi32, #tpu.memory_space<hbm>> -> memref<2x128xi32, #tpu.memory_space<hbm>>
      tpu.wait_dma2 semaphore(%arg16 : memref<!tpu.dma_semaphore, #tpu.memory_space<semaphore_mem>>) src(%dma_wait3A_232 : memref<2x128xi32, #tpu.memory_space<hbm>>) dst(%dma_wait3A_228 : memref<2x128xi32, #tpu.memory_space<vmem>>)
    } else {
    }
    %and3A_103 = arith.constant 3 : i32
    %and3A_104 = arith.andi %sub3A_81, %and3A_103 : i32
    %eq3A_105 = arith.constant 3 : i32
    %eq3A_106 = arith.cmpi eq, %and3A_104, %eq3A_105 : i32
    %convert_element_type3A_107 = arith.extui %eq3A_106 : i1 to i32
    %cond3A_108 = arith.constant 0 : i32
    %cond3A_109 = arith.cmpi ne, %convert_element_type3A_107, %cond3A_108 : i32
    scf.if %cond3A_109 {
      %dma_wait3A = arith.constant 3 : i32
      %dma_wait3A_115 = arith.constant 0 : i32
      %dma_wait3A_116 = arith.constant 1 : i32
      %dma_wait3A_117 = arith.constant 0 : i32
      %dma_wait3A_118 = arith.constant 0 : i32
      %dma_wait3A_119 = tpu.memref_slice %arg9[%dma_wait3A_116, %dma_wait3A_117, %dma_wait3A_118] : memref<2x128x128xf32, #tpu.memory_space<vmem>> -> memref<1x128x128xf32, #tpu.memory_space<vmem>>
      %dma_wait3A_120 = tpu.memref_squeeze %dma_wait3A_119 : memref<1x128x128xf32, #tpu.memory_space<vmem>> -> memref<128x128xf32, #tpu.memory_space<vmem>>
      %dma_wait3A_121 = arith.constant 0 : i32
      %dma_wait3A_122 = tpu.memref_slice %arg8[%dma_wait3A, %dma_wait3A_115, %dma_wait3A_121] : memref<4x2x128xi32, #tpu.memory_space<vmem>> -> memref<1x1x128xi32, #tpu.memory_space<vmem>>
      %dma_wait3A_123 = tpu.memref_squeeze %dma_wait3A_122 : memref<1x1x128xi32, #tpu.memory_space<vmem>> -> memref<128xi32, #tpu.memory_space<vmem>>
      %dma_wait3A_124 = arith.constant 0 : i32
      %dma_wait3A_125 = arith.constant 0 : i32
      %dma_wait3A_126 = tpu.memref_slice %arg2[%dma_wait3A_124, %dma_wait3A_125] : memref<10000x128xf32, #tpu.memory_space<hbm>> -> memref<10000x128xf32, #tpu.memory_space<hbm>>
      tpu.wait_indirect_dma semaphore(%arg13 : memref<!tpu.dma_semaphore, #tpu.memory_space<semaphore_mem>>) src(%dma_wait3A_126 : memref<10000x128xf32, #tpu.memory_space<hbm>>) dst(%dma_wait3A_120 : memref<128x128xf32, #tpu.memory_space<vmem>>)
      %dma_start3A = arith.constant 1 : i32
      %dma_start3A_127 = arith.constant 3 : i32
      %dma_start3A_128 = arith.constant 1 : i32
      %dma_start3A_129 = arith.constant 0 : i32
      %dma_start3A_130 = arith.constant 0 : i32
      %dma_start3A_131 = tpu.memref_slice %arg9[%dma_start3A, %dma_start3A_129, %dma_start3A_130] : memref<2x128x128xf32, #tpu.memory_space<vmem>> -> memref<1x128x128xf32, #tpu.memory_space<vmem>>
      %dma_start3A_132 = tpu.memref_squeeze %dma_start3A_131 : memref<1x128x128xf32, #tpu.memory_space<vmem>> -> memref<128x128xf32, #tpu.memory_space<vmem>>
      %dma_start3A_133 = arith.constant 0 : i32
      %dma_start3A_134 = tpu.memref_slice %arg8[%dma_start3A_127, %dma_start3A_128, %dma_start3A_133] : memref<4x2x128xi32, #tpu.memory_space<vmem>> -> memref<1x1x128xi32, #tpu.memory_space<vmem>>
      %dma_start3A_135 = tpu.memref_squeeze %dma_start3A_134 : memref<1x1x128xi32, #tpu.memory_space<vmem>> -> memref<128xi32, #tpu.memory_space<vmem>>
      %dma_start3A_136 = arith.constant 0 : i32
      %dma_start3A_137 = arith.constant 0 : i32
      %dma_start3A_138 = tpu.memref_slice %arg11[%dma_start3A_136, %dma_start3A_137] : memref<10240x128xf32, #tpu.memory_space<vmem_shared>> -> memref<10240x128xf32, #tpu.memory_space<vmem_shared>>
      tpu.enqueue_indirect_dma source(%dma_start3A_132 : memref<128x128xf32, #tpu.memory_space<vmem>>) target(%dma_start3A_138 : memref<10240x128xf32, #tpu.memory_space<vmem_shared>>) offsets(%dma_start3A_135 : memref<128xi32, #tpu.memory_space<vmem>>) semaphore(%arg15 : memref<!tpu.dma_semaphore, #tpu.memory_space<semaphore_mem>>) {add = true}
      %get3A = arith.constant 3 : i32
      %get3A_139 = arith.constant 1 : i32
      %get3A_140 = arith.index_cast %get3A : i32 to index
      %get3A_141 = arith.index_cast %get3A_139 : i32 to index
      %get3A_142 = arith.constant 0 : index
      %get3A_143 = tpu.vector_load %arg8[%get3A_140, %get3A_141, %get3A_142] {strides = array<i32>} : memref<4x2x128xi32, #tpu.memory_space<vmem>>, vector<16xi32>,
      tpu.vector_store_idx %arg10[%get3A_143], %broadcast_in_dim3A_8 {add = true} : memref<10240xf32, #tpu.memory_space<vmem>>[vector<16xi32>], vector<16xf32>,
      %get3A_144 = arith.constant 3 : i32
      %get3A_145 = arith.constant 1 : i32
      %get3A_146 = arith.index_cast %get3A_144 : i32 to index
      %get3A_147 = arith.index_cast %get3A_145 : i32 to index
      %get3A_148 = arith.constant 16 : index
      %get3A_149 = tpu.vector_load %arg8[%get3A_146, %get3A_147, %get3A_148] {strides = array<i32>} : memref<4x2x128xi32, #tpu.memory_space<vmem>>, vector<16xi32>,
      tpu.vector_store_idx %arg10[%get3A_149], %broadcast_in_dim3A_8 {add = true} : memref<10240xf32, #tpu.memory_space<vmem>>[vector<16xi32>], vector<16xf32>,
      %get3A_150 = arith.constant 3 : i32
      %get3A_151 = arith.constant 1 : i32
      %get3A_152 = arith.index_cast %get3A_150 : i32 to index
      %get3A_153 = arith.index_cast %get3A_151 : i32 to index
      %get3A_154 = arith.constant 32 : index
      %get3A_155 = tpu.vector_load %arg8[%get3A_152, %get3A_153, %get3A_154] {strides = array<i32>} : memref<4x2x128xi32, #tpu.memory_space<vmem>>, vector<16xi32>,
      tpu.vector_store_idx %arg10[%get3A_155], %broadcast_in_dim3A_8 {add = true} : memref<10240xf32, #tpu.memory_space<vmem>>[vector<16xi32>], vector<16xf32>,
      %get3A_156 = arith.constant 3 : i32
      %get3A_157 = arith.constant 1 : i32
      %get3A_158 = arith.index_cast %get3A_156 : i32 to index
      %get3A_159 = arith.index_cast %get3A_157 : i32 to index
      %get3A_160 = arith.constant 48 : index
      %get3A_161 = tpu.vector_load %arg8[%get3A_158, %get3A_159, %get3A_160] {strides = array<i32>} : memref<4x2x128xi32, #tpu.memory_space<vmem>>, vector<16xi32>,
      tpu.vector_store_idx %arg10[%get3A_161], %broadcast_in_dim3A_8 {add = true} : memref<10240xf32, #tpu.memory_space<vmem>>[vector<16xi32>], vector<16xf32>,
      %get3A_162 = arith.constant 3 : i32
      %get3A_163 = arith.constant 1 : i32
      %get3A_164 = arith.index_cast %get3A_162 : i32 to index
      %get3A_165 = arith.index_cast %get3A_163 : i32 to index
      %get3A_166 = arith.constant 64 : index
      %get3A_167 = tpu.vector_load %arg8[%get3A_164, %get3A_165, %get3A_166] {strides = array<i32>} : memref<4x2x128xi32, #tpu.memory_space<vmem>>, vector<16xi32>,
      tpu.vector_store_idx %arg10[%get3A_167], %broadcast_in_dim3A_8 {add = true} : memref<10240xf32, #tpu.memory_space<vmem>>[vector<16xi32>], vector<16xf32>,
      %get3A_168 = arith.constant 3 : i32
      %get3A_169 = arith.constant 1 : i32
      %get3A_170 = arith.index_cast %get3A_168 : i32 to index
      %get3A_171 = arith.index_cast %get3A_169 : i32 to index
      %get3A_172 = arith.constant 80 : index
      %get3A_173 = tpu.vector_load %arg8[%get3A_170, %get3A_171, %get3A_172] {strides = array<i32>} : memref<4x2x128xi32, #tpu.memory_space<vmem>>, vector<16xi32>,
      tpu.vector_store_idx %arg10[%get3A_173], %broadcast_in_dim3A_8 {add = true} : memref<10240xf32, #tpu.memory_space<vmem>>[vector<16xi32>], vector<16xf32>,
      %get3A_174 = arith.constant 3 : i32
      %get3A_175 = arith.constant 1 : i32
      %get3A_176 = arith.index_cast %get3A_174 : i32 to index
      %get3A_177 = arith.index_cast %get3A_175 : i32 to index
      %get3A_178 = arith.constant 96 : index
      %get3A_179 = tpu.vector_load %arg8[%get3A_176, %get3A_177, %get3A_178] {strides = array<i32>} : memref<4x2x128xi32, #tpu.memory_space<vmem>>, vector<16xi32>,
      tpu.vector_store_idx %arg10[%get3A_179], %broadcast_in_dim3A_8 {add = true} : memref<10240xf32, #tpu.memory_space<vmem>>[vector<16xi32>], vector<16xf32>,
      %get3A_180 = arith.constant 3 : i32
      %get3A_181 = arith.constant 1 : i32
      %get3A_182 = arith.index_cast %get3A_180 : i32 to index
      %get3A_183 = arith.index_cast %get3A_181 : i32 to index
      %get3A_184 = arith.constant 112 : index
      %get3A_185 = tpu.vector_load %arg8[%get3A_182, %get3A_183, %get3A_184] {strides = array<i32>} : memref<4x2x128xi32, #tpu.memory_space<vmem>>, vector<16xi32>,
      tpu.vector_store_idx %arg10[%get3A_185], %broadcast_in_dim3A_8 {add = true} : memref<10240xf32, #tpu.memory_space<vmem>>[vector<16xi32>], vector<16xf32>,
      %dma_wait3A_186 = arith.constant 0 : i32
      %dma_wait3A_187 = arith.constant 2 : i32
      %dma_wait3A_188 = arith.constant 1 : i32
      %dma_wait3A_189 = arith.constant 0 : i32
      %dma_wait3A_190 = arith.constant 0 : i32
      %dma_wait3A_191 = tpu.memref_slice %arg9[%dma_wait3A_186, %dma_wait3A_189, %dma_wait3A_190] : memref<2x128x128xf32, #tpu.memory_space<vmem>> -> memref<1x128x128xf32, #tpu.memory_space<vmem>>
      %dma_wait3A_192 = tpu.memref_squeeze %dma_wait3A_191 : memref<1x128x128xf32, #tpu.memory_space<vmem>> -> memref<128x128xf32, #tpu.memory_space<vmem>>
      %dma_wait3A_193 = arith.constant 0 : i32
      %dma_wait3A_194 = tpu.memref_slice %arg8[%dma_wait3A_187, %dma_wait3A_188, %dma_wait3A_193] : memref<4x2x128xi32, #tpu.memory_space<vmem>> -> memref<1x1x128xi32, #tpu.memory_space<vmem>>
      %dma_wait3A_195 = tpu.memref_squeeze %dma_wait3A_194 : memref<1x1x128xi32, #tpu.memory_space<vmem>> -> memref<128xi32, #tpu.memory_space<vmem>>
      %dma_wait3A_196 = arith.constant 0 : i32
      %dma_wait3A_197 = arith.constant 0 : i32
      %dma_wait3A_198 = tpu.memref_slice %arg11[%dma_wait3A_196, %dma_wait3A_197] : memref<10240x128xf32, #tpu.memory_space<vmem_shared>> -> memref<10240x128xf32, #tpu.memory_space<vmem_shared>>
      tpu.wait_indirect_dma semaphore(%arg14 : memref<!tpu.dma_semaphore, #tpu.memory_space<semaphore_mem>>) src(%dma_wait3A_192 : memref<128x128xf32, #tpu.memory_space<vmem>>) dst(%dma_wait3A_198 : memref<10240x128xf32, #tpu.memory_space<vmem_shared>>)
      %dma_wait3A_199 = arith.constant 1 : i32
      %dma_wait3A_200 = arith.constant 3 : i32
      %dma_wait3A_201 = arith.constant 1 : i32
      %dma_wait3A_202 = arith.constant 0 : i32
      %dma_wait3A_203 = arith.constant 0 : i32
      %dma_wait3A_204 = tpu.memref_slice %arg9[%dma_wait3A_199, %dma_wait3A_202, %dma_wait3A_203] : memref<2x128x128xf32, #tpu.memory_space<vmem>> -> memref<1x128x128xf32, #tpu.memory_space<vmem>>
      %dma_wait3A_205 = tpu.memref_squeeze %dma_wait3A_204 : memref<1x128x128xf32, #tpu.memory_space<vmem>> -> memref<128x128xf32, #tpu.memory_space<vmem>>
      %dma_wait3A_206 = arith.constant 0 : i32
      %dma_wait3A_207 = tpu.memref_slice %arg8[%dma_wait3A_200, %dma_wait3A_201, %dma_wait3A_206] : memref<4x2x128xi32, #tpu.memory_space<vmem>> -> memref<1x1x128xi32, #tpu.memory_space<vmem>>
      %dma_wait3A_208 = tpu.memref_squeeze %dma_wait3A_207 : memref<1x1x128xi32, #tpu.memory_space<vmem>> -> memref<128xi32, #tpu.memory_space<vmem>>
      %dma_wait3A_209 = arith.constant 0 : i32
      %dma_wait3A_210 = arith.constant 0 : i32
      %dma_wait3A_211 = tpu.memref_slice %arg11[%dma_wait3A_209, %dma_wait3A_210] : memref<10240x128xf32, #tpu.memory_space<vmem_shared>> -> memref<10240x128xf32, #tpu.memory_space<vmem_shared>>
      tpu.wait_indirect_dma semaphore(%arg15 : memref<!tpu.dma_semaphore, #tpu.memory_space<semaphore_mem>>) src(%dma_wait3A_205 : memref<128x128xf32, #tpu.memory_space<vmem>>) dst(%dma_wait3A_211 : memref<10240x128xf32, #tpu.memory_space<vmem_shared>>)
      %add3A_212 = arith.constant 1 : i32
      %add3A_213 = arith.addi %sub3A_81, %add3A_212 : i32
      %min3A_214 = arith.constant 2499 : i32
      %min3A_215 = arith.minsi %add3A_213, %min3A_214 : i32
      %dma_wait3A_216 = arith.constant 0 : i32
      %dma_wait3A_217 = arith.constant 0 : i32
      %dma_wait3A_218 = arith.constant 0 : i32
      %dma_wait3A_219 = tpu.memref_slice %arg8[%dma_wait3A_216, %dma_wait3A_217, %dma_wait3A_218] : memref<4x2x128xi32, #tpu.memory_space<vmem>> -> memref<1x2x128xi32, #tpu.memory_space<vmem>>
      %dma_wait3A_220 = tpu.memref_squeeze %dma_wait3A_219 : memref<1x2x128xi32, #tpu.memory_space<vmem>> -> memref<2x128xi32, #tpu.memory_space<vmem>>
      %dma_wait3A_221 = arith.constant 0 : i32
      %dma_wait3A_222 = arith.constant 0 : i32
      %dma_wait3A_223 = tpu.memref_slice %arg3[%arg0, %min3A_215, %dma_wait3A_221, %dma_wait3A_222] : memref<2x2500x2x128xi32, #tpu.memory_space<hbm>> -> memref<1x1x2x128xi32, #tpu.memory_space<hbm>>
      %dma_wait3A_224 = tpu.memref_squeeze %dma_wait3A_223 : memref<1x1x2x128xi32, #tpu.memory_space<hbm>> -> memref<2x128xi32, #tpu.memory_space<hbm>>
      %dma_wait3A_225 = arith.constant 0 : i32
      %dma_wait3A_226 = arith.constant 0 : i32
      %dma_wait3A_227 = tpu.memref_slice %arg8[%dma_wait3A_216, %dma_wait3A_225, %dma_wait3A_226] : memref<4x2x128xi32, #tpu.memory_space<vmem>> -> memref<1x2x128xi32, #tpu.memory_space<vmem>>
      %dma_wait3A_228 = tpu.memref_squeeze %dma_wait3A_227 : memref<1x2x128xi32, #tpu.memory_space<vmem>> -> memref<2x128xi32, #tpu.memory_space<vmem>>
      %dma_wait3A_229 = arith.constant 0 : i32
      %dma_wait3A_230 = arith.constant 0 : i32
      %dma_wait3A_231 = tpu.memref_slice %arg3[%arg0, %min3A_215, %dma_wait3A_229, %dma_wait3A_230] : memref<2x2500x2x128xi32, #tpu.memory_space<hbm>> -> memref<1x1x2x128xi32, #tpu.memory_space<hbm>>
      %dma_wait3A_232 = tpu.memref_squeeze %dma_wait3A_231 : memref<1x1x2x128xi32, #tpu.memory_space<hbm>> -> memref<2x128xi32, #tpu.memory_space<hbm>>
      tpu.wait_dma2 semaphore(%arg16 : memref<!tpu.dma_semaphore, #tpu.memory_space<semaphore_mem>>) src(%dma_wait3A_232 : memref<2x128xi32, #tpu.memory_space<hbm>>) dst(%dma_wait3A_228 : memref<2x128xi32, #tpu.memory_space<vmem>>)
    } else {
    }
    "tpu.region"() ({
      %run_scoped3A = tpu.sem_alloc : memref<!tpu.dma_semaphore, #tpu.memory_space<semaphore_mem>>
      %dma_start3A = arith.constant 0 : i32
      %dma_start3A_115 = tpu.memref_slice %arg7[%arg0, %arg1, %dma_start3A] : memref<2x16x10240xf32, #tpu.memory_space<hbm>> -> memref<1x1x10240xf32, #tpu.memory_space<hbm>>
      %dma_start3A_116 = tpu.memref_squeeze %dma_start3A_115 : memref<1x1x10240xf32, #tpu.memory_space<hbm>> -> memref<10240xf32, #tpu.memory_space<hbm>>
      %dma_start3A_117 = arith.constant 0 : i32
      %dma_start3A_118 = tpu.memref_slice %arg7[%arg0, %arg1, %dma_start3A_117] : memref<2x16x10240xf32, #tpu.memory_space<hbm>> -> memref<1x1x10240xf32, #tpu.memory_space<hbm>>
      %dma_start3A_119 = tpu.memref_squeeze %dma_start3A_118 : memref<1x1x10240xf32, #tpu.memory_space<hbm>> -> memref<10240xf32, #tpu.memory_space<hbm>>
      tpu.enqueue_dma source(%arg10 : memref<10240xf32, #tpu.memory_space<vmem>>) target(%dma_start3A_119 : memref<10240xf32, #tpu.memory_space<hbm>>) target_semaphore(%run_scoped3A : memref<!tpu.dma_semaphore, #tpu.memory_space<semaphore_mem>>)
      %dma_wait3A = arith.constant 0 : i32
      %dma_wait3A_120 = tpu.memref_slice %arg7[%arg0, %arg1, %dma_wait3A] : memref<2x16x10240xf32, #tpu.memory_space<hbm>> -> memref<1x1x10240xf32, #tpu.memory_space<hbm>>
      %dma_wait3A_121 = tpu.memref_squeeze %dma_wait3A_120 : memref<1x1x10240xf32, #tpu.memory_space<hbm>> -> memref<10240xf32, #tpu.memory_space<hbm>>
      %dma_wait3A_122 = arith.constant 0 : i32
      %dma_wait3A_123 = tpu.memref_slice %arg7[%arg0, %arg1, %dma_wait3A_122] : memref<2x16x10240xf32, #tpu.memory_space<hbm>> -> memref<1x1x10240xf32, #tpu.memory_space<hbm>>
      %dma_wait3A_124 = tpu.memref_squeeze %dma_wait3A_123 : memref<1x1x10240xf32, #tpu.memory_space<hbm>> -> memref<10240xf32, #tpu.memory_space<hbm>>
      tpu.wait_dma2 semaphore(%run_scoped3A : memref<!tpu.dma_semaphore, #tpu.memory_space<semaphore_mem>>) src(%arg10 : memref<10240xf32, #tpu.memory_space<vmem>>) dst(%dma_wait3A_124 : memref<10240xf32, #tpu.memory_space<hbm>>)
      tpu.yield
    }) : () -> ()
    %barrier3A_110 = arith.constant 0 : index
    tpu.barrier barrier_id(%barrier3A_110)
    %mul3A_111 = arith.constant 640 : i32
    %mul3A_112 = arith.muli %arg1, %mul3A_111 : i32
    %mul3A_113 = arith.constant 640 : i32
    %mul3A_114 = arith.muli %arg1, %mul3A_113 : i32
    "tpu.region"() ({
      %run_scoped3A = tpu.sem_alloc : memref<!tpu.dma_semaphore, #tpu.memory_space<semaphore_mem>>
      %dma_start3A = arith.constant 0 : i32
      %dma_start3A_115 = tpu.memref_slice %arg6[%arg0, %mul3A_114, %dma_start3A] : memref<2x10240x128xf32, #tpu.memory_space<hbm>> -> memref<1x640x128xf32, #tpu.memory_space<hbm>>
      %dma_start3A_116 = tpu.memref_squeeze %dma_start3A_115 : memref<1x640x128xf32, #tpu.memory_space<hbm>> -> memref<640x128xf32, #tpu.memory_space<hbm>>
      %dma_start3A_117 = arith.constant 0 : i32
      %dma_start3A_118 = tpu.memref_slice %arg11[%mul3A_112, %dma_start3A_117] : memref<10240x128xf32, #tpu.memory_space<vmem_shared>> -> memref<640x128xf32, #tpu.memory_space<vmem_shared>>
      tpu.enqueue_dma source(%dma_start3A_118 : memref<640x128xf32, #tpu.memory_space<vmem_shared>>) target(%dma_start3A_116 : memref<640x128xf32, #tpu.memory_space<hbm>>) target_semaphore(%run_scoped3A : memref<!tpu.dma_semaphore, #tpu.memory_space<semaphore_mem>>)
      %dma_wait3A = arith.constant 0 : i32
      %dma_wait3A_119 = tpu.memref_slice %arg6[%arg0, %mul3A_114, %dma_wait3A] : memref<2x10240x128xf32, #tpu.memory_space<hbm>> -> memref<1x640x128xf32, #tpu.memory_space<hbm>>
      %dma_wait3A_120 = tpu.memref_squeeze %dma_wait3A_119 : memref<1x640x128xf32, #tpu.memory_space<hbm>> -> memref<640x128xf32, #tpu.memory_space<hbm>>
      %dma_wait3A_121 = arith.constant 0 : i32
      %dma_wait3A_122 = tpu.memref_slice %arg11[%mul3A_112, %dma_wait3A_121] : memref<10240x128xf32, #tpu.memory_space<vmem_shared>> -> memref<640x128xf32, #tpu.memory_space<vmem_shared>>
      tpu.wait_dma2 semaphore(%run_scoped3A : memref<!tpu.dma_semaphore, #tpu.memory_space<semaphore_mem>>) src(%dma_wait3A_122 : memref<640x128xf32, #tpu.memory_space<vmem_shared>>) dst(%dma_wait3A_120 : memref<640x128xf32, #tpu.memory_space<hbm>>)
      tpu.yield
    }) : () -> ()
    return
  }
}

module attributes {stable_mosaic.version = 14 : i64} {
  func.func @_tc_body(%arg0: i32, %arg1: memref<1024x128xf32, #tpu.memory_space<vmem>>, %arg2: memref<1024x128xf32, #tpu.memory_space<vmem>>, %arg3: memref<16x1024xf32, #tpu.memory_space<vmem>>, %arg4: memref<1024x128xf32, #tpu.memory_space<vmem>>, %arg5: memref<16x1024xf32, #tpu.memory_space<vmem>>, %arg6: memref<128x128xf32, #tpu.memory_space<vmem>>, %arg7: memref<128x128xf32, #tpu.memory_space<vmem>>, %arg8: memref<128x128xf32, #tpu.memory_space<vmem>>, %arg9: memref<128x128xf32, #tpu.memory_space<vmem>>, %arg10: memref<1x128xf32, #tpu.memory_space<vmem>>, %arg11: memref<1x128xf32, #tpu.memory_space<vmem>>, %arg12: memref<1024x256xf32, #tpu.memory_space<vmem>>) attributes {dimension_semantics = [#tpu.dimension_semantics<arbitrary>], iteration_bounds = array<i64: 10>, scalar_prefetch = 0 : i64, scratch_operands = 0 : i64, tpu.core_type = #tpu.core_type<tc>, window_params = [{transform_indices = @transform_0, window_bounds = array<i64: 1024, 128>}, {transform_indices = @transform_1, window_bounds = array<i64: 1024, 128>}, {transform_indices = @transform_2, window_bounds = array<i64: 16, 1024>}, {transform_indices = @transform_3, window_bounds = array<i64: 1024, 128>}, {transform_indices = @transform_4, window_bounds = array<i64: 16, 1024>}, {pipeline_mode = #tpu.pipeline_mode<synchronous>, transform_indices = @transform_5, window_bounds = array<i64: 128, 128>}, {pipeline_mode = #tpu.pipeline_mode<synchronous>, transform_indices = @transform_6, window_bounds = array<i64: 128, 128>}, {pipeline_mode = #tpu.pipeline_mode<synchronous>, transform_indices = @transform_7, window_bounds = array<i64: 128, 128>}, {pipeline_mode = #tpu.pipeline_mode<synchronous>, transform_indices = @transform_8, window_bounds = array<i64: 128, 128>}, {pipeline_mode = #tpu.pipeline_mode<synchronous>, transform_indices = @transform_9, window_bounds = array<i64: 1, 128>}, {pipeline_mode = #tpu.pipeline_mode<synchronous>, transform_indices = @transform_10, window_bounds = array<i64: 1, 128>}, {transform_indices = @transform_11, window_bounds = array<i64: 1024, 256>}]} {
    %get3A = arith.constant 0 : index
    %get3A_0 = arith.constant 0 : index
    %get3A_1 = vector.load %arg1[%get3A, %get3A_0] : memref<1024x128xf32, #tpu.memory_space<vmem>>, vector<1024x128xf32>
    %broadcast_in_dim3A = arith.constant 1.000000e+00 : f32
    %broadcast_in_dim3A_2 = vector.broadcast %broadcast_in_dim3A : f32 to vector<16x1xf32>
    %get3A_3 = arith.constant 0 : index
    %get3A_4 = arith.constant 0 : index
    %get3A_5 = vector.load %arg3[%get3A_3, %get3A_4] : memref<16x1024xf32, #tpu.memory_space<vmem>>, vector<16x1024xf32>
    %dot_general3A = arith.constant dense<0.000000e+00> : vector<1024x1xf32>
    %dot_general3A_6 = tpu.matmul %get3A_5, %broadcast_in_dim3A_2, %dot_general3A {dimension_numbers = #tpu.dot_dimension_numbers<[0], [0], [1], [1], [0, 1, 1, 1], [], []>, transpose_lhs_hint = false} : vector<16x1024xf32>, vector<16x1xf32>, vector<1024x1xf32> -> vector<1024x1xf32>
    %get3A_7 = arith.constant 0 : index
    %get3A_8 = arith.constant 0 : index
    %get3A_9 = vector.load %arg5[%get3A_7, %get3A_8] : memref<16x1024xf32, #tpu.memory_space<vmem>>, vector<16x1024xf32>
    %dot_general3A_10 = arith.constant dense<0.000000e+00> : vector<1024x1xf32>
    %dot_general3A_11 = tpu.matmul %get3A_9, %broadcast_in_dim3A_2, %dot_general3A_10 {dimension_numbers = #tpu.dot_dimension_numbers<[0], [0], [1], [1], [0, 1, 1, 1], [], []>, transpose_lhs_hint = false} : vector<16x1024xf32>, vector<16x1xf32>, vector<1024x1xf32> -> vector<1024x1xf32>
    %get3A_12 = arith.constant 0 : index
    %get3A_13 = arith.constant 0 : index
    %get3A_14 = vector.load %arg2[%get3A_12, %get3A_13] : memref<1024x128xf32, #tpu.memory_space<vmem>>, vector<1024x128xf32>
    %max3A = arith.constant 1.000000e+00 : f32
    %max3A_15 = vector.broadcast %max3A : f32 to vector<1024x1xf32>
    %max3A_16 = arith.maximumf %dot_general3A_6, %max3A_15 : vector<1024x1xf32>
    %div3A = arith.constant 1.000000e+00 : f32
    %div3A_17 = vector.broadcast %div3A : f32 to vector<1024x1xf32>
    %div3A_18 = arith.divf %div3A_17, %max3A_16 : vector<1024x1xf32>
    %mul3A = vector.broadcast %div3A_18 : vector<1024x1xf32> to vector<1024x128xf32>
    %mul3A_19 = arith.mulf %get3A_14, %mul3A : vector<1024x128xf32>
    %get3A_20 = arith.constant 0 : index
    %get3A_21 = arith.constant 0 : index
    %get3A_22 = vector.load %arg4[%get3A_20, %get3A_21] : memref<1024x128xf32, #tpu.memory_space<vmem>>, vector<1024x128xf32>
    %max3A_23 = arith.constant 1.000000e+00 : f32
    %max3A_24 = vector.broadcast %max3A_23 : f32 to vector<1024x1xf32>
    %max3A_25 = arith.maximumf %dot_general3A_11, %max3A_24 : vector<1024x1xf32>
    %div3A_26 = arith.constant 1.000000e+00 : f32
    %div3A_27 = vector.broadcast %div3A_26 : f32 to vector<1024x1xf32>
    %div3A_28 = arith.divf %div3A_27, %max3A_25 : vector<1024x1xf32>
    %mul3A_29 = vector.broadcast %div3A_28 : vector<1024x1xf32> to vector<1024x128xf32>
    %mul3A_30 = arith.mulf %get3A_22, %mul3A_29 : vector<1024x128xf32>
    %get3A_31 = arith.constant 0 : index
    %get3A_32 = arith.constant 0 : index
    %get3A_33 = vector.load %arg6[%get3A_31, %get3A_32] : memref<128x128xf32, #tpu.memory_space<vmem>>, vector<128x128xf32>
    %dot_general3A_34 = arith.constant dense<0.000000e+00> : vector<1024x128xf32>
    %dot_general3A_35 = tpu.matmul %mul3A_19, %get3A_33, %dot_general3A_34 {dimension_numbers = #tpu.dot_dimension_numbers<[1], [0], [0], [1], [0, 0, 1, 1], [], []>, transpose_lhs_hint = false} : vector<1024x128xf32>, vector<128x128xf32>, vector<1024x128xf32> -> vector<1024x128xf32>
    %get3A_36 = arith.constant 0 : index
    %get3A_37 = arith.constant 0 : index
    %get3A_38 = vector.load %arg10[%get3A_36, %get3A_37] : memref<1x128xf32, #tpu.memory_space<vmem>>, vector<1x128xf32>
    %add3A = vector.broadcast %get3A_38 : vector<1x128xf32> to vector<1024x128xf32>
    %add3A_39 = arith.addf %dot_general3A_35, %add3A : vector<1024x128xf32>
    %get3A_40 = arith.constant 0 : index
    %get3A_41 = arith.constant 0 : index
    %get3A_42 = vector.load %arg7[%get3A_40, %get3A_41] : memref<128x128xf32, #tpu.memory_space<vmem>>, vector<128x128xf32>
    %dot_general3A_43 = arith.constant dense<0.000000e+00> : vector<1024x128xf32>
    %dot_general3A_44 = tpu.matmul %get3A_1, %get3A_42, %dot_general3A_43 {dimension_numbers = #tpu.dot_dimension_numbers<[1], [0], [0], [1], [0, 0, 1, 1], [], []>, transpose_lhs_hint = false} : vector<1024x128xf32>, vector<128x128xf32>, vector<1024x128xf32> -> vector<1024x128xf32>
    %add3A_45 = arith.addf %add3A_39, %dot_general3A_44 : vector<1024x128xf32>
    %get3A_46 = arith.constant 0 : index
    %get3A_47 = arith.constant 0 : index
    %get3A_48 = vector.load %arg8[%get3A_46, %get3A_47] : memref<128x128xf32, #tpu.memory_space<vmem>>, vector<128x128xf32>
    %dot_general3A_49 = arith.constant dense<0.000000e+00> : vector<1024x128xf32>
    %dot_general3A_50 = tpu.matmul %mul3A_30, %get3A_48, %dot_general3A_49 {dimension_numbers = #tpu.dot_dimension_numbers<[1], [0], [0], [1], [0, 0, 1, 1], [], []>, transpose_lhs_hint = false} : vector<1024x128xf32>, vector<128x128xf32>, vector<1024x128xf32> -> vector<1024x128xf32>
    %get3A_51 = arith.constant 0 : index
    %get3A_52 = arith.constant 0 : index
    %get3A_53 = vector.load %arg11[%get3A_51, %get3A_52] : memref<1x128xf32, #tpu.memory_space<vmem>>, vector<1x128xf32>
    %add3A_54 = vector.broadcast %get3A_53 : vector<1x128xf32> to vector<1024x128xf32>
    %add3A_55 = arith.addf %dot_general3A_50, %add3A_54 : vector<1024x128xf32>
    %get3A_56 = arith.constant 0 : index
    %get3A_57 = arith.constant 0 : index
    %get3A_58 = vector.load %arg9[%get3A_56, %get3A_57] : memref<128x128xf32, #tpu.memory_space<vmem>>, vector<128x128xf32>
    %dot_general3A_59 = arith.constant dense<0.000000e+00> : vector<1024x128xf32>
    %dot_general3A_60 = tpu.matmul %get3A_1, %get3A_58, %dot_general3A_59 {dimension_numbers = #tpu.dot_dimension_numbers<[1], [0], [0], [1], [0, 0, 1, 1], [], []>, transpose_lhs_hint = false} : vector<1024x128xf32>, vector<128x128xf32>, vector<1024x128xf32> -> vector<1024x128xf32>
    %add3A_61 = arith.addf %add3A_55, %dot_general3A_60 : vector<1024x128xf32>
    %swap3A = arith.constant 0 : index
    %swap3A_62 = arith.constant 0 : index
    %swap3A_63 = vector.load %arg12[%swap3A, %swap3A_62] : memref<1024x256xf32, #tpu.memory_space<vmem>>, vector<1024x128xf32>
    tpu.vector_store %arg12[%swap3A, %swap3A_62], %add3A_45 {strides = array<i32>} : memref<1024x256xf32, #tpu.memory_space<vmem>>, vector<1024x128xf32>,
    %swap3A_64 = arith.constant 0 : index
    %swap3A_65 = arith.constant 128 : index
    %swap3A_66 = vector.load %arg12[%swap3A_64, %swap3A_65] : memref<1024x256xf32, #tpu.memory_space<vmem>>, vector<1024x128xf32>
    tpu.vector_store %arg12[%swap3A_64, %swap3A_65], %add3A_61 {strides = array<i32>} : memref<1024x256xf32, #tpu.memory_space<vmem>>, vector<1024x128xf32>,
    return
  }
  func.func @transform_0(%arg0: i32) -> (i32, i32) {
    %c0_i32 = arith.constant 0 : i32
    %c0_i32_0 = arith.constant 0 : i32
    return %arg0, %c0_i32 : i32, i32
  }
  func.func @transform_1(%arg0: i32) -> (i32, i32) {
    %c0_i32 = arith.constant 0 : i32
    %c0_i32_0 = arith.constant 0 : i32
    return %arg0, %c0_i32 : i32, i32
  }
  func.func @transform_2(%arg0: i32) -> (i32, i32) {
    %c0_i32 = arith.constant 0 : i32
    %c0_i32_0 = arith.constant 0 : i32
    return %c0_i32, %arg0 : i32, i32
  }
  func.func @transform_3(%arg0: i32) -> (i32, i32) {
    %c0_i32 = arith.constant 0 : i32
    %c0_i32_0 = arith.constant 0 : i32
    return %arg0, %c0_i32 : i32, i32
  }
  func.func @transform_4(%arg0: i32) -> (i32, i32) {
    %c0_i32 = arith.constant 0 : i32
    %c0_i32_0 = arith.constant 0 : i32
    return %c0_i32, %arg0 : i32, i32
  }
  func.func @transform_5(%arg0: i32) -> (i32, i32) {
    %c0_i32 = arith.constant 0 : i32
    %c0_i32_0 = arith.constant 0 : i32
    %c0_i32_1 = arith.constant 0 : i32
    return %c0_i32, %c0_i32_0 : i32, i32
  }
  func.func @transform_6(%arg0: i32) -> (i32, i32) {
    %c0_i32 = arith.constant 0 : i32
    %c0_i32_0 = arith.constant 0 : i32
    %c0_i32_1 = arith.constant 0 : i32
    return %c0_i32, %c0_i32_0 : i32, i32
  }
  func.func @transform_7(%arg0: i32) -> (i32, i32) {
    %c0_i32 = arith.constant 0 : i32
    %c0_i32_0 = arith.constant 0 : i32
    %c0_i32_1 = arith.constant 0 : i32
    return %c0_i32, %c0_i32_0 : i32, i32
  }
  func.func @transform_8(%arg0: i32) -> (i32, i32) {
    %c0_i32 = arith.constant 0 : i32
    %c0_i32_0 = arith.constant 0 : i32
    %c0_i32_1 = arith.constant 0 : i32
    return %c0_i32, %c0_i32_0 : i32, i32
  }
  func.func @transform_9(%arg0: i32) -> (i32, i32) {
    %c0_i32 = arith.constant 0 : i32
    %c0_i32_0 = arith.constant 0 : i32
    %c0_i32_1 = arith.constant 0 : i32
    return %c0_i32, %c0_i32_0 : i32, i32
  }
  func.func @transform_10(%arg0: i32) -> (i32, i32) {
    %c0_i32 = arith.constant 0 : i32
    %c0_i32_0 = arith.constant 0 : i32
    %c0_i32_1 = arith.constant 0 : i32
    return %c0_i32, %c0_i32_0 : i32, i32
  }
  func.func @transform_11(%arg0: i32) -> (i32, i32) {
    %c0_i32 = arith.constant 0 : i32
    %c0_i32_0 = arith.constant 0 : i32
    return %arg0, %c0_i32 : i32, i32
  }
}

</mosaic_0001>

<sc_bundles>
// kernel: kernel.4.cloned.1.call-start
scs
__scs_entry_jumppad:
0x0: {  	(pc) =	sbr.rel $0x88, $3  }
0x1: {  	(tag) =	ssettag $0x0;
	lr =	simm.s32 $0x1  }
0x2: {  	[smem:$0x3F99] =	sst lr;
	_ =	strace $0xD0000000  }
0x3: {  	_ = 	snop  }
0x4: {  	_ = 	snop  }
0x5: {  	_ = 	snop  }
0x6: {  	_ = 	snop  }
0x7: {  	_ = 	snop  }
__scs_overlays_trampoline_lowered:
0x8: {  	[smem:$0x3FA8] =	sst s0  }
0x9: {  	[smem:$0x3FA9] =	sst s1  }
0xa: {  	[smem:$0x3FAA] =	sst s2  }
0xb: {  	[smem:$0x3FAB] =	sst s3  }
0xc: {  	[smem:$0x3FAC] =	sst s4  }
0xd: {  	[smem:$0x3FAD] =	sst s5  }
0xe: {  	[smem:$0x3FAE] =	sst s6  }
0xf: {  	[smem:$0x3FAF] =	sst s7  }
0x10: {  	[smem:$0x3FB0] =	sst s8  }
0x11: {  	[smem:$0x3FB1] =	sst s9;
	s0 =	simm.s32 @!p0 $0x0  }
0x12: {  	s1 =	sld [smem:$0x3F97];
	s0 =	simm.s32 @p0 $0x1  }
0x13: {  	[smem:$0x3FB2] =	sst s0;
	s0 =	simm.s32 @!p1 $0x0  }
0x14: {  	s2 =	sld [smem:$0x3F96];
	s0 =	simm.s32 @p1 $0x1  }
0x15: {  	[smem:$0x3FB3] =	sst s0;
	s0 =	simm.s32 @!p2 $0x0  }
0x16: {  	s3 =	sld [smem:$0x3FDB];
	s0 =	simm.s32 @p2 $0x1  }
0x17: {  	s4 =	simm.s32 $0x1BF5;
	[smem:$0x3FB5] =	sst s0  }
0x18: {  	s0 =	sld [smem:$0x3F98];
	_ =	swait.ge [sflag:s4], $0x0  }
0x19: {  	s7 =	sld [smem:$0x3F99]  }
0x1a: {  	s8 =	sadd.s32 $0xFFFFE003, lr  }
0x1b: {  	s9 =	sadd.s32 $0xFFFFFEF7, lr;
	s5 =	simm.s32 $0xFFFFFFFF;
	p2 =	slt.u32 s8, $0xFFFFF086  }
0x1c: {  	p1 =	slt.u32 s9, $0xF7A;
	s5 =	simm.s32 @!p2 $0x0  }
0x1d: {  	s5 =	simm.s32 @p1 $0x1;
	p0 =	seq.s32 s7, s2  }
0x1e: {  	s7 =	smul.u32 @!p0 $0xF7A, s2;
	p2 =	seq.s32 @!p0 s5, $0x0  }
0x1f: {  	s9 =	smul.u32 $0xF7A, s1;
	s8 =	simm.s32 @!p0 $0x1BF5;
	p2 =	por !p2, p0  }
0x20: {  	[sflag:s8] =	ssyncset.s32 @!p0 $0xFFFFF086;
	s6 =	sadd.s32 @!p0 s3, s7;
	s7 =	simm.s32 @!p0 $0x108  }
0x21: {  	s3 =	sadd.s32 s3, s9;
	s6 =	sadd.s32 @!p0 $0x88, s6;
	s7 =	simm.s32 @p2 $0x1082  }
0x22: {  	[simem:s7], [sflag:s8] =	dma.local @!p0 [hbm:s6], $0xF7A  }
0x23: {  	s9 =	sor.u32 $0xD0000000, s2;
	s6 =	simm.s32 $0x108;
	_ =	swait.ge @!p0 [sflag:s8], $0x0  }
0x24: {  	s3 =	sadd.s32 $0x88, s3;
	s6 =	simm.s32 @!p1 $0x1082;
	[sflag:s4] =	ssyncset.s32 $0xFFFFF086  }
0x25: {  	[simem:s6], [sflag:s4] =	dma.local [hbm:s3], $0xF7A  }
0x26: {  	[smem:$0x3F99] =	sst s1;
	(tag) =	ssettag s2;
	_ =	strace s9  }
0x27: {  	s1 =	sld [smem:$0x3FA9]  }
0x28: {  	s2 =	sld [smem:$0x3FAA]  }
0x29: {  	s4 =	sld [smem:$0x3FAC]  }
0x2a: {  	p0 =	seq.s32 s5, $0x0;
	s5 =	sld [smem:$0x3FAD]  }
0x2b: {  	s6 =	sld [smem:$0x3FAE]  }
0x2c: {  	s7 =	sld [smem:$0x3FAF]  }
0x2d: {  	s3 =	simm.s32 $0x108;
	s8 =	sld [smem:$0x3FB0]  }
0x2e: {  	s3 =	simm.s32 @!p0 $0x1082;
	s9 =	sld [smem:$0x3FB1]  }
0x2f: {  	lr =	sadd.s32 s0, s3;
	s0 =	sld [smem:$0x3FA8]  }
0x30: {  	s3 =	sld [smem:$0x3FAB]  }
0x31: {  	[smem:$0x3FB4] =	sst s10  }
0x32: {  	s10 =	sld [smem:$0x3FB2];
	_ =	sdelay $0x3  }
0x33: {  	p0 =	seq.s32 s10, $0x1;
	s10 =	sld [smem:$0x3FB4];
	_ =	sdelay $0x3  }
0x34: {  	[smem:$0x3FB4] =	sst s10  }
0x35: {  	s10 =	sld [smem:$0x3FB3];
	_ =	sdelay $0x3  }
0x36: {  	p1 =	seq.s32 s10, $0x1;
	s10 =	sld [smem:$0x3FB4];
	_ =	sdelay $0x3  }
0x37: {  	[smem:$0x3FB4] =	sst s10  }
0x38: {  	s10 =	sld [smem:$0x3FB5]  }
0x39: {  	_ = 	snop;
	(pc) =	sbr.ind lr, $3  }
0x3a: {  	_ = 	snop  }
0x3b: {  	_ = 	snop  }
0x3c: {  	p2 =	seq.s32 s10, $0x1;
	s10 =	sld [smem:$0x3FB4]  }
0x3d: {  	_ =	shalt  }
0x3e: {  	_ =	shalt  }
0x3f: {  	_ =	shalt  }
0x40: {  	_ =	shalt  }
0x41: {  	_ =	shalt  }
0x42: {  	_ =	shalt  }
0x43: {  	_ =	shalt  }
0x44: {  	_ =	shalt  }
0x45: {  	_ =	shalt  }
0x46: {  	_ =	shalt  }
0x47: {  	_ =	shalt  }
0x48: {  	_ =	shalt  }
0x49: {  	_ =	shalt  }
0x4a: {  	_ =	shalt  }
0x4b: {  	_ =	shalt  }
0x4c: {  	_ =	shalt  }
0x4d: {  	_ =	shalt  }
0x4e: {  	_ =	shalt  }
0x4f: {  	_ =	shalt  }
0x50: {  	_ =	shalt  }
0x51: {  	_ =	shalt  }
0x52: {  	_ =	shalt  }
0x53: {  	_ =	shalt  }
0x54: {  	_ =	shalt  }
0x55: {  	_ =	shalt  }
0x56: {  	_ =	shalt  }
0x57: {  	_ =	shalt  }
0x58: {  	_ =	shalt  }
0x59: {  	_ =	shalt  }
0x5a: {  	_ =	shalt  }
0x5b: {  	_ =	shalt  }
0x5c: {  	_ =	shalt  }
0x5d: {  	_ =	shalt  }
0x5e: {  	_ =	shalt  }
0x5f: {  	_ =	shalt  }
0x60: {  	_ =	shalt  }
0x61: {  	_ =	shalt  }
0x62: {  	_ =	shalt  }
0x63: {  	_ =	shalt  }
0x64: {  	_ =	shalt  }
0x65: {  	_ =	shalt  }
0x66: {  	_ =	shalt  }
0x67: {  	_ =	shalt  }
0x68: {  	_ =	shalt  }
0x69: {  	_ =	shalt  }
0x6a: {  	_ =	shalt  }
0x6b: {  	_ =	shalt  }
0x6c: {  	_ =	shalt  }
0x6d: {  	_ =	shalt  }
0x6e: {  	_ =	shalt  }
0x6f: {  	_ =	shalt  }
0x70: {  	_ =	shalt  }
0x71: {  	_ =	shalt  }
0x72: {  	_ =	shalt  }
0x73: {  	_ =	shalt  }
0x74: {  	_ =	shalt  }
0x75: {  	_ =	shalt  }
0x76: {  	_ =	shalt  }
0x77: {  	_ =	shalt  }
0x78: {  	_ =	shalt  }
0x79: {  	_ =	shalt  }
0x7a: {  	_ =	shalt  }
0x7b: {  	_ =	shalt  }
0x7c: {  	_ =	shalt  }
0x7d: {  	_ =	shalt  }
0x7e: {  	_ =	shalt  }
0x7f: {  	_ =	shalt  }
0x80: {  	_ =	shalt  }
0x81: {  	_ =	shalt  }
0x82: {  	_ =	shalt  }
0x83: {  	_ =	shalt  }
0x84: {  	_ =	shalt  }
0x85: {  	_ =	shalt  }
0x86: {  	_ =	shalt  }
0x87: {  	_ =	shalt  }
.Lfunc_end0:
.L_simem_size_0:
called_computation_lowered:
.L_overlay_start_0:
0x88: {  	s2 =	sld [smem:$0x3FD9]  }
0x89: {  	s3 =	sld [smem:$0x3FFE];
	_ =	sdelay $0x1  }
0x8a: {  	s1 =	srdreg.scid  }
0x8b: {  	s0 =	sand.u32 $0x1, s1  }
0x8c: {  	s17 =	sshll.u32 s0, $0xA;
	s2 =	sadd.s32 s3, s2  }
0x8d: {  	s2 =	sadd.s32 s2, s17  }
0x8e: {  	[smem:$0x3FC0] =	sst s2  }
0x8f: {  	_ = 	snop  }
0x90: {  	s2 =	sld [smem:$0x3FC9]  }
0x91: {  	s18 =	sld [smem:$0x3FD0];
	(tm) =	ssettm $0x1  }
0x92: {  	s4 =	sld [smem:$0x3FFB];
	_ =	sdelay $0x3  }
0x93: {  	_ =	strace s4  }
0x94: {  	s4 =	sld [smem:$0x3FFC];
	_ =	sdelay $0x3  }
0x95: {  	_ =	strace s4  }
0x96: {  	s4 =	sld [smem:$0x3FFD];
	_ =	sdelay $0x3  }
0x97: {  	_ =	strace s4  }
0x98: {  	_ =	strace $0x8FFFFFFF  }
0x99: {  	s19 =	sld [smem:$0x3FDB];
	_ =	sdelay $0x1  }
0x9a: {  	s5 =	simm.s32 $_scs_section_size  }
0x9b: {  	s6 =	simm.s32 $_size__tile_overlayer_lowered;
	s7 =	simm.s32 $_tile_overlayer_lowered  }
0x9c: {  	s22 =	simm.s32 $0x1BFF;
	s21 =	sshll.u32 s7, $0x1;
	s4 =	sadd.s32 s5, s19  }
0x9d: {  	s8 =	simm.s32 $0x0;
	s20 =	sshll.u32 s6, $0x1;
	s6 =	sadd.s32 s21, s4  }
0x9e: {  	[timem:s8], [sflag:s22] =	dma.local [hbm:s6], s20  }
0x9f: {  	_ =	swait.ge [sflag:s22], s20  }
0xa0: {  	s5 =	ssub.s32 $0x0, s20;
	[sflag:s22] =	ssyncset.done $0x0  }
0xa1: {  	[sflag:s22] =	ssyncadd.s32 s5;
	_ =	sdelay $0x1  }
0xa2: {  	s23 =	simm.s32 $0x1B8B  }
0xa3: {  	_ =	swait.ge [sflag:s23], $0x1  }
0xa4: {  	[sflag:s23] =	ssyncset.done $0x0  }
0xa5: {  	s25 =	simm.s32 $0x1B8E;
	s24 =	sld [smem:$0x3FFE];
	[sflag:s23] =	ssyncadd.s32 $0xFFFFFFFF  }
0xa6: {  	s26 =	simm.s32 $execute0_lowered;
	[smem:$0x3FD2] =	sst s25  }
0xa7: {  	s6 =	sshll.u32 s26, $0x1;
	_ =	strace $0x80000046;
	[dreg:$0x1] =	wrdreg $0xFFFFFFFF  }
0xa8: {  	s28 =	simm.s32 $_size_execute0_lowered;
	s4 =	sadd.s32 s4, s6;
	[dreg:$0x0] =	wrdreg $0x0  }
0xa9: {  	s6 =	sshll.u32 s28, $0x1;
	[dreg:$0x2] =	wrdreg s4  }
0xaa: {  	[dreg:$0x3] =	wrdreg s6  }
0xab: {  	[dreg:$0x4] =	wrdreg $0xC0  }
0xac: {  	_ =	task [dreg:s8], $0x5FFFF  }
0xad: {  	[dreg:$0x1] =	wrdreg $0xFFFFFFFF  }
0xae: {  	[dreg:$0x0] =	wrdreg $0x60  }
0xaf: {  	[dreg:$0x2] =	wrdreg s2  }
0xb0: {  	[dreg:$0x3] =	wrdreg s18  }
0xb1: {  	[dreg:$0x4] =	wrdreg s24  }
0xb2: {  	[dreg:$0x5] =	wrdreg $0xAC000  }
0xb3: {  	[dreg:$0x6] =	wrdreg $0x9  }
0xb4: {  	_ =	task.clear_ibuf [dreg:s8], $0x7FFFF;
	_ =	strace $0x90000046  }
0xb5: {  	s29 =	simm.s32 $0x9;
	_ =	strace $0x80000048  }
0xb6: {  	_ =	swait.ge [sflag:s29], $0x1  }
0xb7: {  	[sflag:s29] =	ssyncadd.s32 $0xFFFFFFFF  }
0xb8: {  	_ =	strace $0x90000048  }
0xb9: {  	_ =	sfence  }
0xba: {  	s30 =	sld [smem:$0x0];
	_ =	sdelay $0x2  }
0xbb: {  	s31 =	sshll.u32 s1, $0xD;
	s1 =	sshrl.u32 s1, $0x2  }
0xbc: {  	s3 =	sand.u32 $0x4000, s31;
	s1 =	sadd.s32 s1, s30  }
0xbd: {  	s0 =	sor.u32 s3, s0;
	s1 =	sshll.u32 s1, $0x11  }
0xbe: {  	s0 =	sor.u32 s1, s0  }
0xbf: {  	s0 =	sadd.s32 $0x8F2B, s0  }
0xc0: {  	[sflag:s0] =	ssyncadd.remote.s32 $0x1  }
0xc1: {  	_ =	sfence.sel $0xFFFF  }
0xc2: {  	[dreg:$0x0] =	wrdreg $0xFFFFFFFF;
	(pc) =	sbr.abs _section_cstart, $3  }
0xc3: {  	[dreg:$0x1] =	wrdreg $0xFFFFFFFF  }
0xc4: {  	_ =	task.clear_ibuf [dreg:s8], $0x2FFFF;
	_ =	strace $0x9FFFFFFF  }
0xc5: {  	(tm) =	ssettm $0x7FFFFFFF  }
tec
execute0_lowered:
.L_overlay_start_1:
0x0: {  	(tag) =	ssettag $0x1  }
0x1: {  	s0 =	rddreg [dreg:$0x0]  }
0x2: {  	s1 =	rddreg [dreg:$0x1]  }
0x3: {  	s8 =	rddreg [dreg:$0x2]  }
0x4: {  	s2 =	srdreg.scid;
	s3 =	stileid.u32  }
0x5: {  	s4 =	rddreg [dreg:$0x3];
	s5 =	simm.s32 $0x0;
	s11 =	smul.u32 $0x14000, s3  }
0x6: {  	s9 =	sand.u32 $0x1, s2;
	s2 =	rddreg [dreg:$0x4];
	s19 =	smul.u32 $0x50000, s3  }
0x7: {  	[smem:$0x7FF] =	sst s5;
	s6 =	sshrl.u32 s3, $0x3;
	s24 =	smul.u32 $0x9C, s3  }
0x8: {  	s7 =	sadd.s32 $0x4E00, s8;
	s14 =	sshll.u32 s3, $0x7;
	s10 =	smul.u32 $0x140000, s9  }
0x9: {  	s25 =	sshll.u32 s3, $0x6;
	s26 =	smin.u32 s3, $0x4;
	s12 =	smul.u32 $0x28000, s9  }
0xa: {  	p0 =	slt.u32 s3, $0x4;
	_ =	strace $0x80000047;
	s13 =	smul.u32 $0x14000, s6  }
0xb: {  	s6 =	sadd.s32 $0x2600, s8;
	s18 =	sand.u32 $0x380, s14;
	s21 =	ssub.s32 $0x2, s9  }
0xc: {  	s28 =	smul.u32 $0x9C400, s9;
	s30 =	sadd.s32 $0x1, s26;
	s22 =	sshrl.u32 s21, $0x1  }
0xd: {  	s23 =	sshrl.u32 s19, $0x2;
	s29 =	sadd.s32 s26, s24;
	s10 =	sadd.s32 s11, s10  }
0xe: {  	s17 =	sadd.s32 s12, s13;
	s13 =	simm.s32 $0x9D;
	s9 =	sor.u32 $0x100, s28  }
0xf: {  	s14 =	sadd.s32 $0x2, s29;
	s10 =	sshrl.u32 s10, $0x3;
	s11 =	sor.u32 s18, s17  }
0x10: {  	s17 =	ssub.s32 s21, s22;
	s18 =	sadd.s32 s23, s4;
	s13 =	simm.s32 @!p0 $0x9C  }
0x11: {  	s21 =	sand.u32 $0x3, s26;
	s22 =	sand.u32 $0x3, s30;
	s16 =	sadd.s32 s10, s8  }
0x12: {  	s20 =	sshrl.u32 s11, $0x3;
	s10 =	sshll.u32 s29, $0x8;
	s12 =	sadd.s32 s13, s29  }
0x13: {  	s17 =	smax.u32 s17, $0x1;
	p2 =	sgt.s32 s21, $0x1;
	s18 =	sshrl.u32 s18, $0x3  }
0x14: {  	p3 =	sgt.s32 s22, $0x1;
	s15 =	sadd.s32 s20, s8;
	p0 =	seq.s32 @p2 s21, $0x2  }
0x15: {  	s8 =	sor.u32 $0x1C06, s25;
	s19 =	sadd.s32 s28, s10;
	p1 =	por !p0, !p2  }
0x16: {  	s10 =	sadd.s32 s10, s9;
	p0 =	por p0, !p2;
	s24 =	simm.s32 @!p1 $0x0  }
0x17: {  	s24 =	simm.s32 @p1 $0x1;
	p1 =	seq.s32 @!p2 s21, $0x0;
	s21 =	simm.s32 @!p0 $0x0  }
0x18: {  	s31 =	sadd.s32 $0xFFFFFFFF, s12;
	s21 =	simm.s32 @p0 $0x1;
	p0 =	por !p1, p2  }
0x19: {  	s16 =	sadd.s32 $0x5400, s16;
	[smem:$0x7F4] =	sst s21;
	s21 =	simm.s32 @!p0 $0x0  }
0x1a: {  	s11 =	sshrl.u32 s19, $0x3;
	s20 =	sshrl.u32 s10, $0x3;
	s21 =	simm.s32 @p0 $0x1  }
0x1b: {  	s19 =	sadd.s32 $0x200, s19;
	[smem:$0x7F5] =	sst s21;
	s21 =	simm.s32 @!p2 $0x0  }
0x1c: {  	s23 =	sand.u32 $0x3, s31;
	p0 =	por p1, p2;
	s21 =	simm.s32 @p2 $0x1  }
0x1d: {  	s15 =	sadd.s32 $0x55400, s15;
	[smem:$0x7F6] =	sst s21;
	s21 =	simm.s32 @!p0 $0x0  }
0x1e: {  	s10 =	sadd.s32 s1, s11;
	s21 =	simm.s32 @p0 $0x1;
	p0 =	seq.s32 @p3 s22, $0x2  }
0x1f: {  	s11 =	sadd.s32 s1, s20;
	p6 =	por !p0, !p3;
	p0 =	por p0, !p3  }
0x20: {  	s19 =	sshrl.u32 s19, $0x3;
	p2 =	seq.s32 @!p3 s22, $0x0;
	s22 =	simm.s32 @!p0 $0x0  }
0x21: {  	s20 =	simm.s32 $0x8400;
	p4 =	sgt.s32 s23, $0x1;
	s22 =	simm.s32 @p0 $0x1  }
0x22: {  	s13 =	sadd.s32 s1, s19;
	[smem:$0x7F8] =	sst s22;
	s22 =	simm.s32 @!p3 $0x0  }
0x23: {  	p0 =	por !p2, p3;
	p2 =	por p2, p3;
	s22 =	simm.s32 @p3 $0x1  }
0x24: {  	p1 =	seq.s32 @p4 s23, $0x2;
	[smem:$0x7F9] =	sst s22;
	s22 =	simm.s32 @!p2 $0x0  }
0x25: {  	p5 =	por !p1, !p4;
	p1 =	por p1, !p4;
	s22 =	simm.s32 @p2 $0x1  }
0x26: {  	s19 =	simm.s32 $0x6;
	[smem:$0x7FA] =	sst s22;
	s22 =	simm.s32 @!p1 $0x0  }
0x27: {  	[smem:$0x7F3] =	sst s24;
	p3 =	seq.s32 @!p4 s23, $0x0;
	s22 =	simm.s32 @p1 $0x1  }
.Ltmp0:
0x28: {  	[smem:$0x7FB] =	sst s22;
	s22 =	simm.s32 @!p4 $0x0;
	(pc) =	sbr.rel .LBB2_1-.Ltmp0, $4  }
0x29: {  	[smem:$0x7F7] =	sst s21;
	p2 =	por p3, p4;
	s22 =	simm.s32 @p4 $0x1  }
0x2a: {  	s24 =	simm.s32 $0x0;
	[smem:$0x7FC] =	sst s22;
	s22 =	simm.s32 @!p2 $0x0  }
0x2b: {  	s21 =	simm.s32 $0x5;
	s23 =	simm.s32 $0x400;
	s22 =	simm.s32 @p2 $0x1  }
0x2c: {  	v0 =	vimm.f32 $1.000000000e+00;
	p1 =	por !p3, p4;
	[smem:$0x7FD] =	sst s22;
	s22 =	simm.s32 $0x80  }
.LBB2_6:
0x2d: {  	s25 =	simm.s32 @!p5 $0x1  }
0x2e: {  	_ =	swait.ge @!p5 [sflag:s25], $0x4000  }
0x2f: {  	s26 =	simm.s32 @!p5 $0x280;
	[sflag:s25] =	ssyncset.done @!p5 $0x0  }
0x30: {  	s28 =	simm.s32 @!p5 $0x400;
	[sflag:s25] =	ssyncadd.s32 @!p5 $0xFFFFC000;
	s25 =	simm.s32 @!p5 $0x80  }
0x31: {  	[spmem:s4] =	stream.indirect.scatter.add.f32 @!p5 [tilespmem:s28], [sflag:$0x3], $0x80, s26, s25, $0xb8;
	[tilespmem:$0x1EC00] =	vst v63  }
0x32: {  	v1 =	vld @!p5 [tilespmem:$0x280];
	_ =	sdelay $0x6  }
0x33: {  	v2 =	vimm.f32 @!p5 $1.000000000e+00;
	s25 =	simm.s32 @!p5 $0x8400  }
0x34: {  	[tilespmem:v1+s25+$0x0] =	vst.idx.add.f32.msk @!p5 $0xffff, v2  }
0x35: {  	v1 =	vld @!p5 [tilespmem:$0x290];
	_ =	sdelay $0x7  }
0x36: {  	[tilespmem:v1+s25+$0x0] =	vst.idx.add.f32.msk @!p5 $0xffff, v2  }
0x37: {  	v1 =	vld @!p5 [tilespmem:$0x2A0];
	_ =	sdelay $0x7  }
0x38: {  	[tilespmem:v1+s25+$0x0] =	vst.idx.add.f32.msk @!p5 $0xffff, v2  }
0x39: {  	v1 =	vld @!p5 [tilespmem:$0x2B0];
	_ =	sdelay $0x7  }
0x3a: {  	[tilespmem:v1+s25+$0x0] =	vst.idx.add.f32.msk @!p5 $0xffff, v2  }
0x3b: {  	v1 =	vld @!p5 [tilespmem:$0x2C0];
	_ =	sdelay $0x7  }
0x3c: {  	[tilespmem:v1+s25+$0x0] =	vst.idx.add.f32.msk @!p5 $0xffff, v2  }
0x3d: {  	v1 =	vld @!p5 [tilespmem:$0x2D0];
	_ =	sdelay $0x3  }
0x3e: {  	s29 =	sld [smem:$0x7FB];
	_ =	sdelay $0x2  }
0x3f: {  	p2 =	seq.s32 s29, $0x1  }
0x40: {  	[tilespmem:v1+s25+$0x0] =	vst.idx.add.f32.msk @!p5 $0xffff, v2;
	s25 =	simm.s32 @!p2 $0x2  }
0x41: {  	_ =	swait.ge @!p2 [sflag:s25], $0x4000  }
0x42: {  	s26 =	simm.s32 @!p2 $0x380;
	[sflag:s25] =	ssyncset.done @!p2 $0x0  }
0x43: {  	s28 =	simm.s32 @!p2 $0x4400;
	[sflag:s25] =	ssyncadd.s32 @!p2 $0xFFFFC000;
	s25 =	simm.s32 @!p2 $0x80  }
0x44: {  	[spmem:s4] =	stream.indirect.scatter.add.f32 @!p2 [tilespmem:s28], [sflag:$0x4], $0x80, s26, s25, $0xb8;
	[tilespmem:$0x1EC00] =	vst v63  }
0x45: {  	v1 =	vld @!p2 [tilespmem:$0x380];
	_ =	sdelay $0x6  }
0x46: {  	v2 =	vimm.f32 @!p2 $1.000000000e+00;
	s25 =	simm.s32 @!p2 $0x8400  }
0x47: {  	[tilespmem:v1+s25+$0x0] =	vst.idx.add.f32.msk @!p2 $0xffff, v2  }
0x48: {  	v1 =	vld @!p2 [tilespmem:$0x390];
	_ =	sdelay $0x7  }
0x49: {  	[tilespmem:v1+s25+$0x0] =	vst.idx.add.f32.msk @!p2 $0xffff, v2  }
0x4a: {  	v1 =	vld @!p2 [tilespmem:$0x3A0];
	_ =	sdelay $0x7  }
0x4b: {  	[tilespmem:v1+s25+$0x0] =	vst.idx.add.f32.msk @!p2 $0xffff, v2  }
0x4c: {  	v1 =	vld @!p2 [tilespmem:$0x3B0];
	_ =	sdelay $0x7  }
0x4d: {  	[tilespmem:v1+s25+$0x0] =	vst.idx.add.f32.msk @!p2 $0xffff, v2  }
0x4e: {  	v1 =	vld @!p2 [tilespmem:$0x3C0];
	_ =	sdelay $0x7  }
0x4f: {  	[tilespmem:v1+s25+$0x0] =	vst.idx.add.f32.msk @!p2 $0xffff, v2  }
0x50: {  	v1 =	vld @!p2 [tilespmem:$0x3D0];
	_ =	sdelay $0x7  }
0x51: {  	[tilespmem:v1+s25+$0x0] =	vst.idx.add.f32.msk @!p2 $0xffff, v2;
	s25 =	simm.s32 @!p1 $0x1  }
0x52: {  	_ =	swait.ge @!p1 [sflag:s25], $0x4000  }
0x53: {  	[sflag:s25] =	ssyncset.done @!p1 $0x0  }
0x54: {  	s26 =	simm.s32 @!p1 $0x400;
	[sflag:s25] =	ssyncadd.s32 @!p1 $0xFFFFC000;
	s25 =	simm.s32 @!p1 $0x80  }
0x55: {  	[spmem:s4] =	stream.indirect.scatter.add.f32 @!p1 [tilespmem:s26], [sflag:$0x3], $0x80, s25, s25, $0xb8;
	[tilespmem:$0x1EC00] =	vst v63  }
0x56: {  	v1 =	vld @!p1 [tilespmem:$0x80];
	_ =	sdelay $0x6  }
0x57: {  	v2 =	vimm.f32 @!p1 $1.000000000e+00;
	s25 =	simm.s32 @!p1 $0x8400  }
0x58: {  	[tilespmem:v1+s25+$0x0] =	vst.idx.add.f32.msk @!p1 $0xffff, v2  }
0x59: {  	v1 =	vld @!p1 [tilespmem:$0x90];
	_ =	sdelay $0x7  }
0x5a: {  	[tilespmem:v1+s25+$0x0] =	vst.idx.add.f32.msk @!p1 $0xffff, v2  }
0x5b: {  	v1 =	vld @!p1 [tilespmem:$0xA0];
	_ =	sdelay $0x7  }
0x5c: {  	[tilespmem:v1+s25+$0x0] =	vst.idx.add.f32.msk @!p1 $0xffff, v2  }
0x5d: {  	v1 =	vld @!p1 [tilespmem:$0xB0];
	_ =	sdelay $0x7  }
0x5e: {  	[tilespmem:v1+s25+$0x0] =	vst.idx.add.f32.msk @!p1 $0xffff, v2  }
0x5f: {  	v1 =	vld @!p1 [tilespmem:$0xC0];
	_ =	sdelay $0x7  }
0x60: {  	[tilespmem:v1+s25+$0x0] =	vst.idx.add.f32.msk @!p1 $0xffff, v2  }
0x61: {  	v1 =	vld @!p1 [tilespmem:$0xD0];
	_ =	sdelay $0x3  }
0x62: {  	s30 =	sld [smem:$0x7FD];
	_ =	sdelay $0x2  }
0x63: {  	p2 =	seq.s32 s30, $0x1  }
0x64: {  	[tilespmem:v1+s25+$0x0] =	vst.idx.add.f32.msk @!p1 $0xffff, v2;
	s25 =	simm.s32 @!p2 $0x2  }
0x65: {  	_ =	swait.ge @!p2 [sflag:s25], $0x4000  }
0x66: {  	s26 =	simm.s32 @!p2 $0x180;
	[sflag:s25] =	ssyncset.done @!p2 $0x0  }
0x67: {  	s28 =	simm.s32 @!p2 $0x4400;
	[sflag:s25] =	ssyncadd.s32 @!p2 $0xFFFFC000;
	s25 =	simm.s32 @!p2 $0x80  }
0x68: {  	[spmem:s4] =	stream.indirect.scatter.add.f32 @!p2 [tilespmem:s28], [sflag:$0x4], $0x80, s26, s25, $0xb8;
	[tilespmem:$0x1EC00] =	vst v63  }
0x69: {  	v1 =	vld @!p2 [tilespmem:$0x180];
	_ =	sdelay $0x6  }
0x6a: {  	v2 =	vimm.f32 @!p2 $1.000000000e+00;
	s25 =	simm.s32 @!p2 $0x8400  }
0x6b: {  	[tilespmem:v1+s25+$0x0] =	vst.idx.add.f32.msk @!p2 $0xffff, v2  }
0x6c: {  	v1 =	vld @!p2 [tilespmem:$0x190];
	_ =	sdelay $0x7  }
0x6d: {  	[tilespmem:v1+s25+$0x0] =	vst.idx.add.f32.msk @!p2 $0xffff, v2  }
0x6e: {  	v1 =	vld @!p2 [tilespmem:$0x1A0];
	_ =	sdelay $0x7  }
0x6f: {  	[tilespmem:v1+s25+$0x0] =	vst.idx.add.f32.msk @!p2 $0xffff, v2  }
0x70: {  	v1 =	vld @!p2 [tilespmem:$0x1B0];
	_ =	sdelay $0x7  }
0x71: {  	[tilespmem:v1+s25+$0x0] =	vst.idx.add.f32.msk @!p2 $0xffff, v2  }
0x72: {  	v1 =	vld @!p2 [tilespmem:$0x1C0];
	_ =	sdelay $0x7  }
0x73: {  	[tilespmem:v1+s25+$0x0] =	vst.idx.add.f32.msk @!p2 $0xffff, v2  }
0x74: {  	v1 =	vld @!p2 [tilespmem:$0x1D0];
	_ =	sdelay $0x4  }
0x75: {  	s31 =	sld [smem:$0x7FC];
	_ =	sdelay $0x1  }
0x76: {  	s26 =	simm.s32 @!p5 $0x2E0;
	s28 =	simm.s32 @!p1 $0xE0  }
0x77: {  	s26 =	simm.s32 @p5 $0x3E0;
	s28 =	simm.s32 @p1 $0x1E0;
	[tilespmem:v1+s25+$0x0] =	vst.idx.add.f32.msk @!p2 $0xffff, v2;
	p2 =	seq.s32 s31, $0x1  }
0x78: {  	s28 =	smov.u32 @p2 s26  }
0x79: {  	v1 =	vld [tilespmem:s28+$0x0];
	_ =	sdelay $0x5  }
0x7a: {  	s25 =	simm.s32 @!p5 $0x2F0;
	s26 =	simm.s32 @!p1 $0xF0  }
0x7b: {  	s25 =	simm.s32 @p5 $0x3F0;
	s26 =	simm.s32 @p1 $0x1F0  }
0x7c: {  	s26 =	smov.u32 @p2 s25;
	[tilespmem:v1+s20+$0x0] =	vst.idx.add.f32.msk $0xffff, v0  }
0x7d: {  	v1 =	vld [tilespmem:s26+$0x0];
	_ =	sdelay $0x5  }
0x7e: {  	s25 =	simm.s32 @!p5 $0x4;
	s26 =	simm.s32 @!p1 $0x4  }
0x7f: {  	s25 =	simm.s32 @p5 $0x3;
	s26 =	simm.s32 @p1 $0x3  }
0x80: {  	s26 =	smov.u32 @p2 s25;
	[tilespmem:v1+s20+$0x0] =	vst.idx.add.f32.msk $0xffff, v0  }
0x81: {  	s28 =	simm.s32 @!p1 $0x3;
	s25 =	simm.s32 @!p5 $0x3;
	_ =	swait.ge [sflag:s26], $0x4000  }
0x82: {  	s28 =	simm.s32 @p1 $0x4;
	s25 =	simm.s32 @p5 $0x4;
	[sflag:s26] =	ssyncset.done $0x0  }
0x83: {  	s28 =	smov.u32 @p2 s25;
	[sflag:s26] =	ssyncadd.s32 $0xFFFFC000  }
0x84: {  	_ =	swait.ge [sflag:s28], $0x4000  }
0x85: {  	[sflag:s28] =	ssyncset.done $0x0  }
0x86: {  	[sflag:s28] =	ssyncadd.s32 $0xFFFFC000  }
0x87: {  	_ =	swait.ge [sflag:s21], $0x100  }
0x88: {  	[sflag:s21] =	ssyncset.done $0x0  }
0x89: {  	[sflag:s21] =	ssyncadd.s32 $0xFFFFFF00  }
0x8a: {  	[hbm4b:s15+s22] =	stream.strided.scatter [tilespmem:s20], [sflag:$0x6], $0x2800, s23, s22, $0x38;
	[tilespmem:$0x1EC00] =	vst v63  }
0x8b: {  	_ =	swait.ge [sflag:s19], $0x2800  }
0x8c: {  	s24 =	sadd.s32 $0x1, s24;
	[sflag:s19] =	ssyncset.done $0x0  }
0x8d: {  	p3 =	sne.s32 s24, s17;
	[sflag:s19] =	ssyncadd.s32 $0xFFFFD800  }
.Ltmp1:
0x8e: {  	[bflag:$0x0] =	sbarrier.arrive $0xFFFF;
	(pc) =	sbr.rel @!p3 .LBB2_7-.Ltmp1, $4  }
0x8f: {  	[hbm:s16], [sflag:s8] =	dma.local [spmem:s18], $0x2800  }
0x90: {  	_ =	swait.ge [sflag:s19], $0x2800  }
0x91: {  	[sflag:s19] =	ssyncset.done $0x0  }
0x92: {  	[sflag:s19] =	ssyncadd.s32 $0xFFFFD800  }
.LBB2_1:
0x93: {  	[spmem:s18], [sflag:s8] =	dma.local [hbm:s6], $0x2800  }
0x94: {  	_ =	swait.ge [sflag:s19], $0x2800  }
0x95: {  	[sflag:s19] =	ssyncset.done $0x0  }
0x96: {  	[sflag:s19] =	ssyncadd.s32 $0xFFFFD800  }
0x97: {  	[tilespmem:s20], [sflag:$0x6] =	stream.linear.gather [hbm4b:s7+s5], $0x2800, $0x38;
	[tilespmem:$0x1EC00] =	vst v63  }
0x98: {  	_ =	swait.ge [sflag:s19], $0x2800  }
0x99: {  	s25 =	sld [smem:$0x7F3];
	_ =	sdelay $0x2  }
0x9a: {  	[sflag:s19] =	ssyncset.done $0x0;
	p3 =	seq.s32 s25, $0x1  }
0x9b: {  	[sflag:s19] =	ssyncadd.s32 $0xFFFFD800;
	s25 =	simm.s32 @!p3 $0x0;
	s26 =	simm.s32 @!p3 $0x200  }
0x9c: {  	[tilespmem:s26], [sflag:$0x6] =	stream.linear.gather @!p3 [hbm4b:s10+s25], $0x100, $0x38;
	[tilespmem:$0x1EC00] =	vst v63  }
0x9d: {  	s25 =	simm.s32 @!p3 $0x6  }
0x9e: {  	_ =	swait.ge @!p3 [sflag:s25], $0x100  }
0x9f: {  	[sflag:s25] =	ssyncset.done @!p3 $0x0;
	s30 =	sld [smem:$0x7F4]  }
0xa0: {  	s28 =	simm.s32 @!p3 $0x400;
	[sflag:s25] =	ssyncadd.s32 @!p3 $0xFFFFFF00;
	s25 =	simm.s32 @!p3 $0x80  }
0xa1: {  	[tilespmem:s28], [sflag:$0x1] =	stream.indirect.gather @!p3 [hbm4b:s0+s25], $0x80, s26, s25, $0xb8;
	[tilespmem:$0x1EC00] =	vst v63  }
0xa2: {  	p4 =	seq.s32 s30, $0x1  }
0xa3: {  	s25 =	simm.s32 @!p4 $0x0;
	s26 =	simm.s32 @!p4 $0x300  }
0xa4: {  	[tilespmem:s26], [sflag:$0x6] =	stream.linear.gather @!p4 [hbm4b:s10+s25], $0x100, $0x38;
	[tilespmem:$0x1EC00] =	vst v63  }
0xa5: {  	s25 =	simm.s32 @!p4 $0x6  }
0xa6: {  	_ =	swait.ge @!p4 [sflag:s25], $0x100  }
0xa7: {  	[sflag:s25] =	ssyncset.done @!p4 $0x0;
	s31 =	sld [smem:$0x7F5]  }
0xa8: {  	s28 =	simm.s32 @!p4 $0x4400;
	[sflag:s25] =	ssyncadd.s32 @!p4 $0xFFFFFF00;
	s25 =	simm.s32 @!p4 $0x80  }
0xa9: {  	[tilespmem:s28], [sflag:$0x2] =	stream.indirect.gather @!p4 [hbm4b:s0+s25], $0x80, s26, s25, $0xb8;
	[tilespmem:$0x1EC00] =	vst v63  }
0xaa: {  	p4 =	seq.s32 s31, $0x1  }
0xab: {  	s25 =	simm.s32 @!p4 $0x0;
	s26 =	simm.s32 @!p4 $0x6  }
0xac: {  	[tilespmem:s25], [sflag:$0x6] =	stream.linear.gather @!p4 [hbm4b:s10+s25], $0x100, $0x38;
	[tilespmem:$0x1EC00] =	vst v63  }
0xad: {  	_ =	swait.ge @!p4 [sflag:s26], $0x100  }
0xae: {  	[sflag:s26] =	ssyncset.done @!p4 $0x0  }
0xaf: {  	s28 =	simm.s32 @!p4 $0x400;
	[sflag:s26] =	ssyncadd.s32 @!p4 $0xFFFFFF00;
	s26 =	simm.s32 @!p4 $0x80  }
0xb0: {  	[tilespmem:s28], [sflag:$0x1] =	stream.indirect.gather @!p4 [hbm4b:s0+s26], $0x80, s25, s26, $0xb8;
	[tilespmem:$0x1EC00] =	vst v63  }
0xb1: {  	s26 =	sld [smem:$0x7F7];
	_ =	sdelay $0x2  }
0xb2: {  	p2 =	seq.s32 s26, $0x1  }
0xb3: {  	s25 =	simm.s32 @!p2 $0x0;
	s26 =	simm.s32 @!p2 $0x100;
	s28 =	simm.s32 @!p2 $0x6  }
0xb4: {  	[tilespmem:s26], [sflag:$0x6] =	stream.linear.gather @!p2 [hbm4b:s10+s25], $0x100, $0x38;
	[tilespmem:$0x1EC00] =	vst v63  }
0xb5: {  	_ =	swait.ge @!p2 [sflag:s28], $0x100  }
0xb6: {  	[sflag:s28] =	ssyncset.done @!p2 $0x0  }
0xb7: {  	s30 =	simm.s32 @!p2 $0x4400;
	[sflag:s28] =	ssyncadd.s32 @!p2 $0xFFFFFF00;
	s28 =	simm.s32 @!p2 $0x80  }
0xb8: {  	[tilespmem:s30], [sflag:$0x2] =	stream.indirect.gather @!p2 [hbm4b:s0+s28], $0x80, s26, s28, $0xb8;
	[tilespmem:$0x1EC00] =	vst v63  }
0xb9: {  	s28 =	sld [smem:$0x7F6];
	_ =	sdelay $0x1  }
0xba: {  	s29 =	simm.s32 @!p3 $0x300;
	s25 =	simm.s32 @!p4 $0x100  }
0xbb: {  	s29 =	simm.s32 @p3 $0x0;
	s25 =	simm.s32 @p4 $0x200;
	p3 =	seq.s32 s28, $0x1  }
0xbc: {  	s25 =	smov.u32 @p3 s29  }
0xbd: {  	[tilespmem:s25], [sflag:$0x5] =	stream.linear.gather [hbm4b:s11+s5], $0x100, $0x38;
	[tilespmem:$0x1EC00] =	vst v63  }
0xbe: {  	[bflag:$0x0] =	sbarrier.arrive $0xFFFF  }
0xbf: {  	_ =	swait.ge [sflag:s21], $0x100  }
0xc0: {  	s26 =	simm.s32 @!p6 $0x200;
	[sflag:s21] =	ssyncset.done $0x0  }
0xc1: {  	s28 =	simm.s32 @!p6 $0x400;
	s25 =	simm.s32 @!p6 $0x80;
	[sflag:s21] =	ssyncadd.s32 $0xFFFFFF00  }
0xc2: {  	[tilespmem:s28], [sflag:$0x1] =	stream.indirect.gather @!p6 [hbm4b:s0+s25], $0x80, s26, s25, $0xb8;
	[tilespmem:$0x1EC00] =	vst v63  }
0xc3: {  	s26 =	simm.s32 @!p6 $0x0;
	s28 =	simm.s32 @!p6 $0x300  }
0xc4: {  	[tilespmem:s28], [sflag:$0x5] =	stream.linear.gather @!p6 [hbm4b:s13+s26], $0x100, $0x38;
	[tilespmem:$0x1EC00] =	vst v63  }
0xc5: {  	s26 =	simm.s32 @!p6 $0x2  }
0xc6: {  	_ =	swait.ge @!p6 [sflag:s26], $0x4000  }
0xc7: {  	[sflag:s26] =	ssyncset.done @!p6 $0x0  }
0xc8: {  	s28 =	simm.s32 @!p6 $0x4400;
	[sflag:s26] =	ssyncadd.s32 @!p6 $0xFFFFC000;
	s26 =	simm.s32 @!p6 $0x180  }
0xc9: {  	[spmem:s4] =	stream.indirect.scatter.add.f32 @!p6 [tilespmem:s28], [sflag:$0x4], $0x80, s26, s25, $0xb8;
	[tilespmem:$0x1EC00] =	vst v63  }
0xca: {  	v1 =	vld @!p6 [tilespmem:$0x180];
	_ =	sdelay $0x6  }
0xcb: {  	v2 =	vimm.f32 @!p6 $1.000000000e+00;
	s25 =	simm.s32 @!p6 $0x8400  }
0xcc: {  	[tilespmem:v1+s25+$0x0] =	vst.idx.add.f32.msk @!p6 $0xffff, v2  }
0xcd: {  	v1 =	vld @!p6 [tilespmem:$0x190];
	_ =	sdelay $0x7  }
0xce: {  	[tilespmem:v1+s25+$0x0] =	vst.idx.add.f32.msk @!p6 $0xffff, v2  }
0xcf: {  	v1 =	vld @!p6 [tilespmem:$0x1A0];
	_ =	sdelay $0x7  }
0xd0: {  	[tilespmem:v1+s25+$0x0] =	vst.idx.add.f32.msk @!p6 $0xffff, v2  }
0xd1: {  	v1 =	vld @!p6 [tilespmem:$0x1B0];
	_ =	sdelay $0x7  }
0xd2: {  	[tilespmem:v1+s25+$0x0] =	vst.idx.add.f32.msk @!p6 $0xffff, v2  }
0xd3: {  	v1 =	vld @!p6 [tilespmem:$0x1C0];
	_ =	sdelay $0x7  }
0xd4: {  	[tilespmem:v1+s25+$0x0] =	vst.idx.add.f32.msk @!p6 $0xffff, v2  }
0xd5: {  	v1 =	vld @!p6 [tilespmem:$0x1D0];
	_ =	sdelay $0x3  }
0xd6: {  	s29 =	sld [smem:$0x7F8];
	_ =	sdelay $0x2  }
0xd7: {  	p2 =	seq.s32 s29, $0x1  }
0xd8: {  	s26 =	simm.s32 @!p2 $0x300;
	s28 =	simm.s32 @!p2 $0x4400;
	[tilespmem:v1+s25+$0x0] =	vst.idx.add.f32.msk @!p6 $0xffff, v2;
	s25 =	simm.s32 @!p2 $0x80  }
0xd9: {  	[tilespmem:s28], [sflag:$0x2] =	stream.indirect.gather @!p2 [hbm4b:s0+s25], $0x80, s26, s25, $0xb8;
	[tilespmem:$0x1EC00] =	vst v63  }
0xda: {  	s26 =	simm.s32 @!p2 $0x0  }
0xdb: {  	[tilespmem:s26], [sflag:$0x5] =	stream.linear.gather @!p2 [hbm4b:s13+s26], $0x100, $0x38;
	[tilespmem:$0x1EC00] =	vst v63  }
0xdc: {  	s26 =	simm.s32 @!p2 $0x1  }
0xdd: {  	_ =	swait.ge @!p2 [sflag:s26], $0x4000  }
0xde: {  	[sflag:s26] =	ssyncset.done @!p2 $0x0  }
0xdf: {  	s28 =	simm.s32 @!p2 $0x400;
	[sflag:s26] =	ssyncadd.s32 @!p2 $0xFFFFC000;
	s26 =	simm.s32 @!p2 $0x280  }
0xe0: {  	[spmem:s4] =	stream.indirect.scatter.add.f32 @!p2 [tilespmem:s28], [sflag:$0x3], $0x80, s26, s25, $0xb8;
	[tilespmem:$0x1EC00] =	vst v63  }
0xe1: {  	v1 =	vld @!p2 [tilespmem:$0x280];
	_ =	sdelay $0x6  }
0xe2: {  	v2 =	vimm.f32 @!p2 $1.000000000e+00;
	s25 =	simm.s32 @!p2 $0x8400  }
0xe3: {  	[tilespmem:v1+s25+$0x0] =	vst.idx.add.f32.msk @!p2 $0xffff, v2  }
0xe4: {  	v1 =	vld @!p2 [tilespmem:$0x290];
	_ =	sdelay $0x7  }
0xe5: {  	[tilespmem:v1+s25+$0x0] =	vst.idx.add.f32.msk @!p2 $0xffff, v2  }
0xe6: {  	v1 =	vld @!p2 [tilespmem:$0x2A0];
	_ =	sdelay $0x7  }
0xe7: {  	[tilespmem:v1+s25+$0x0] =	vst.idx.add.f32.msk @!p2 $0xffff, v2  }
0xe8: {  	v1 =	vld @!p2 [tilespmem:$0x2B0];
	_ =	sdelay $0x7  }
0xe9: {  	[tilespmem:v1+s25+$0x0] =	vst.idx.add.f32.msk @!p2 $0xffff, v2  }
0xea: {  	v1 =	vld @!p2 [tilespmem:$0x2C0];
	_ =	sdelay $0x7  }
0xeb: {  	[tilespmem:v1+s25+$0x0] =	vst.idx.add.f32.msk @!p2 $0xffff, v2  }
0xec: {  	v1 =	vld @!p2 [tilespmem:$0x2D0];
	_ =	sdelay $0x7  }
0xed: {  	s26 =	simm.s32 @!p0 $0x0;
	s28 =	simm.s32 @!p0 $0x400;
	[tilespmem:v1+s25+$0x0] =	vst.idx.add.f32.msk @!p2 $0xffff, v2;
	s25 =	simm.s32 @!p0 $0x80  }
0xee: {  	[tilespmem:s28], [sflag:$0x1] =	stream.indirect.gather @!p0 [hbm4b:s0+s25], $0x80, s26, s25, $0xb8;
	[tilespmem:$0x1EC00] =	vst v63  }
0xef: {  	s28 =	simm.s32 @!p0 $0x100  }
0xf0: {  	[tilespmem:s28], [sflag:$0x5] =	stream.linear.gather @!p0 [hbm4b:s13+s26], $0x100, $0x38;
	[tilespmem:$0x1EC00] =	vst v63  }
0xf1: {  	s26 =	simm.s32 @!p0 $0x2  }
0xf2: {  	_ =	swait.ge @!p0 [sflag:s26], $0x4000  }
0xf3: {  	[sflag:s26] =	ssyncset.done @!p0 $0x0  }
0xf4: {  	s28 =	simm.s32 @!p0 $0x4400;
	[sflag:s26] =	ssyncadd.s32 @!p0 $0xFFFFC000;
	s26 =	simm.s32 @!p0 $0x380  }
0xf5: {  	[spmem:s4] =	stream.indirect.scatter.add.f32 @!p0 [tilespmem:s28], [sflag:$0x4], $0x80, s26, s25, $0xb8;
	[tilespmem:$0x1EC00] =	vst v63  }
0xf6: {  	v1 =	vld @!p0 [tilespmem:$0x380];
	_ =	sdelay $0x6  }
0xf7: {  	v2 =	vimm.f32 @!p0 $1.000000000e+00;
	s25 =	simm.s32 @!p0 $0x8400  }
0xf8: {  	[tilespmem:v1+s25+$0x0] =	vst.idx.add.f32.msk @!p0 $0xffff, v2  }
0xf9: {  	v1 =	vld @!p0 [tilespmem:$0x390];
	_ =	sdelay $0x7  }
0xfa: {  	[tilespmem:v1+s25+$0x0] =	vst.idx.add.f32.msk @!p0 $0xffff, v2  }
0xfb: {  	v1 =	vld @!p0 [tilespmem:$0x3A0];
	_ =	sdelay $0x7  }
0xfc: {  	[tilespmem:v1+s25+$0x0] =	vst.idx.add.f32.msk @!p0 $0xffff, v2  }
0xfd: {  	v1 =	vld @!p0 [tilespmem:$0x3B0];
	_ =	sdelay $0x7  }
0xfe: {  	[tilespmem:v1+s25+$0x0] =	vst.idx.add.f32.msk @!p0 $0xffff, v2  }
0xff: {  	v1 =	vld @!p0 [tilespmem:$0x3C0];
	_ =	sdelay $0x7  }
0x100: {  	[tilespmem:v1+s25+$0x0] =	vst.idx.add.f32.msk @!p0 $0xffff, v2  }
0x101: {  	v1 =	vld @!p0 [tilespmem:$0x3D0];
	_ =	sdelay $0x3  }
0x102: {  	s30 =	sld [smem:$0x7FA];
	_ =	sdelay $0x2  }
0x103: {  	p2 =	seq.s32 s30, $0x1  }
0x104: {  	s26 =	simm.s32 @!p2 $0x100;
	s28 =	simm.s32 @!p2 $0x4400;
	[tilespmem:v1+s25+$0x0] =	vst.idx.add.f32.msk @!p0 $0xffff, v2;
	s25 =	simm.s32 @!p2 $0x80  }
0x105: {  	[tilespmem:s28], [sflag:$0x2] =	stream.indirect.gather @!p2 [hbm4b:s0+s25], $0x80, s26, s25, $0xb8;
	[tilespmem:$0x1EC00] =	vst v63  }
0x106: {  	s26 =	simm.s32 @!p2 $0x0;
	s28 =	simm.s32 @!p2 $0x200  }
0x107: {  	[tilespmem:s28], [sflag:$0x5] =	stream.linear.gather @!p2 [hbm4b:s13+s26], $0x100, $0x38;
	[tilespmem:$0x1EC00] =	vst v63  }
0x108: {  	s26 =	simm.s32 @!p2 $0x1  }
0x109: {  	_ =	swait.ge @!p2 [sflag:s26], $0x4000  }
0x10a: {  	[sflag:s26] =	ssyncset.done @!p2 $0x0  }
0x10b: {  	[sflag:s26] =	ssyncadd.s32 @!p2 $0xFFFFC000;
	s26 =	simm.s32 @!p2 $0x400  }
0x10c: {  	[spmem:s4] =	stream.indirect.scatter.add.f32 @!p2 [tilespmem:s26], [sflag:$0x3], $0x80, s25, s25, $0xb8;
	[tilespmem:$0x1EC00] =	vst v63  }
0x10d: {  	v1 =	vld @!p2 [tilespmem:$0x80];
	_ =	sdelay $0x6  }
0x10e: {  	v2 =	vimm.f32 @!p2 $1.000000000e+00;
	s25 =	simm.s32 @!p2 $0x8400  }
0x10f: {  	[tilespmem:v1+s25+$0x0] =	vst.idx.add.f32.msk @!p2 $0xffff, v2  }
0x110: {  	v1 =	vld @!p2 [tilespmem:$0x90];
	_ =	sdelay $0x7  }
0x111: {  	[tilespmem:v1+s25+$0x0] =	vst.idx.add.f32.msk @!p2 $0xffff, v2  }
0x112: {  	v1 =	vld @!p2 [tilespmem:$0xA0];
	_ =	sdelay $0x7  }
0x113: {  	[tilespmem:v1+s25+$0x0] =	vst.idx.add.f32.msk @!p2 $0xffff, v2  }
0x114: {  	v1 =	vld @!p2 [tilespmem:$0xB0];
	_ =	sdelay $0x7  }
0x115: {  	[tilespmem:v1+s25+$0x0] =	vst.idx.add.f32.msk @!p2 $0xffff, v2  }
0x116: {  	v1 =	vld @!p2 [tilespmem:$0xC0];
	_ =	sdelay $0x7  }
0x117: {  	[tilespmem:v1+s25+$0x0] =	vst.idx.add.f32.msk @!p2 $0xffff, v2  }
0x118: {  	v1 =	vld @!p2 [tilespmem:$0xD0];
	_ =	sdelay $0x3  }
0x119: {  	s31 =	sld [smem:$0x7F9];
	_ =	sdelay $0x1  }
0x11a: {  	s28 =	simm.s32 @!p0 $0x3E0;
	s26 =	simm.s32 @!p6 $0x1E0  }
0x11b: {  	s28 =	simm.s32 @p0 $0xE0;
	s26 =	simm.s32 @p6 $0x2E0;
	p3 =	seq.s32 s31, $0x1  }
0x11c: {  	s28 =	smov.u32 @p3 s26;
	[tilespmem:v1+s25+$0x0] =	vst.idx.add.f32.msk @!p2 $0xffff, v2  }
0x11d: {  	v1 =	vld [tilespmem:s28+$0x0];
	_ =	sdelay $0x5  }
0x11e: {  	s26 =	simm.s32 @!p0 $0x3F0;
	s25 =	simm.s32 @!p6 $0x1F0  }
0x11f: {  	s26 =	simm.s32 @p0 $0xF0;
	s25 =	simm.s32 @p6 $0x2F0  }
0x120: {  	s26 =	smov.u32 @p3 s25;
	[tilespmem:v1+s20+$0x0] =	vst.idx.add.f32.msk $0xffff, v0  }
0x121: {  	v1 =	vld [tilespmem:s26+$0x0];
	_ =	sdelay $0x3  }
.Ltmp2:
0x122: {  	_ = 	snop;
	(pc) =	sbr.rel .LBB2_2-.Ltmp2, $2  }
0x123: {  	_ =	sdelay $0x2  }
0x124: {  	s25 =	smov.u32 s14;
	[tilespmem:v1+s20+$0x0] =	vst.idx.add.f32.msk $0xffff, v0  }
.LBB2_4:
0x125: {  	p3 =	seq.s32 s28, $0x2  }
0x126: {  	s28 =	simm.s32 @p3 $0x3  }
0x127: {  	_ =	swait.ge @p3 [sflag:s28], $0x4000  }
0x128: {  	[sflag:s28] =	ssyncset.done @p3 $0x0  }
0x129: {  	[sflag:s28] =	ssyncadd.s32 @p3 $0xFFFFC000;
	s28 =	simm.s32 @p3 $0x5  }
0x12a: {  	_ =	swait.ge @p3 [sflag:s28], $0x100  }
0x12b: {  	s29 =	simm.s32 @p3 $0x200;
	[sflag:s28] =	ssyncset.done @p3 $0x0  }
0x12c: {  	s30 =	simm.s32 @p3 $0x400;
	[sflag:s28] =	ssyncadd.s32 @p3 $0xFFFFFF00;
	s28 =	simm.s32 @p3 $0x80  }
0x12d: {  	[tilespmem:s30], [sflag:$0x1] =	stream.indirect.gather @p3 [hbm4b:s0+s28], $0x80, s29, s28, $0xb8;
	[tilespmem:$0x1EC00] =	vst v63  }
0x12e: {  	s29 =	simm.s32 @p3 $0x0;
	s30 =	simm.s32 @p3 $0x300  }
0x12f: {  	[tilespmem:s30], [sflag:$0x5] =	stream.linear.gather @p3 [hbm4b:s26+s29], $0x100, $0x38;
	[tilespmem:$0x1EC00] =	vst v63  }
0x130: {  	s29 =	simm.s32 @p3 $0x2  }
0x131: {  	_ =	swait.ge @p3 [sflag:s29], $0x4000  }
0x132: {  	[sflag:s29] =	ssyncset.done @p3 $0x0  }
0x133: {  	s30 =	simm.s32 @p3 $0x4400;
	[sflag:s29] =	ssyncadd.s32 @p3 $0xFFFFC000;
	s29 =	simm.s32 @p3 $0x180  }
0x134: {  	[spmem:s4] =	stream.indirect.scatter.add.f32 @p3 [tilespmem:s30], [sflag:$0x4], $0x80, s29, s28, $0xb8;
	[tilespmem:$0x1EC00] =	vst v63  }
0x135: {  	v1 =	vld @p3 [tilespmem:$0x180];
	_ =	sdelay $0x6  }
0x136: {  	v2 =	vimm.f32 @p3 $1.000000000e+00;
	s28 =	simm.s32 @p3 $0x8400  }
0x137: {  	[tilespmem:v1+s28+$0x0] =	vst.idx.add.f32.msk @p3 $0xffff, v2  }
0x138: {  	v1 =	vld @p3 [tilespmem:$0x190];
	_ =	sdelay $0x7  }
0x139: {  	[tilespmem:v1+s28+$0x0] =	vst.idx.add.f32.msk @p3 $0xffff, v2  }
0x13a: {  	v1 =	vld @p3 [tilespmem:$0x1A0];
	_ =	sdelay $0x7  }
0x13b: {  	[tilespmem:v1+s28+$0x0] =	vst.idx.add.f32.msk @p3 $0xffff, v2  }
0x13c: {  	v1 =	vld @p3 [tilespmem:$0x1B0];
	_ =	sdelay $0x7  }
0x13d: {  	[tilespmem:v1+s28+$0x0] =	vst.idx.add.f32.msk @p3 $0xffff, v2  }
0x13e: {  	v1 =	vld @p3 [tilespmem:$0x1C0];
	_ =	sdelay $0x7  }
0x13f: {  	[tilespmem:v1+s28+$0x0] =	vst.idx.add.f32.msk @p3 $0xffff, v2  }
0x140: {  	v1 =	vld @p3 [tilespmem:$0x1D0];
	_ =	sdelay $0x7  }
0x141: {  	[tilespmem:v1+s28+$0x0] =	vst.idx.add.f32.msk @p3 $0xffff, v2;
	s28 =	simm.s32 @!p3 $0x4  }
0x142: {  	_ =	swait.ge @!p3 [sflag:s28], $0x4000  }
0x143: {  	[sflag:s28] =	ssyncset.done @!p3 $0x0  }
0x144: {  	[sflag:s28] =	ssyncadd.s32 @!p3 $0xFFFFC000;
	s28 =	simm.s32 @!p3 $0x5  }
0x145: {  	_ =	swait.ge @!p3 [sflag:s28], $0x100  }
0x146: {  	s29 =	simm.s32 @!p3 $0x300;
	[sflag:s28] =	ssyncset.done @!p3 $0x0  }
0x147: {  	s30 =	simm.s32 @!p3 $0x4400;
	[sflag:s28] =	ssyncadd.s32 @!p3 $0xFFFFFF00;
	s28 =	simm.s32 @!p3 $0x80  }
0x148: {  	[tilespmem:s30], [sflag:$0x2] =	stream.indirect.gather @!p3 [hbm4b:s0+s28], $0x80, s29, s28, $0xb8;
	[tilespmem:$0x1EC00] =	vst v63  }
0x149: {  	s29 =	simm.s32 @!p3 $0x0  }
0x14a: {  	[tilespmem:s29], [sflag:$0x5] =	stream.linear.gather @!p3 [hbm4b:s26+s29], $0x100, $0x38;
	[tilespmem:$0x1EC00] =	vst v63  }
0x14b: {  	s26 =	simm.s32 @!p3 $0x1  }
0x14c: {  	_ =	swait.ge @!p3 [sflag:s26], $0x4000  }
0x14d: {  	[sflag:s26] =	ssyncset.done @!p3 $0x0  }
0x14e: {  	s29 =	simm.s32 @!p3 $0x400;
	[sflag:s26] =	ssyncadd.s32 @!p3 $0xFFFFC000;
	s26 =	simm.s32 @!p3 $0x280  }
0x14f: {  	[spmem:s4] =	stream.indirect.scatter.add.f32 @!p3 [tilespmem:s29], [sflag:$0x3], $0x80, s26, s28, $0xb8;
	[tilespmem:$0x1EC00] =	vst v63  }
0x150: {  	v1 =	vld @!p3 [tilespmem:$0x280];
	_ =	sdelay $0x6  }
0x151: {  	v2 =	vimm.f32 @!p3 $1.000000000e+00;
	s29 =	simm.s32 @!p3 $0x8400  }
0x152: {  	[tilespmem:v1+s29+$0x0] =	vst.idx.add.f32.msk @!p3 $0xffff, v2  }
0x153: {  	v1 =	vld @!p3 [tilespmem:$0x290];
	_ =	sdelay $0x7  }
0x154: {  	[tilespmem:v1+s29+$0x0] =	vst.idx.add.f32.msk @!p3 $0xffff, v2  }
0x155: {  	v1 =	vld @!p3 [tilespmem:$0x2A0];
	_ =	sdelay $0x7  }
0x156: {  	[tilespmem:v1+s29+$0x0] =	vst.idx.add.f32.msk @!p3 $0xffff, v2  }
0x157: {  	v1 =	vld @!p3 [tilespmem:$0x2B0];
	_ =	sdelay $0x7  }
0x158: {  	[tilespmem:v1+s29+$0x0] =	vst.idx.add.f32.msk @!p3 $0xffff, v2  }
0x159: {  	v1 =	vld @!p3 [tilespmem:$0x2C0];
	_ =	sdelay $0x7  }
0x15a: {  	[tilespmem:v1+s29+$0x0] =	vst.idx.add.f32.msk @!p3 $0xffff, v2  }
0x15b: {  	v1 =	vld @!p3 [tilespmem:$0x2D0];
	_ =	sdelay $0x6  }
0x15c: {  	s26 =	simm.s32 @!p3 $0x2F0;
	s28 =	simm.s32 @!p3 $0x2E0  }
0x15d: {  	s28 =	simm.s32 @p3 $0x1E0;
	s26 =	simm.s32 @p3 $0x1F0;
	[tilespmem:v1+s29+$0x0] =	vst.idx.add.f32.msk @!p3 $0xffff, v2  }
.LBB2_5:
0x15e: {  	v1 =	vld [tilespmem:s28+$0x0];
	_ =	sdelay $0x7  }
0x15f: {  	[tilespmem:v1+s20+$0x0] =	vst.idx.add.f32.msk $0xffff, v0  }
0x160: {  	v1 =	vld [tilespmem:s26+$0x0];
	_ =	sdelay $0x1  }
0x161: {  	s25 =	sadd.s32 $0x1, s25  }
0x162: {  	p3 =	slt.u32 s25, s12  }
.Ltmp3:
0x163: {  	_ = 	snop;
	(pc) =	sbr.rel @!p3 .LBB2_6-.Ltmp3, $2  }
0x164: {  	_ =	sdelay $0x2  }
0x165: {  	[tilespmem:v1+s20+$0x0] =	vst.idx.add.f32.msk $0xffff, v0  }
.LBB2_2:
0x166: {  	p3 =	slt.s32 s25, $0x9C2;
	s26 =	smov.u32 s25;
	s28 =	sand.u32 $0x3, s25  }
0x167: {  	s26 =	simm.s32 @!p3 $0x9C2;
	p3 =	sgt.s32 s28, $0x1  }
.Ltmp4:
0x168: {  	_ = 	snop;
	(pc) =	sbr.rel @p3 .LBB2_4-.Ltmp4, $4  }
0x169: {  	s26 =	sshll.u32 s26, $0x8  }
0x16a: {  	s26 =	sadd.s32 s26, s9  }
0x16b: {  	s26 =	sshrl.u32 s26, $0x3  }
0x16c: {  	s26 =	sadd.s32 s1, s26  }
0x16d: {  	p3 =	seq.s32 s28, $0x0  }
0x16e: {  	s28 =	simm.s32 @p3 $0x3  }
0x16f: {  	_ =	swait.ge @p3 [sflag:s28], $0x4000  }
0x170: {  	[sflag:s28] =	ssyncset.done @p3 $0x0  }
0x171: {  	[sflag:s28] =	ssyncadd.s32 @p3 $0xFFFFC000;
	s28 =	simm.s32 @p3 $0x5  }
0x172: {  	_ =	swait.ge @p3 [sflag:s28], $0x100  }
0x173: {  	s29 =	simm.s32 @p3 $0x0;
	[sflag:s28] =	ssyncset.done @p3 $0x0  }
0x174: {  	s30 =	simm.s32 @p3 $0x400;
	[sflag:s28] =	ssyncadd.s32 @p3 $0xFFFFFF00;
	s28 =	simm.s32 @p3 $0x80  }
0x175: {  	[tilespmem:s30], [sflag:$0x1] =	stream.indirect.gather @p3 [hbm4b:s0+s28], $0x80, s29, s28, $0xb8;
	[tilespmem:$0x1EC00] =	vst v63  }
0x176: {  	s30 =	simm.s32 @p3 $0x100  }
0x177: {  	[tilespmem:s30], [sflag:$0x5] =	stream.linear.gather @p3 [hbm4b:s26+s29], $0x100, $0x38;
	[tilespmem:$0x1EC00] =	vst v63  }
0x178: {  	s29 =	simm.s32 @p3 $0x2  }
0x179: {  	_ =	swait.ge @p3 [sflag:s29], $0x4000  }
0x17a: {  	[sflag:s29] =	ssyncset.done @p3 $0x0  }
0x17b: {  	s30 =	simm.s32 @p3 $0x4400;
	[sflag:s29] =	ssyncadd.s32 @p3 $0xFFFFC000;
	s29 =	simm.s32 @p3 $0x380  }
0x17c: {  	[spmem:s4] =	stream.indirect.scatter.add.f32 @p3 [tilespmem:s30], [sflag:$0x4], $0x80, s29, s28, $0xb8;
	[tilespmem:$0x1EC00] =	vst v63  }
0x17d: {  	v1 =	vld @p3 [tilespmem:$0x380];
	_ =	sdelay $0x6  }
0x17e: {  	v2 =	vimm.f32 @p3 $1.000000000e+00;
	s28 =	simm.s32 @p3 $0x8400  }
0x17f: {  	[tilespmem:v1+s28+$0x0] =	vst.idx.add.f32.msk @p3 $0xffff, v2  }
0x180: {  	v1 =	vld @p3 [tilespmem:$0x390];
	_ =	sdelay $0x7  }
0x181: {  	[tilespmem:v1+s28+$0x0] =	vst.idx.add.f32.msk @p3 $0xffff, v2  }
0x182: {  	v1 =	vld @p3 [tilespmem:$0x3A0];
	_ =	sdelay $0x7  }
0x183: {  	[tilespmem:v1+s28+$0x0] =	vst.idx.add.f32.msk @p3 $0xffff, v2  }
0x184: {  	v1 =	vld @p3 [tilespmem:$0x3B0];
	_ =	sdelay $0x7  }
0x185: {  	[tilespmem:v1+s28+$0x0] =	vst.idx.add.f32.msk @p3 $0xffff, v2  }
0x186: {  	v1 =	vld @p3 [tilespmem:$0x3C0];
	_ =	sdelay $0x7  }
0x187: {  	[tilespmem:v1+s28+$0x0] =	vst.idx.add.f32.msk @p3 $0xffff, v2  }
0x188: {  	v1 =	vld @p3 [tilespmem:$0x3D0];
	_ =	sdelay $0x7  }
0x189: {  	[tilespmem:v1+s28+$0x0] =	vst.idx.add.f32.msk @p3 $0xffff, v2;
	s28 =	simm.s32 @!p3 $0x4  }
0x18a: {  	_ =	swait.ge @!p3 [sflag:s28], $0x4000  }
0x18b: {  	[sflag:s28] =	ssyncset.done @!p3 $0x0  }
0x18c: {  	[sflag:s28] =	ssyncadd.s32 @!p3 $0xFFFFC000;
	s28 =	simm.s32 @!p3 $0x5  }
0x18d: {  	_ =	swait.ge @!p3 [sflag:s28], $0x100  }
0x18e: {  	s29 =	simm.s32 @!p3 $0x100;
	[sflag:s28] =	ssyncset.done @!p3 $0x0  }
0x18f: {  	s30 =	simm.s32 @!p3 $0x4400;
	[sflag:s28] =	ssyncadd.s32 @!p3 $0xFFFFFF00;
	s28 =	simm.s32 @!p3 $0x80  }
0x190: {  	[tilespmem:s30], [sflag:$0x2] =	stream.indirect.gather @!p3 [hbm4b:s0+s28], $0x80, s29, s28, $0xb8;
	[tilespmem:$0x1EC00] =	vst v63  }
0x191: {  	s29 =	simm.s32 @!p3 $0x0;
	s30 =	simm.s32 @!p3 $0x200  }
0x192: {  	[tilespmem:s30], [sflag:$0x5] =	stream.linear.gather @!p3 [hbm4b:s26+s29], $0x100, $0x38;
	[tilespmem:$0x1EC00] =	vst v63  }
0x193: {  	s26 =	simm.s32 @!p3 $0x1  }
0x194: {  	_ =	swait.ge @!p3 [sflag:s26], $0x4000  }
0x195: {  	[sflag:s26] =	ssyncset.done @!p3 $0x0  }
0x196: {  	[sflag:s26] =	ssyncadd.s32 @!p3 $0xFFFFC000;
	s26 =	simm.s32 @!p3 $0x400  }
0x197: {  	[spmem:s4] =	stream.indirect.scatter.add.f32 @!p3 [tilespmem:s26], [sflag:$0x3], $0x80, s28, s28, $0xb8;
	[tilespmem:$0x1EC00] =	vst v63  }
0x198: {  	v1 =	vld @!p3 [tilespmem:$0x80];
	_ =	sdelay $0x6  }
0x199: {  	v2 =	vimm.f32 @!p3 $1.000000000e+00;
	s29 =	simm.s32 @!p3 $0x8400  }
0x19a: {  	[tilespmem:v1+s29+$0x0] =	vst.idx.add.f32.msk @!p3 $0xffff, v2  }
0x19b: {  	v1 =	vld @!p3 [tilespmem:$0x90];
	_ =	sdelay $0x7  }
0x19c: {  	[tilespmem:v1+s29+$0x0] =	vst.idx.add.f32.msk @!p3 $0xffff, v2  }
0x19d: {  	v1 =	vld @!p3 [tilespmem:$0xA0];
	_ =	sdelay $0x7  }
0x19e: {  	[tilespmem:v1+s29+$0x0] =	vst.idx.add.f32.msk @!p3 $0xffff, v2  }
0x19f: {  	v1 =	vld @!p3 [tilespmem:$0xB0];
	_ =	sdelay $0x7  }
0x1a0: {  	[tilespmem:v1+s29+$0x0] =	vst.idx.add.f32.msk @!p3 $0xffff, v2  }
0x1a1: {  	v1 =	vld @!p3 [tilespmem:$0xC0];
	_ =	sdelay $0x7  }
0x1a2: {  	[tilespmem:v1+s29+$0x0] =	vst.idx.add.f32.msk @!p3 $0xffff, v2  }
0x1a3: {  	v1 =	vld @!p3 [tilespmem:$0xD0];
	_ =	sdelay $0x3  }
.Ltmp5:
0x1a4: {  	_ = 	snop;
	(pc) =	sbr.rel .LBB2_5-.Ltmp5, $3  }
0x1a5: {  	_ =	sdelay $0x1  }
0x1a6: {  	s26 =	simm.s32 @!p3 $0xF0;
	s28 =	simm.s32 @!p3 $0xE0  }
0x1a7: {  	s28 =	simm.s32 @p3 $0x3E0;
	s26 =	simm.s32 @p3 $0x3F0;
	[tilespmem:v1+s29+$0x0] =	vst.idx.add.f32.msk @!p3 $0xffff, v2  }
.LBB2_7:
0x1a8: {  	_ =	sfence.sel $0x180000  }
0x1a9: {  	[bflag:$0x0] =	sbarrier.arrive $0xFFFF  }
0x1aa: {  	p0 =	sne.s32 s3, $0x0;
	_ =	strace $0x90000047  }
0x1ab: {  	s0 =	sadd.s32 @!p0 $0x100000, s2;
	[bflag:$0x2] =	sbarrier.arrive $0xFFFF  }
0x1ac: {  	[sflag:s0] =	ssyncadd.tile.s32 @!p0 $0x1;
	_ =	shalt  }
.Lfunc_end2:
_tile_overlayer_lowered:
.L_overlay_start_2:
0x1ad: {  	(tag) =	ssettag $0x2  }
0x1ae: {  	s0 =	rddreg [dreg:$0x0];
	s2 =	stileid.u32  }
0x1af: {  	s1 =	rddreg [dreg:$0x1];
	p0 =	sne.s32 s2, $0x0  }
0x1b0: {  	s3 =	rddreg [dreg:$0x2];
	[bflag:$0x3] =	sbarrier.arrive $0xFFFF;
	s2 =	simm.s32 @!p0 $0x1C06  }
0x1b1: {  	[timem:s3], [sflag:s2] =	dma.local @!p0 [hbm:s0], s1  }
0x1b2: {  	s0 =	simm.s32 @!p0 $0x6  }
0x1b3: {  	_ =	swait.ge @!p0 [sflag:s0], s1  }
0x1b4: {  	s1 =	ssub.s32 @!p0 $0x0, s1;
	[sflag:s0] =	ssyncset.done @!p0 $0x0  }
0x1b5: {  	[sflag:s0] =	ssyncadd.s32 @!p0 s1  }
0x1b6: {  	[bflag:$0x3] =	sbarrier.arrive $0xFFFF  }
0x1b7: {  	_ =	shalt  }

</sc_bundles>
